<compile_context>
chip_gen: v7x
topology: tpu7x:2x2x1
jax: 0.10.2.dev20260603
libtpu: 0.0.44.dev20260713+nightly
codegen_flags: <defaults>
</compile_context>

<pallas_src>
import functools

import jax
import jax.numpy as jnp
from jax import lax
from jax.experimental import pallas as pl
from jax.experimental.pallas import tpu as pltpu
from jax.experimental.pallas import tpu_sc as plsc

NUM_ENT = 1000000
NUM_REL = 1000
EMB_DIM = 64
BATCH = 16384

_INFO = plsc.get_sparse_core_info()
_NC = _INFO.num_cores
_NS = _INFO.num_subcores
_NW = _NC * _NS
_BPW = BATCH // _NW
_LANES = 16
_GCH = 128
_PH = 2
_RPP = _BPW // _PH


def _dist_mult_body(sub_h, rel_h, obj_h, ent_h, rele_h, bias_h, out_h,
                    sidx, ridx, oidx, s2, r2, o2,
                    h_v, r_v, t_v, b_v, out_v, sem):
    sid = lax.axis_index("s")
    wid = sid * _NC + lax.axis_index("c")
    base = wid * _BPW

    cb_s = pltpu.async_copy(sub_h.at[pl.ds(base, _BPW)], sidx, sem)
    cb_r = pltpu.async_copy(rel_h.at[pl.ds(base, _BPW)], ridx, sem)
    cb_o = pltpu.async_copy(obj_h.at[pl.ds(base, _BPW)], oidx, sem)
    cb_s.wait()
    cb_r.wait()
    cb_o.wait()

    for i in range(_BPW // _LANES):
        sl = pl.ds(i * _LANES, _LANES)
        s2[sl] = jnp.right_shift(sidx[sl], 1)
        r2[sl] = jnp.right_shift(ridx[sl], 1)
        o2[sl] = jnp.right_shift(oidx[sl], 1)

    bias_cbs = [
        pltpu.async_copy(bias_h.at[oidx.at[pl.ds(j * _GCH, _GCH)]],
                         b_v.at[pl.ds(j * _GCH, _GCH)], sem)
        for j in range(_BPW // _GCH)
    ]

    lane = lax.iota(jnp.int32, _LANES)
    perms = [jnp.reshape((lane + sh) & (_LANES - 1), (_LANES, 1))
             for sh in (8, 4, 2, 1)]
    gdn = lax.GatherDimensionNumbers(offset_dims=(),
                                     collapsed_slice_dims=(0,),
                                     start_index_map=(0,))

    def shuffle(p, perm):
        return lax.gather(p, perm, gdn, (1,),
                          mode=lax.GatherScatterMode.PROMISE_IN_BOUNDS)

    for ph in range(_PH):
        pbase = ph * _RPP
        cbs = []
        for j in range(_RPP // _GCH):
            js = pl.ds(pbase + j * _GCH, _GCH)
            dst = pl.ds(j * _GCH, _GCH)
            cbs.append(pltpu.async_copy(ent_h.at[s2.at[js]],
                                        h_v.at[dst], sem))
            cbs.append(pltpu.async_copy(rele_h.at[r2.at[js]],
                                        r_v.at[dst], sem))
            cbs.append(pltpu.async_copy(ent_h.at[o2.at[js]],
                                        t_v.at[dst], sem))
        for cb in cbs:
            cb.wait()
        if ph == 0:
            for cb in bias_cbs:
                cb.wait()

        def rows(i, carry):
            cb = i * _LANES
            csl = pl.ds(pbase + cb, _LANES)
            osv = (sidx[csl] & 1) * EMB_DIM
            orv = (ridx[csl] & 1) * EMB_DIM
            oov = (oidx[csl] & 1) * EMB_DIM
            tot = jnp.zeros((_LANES,), jnp.float32)
            for u in range(_LANES):
                row = cb + u
                offs = osv[u]
                offr = orv[u]
                offo = oov[u]
                p = (h_v[row, pl.ds(offs, _LANES)]
                     * r_v[row, pl.ds(offr, _LANES)]
                     * t_v[row, pl.ds(offo, _LANES)])
                for q in range(1, EMB_DIM // _LANES):
                    p = p + (h_v[row, pl.ds(offs + q * _LANES, _LANES)]
                             * r_v[row, pl.ds(offr + q * _LANES, _LANES)]
                             * t_v[row, pl.ds(offo + q * _LANES, _LANES)])
                for perm in perms:
                    p = p + shuffle(p, perm)
                tot = jnp.where(lane == u, p, tot)
            sc = tot + b_v[pl.ds(pbase + cb, _LANES)]
            out_v[pl.ds(pbase + cb, _LANES)] = 1.0 / (1.0 + jnp.exp(-sc))
            return carry

        lax.fori_loop(0, _RPP // _LANES, rows, 0)

    pltpu.sync_copy(out_v, out_h.at[pl.ds(base, _BPW)])


@jax.jit
def kernel(sub, rel, obj, ent_emb, rel_emb, bias):
    mesh = plsc.VectorSubcoreMesh(core_axis_name="c", subcore_axis_name="s")
    k = functools.partial(
        pl.kernel,
        mesh=mesh,
        out_type=jax.ShapeDtypeStruct((BATCH,), jnp.float32),
        scratch_types=[
            pltpu.VMEM((_BPW,), jnp.int32),
            pltpu.VMEM((_BPW,), jnp.int32),
            pltpu.VMEM((_BPW,), jnp.int32),
            pltpu.VMEM((_BPW,), jnp.int32),
            pltpu.VMEM((_BPW,), jnp.int32),
            pltpu.VMEM((_BPW,), jnp.int32),
            pltpu.VMEM((_RPP, 2 * EMB_DIM), jnp.float32),
            pltpu.VMEM((_RPP, 2 * EMB_DIM), jnp.float32),
            pltpu.VMEM((_RPP, 2 * EMB_DIM), jnp.float32),
            pltpu.VMEM((_BPW,), jnp.float32),
            pltpu.VMEM((_BPW,), jnp.float32),
            pltpu.SemaphoreType.DMA,
        ],
    )(_dist_mult_body)
    return k(sub.astype(jnp.int32), rel.astype(jnp.int32),
             obj.astype(jnp.int32),
             ent_emb.reshape(NUM_ENT // 2, 2 * EMB_DIM),
             rel_emb.reshape(NUM_REL // 2, 2 * EMB_DIM),
             bias)

# --- scband reference (transcript-rebuilt; emitter-appended) ---
"""Pipeline reference for scband-dist-mult-33079838114367 (READ-ONLY COPY).

The authoritative reference and input builder live on the scoring server;
editing this copy changes nothing except your own understanding.
"""

import jax, jax.numpy as jnp
import numpy as np

NUM_ENT = 1000000
NUM_REL = 1000
EMB_DIM = 64
BATCH = 16384

def _xavier_uniform(key, shape):
    fan_in, fan_out = shape[1], shape[0]
    limit = float(np.sqrt(6.0 / (fan_in + fan_out)))
    return jax.random.uniform(key, shape, minval=-limit, maxval=limit, dtype=jnp.float32)

def setup_inputs(seed: int = 0) -> dict:
    key = jax.random.key(seed)
    k1, k2, k3, k4, k5 = jax.random.split(key, 5)
    sub = jax.random.randint(k1, (BATCH,), 0, NUM_ENT, dtype=jnp.int64) if jax.config.jax_enable_x64 else jax.random.randint(k1, (BATCH,), 0, NUM_ENT).astype(jnp.int32)
    rel = jax.random.randint(k2, (BATCH,), 0, NUM_REL).astype(sub.dtype)
    obj = jax.random.randint(k3, (BATCH,), 0, NUM_ENT).astype(sub.dtype)
    ent_emb = _xavier_uniform(k4, (NUM_ENT, EMB_DIM))
    rel_emb = _xavier_uniform(k5, (NUM_REL, EMB_DIM))
    bias = jnp.zeros((NUM_ENT,), dtype=jnp.float32)
    return {"sub": sub, "rel": rel, "obj": obj, "ent_emb": ent_emb, "rel_emb": rel_emb, "bias": bias}

def reference(sub, rel, obj, ent_emb, rel_emb, bias):
    h = jnp.take(ent_emb, sub, axis=0)
    r = jnp.take(rel_emb, rel, axis=0)
    t = jnp.take(ent_emb, obj, axis=0)
    score = jnp.sum(h * r * t, axis=1) + jnp.take(bias, obj, axis=0)
    return jax.nn.sigmoid(score)

if __name__ == "__main__":
    import jax
    _d = setup_inputs()
    print(jax.jit(kernel)(*tuple(_d.values())))

</pallas_src>

<mosaic_0001>
#map = affine_map<(d0, d1) -> (0)>
#map1 = affine_map<(d0, d1) -> (0, 0)>
module attributes {stable_mosaic.version = 14 : i64} {
  func.func @_dist_mult_body(%arg0: i32, %arg1: i32, %arg2: memref<16384xi32, #tpu.memory_space<hbm>>, %arg3: memref<16384xi32, #tpu.memory_space<hbm>>, %arg4: memref<16384xi32, #tpu.memory_space<hbm>>, %arg5: memref<500000x128xf32, #tpu.memory_space<hbm>>, %arg6: memref<500x128xf32, #tpu.memory_space<hbm>>, %arg7: memref<1000000xf32, #tpu.memory_space<hbm>>, %arg8: memref<16384xf32, #tpu.memory_space<hbm>>, %arg9: memref<512xi32, #tpu.memory_space<vmem>>, %arg10: memref<512xi32, #tpu.memory_space<vmem>>, %arg11: memref<512xi32, #tpu.memory_space<vmem>>, %arg12: memref<512xi32, #tpu.memory_space<vmem>>, %arg13: memref<512xi32, #tpu.memory_space<vmem>>, %arg14: memref<512xi32, #tpu.memory_space<vmem>>, %arg15: memref<256x128xf32, #tpu.memory_space<vmem>>, %arg16: memref<256x128xf32, #tpu.memory_space<vmem>>, %arg17: memref<256x128xf32, #tpu.memory_space<vmem>>, %arg18: memref<512xf32, #tpu.memory_space<vmem>>, %arg19: memref<512xf32, #tpu.memory_space<vmem>>, %arg20: memref<!tpu.dma_semaphore, #tpu.memory_space<semaphore_mem>>) attributes {dimension_semantics = [#tpu.dimension_semantics<core_parallel>, #tpu.dimension_semantics<subcore_parallel>], iteration_bounds = array<i64: 2, 16>, scalar_prefetch = 0 : i64, scratch_operands = 12 : i64, tpu.core_type = #tpu.core_type<sc_vector_subcore>, window_params = [{transform_indices = #map}, {transform_indices = #map}, {transform_indices = #map}, {transform_indices = #map1}, {transform_indices = #map1}, {transform_indices = #map}, {transform_indices = #map}]} {
    %mul3A = arith.constant 2 : i32
    %mul3A_0 = arith.muli %arg1, %mul3A : i32
    %add3A = arith.addi %mul3A_0, %arg0 : i32
    %mul3A_1 = arith.constant 512 : i32
    %mul3A_2 = arith.muli %add3A, %mul3A_1 : i32
    %dma_start3A = tpu.memref_slice %arg2[%mul3A_2] : memref<16384xi32, #tpu.memory_space<hbm>> -> memref<512xi32, #tpu.memory_space<hbm>>
    %dma_start3A_3 = tpu.memref_slice %arg2[%mul3A_2] : memref<16384xi32, #tpu.memory_space<hbm>> -> memref<512xi32, #tpu.memory_space<hbm>>
    tpu.enqueue_dma source(%dma_start3A_3 : memref<512xi32, #tpu.memory_space<hbm>>) target(%arg9 : memref<512xi32, #tpu.memory_space<vmem>>) target_semaphore(%arg20 : memref<!tpu.dma_semaphore, #tpu.memory_space<semaphore_mem>>)
    %dma_start3A_4 = tpu.memref_slice %arg3[%mul3A_2] : memref<16384xi32, #tpu.memory_space<hbm>> -> memref<512xi32, #tpu.memory_space<hbm>>
    %dma_start3A_5 = tpu.memref_slice %arg3[%mul3A_2] : memref<16384xi32, #tpu.memory_space<hbm>> -> memref<512xi32, #tpu.memory_space<hbm>>
    tpu.enqueue_dma source(%dma_start3A_5 : memref<512xi32, #tpu.memory_space<hbm>>) target(%arg10 : memref<512xi32, #tpu.memory_space<vmem>>) target_semaphore(%arg20 : memref<!tpu.dma_semaphore, #tpu.memory_space<semaphore_mem>>)
    %dma_start3A_6 = tpu.memref_slice %arg4[%mul3A_2] : memref<16384xi32, #tpu.memory_space<hbm>> -> memref<512xi32, #tpu.memory_space<hbm>>
    %dma_start3A_7 = tpu.memref_slice %arg4[%mul3A_2] : memref<16384xi32, #tpu.memory_space<hbm>> -> memref<512xi32, #tpu.memory_space<hbm>>
    tpu.enqueue_dma source(%dma_start3A_7 : memref<512xi32, #tpu.memory_space<hbm>>) target(%arg11 : memref<512xi32, #tpu.memory_space<vmem>>) target_semaphore(%arg20 : memref<!tpu.dma_semaphore, #tpu.memory_space<semaphore_mem>>)
    %dma_wait3A = tpu.memref_slice %arg2[%mul3A_2] : memref<16384xi32, #tpu.memory_space<hbm>> -> memref<512xi32, #tpu.memory_space<hbm>>
    %dma_wait3A_8 = tpu.memref_slice %arg2[%mul3A_2] : memref<16384xi32, #tpu.memory_space<hbm>> -> memref<512xi32, #tpu.memory_space<hbm>>
    tpu.wait_dma2 semaphore(%arg20 : memref<!tpu.dma_semaphore, #tpu.memory_space<semaphore_mem>>) src(%dma_wait3A_8 : memref<512xi32, #tpu.memory_space<hbm>>) dst(%arg9 : memref<512xi32, #tpu.memory_space<vmem>>)
    %dma_wait3A_9 = tpu.memref_slice %arg3[%mul3A_2] : memref<16384xi32, #tpu.memory_space<hbm>> -> memref<512xi32, #tpu.memory_space<hbm>>
    %dma_wait3A_10 = tpu.memref_slice %arg3[%mul3A_2] : memref<16384xi32, #tpu.memory_space<hbm>> -> memref<512xi32, #tpu.memory_space<hbm>>
    tpu.wait_dma2 semaphore(%arg20 : memref<!tpu.dma_semaphore, #tpu.memory_space<semaphore_mem>>) src(%dma_wait3A_10 : memref<512xi32, #tpu.memory_space<hbm>>) dst(%arg10 : memref<512xi32, #tpu.memory_space<vmem>>)
    %dma_wait3A_11 = tpu.memref_slice %arg4[%mul3A_2] : memref<16384xi32, #tpu.memory_space<hbm>> -> memref<512xi32, #tpu.memory_space<hbm>>
    %dma_wait3A_12 = tpu.memref_slice %arg4[%mul3A_2] : memref<16384xi32, #tpu.memory_space<hbm>> -> memref<512xi32, #tpu.memory_space<hbm>>
    tpu.wait_dma2 semaphore(%arg20 : memref<!tpu.dma_semaphore, #tpu.memory_space<semaphore_mem>>) src(%dma_wait3A_12 : memref<512xi32, #tpu.memory_space<hbm>>) dst(%arg11 : memref<512xi32, #tpu.memory_space<vmem>>)
    %get3A = arith.constant 0 : index
    %get3A_13 = tpu.vector_load %arg9[%get3A] {strides = array<i32>} : memref<512xi32, #tpu.memory_space<vmem>>, vector<16xi32>,
    %get3A_14 = vector.shape_cast %get3A_13 : vector<16xi32> to vector<16xi32>
    %shift_right_arithmetic3A = arith.constant 1 : i32
    %shift_right_arithmetic3A_15 = vector.broadcast %shift_right_arithmetic3A : i32 to vector<16xi32>
    %shift_right_arithmetic3A_16 = arith.shrsi %get3A_14, %shift_right_arithmetic3A_15 : vector<16xi32>
    %swap3A = arith.constant 0 : index
    %swap3A_17 = tpu.vector_load %arg12[%swap3A] {strides = array<i32>} : memref<512xi32, #tpu.memory_space<vmem>>, vector<16xi32>,
    %swap3A_18 = vector.shape_cast %swap3A_17 : vector<16xi32> to vector<16xi32>
    %swap3A_19 = vector.shape_cast %shift_right_arithmetic3A_16 : vector<16xi32> to vector<16xi32>
    tpu.vector_store %arg12[%swap3A], %swap3A_19 {strides = array<i32>} : memref<512xi32, #tpu.memory_space<vmem>>, vector<16xi32>,
    %get3A_20 = arith.constant 0 : index
    %get3A_21 = tpu.vector_load %arg10[%get3A_20] {strides = array<i32>} : memref<512xi32, #tpu.memory_space<vmem>>, vector<16xi32>,
    %get3A_22 = vector.shape_cast %get3A_21 : vector<16xi32> to vector<16xi32>
    %shift_right_arithmetic3A_23 = arith.constant 1 : i32
    %shift_right_arithmetic3A_24 = vector.broadcast %shift_right_arithmetic3A_23 : i32 to vector<16xi32>
    %shift_right_arithmetic3A_25 = arith.shrsi %get3A_22, %shift_right_arithmetic3A_24 : vector<16xi32>
    %swap3A_26 = arith.constant 0 : index
    %swap3A_27 = tpu.vector_load %arg13[%swap3A_26] {strides = array<i32>} : memref<512xi32, #tpu.memory_space<vmem>>, vector<16xi32>,
    %swap3A_28 = vector.shape_cast %swap3A_27 : vector<16xi32> to vector<16xi32>
    %swap3A_29 = vector.shape_cast %shift_right_arithmetic3A_25 : vector<16xi32> to vector<16xi32>
    tpu.vector_store %arg13[%swap3A_26], %swap3A_29 {strides = array<i32>} : memref<512xi32, #tpu.memory_space<vmem>>, vector<16xi32>,
    %get3A_30 = arith.constant 0 : index
    %get3A_31 = tpu.vector_load %arg11[%get3A_30] {strides = array<i32>} : memref<512xi32, #tpu.memory_space<vmem>>, vector<16xi32>,
    %get3A_32 = vector.shape_cast %get3A_31 : vector<16xi32> to vector<16xi32>
    %shift_right_arithmetic3A_33 = arith.constant 1 : i32
    %shift_right_arithmetic3A_34 = vector.broadcast %shift_right_arithmetic3A_33 : i32 to vector<16xi32>
    %shift_right_arithmetic3A_35 = arith.shrsi %get3A_32, %shift_right_arithmetic3A_34 : vector<16xi32>
    %swap3A_36 = arith.constant 0 : index
    %swap3A_37 = tpu.vector_load %arg14[%swap3A_36] {strides = array<i32>} : memref<512xi32, #tpu.memory_space<vmem>>, vector<16xi32>,
    %swap3A_38 = vector.shape_cast %swap3A_37 : vector<16xi32> to vector<16xi32>
    %swap3A_39 = vector.shape_cast %shift_right_arithmetic3A_35 : vector<16xi32> to vector<16xi32>
    tpu.vector_store %arg14[%swap3A_36], %swap3A_39 {strides = array<i32>} : memref<512xi32, #tpu.memory_space<vmem>>, vector<16xi32>,
    %get3A_40 = arith.constant 16 : index
    %get3A_41 = tpu.vector_load %arg9[%get3A_40] {strides = array<i32>} : memref<512xi32, #tpu.memory_space<vmem>>, vector<16xi32>,
    %get3A_42 = vector.shape_cast %get3A_41 : vector<16xi32> to vector<16xi32>
    %shift_right_arithmetic3A_43 = arith.constant 1 : i32
    %shift_right_arithmetic3A_44 = vector.broadcast %shift_right_arithmetic3A_43 : i32 to vector<16xi32>
    %shift_right_arithmetic3A_45 = arith.shrsi %get3A_42, %shift_right_arithmetic3A_44 : vector<16xi32>
    %swap3A_46 = arith.constant 16 : index
    %swap3A_47 = tpu.vector_load %arg12[%swap3A_46] {strides = array<i32>} : memref<512xi32, #tpu.memory_space<vmem>>, vector<16xi32>,
    %swap3A_48 = vector.shape_cast %swap3A_47 : vector<16xi32> to vector<16xi32>
    %swap3A_49 = vector.shape_cast %shift_right_arithmetic3A_45 : vector<16xi32> to vector<16xi32>
    tpu.vector_store %arg12[%swap3A_46], %swap3A_49 {strides = array<i32>} : memref<512xi32, #tpu.memory_space<vmem>>, vector<16xi32>,
    %get3A_50 = arith.constant 16 : index
    %get3A_51 = tpu.vector_load %arg10[%get3A_50] {strides = array<i32>} : memref<512xi32, #tpu.memory_space<vmem>>, vector<16xi32>,
    %get3A_52 = vector.shape_cast %get3A_51 : vector<16xi32> to vector<16xi32>
    %shift_right_arithmetic3A_53 = arith.constant 1 : i32
    %shift_right_arithmetic3A_54 = vector.broadcast %shift_right_arithmetic3A_53 : i32 to vector<16xi32>
    %shift_right_arithmetic3A_55 = arith.shrsi %get3A_52, %shift_right_arithmetic3A_54 : vector<16xi32>
    %swap3A_56 = arith.constant 16 : index
    %swap3A_57 = tpu.vector_load %arg13[%swap3A_56] {strides = array<i32>} : memref<512xi32, #tpu.memory_space<vmem>>, vector<16xi32>,
    %swap3A_58 = vector.shape_cast %swap3A_57 : vector<16xi32> to vector<16xi32>
    %swap3A_59 = vector.shape_cast %shift_right_arithmetic3A_55 : vector<16xi32> to vector<16xi32>
    tpu.vector_store %arg13[%swap3A_56], %swap3A_59 {strides = array<i32>} : memref<512xi32, #tpu.memory_space<vmem>>, vector<16xi32>,
    %get3A_60 = arith.constant 16 : index
    %get3A_61 = tpu.vector_load %arg11[%get3A_60] {strides = array<i32>} : memref<512xi32, #tpu.memory_space<vmem>>, vector<16xi32>,
    %get3A_62 = vector.shape_cast %get3A_61 : vector<16xi32> to vector<16xi32>
    %shift_right_arithmetic3A_63 = arith.constant 1 : i32
    %shift_right_arithmetic3A_64 = vector.broadcast %shift_right_arithmetic3A_63 : i32 to vector<16xi32>
    %shift_right_arithmetic3A_65 = arith.shrsi %get3A_62, %shift_right_arithmetic3A_64 : vector<16xi32>
    %swap3A_66 = arith.constant 16 : index
    %swap3A_67 = tpu.vector_load %arg14[%swap3A_66] {strides = array<i32>} : memref<512xi32, #tpu.memory_space<vmem>>, vector<16xi32>,
    %swap3A_68 = vector.shape_cast %swap3A_67 : vector<16xi32> to vector<16xi32>
    %swap3A_69 = vector.shape_cast %shift_right_arithmetic3A_65 : vector<16xi32> to vector<16xi32>
    tpu.vector_store %arg14[%swap3A_66], %swap3A_69 {strides = array<i32>} : memref<512xi32, #tpu.memory_space<vmem>>, vector<16xi32>,
    %get3A_70 = arith.constant 32 : index
    %get3A_71 = tpu.vector_load %arg9[%get3A_70] {strides = array<i32>} : memref<512xi32, #tpu.memory_space<vmem>>, vector<16xi32>,
    %get3A_72 = vector.shape_cast %get3A_71 : vector<16xi32> to vector<16xi32>
    %shift_right_arithmetic3A_73 = arith.constant 1 : i32
    %shift_right_arithmetic3A_74 = vector.broadcast %shift_right_arithmetic3A_73 : i32 to vector<16xi32>
    %shift_right_arithmetic3A_75 = arith.shrsi %get3A_72, %shift_right_arithmetic3A_74 : vector<16xi32>
    %swap3A_76 = arith.constant 32 : index
    %swap3A_77 = tpu.vector_load %arg12[%swap3A_76] {strides = array<i32>} : memref<512xi32, #tpu.memory_space<vmem>>, vector<16xi32>,
    %swap3A_78 = vector.shape_cast %swap3A_77 : vector<16xi32> to vector<16xi32>
    %swap3A_79 = vector.shape_cast %shift_right_arithmetic3A_75 : vector<16xi32> to vector<16xi32>
    tpu.vector_store %arg12[%swap3A_76], %swap3A_79 {strides = array<i32>} : memref<512xi32, #tpu.memory_space<vmem>>, vector<16xi32>,
    %get3A_80 = arith.constant 32 : index
    %get3A_81 = tpu.vector_load %arg10[%get3A_80] {strides = array<i32>} : memref<512xi32, #tpu.memory_space<vmem>>, vector<16xi32>,
    %get3A_82 = vector.shape_cast %get3A_81 : vector<16xi32> to vector<16xi32>
    %shift_right_arithmetic3A_83 = arith.constant 1 : i32
    %shift_right_arithmetic3A_84 = vector.broadcast %shift_right_arithmetic3A_83 : i32 to vector<16xi32>
    %shift_right_arithmetic3A_85 = arith.shrsi %get3A_82, %shift_right_arithmetic3A_84 : vector<16xi32>
    %swap3A_86 = arith.constant 32 : index
    %swap3A_87 = tpu.vector_load %arg13[%swap3A_86] {strides = array<i32>} : memref<512xi32, #tpu.memory_space<vmem>>, vector<16xi32>,
    %swap3A_88 = vector.shape_cast %swap3A_87 : vector<16xi32> to vector<16xi32>
    %swap3A_89 = vector.shape_cast %shift_right_arithmetic3A_85 : vector<16xi32> to vector<16xi32>
    tpu.vector_store %arg13[%swap3A_86], %swap3A_89 {strides = array<i32>} : memref<512xi32, #tpu.memory_space<vmem>>, vector<16xi32>,
    %get3A_90 = arith.constant 32 : index
    %get3A_91 = tpu.vector_load %arg11[%get3A_90] {strides = array<i32>} : memref<512xi32, #tpu.memory_space<vmem>>, vector<16xi32>,
    %get3A_92 = vector.shape_cast %get3A_91 : vector<16xi32> to vector<16xi32>
    %shift_right_arithmetic3A_93 = arith.constant 1 : i32
    %shift_right_arithmetic3A_94 = vector.broadcast %shift_right_arithmetic3A_93 : i32 to vector<16xi32>
    %shift_right_arithmetic3A_95 = arith.shrsi %get3A_92, %shift_right_arithmetic3A_94 : vector<16xi32>
    %swap3A_96 = arith.constant 32 : index
    %swap3A_97 = tpu.vector_load %arg14[%swap3A_96] {strides = array<i32>} : memref<512xi32, #tpu.memory_space<vmem>>, vector<16xi32>,
    %swap3A_98 = vector.shape_cast %swap3A_97 : vector<16xi32> to vector<16xi32>
    %swap3A_99 = vector.shape_cast %shift_right_arithmetic3A_95 : vector<16xi32> to vector<16xi32>
    tpu.vector_store %arg14[%swap3A_96], %swap3A_99 {strides = array<i32>} : memref<512xi32, #tpu.memory_space<vmem>>, vector<16xi32>,
    %get3A_100 = arith.constant 48 : index
    %get3A_101 = tpu.vector_load %arg9[%get3A_100] {strides = array<i32>} : memref<512xi32, #tpu.memory_space<vmem>>, vector<16xi32>,
    %get3A_102 = vector.shape_cast %get3A_101 : vector<16xi32> to vector<16xi32>
    %shift_right_arithmetic3A_103 = arith.constant 1 : i32
    %shift_right_arithmetic3A_104 = vector.broadcast %shift_right_arithmetic3A_103 : i32 to vector<16xi32>
    %shift_right_arithmetic3A_105 = arith.shrsi %get3A_102, %shift_right_arithmetic3A_104 : vector<16xi32>
    %swap3A_106 = arith.constant 48 : index
    %swap3A_107 = tpu.vector_load %arg12[%swap3A_106] {strides = array<i32>} : memref<512xi32, #tpu.memory_space<vmem>>, vector<16xi32>,
    %swap3A_108 = vector.shape_cast %swap3A_107 : vector<16xi32> to vector<16xi32>
    %swap3A_109 = vector.shape_cast %shift_right_arithmetic3A_105 : vector<16xi32> to vector<16xi32>
    tpu.vector_store %arg12[%swap3A_106], %swap3A_109 {strides = array<i32>} : memref<512xi32, #tpu.memory_space<vmem>>, vector<16xi32>,
    %get3A_110 = arith.constant 48 : index
    %get3A_111 = tpu.vector_load %arg10[%get3A_110] {strides = array<i32>} : memref<512xi32, #tpu.memory_space<vmem>>, vector<16xi32>,
    %get3A_112 = vector.shape_cast %get3A_111 : vector<16xi32> to vector<16xi32>
    %shift_right_arithmetic3A_113 = arith.constant 1 : i32
    %shift_right_arithmetic3A_114 = vector.broadcast %shift_right_arithmetic3A_113 : i32 to vector<16xi32>
    %shift_right_arithmetic3A_115 = arith.shrsi %get3A_112, %shift_right_arithmetic3A_114 : vector<16xi32>
    %swap3A_116 = arith.constant 48 : index
    %swap3A_117 = tpu.vector_load %arg13[%swap3A_116] {strides = array<i32>} : memref<512xi32, #tpu.memory_space<vmem>>, vector<16xi32>,
    %swap3A_118 = vector.shape_cast %swap3A_117 : vector<16xi32> to vector<16xi32>
    %swap3A_119 = vector.shape_cast %shift_right_arithmetic3A_115 : vector<16xi32> to vector<16xi32>
    tpu.vector_store %arg13[%swap3A_116], %swap3A_119 {strides = array<i32>} : memref<512xi32, #tpu.memory_space<vmem>>, vector<16xi32>,
    %get3A_120 = arith.constant 48 : index
    %get3A_121 = tpu.vector_load %arg11[%get3A_120] {strides = array<i32>} : memref<512xi32, #tpu.memory_space<vmem>>, vector<16xi32>,
    %get3A_122 = vector.shape_cast %get3A_121 : vector<16xi32> to vector<16xi32>
    %shift_right_arithmetic3A_123 = arith.constant 1 : i32
    %shift_right_arithmetic3A_124 = vector.broadcast %shift_right_arithmetic3A_123 : i32 to vector<16xi32>
    %shift_right_arithmetic3A_125 = arith.shrsi %get3A_122, %shift_right_arithmetic3A_124 : vector<16xi32>
    %swap3A_126 = arith.constant 48 : index
    %swap3A_127 = tpu.vector_load %arg14[%swap3A_126] {strides = array<i32>} : memref<512xi32, #tpu.memory_space<vmem>>, vector<16xi32>,
    %swap3A_128 = vector.shape_cast %swap3A_127 : vector<16xi32> to vector<16xi32>
    %swap3A_129 = vector.shape_cast %shift_right_arithmetic3A_125 : vector<16xi32> to vector<16xi32>
    tpu.vector_store %arg14[%swap3A_126], %swap3A_129 {strides = array<i32>} : memref<512xi32, #tpu.memory_space<vmem>>, vector<16xi32>,
    %get3A_130 = arith.constant 64 : index
    %get3A_131 = tpu.vector_load %arg9[%get3A_130] {strides = array<i32>} : memref<512xi32, #tpu.memory_space<vmem>>, vector<16xi32>,
    %get3A_132 = vector.shape_cast %get3A_131 : vector<16xi32> to vector<16xi32>
    %shift_right_arithmetic3A_133 = arith.constant 1 : i32
    %shift_right_arithmetic3A_134 = vector.broadcast %shift_right_arithmetic3A_133 : i32 to vector<16xi32>
    %shift_right_arithmetic3A_135 = arith.shrsi %get3A_132, %shift_right_arithmetic3A_134 : vector<16xi32>
    %swap3A_136 = arith.constant 64 : index
    %swap3A_137 = tpu.vector_load %arg12[%swap3A_136] {strides = array<i32>} : memref<512xi32, #tpu.memory_space<vmem>>, vector<16xi32>,
    %swap3A_138 = vector.shape_cast %swap3A_137 : vector<16xi32> to vector<16xi32>
    %swap3A_139 = vector.shape_cast %shift_right_arithmetic3A_135 : vector<16xi32> to vector<16xi32>
    tpu.vector_store %arg12[%swap3A_136], %swap3A_139 {strides = array<i32>} : memref<512xi32, #tpu.memory_space<vmem>>, vector<16xi32>,
    %get3A_140 = arith.constant 64 : index
    %get3A_141 = tpu.vector_load %arg10[%get3A_140] {strides = array<i32>} : memref<512xi32, #tpu.memory_space<vmem>>, vector<16xi32>,
    %get3A_142 = vector.shape_cast %get3A_141 : vector<16xi32> to vector<16xi32>
    %shift_right_arithmetic3A_143 = arith.constant 1 : i32
    %shift_right_arithmetic3A_144 = vector.broadcast %shift_right_arithmetic3A_143 : i32 to vector<16xi32>
    %shift_right_arithmetic3A_145 = arith.shrsi %get3A_142, %shift_right_arithmetic3A_144 : vector<16xi32>
    %swap3A_146 = arith.constant 64 : index
    %swap3A_147 = tpu.vector_load %arg13[%swap3A_146] {strides = array<i32>} : memref<512xi32, #tpu.memory_space<vmem>>, vector<16xi32>,
    %swap3A_148 = vector.shape_cast %swap3A_147 : vector<16xi32> to vector<16xi32>
    %swap3A_149 = vector.shape_cast %shift_right_arithmetic3A_145 : vector<16xi32> to vector<16xi32>
    tpu.vector_store %arg13[%swap3A_146], %swap3A_149 {strides = array<i32>} : memref<512xi32, #tpu.memory_space<vmem>>, vector<16xi32>,
    %get3A_150 = arith.constant 64 : index
    %get3A_151 = tpu.vector_load %arg11[%get3A_150] {strides = array<i32>} : memref<512xi32, #tpu.memory_space<vmem>>, vector<16xi32>,
    %get3A_152 = vector.shape_cast %get3A_151 : vector<16xi32> to vector<16xi32>
    %shift_right_arithmetic3A_153 = arith.constant 1 : i32
    %shift_right_arithmetic3A_154 = vector.broadcast %shift_right_arithmetic3A_153 : i32 to vector<16xi32>
    %shift_right_arithmetic3A_155 = arith.shrsi %get3A_152, %shift_right_arithmetic3A_154 : vector<16xi32>
    %swap3A_156 = arith.constant 64 : index
    %swap3A_157 = tpu.vector_load %arg14[%swap3A_156] {strides = array<i32>} : memref<512xi32, #tpu.memory_space<vmem>>, vector<16xi32>,
    %swap3A_158 = vector.shape_cast %swap3A_157 : vector<16xi32> to vector<16xi32>
    %swap3A_159 = vector.shape_cast %shift_right_arithmetic3A_155 : vector<16xi32> to vector<16xi32>
    tpu.vector_store %arg14[%swap3A_156], %swap3A_159 {strides = array<i32>} : memref<512xi32, #tpu.memory_space<vmem>>, vector<16xi32>,
    %get3A_160 = arith.constant 80 : index
    %get3A_161 = tpu.vector_load %arg9[%get3A_160] {strides = array<i32>} : memref<512xi32, #tpu.memory_space<vmem>>, vector<16xi32>,
    %get3A_162 = vector.shape_cast %get3A_161 : vector<16xi32> to vector<16xi32>
    %shift_right_arithmetic3A_163 = arith.constant 1 : i32
    %shift_right_arithmetic3A_164 = vector.broadcast %shift_right_arithmetic3A_163 : i32 to vector<16xi32>
    %shift_right_arithmetic3A_165 = arith.shrsi %get3A_162, %shift_right_arithmetic3A_164 : vector<16xi32>
    %swap3A_166 = arith.constant 80 : index
    %swap3A_167 = tpu.vector_load %arg12[%swap3A_166] {strides = array<i32>} : memref<512xi32, #tpu.memory_space<vmem>>, vector<16xi32>,
    %swap3A_168 = vector.shape_cast %swap3A_167 : vector<16xi32> to vector<16xi32>
    %swap3A_169 = vector.shape_cast %shift_right_arithmetic3A_165 : vector<16xi32> to vector<16xi32>
    tpu.vector_store %arg12[%swap3A_166], %swap3A_169 {strides = array<i32>} : memref<512xi32, #tpu.memory_space<vmem>>, vector<16xi32>,
    %get3A_170 = arith.constant 80 : index
    %get3A_171 = tpu.vector_load %arg10[%get3A_170] {strides = array<i32>} : memref<512xi32, #tpu.memory_space<vmem>>, vector<16xi32>,
    %get3A_172 = vector.shape_cast %get3A_171 : vector<16xi32> to vector<16xi32>
    %shift_right_arithmetic3A_173 = arith.constant 1 : i32
    %shift_right_arithmetic3A_174 = vector.broadcast %shift_right_arithmetic3A_173 : i32 to vector<16xi32>
    %shift_right_arithmetic3A_175 = arith.shrsi %get3A_172, %shift_right_arithmetic3A_174 : vector<16xi32>
    %swap3A_176 = arith.constant 80 : index
    %swap3A_177 = tpu.vector_load %arg13[%swap3A_176] {strides = array<i32>} : memref<512xi32, #tpu.memory_space<vmem>>, vector<16xi32>,
    %swap3A_178 = vector.shape_cast %swap3A_177 : vector<16xi32> to vector<16xi32>
    %swap3A_179 = vector.shape_cast %shift_right_arithmetic3A_175 : vector<16xi32> to vector<16xi32>
    tpu.vector_store %arg13[%swap3A_176], %swap3A_179 {strides = array<i32>} : memref<512xi32, #tpu.memory_space<vmem>>, vector<16xi32>,
    %get3A_180 = arith.constant 80 : index
    %get3A_181 = tpu.vector_load %arg11[%get3A_180] {strides = array<i32>} : memref<512xi32, #tpu.memory_space<vmem>>, vector<16xi32>,
    %get3A_182 = vector.shape_cast %get3A_181 : vector<16xi32> to vector<16xi32>
    %shift_right_arithmetic3A_183 = arith.constant 1 : i32
    %shift_right_arithmetic3A_184 = vector.broadcast %shift_right_arithmetic3A_183 : i32 to vector<16xi32>
    %shift_right_arithmetic3A_185 = arith.shrsi %get3A_182, %shift_right_arithmetic3A_184 : vector<16xi32>
    %swap3A_186 = arith.constant 80 : index
    %swap3A_187 = tpu.vector_load %arg14[%swap3A_186] {strides = array<i32>} : memref<512xi32, #tpu.memory_space<vmem>>, vector<16xi32>,
    %swap3A_188 = vector.shape_cast %swap3A_187 : vector<16xi32> to vector<16xi32>
    %swap3A_189 = vector.shape_cast %shift_right_arithmetic3A_185 : vector<16xi32> to vector<16xi32>
    tpu.vector_store %arg14[%swap3A_186], %swap3A_189 {strides = array<i32>} : memref<512xi32, #tpu.memory_space<vmem>>, vector<16xi32>,
    %get3A_190 = arith.constant 96 : index
    %get3A_191 = tpu.vector_load %arg9[%get3A_190] {strides = array<i32>} : memref<512xi32, #tpu.memory_space<vmem>>, vector<16xi32>,
    %get3A_192 = vector.shape_cast %get3A_191 : vector<16xi32> to vector<16xi32>
    %shift_right_arithmetic3A_193 = arith.constant 1 : i32
    %shift_right_arithmetic3A_194 = vector.broadcast %shift_right_arithmetic3A_193 : i32 to vector<16xi32>
    %shift_right_arithmetic3A_195 = arith.shrsi %get3A_192, %shift_right_arithmetic3A_194 : vector<16xi32>
    %swap3A_196 = arith.constant 96 : index
    %swap3A_197 = tpu.vector_load %arg12[%swap3A_196] {strides = array<i32>} : memref<512xi32, #tpu.memory_space<vmem>>, vector<16xi32>,
    %swap3A_198 = vector.shape_cast %swap3A_197 : vector<16xi32> to vector<16xi32>
    %swap3A_199 = vector.shape_cast %shift_right_arithmetic3A_195 : vector<16xi32> to vector<16xi32>
    tpu.vector_store %arg12[%swap3A_196], %swap3A_199 {strides = array<i32>} : memref<512xi32, #tpu.memory_space<vmem>>, vector<16xi32>,
    %get3A_200 = arith.constant 96 : index
    %get3A_201 = tpu.vector_load %arg10[%get3A_200] {strides = array<i32>} : memref<512xi32, #tpu.memory_space<vmem>>, vector<16xi32>,
    %get3A_202 = vector.shape_cast %get3A_201 : vector<16xi32> to vector<16xi32>
    %shift_right_arithmetic3A_203 = arith.constant 1 : i32
    %shift_right_arithmetic3A_204 = vector.broadcast %shift_right_arithmetic3A_203 : i32 to vector<16xi32>
    %shift_right_arithmetic3A_205 = arith.shrsi %get3A_202, %shift_right_arithmetic3A_204 : vector<16xi32>
    %swap3A_206 = arith.constant 96 : index
    %swap3A_207 = tpu.vector_load %arg13[%swap3A_206] {strides = array<i32>} : memref<512xi32, #tpu.memory_space<vmem>>, vector<16xi32>,
    %swap3A_208 = vector.shape_cast %swap3A_207 : vector<16xi32> to vector<16xi32>
    %swap3A_209 = vector.shape_cast %shift_right_arithmetic3A_205 : vector<16xi32> to vector<16xi32>
    tpu.vector_store %arg13[%swap3A_206], %swap3A_209 {strides = array<i32>} : memref<512xi32, #tpu.memory_space<vmem>>, vector<16xi32>,
    %get3A_210 = arith.constant 96 : index
    %get3A_211 = tpu.vector_load %arg11[%get3A_210] {strides = array<i32>} : memref<512xi32, #tpu.memory_space<vmem>>, vector<16xi32>,
    %get3A_212 = vector.shape_cast %get3A_211 : vector<16xi32> to vector<16xi32>
    %shift_right_arithmetic3A_213 = arith.constant 1 : i32
    %shift_right_arithmetic3A_214 = vector.broadcast %shift_right_arithmetic3A_213 : i32 to vector<16xi32>
    %shift_right_arithmetic3A_215 = arith.shrsi %get3A_212, %shift_right_arithmetic3A_214 : vector<16xi32>
    %swap3A_216 = arith.constant 96 : index
    %swap3A_217 = tpu.vector_load %arg14[%swap3A_216] {strides = array<i32>} : memref<512xi32, #tpu.memory_space<vmem>>, vector<16xi32>,
    %swap3A_218 = vector.shape_cast %swap3A_217 : vector<16xi32> to vector<16xi32>
    %swap3A_219 = vector.shape_cast %shift_right_arithmetic3A_215 : vector<16xi32> to vector<16xi32>
    tpu.vector_store %arg14[%swap3A_216], %swap3A_219 {strides = array<i32>} : memref<512xi32, #tpu.memory_space<vmem>>, vector<16xi32>,
    %get3A_220 = arith.constant 112 : index
    %get3A_221 = tpu.vector_load %arg9[%get3A_220] {strides = array<i32>} : memref<512xi32, #tpu.memory_space<vmem>>, vector<16xi32>,
    %get3A_222 = vector.shape_cast %get3A_221 : vector<16xi32> to vector<16xi32>
    %shift_right_arithmetic3A_223 = arith.constant 1 : i32
    %shift_right_arithmetic3A_224 = vector.broadcast %shift_right_arithmetic3A_223 : i32 to vector<16xi32>
    %shift_right_arithmetic3A_225 = arith.shrsi %get3A_222, %shift_right_arithmetic3A_224 : vector<16xi32>
    %swap3A_226 = arith.constant 112 : index
    %swap3A_227 = tpu.vector_load %arg12[%swap3A_226] {strides = array<i32>} : memref<512xi32, #tpu.memory_space<vmem>>, vector<16xi32>,
    %swap3A_228 = vector.shape_cast %swap3A_227 : vector<16xi32> to vector<16xi32>
    %swap3A_229 = vector.shape_cast %shift_right_arithmetic3A_225 : vector<16xi32> to vector<16xi32>
    tpu.vector_store %arg12[%swap3A_226], %swap3A_229 {strides = array<i32>} : memref<512xi32, #tpu.memory_space<vmem>>, vector<16xi32>,
    %get3A_230 = arith.constant 112 : index
    %get3A_231 = tpu.vector_load %arg10[%get3A_230] {strides = array<i32>} : memref<512xi32, #tpu.memory_space<vmem>>, vector<16xi32>,
    %get3A_232 = vector.shape_cast %get3A_231 : vector<16xi32> to vector<16xi32>
    %shift_right_arithmetic3A_233 = arith.constant 1 : i32
    %shift_right_arithmetic3A_234 = vector.broadcast %shift_right_arithmetic3A_233 : i32 to vector<16xi32>
    %shift_right_arithmetic3A_235 = arith.shrsi %get3A_232, %shift_right_arithmetic3A_234 : vector<16xi32>
    %swap3A_236 = arith.constant 112 : index
    %swap3A_237 = tpu.vector_load %arg13[%swap3A_236] {strides = array<i32>} : memref<512xi32, #tpu.memory_space<vmem>>, vector<16xi32>,
    %swap3A_238 = vector.shape_cast %swap3A_237 : vector<16xi32> to vector<16xi32>
    %swap3A_239 = vector.shape_cast %shift_right_arithmetic3A_235 : vector<16xi32> to vector<16xi32>
    tpu.vector_store %arg13[%swap3A_236], %swap3A_239 {strides = array<i32>} : memref<512xi32, #tpu.memory_space<vmem>>, vector<16xi32>,
    %get3A_240 = arith.constant 112 : index
    %get3A_241 = tpu.vector_load %arg11[%get3A_240] {strides = array<i32>} : memref<512xi32, #tpu.memory_space<vmem>>, vector<16xi32>,
    %get3A_242 = vector.shape_cast %get3A_241 : vector<16xi32> to vector<16xi32>
    %shift_right_arithmetic3A_243 = arith.constant 1 : i32
    %shift_right_arithmetic3A_244 = vector.broadcast %shift_right_arithmetic3A_243 : i32 to vector<16xi32>
    %shift_right_arithmetic3A_245 = arith.shrsi %get3A_242, %shift_right_arithmetic3A_244 : vector<16xi32>
    %swap3A_246 = arith.constant 112 : index
    %swap3A_247 = tpu.vector_load %arg14[%swap3A_246] {strides = array<i32>} : memref<512xi32, #tpu.memory_space<vmem>>, vector<16xi32>,
    %swap3A_248 = vector.shape_cast %swap3A_247 : vector<16xi32> to vector<16xi32>
    %swap3A_249 = vector.shape_cast %shift_right_arithmetic3A_245 : vector<16xi32> to vector<16xi32>
    tpu.vector_store %arg14[%swap3A_246], %swap3A_249 {strides = array<i32>} : memref<512xi32, #tpu.memory_space<vmem>>, vector<16xi32>,
    %get3A_250 = arith.constant 128 : index
    %get3A_251 = tpu.vector_load %arg9[%get3A_250] {strides = array<i32>} : memref<512xi32, #tpu.memory_space<vmem>>, vector<16xi32>,
    %get3A_252 = vector.shape_cast %get3A_251 : vector<16xi32> to vector<16xi32>
    %shift_right_arithmetic3A_253 = arith.constant 1 : i32
    %shift_right_arithmetic3A_254 = vector.broadcast %shift_right_arithmetic3A_253 : i32 to vector<16xi32>
    %shift_right_arithmetic3A_255 = arith.shrsi %get3A_252, %shift_right_arithmetic3A_254 : vector<16xi32>
    %swap3A_256 = arith.constant 128 : index
    %swap3A_257 = tpu.vector_load %arg12[%swap3A_256] {strides = array<i32>} : memref<512xi32, #tpu.memory_space<vmem>>, vector<16xi32>,
    %swap3A_258 = vector.shape_cast %swap3A_257 : vector<16xi32> to vector<16xi32>
    %swap3A_259 = vector.shape_cast %shift_right_arithmetic3A_255 : vector<16xi32> to vector<16xi32>
    tpu.vector_store %arg12[%swap3A_256], %swap3A_259 {strides = array<i32>} : memref<512xi32, #tpu.memory_space<vmem>>, vector<16xi32>,
    %get3A_260 = arith.constant 128 : index
    %get3A_261 = tpu.vector_load %arg10[%get3A_260] {strides = array<i32>} : memref<512xi32, #tpu.memory_space<vmem>>, vector<16xi32>,
    %get3A_262 = vector.shape_cast %get3A_261 : vector<16xi32> to vector<16xi32>
    %shift_right_arithmetic3A_263 = arith.constant 1 : i32
    %shift_right_arithmetic3A_264 = vector.broadcast %shift_right_arithmetic3A_263 : i32 to vector<16xi32>
    %shift_right_arithmetic3A_265 = arith.shrsi %get3A_262, %shift_right_arithmetic3A_264 : vector<16xi32>
    %swap3A_266 = arith.constant 128 : index
    %swap3A_267 = tpu.vector_load %arg13[%swap3A_266] {strides = array<i32>} : memref<512xi32, #tpu.memory_space<vmem>>, vector<16xi32>,
    %swap3A_268 = vector.shape_cast %swap3A_267 : vector<16xi32> to vector<16xi32>
    %swap3A_269 = vector.shape_cast %shift_right_arithmetic3A_265 : vector<16xi32> to vector<16xi32>
    tpu.vector_store %arg13[%swap3A_266], %swap3A_269 {strides = array<i32>} : memref<512xi32, #tpu.memory_space<vmem>>, vector<16xi32>,
    %get3A_270 = arith.constant 128 : index
    %get3A_271 = tpu.vector_load %arg11[%get3A_270] {strides = array<i32>} : memref<512xi32, #tpu.memory_space<vmem>>, vector<16xi32>,
    %get3A_272 = vector.shape_cast %get3A_271 : vector<16xi32> to vector<16xi32>
    %shift_right_arithmetic3A_273 = arith.constant 1 : i32
    %shift_right_arithmetic3A_274 = vector.broadcast %shift_right_arithmetic3A_273 : i32 to vector<16xi32>
    %shift_right_arithmetic3A_275 = arith.shrsi %get3A_272, %shift_right_arithmetic3A_274 : vector<16xi32>
    %swap3A_276 = arith.constant 128 : index
    %swap3A_277 = tpu.vector_load %arg14[%swap3A_276] {strides = array<i32>} : memref<512xi32, #tpu.memory_space<vmem>>, vector<16xi32>,
    %swap3A_278 = vector.shape_cast %swap3A_277 : vector<16xi32> to vector<16xi32>
    %swap3A_279 = vector.shape_cast %shift_right_arithmetic3A_275 : vector<16xi32> to vector<16xi32>
    tpu.vector_store %arg14[%swap3A_276], %swap3A_279 {strides = array<i32>} : memref<512xi32, #tpu.memory_space<vmem>>, vector<16xi32>,
    %get3A_280 = arith.constant 144 : index
    %get3A_281 = tpu.vector_load %arg9[%get3A_280] {strides = array<i32>} : memref<512xi32, #tpu.memory_space<vmem>>, vector<16xi32>,
    %get3A_282 = vector.shape_cast %get3A_281 : vector<16xi32> to vector<16xi32>
    %shift_right_arithmetic3A_283 = arith.constant 1 : i32
    %shift_right_arithmetic3A_284 = vector.broadcast %shift_right_arithmetic3A_283 : i32 to vector<16xi32>
    %shift_right_arithmetic3A_285 = arith.shrsi %get3A_282, %shift_right_arithmetic3A_284 : vector<16xi32>
    %swap3A_286 = arith.constant 144 : index
    %swap3A_287 = tpu.vector_load %arg12[%swap3A_286] {strides = array<i32>} : memref<512xi32, #tpu.memory_space<vmem>>, vector<16xi32>,
    %swap3A_288 = vector.shape_cast %swap3A_287 : vector<16xi32> to vector<16xi32>
    %swap3A_289 = vector.shape_cast %shift_right_arithmetic3A_285 : vector<16xi32> to vector<16xi32>
    tpu.vector_store %arg12[%swap3A_286], %swap3A_289 {strides = array<i32>} : memref<512xi32, #tpu.memory_space<vmem>>, vector<16xi32>,
    %get3A_290 = arith.constant 144 : index
    %get3A_291 = tpu.vector_load %arg10[%get3A_290] {strides = array<i32>} : memref<512xi32, #tpu.memory_space<vmem>>, vector<16xi32>,
    %get3A_292 = vector.shape_cast %get3A_291 : vector<16xi32> to vector<16xi32>
    %shift_right_arithmetic3A_293 = arith.constant 1 : i32
    %shift_right_arithmetic3A_294 = vector.broadcast %shift_right_arithmetic3A_293 : i32 to vector<16xi32>
    %shift_right_arithmetic3A_295 = arith.shrsi %get3A_292, %shift_right_arithmetic3A_294 : vector<16xi32>
    %swap3A_296 = arith.constant 144 : index
    %swap3A_297 = tpu.vector_load %arg13[%swap3A_296] {strides = array<i32>} : memref<512xi32, #tpu.memory_space<vmem>>, vector<16xi32>,
    %swap3A_298 = vector.shape_cast %swap3A_297 : vector<16xi32> to vector<16xi32>
    %swap3A_299 = vector.shape_cast %shift_right_arithmetic3A_295 : vector<16xi32> to vector<16xi32>
    tpu.vector_store %arg13[%swap3A_296], %swap3A_299 {strides = array<i32>} : memref<512xi32, #tpu.memory_space<vmem>>, vector<16xi32>,
    %get3A_300 = arith.constant 144 : index
    %get3A_301 = tpu.vector_load %arg11[%get3A_300] {strides = array<i32>} : memref<512xi32, #tpu.memory_space<vmem>>, vector<16xi32>,
    %get3A_302 = vector.shape_cast %get3A_301 : vector<16xi32> to vector<16xi32>
    %shift_right_arithmetic3A_303 = arith.constant 1 : i32
    %shift_right_arithmetic3A_304 = vector.broadcast %shift_right_arithmetic3A_303 : i32 to vector<16xi32>
    %shift_right_arithmetic3A_305 = arith.shrsi %get3A_302, %shift_right_arithmetic3A_304 : vector<16xi32>
    %swap3A_306 = arith.constant 144 : index
    %swap3A_307 = tpu.vector_load %arg14[%swap3A_306] {strides = array<i32>} : memref<512xi32, #tpu.memory_space<vmem>>, vector<16xi32>,
    %swap3A_308 = vector.shape_cast %swap3A_307 : vector<16xi32> to vector<16xi32>
    %swap3A_309 = vector.shape_cast %shift_right_arithmetic3A_305 : vector<16xi32> to vector<16xi32>
    tpu.vector_store %arg14[%swap3A_306], %swap3A_309 {strides = array<i32>} : memref<512xi32, #tpu.memory_space<vmem>>, vector<16xi32>,
    %get3A_310 = arith.constant 160 : index
    %get3A_311 = tpu.vector_load %arg9[%get3A_310] {strides = array<i32>} : memref<512xi32, #tpu.memory_space<vmem>>, vector<16xi32>,
    %get3A_312 = vector.shape_cast %get3A_311 : vector<16xi32> to vector<16xi32>
    %shift_right_arithmetic3A_313 = arith.constant 1 : i32
    %shift_right_arithmetic3A_314 = vector.broadcast %shift_right_arithmetic3A_313 : i32 to vector<16xi32>
    %shift_right_arithmetic3A_315 = arith.shrsi %get3A_312, %shift_right_arithmetic3A_314 : vector<16xi32>
    %swap3A_316 = arith.constant 160 : index
    %swap3A_317 = tpu.vector_load %arg12[%swap3A_316] {strides = array<i32>} : memref<512xi32, #tpu.memory_space<vmem>>, vector<16xi32>,
    %swap3A_318 = vector.shape_cast %swap3A_317 : vector<16xi32> to vector<16xi32>
    %swap3A_319 = vector.shape_cast %shift_right_arithmetic3A_315 : vector<16xi32> to vector<16xi32>
    tpu.vector_store %arg12[%swap3A_316], %swap3A_319 {strides = array<i32>} : memref<512xi32, #tpu.memory_space<vmem>>, vector<16xi32>,
    %get3A_320 = arith.constant 160 : index
    %get3A_321 = tpu.vector_load %arg10[%get3A_320] {strides = array<i32>} : memref<512xi32, #tpu.memory_space<vmem>>, vector<16xi32>,
    %get3A_322 = vector.shape_cast %get3A_321 : vector<16xi32> to vector<16xi32>
    %shift_right_arithmetic3A_323 = arith.constant 1 : i32
    %shift_right_arithmetic3A_324 = vector.broadcast %shift_right_arithmetic3A_323 : i32 to vector<16xi32>
    %shift_right_arithmetic3A_325 = arith.shrsi %get3A_322, %shift_right_arithmetic3A_324 : vector<16xi32>
    %swap3A_326 = arith.constant 160 : index
    %swap3A_327 = tpu.vector_load %arg13[%swap3A_326] {strides = array<i32>} : memref<512xi32, #tpu.memory_space<vmem>>, vector<16xi32>,
    %swap3A_328 = vector.shape_cast %swap3A_327 : vector<16xi32> to vector<16xi32>
    %swap3A_329 = vector.shape_cast %shift_right_arithmetic3A_325 : vector<16xi32> to vector<16xi32>
    tpu.vector_store %arg13[%swap3A_326], %swap3A_329 {strides = array<i32>} : memref<512xi32, #tpu.memory_space<vmem>>, vector<16xi32>,
    %get3A_330 = arith.constant 160 : index
    %get3A_331 = tpu.vector_load %arg11[%get3A_330] {strides = array<i32>} : memref<512xi32, #tpu.memory_space<vmem>>, vector<16xi32>,
    %get3A_332 = vector.shape_cast %get3A_331 : vector<16xi32> to vector<16xi32>
    %shift_right_arithmetic3A_333 = arith.constant 1 : i32
    %shift_right_arithmetic3A_334 = vector.broadcast %shift_right_arithmetic3A_333 : i32 to vector<16xi32>
    %shift_right_arithmetic3A_335 = arith.shrsi %get3A_332, %shift_right_arithmetic3A_334 : vector<16xi32>
    %swap3A_336 = arith.constant 160 : index
    %swap3A_337 = tpu.vector_load %arg14[%swap3A_336] {strides = array<i32>} : memref<512xi32, #tpu.memory_space<vmem>>, vector<16xi32>,
    %swap3A_338 = vector.shape_cast %swap3A_337 : vector<16xi32> to vector<16xi32>
    %swap3A_339 = vector.shape_cast %shift_right_arithmetic3A_335 : vector<16xi32> to vector<16xi32>
    tpu.vector_store %arg14[%swap3A_336], %swap3A_339 {strides = array<i32>} : memref<512xi32, #tpu.memory_space<vmem>>, vector<16xi32>,
    %get3A_340 = arith.constant 176 : index
    %get3A_341 = tpu.vector_load %arg9[%get3A_340] {strides = array<i32>} : memref<512xi32, #tpu.memory_space<vmem>>, vector<16xi32>,
    %get3A_342 = vector.shape_cast %get3A_341 : vector<16xi32> to vector<16xi32>
    %shift_right_arithmetic3A_343 = arith.constant 1 : i32
    %shift_right_arithmetic3A_344 = vector.broadcast %shift_right_arithmetic3A_343 : i32 to vector<16xi32>
    %shift_right_arithmetic3A_345 = arith.shrsi %get3A_342, %shift_right_arithmetic3A_344 : vector<16xi32>
    %swap3A_346 = arith.constant 176 : index
    %swap3A_347 = tpu.vector_load %arg12[%swap3A_346] {strides = array<i32>} : memref<512xi32, #tpu.memory_space<vmem>>, vector<16xi32>,
    %swap3A_348 = vector.shape_cast %swap3A_347 : vector<16xi32> to vector<16xi32>
    %swap3A_349 = vector.shape_cast %shift_right_arithmetic3A_345 : vector<16xi32> to vector<16xi32>
    tpu.vector_store %arg12[%swap3A_346], %swap3A_349 {strides = array<i32>} : memref<512xi32, #tpu.memory_space<vmem>>, vector<16xi32>,
    %get3A_350 = arith.constant 176 : index
    %get3A_351 = tpu.vector_load %arg10[%get3A_350] {strides = array<i32>} : memref<512xi32, #tpu.memory_space<vmem>>, vector<16xi32>,
    %get3A_352 = vector.shape_cast %get3A_351 : vector<16xi32> to vector<16xi32>
    %shift_right_arithmetic3A_353 = arith.constant 1 : i32
    %shift_right_arithmetic3A_354 = vector.broadcast %shift_right_arithmetic3A_353 : i32 to vector<16xi32>
    %shift_right_arithmetic3A_355 = arith.shrsi %get3A_352, %shift_right_arithmetic3A_354 : vector<16xi32>
    %swap3A_356 = arith.constant 176 : index
    %swap3A_357 = tpu.vector_load %arg13[%swap3A_356] {strides = array<i32>} : memref<512xi32, #tpu.memory_space<vmem>>, vector<16xi32>,
    %swap3A_358 = vector.shape_cast %swap3A_357 : vector<16xi32> to vector<16xi32>
    %swap3A_359 = vector.shape_cast %shift_right_arithmetic3A_355 : vector<16xi32> to vector<16xi32>
    tpu.vector_store %arg13[%swap3A_356], %swap3A_359 {strides = array<i32>} : memref<512xi32, #tpu.memory_space<vmem>>, vector<16xi32>,
    %get3A_360 = arith.constant 176 : index
    %get3A_361 = tpu.vector_load %arg11[%get3A_360] {strides = array<i32>} : memref<512xi32, #tpu.memory_space<vmem>>, vector<16xi32>,
    %get3A_362 = vector.shape_cast %get3A_361 : vector<16xi32> to vector<16xi32>
    %shift_right_arithmetic3A_363 = arith.constant 1 : i32
    %shift_right_arithmetic3A_364 = vector.broadcast %shift_right_arithmetic3A_363 : i32 to vector<16xi32>
    %shift_right_arithmetic3A_365 = arith.shrsi %get3A_362, %shift_right_arithmetic3A_364 : vector<16xi32>
    %swap3A_366 = arith.constant 176 : index
    %swap3A_367 = tpu.vector_load %arg14[%swap3A_366] {strides = array<i32>} : memref<512xi32, #tpu.memory_space<vmem>>, vector<16xi32>,
    %swap3A_368 = vector.shape_cast %swap3A_367 : vector<16xi32> to vector<16xi32>
    %swap3A_369 = vector.shape_cast %shift_right_arithmetic3A_365 : vector<16xi32> to vector<16xi32>
    tpu.vector_store %arg14[%swap3A_366], %swap3A_369 {strides = array<i32>} : memref<512xi32, #tpu.memory_space<vmem>>, vector<16xi32>,
    %get3A_370 = arith.constant 192 : index
    %get3A_371 = tpu.vector_load %arg9[%get3A_370] {strides = array<i32>} : memref<512xi32, #tpu.memory_space<vmem>>, vector<16xi32>,
    %get3A_372 = vector.shape_cast %get3A_371 : vector<16xi32> to vector<16xi32>
    %shift_right_arithmetic3A_373 = arith.constant 1 : i32
    %shift_right_arithmetic3A_374 = vector.broadcast %shift_right_arithmetic3A_373 : i32 to vector<16xi32>
    %shift_right_arithmetic3A_375 = arith.shrsi %get3A_372, %shift_right_arithmetic3A_374 : vector<16xi32>
    %swap3A_376 = arith.constant 192 : index
    %swap3A_377 = tpu.vector_load %arg12[%swap3A_376] {strides = array<i32>} : memref<512xi32, #tpu.memory_space<vmem>>, vector<16xi32>,
    %swap3A_378 = vector.shape_cast %swap3A_377 : vector<16xi32> to vector<16xi32>
    %swap3A_379 = vector.shape_cast %shift_right_arithmetic3A_375 : vector<16xi32> to vector<16xi32>
    tpu.vector_store %arg12[%swap3A_376], %swap3A_379 {strides = array<i32>} : memref<512xi32, #tpu.memory_space<vmem>>, vector<16xi32>,
    %get3A_380 = arith.constant 192 : index
    %get3A_381 = tpu.vector_load %arg10[%get3A_380] {strides = array<i32>} : memref<512xi32, #tpu.memory_space<vmem>>, vector<16xi32>,
    %get3A_382 = vector.shape_cast %get3A_381 : vector<16xi32> to vector<16xi32>
    %shift_right_arithmetic3A_383 = arith.constant 1 : i32
    %shift_right_arithmetic3A_384 = vector.broadcast %shift_right_arithmetic3A_383 : i32 to vector<16xi32>
    %shift_right_arithmetic3A_385 = arith.shrsi %get3A_382, %shift_right_arithmetic3A_384 : vector<16xi32>
    %swap3A_386 = arith.constant 192 : index
    %swap3A_387 = tpu.vector_load %arg13[%swap3A_386] {strides = array<i32>} : memref<512xi32, #tpu.memory_space<vmem>>, vector<16xi32>,
    %swap3A_388 = vector.shape_cast %swap3A_387 : vector<16xi32> to vector<16xi32>
    %swap3A_389 = vector.shape_cast %shift_right_arithmetic3A_385 : vector<16xi32> to vector<16xi32>
    tpu.vector_store %arg13[%swap3A_386], %swap3A_389 {strides = array<i32>} : memref<512xi32, #tpu.memory_space<vmem>>, vector<16xi32>,
    %get3A_390 = arith.constant 192 : index
    %get3A_391 = tpu.vector_load %arg11[%get3A_390] {strides = array<i32>} : memref<512xi32, #tpu.memory_space<vmem>>, vector<16xi32>,
    %get3A_392 = vector.shape_cast %get3A_391 : vector<16xi32> to vector<16xi32>
    %shift_right_arithmetic3A_393 = arith.constant 1 : i32
    %shift_right_arithmetic3A_394 = vector.broadcast %shift_right_arithmetic3A_393 : i32 to vector<16xi32>
    %shift_right_arithmetic3A_395 = arith.shrsi %get3A_392, %shift_right_arithmetic3A_394 : vector<16xi32>
    %swap3A_396 = arith.constant 192 : index
    %swap3A_397 = tpu.vector_load %arg14[%swap3A_396] {strides = array<i32>} : memref<512xi32, #tpu.memory_space<vmem>>, vector<16xi32>,
    %swap3A_398 = vector.shape_cast %swap3A_397 : vector<16xi32> to vector<16xi32>
    %swap3A_399 = vector.shape_cast %shift_right_arithmetic3A_395 : vector<16xi32> to vector<16xi32>
    tpu.vector_store %arg14[%swap3A_396], %swap3A_399 {strides = array<i32>} : memref<512xi32, #tpu.memory_space<vmem>>, vector<16xi32>,
    %get3A_400 = arith.constant 208 : index
    %get3A_401 = tpu.vector_load %arg9[%get3A_400] {strides = array<i32>} : memref<512xi32, #tpu.memory_space<vmem>>, vector<16xi32>,
    %get3A_402 = vector.shape_cast %get3A_401 : vector<16xi32> to vector<16xi32>
    %shift_right_arithmetic3A_403 = arith.constant 1 : i32
    %shift_right_arithmetic3A_404 = vector.broadcast %shift_right_arithmetic3A_403 : i32 to vector<16xi32>
    %shift_right_arithmetic3A_405 = arith.shrsi %get3A_402, %shift_right_arithmetic3A_404 : vector<16xi32>
    %swap3A_406 = arith.constant 208 : index
    %swap3A_407 = tpu.vector_load %arg12[%swap3A_406] {strides = array<i32>} : memref<512xi32, #tpu.memory_space<vmem>>, vector<16xi32>,
    %swap3A_408 = vector.shape_cast %swap3A_407 : vector<16xi32> to vector<16xi32>
    %swap3A_409 = vector.shape_cast %shift_right_arithmetic3A_405 : vector<16xi32> to vector<16xi32>
    tpu.vector_store %arg12[%swap3A_406], %swap3A_409 {strides = array<i32>} : memref<512xi32, #tpu.memory_space<vmem>>, vector<16xi32>,
    %get3A_410 = arith.constant 208 : index
    %get3A_411 = tpu.vector_load %arg10[%get3A_410] {strides = array<i32>} : memref<512xi32, #tpu.memory_space<vmem>>, vector<16xi32>,
    %get3A_412 = vector.shape_cast %get3A_411 : vector<16xi32> to vector<16xi32>
    %shift_right_arithmetic3A_413 = arith.constant 1 : i32
    %shift_right_arithmetic3A_414 = vector.broadcast %shift_right_arithmetic3A_413 : i32 to vector<16xi32>
    %shift_right_arithmetic3A_415 = arith.shrsi %get3A_412, %shift_right_arithmetic3A_414 : vector<16xi32>
    %swap3A_416 = arith.constant 208 : index
    %swap3A_417 = tpu.vector_load %arg13[%swap3A_416] {strides = array<i32>} : memref<512xi32, #tpu.memory_space<vmem>>, vector<16xi32>,
    %swap3A_418 = vector.shape_cast %swap3A_417 : vector<16xi32> to vector<16xi32>
    %swap3A_419 = vector.shape_cast %shift_right_arithmetic3A_415 : vector<16xi32> to vector<16xi32>
    tpu.vector_store %arg13[%swap3A_416], %swap3A_419 {strides = array<i32>} : memref<512xi32, #tpu.memory_space<vmem>>, vector<16xi32>,
    %get3A_420 = arith.constant 208 : index
    %get3A_421 = tpu.vector_load %arg11[%get3A_420] {strides = array<i32>} : memref<512xi32, #tpu.memory_space<vmem>>, vector<16xi32>,
    %get3A_422 = vector.shape_cast %get3A_421 : vector<16xi32> to vector<16xi32>
    %shift_right_arithmetic3A_423 = arith.constant 1 : i32
    %shift_right_arithmetic3A_424 = vector.broadcast %shift_right_arithmetic3A_423 : i32 to vector<16xi32>
    %shift_right_arithmetic3A_425 = arith.shrsi %get3A_422, %shift_right_arithmetic3A_424 : vector<16xi32>
    %swap3A_426 = arith.constant 208 : index
    %swap3A_427 = tpu.vector_load %arg14[%swap3A_426] {strides = array<i32>} : memref<512xi32, #tpu.memory_space<vmem>>, vector<16xi32>,
    %swap3A_428 = vector.shape_cast %swap3A_427 : vector<16xi32> to vector<16xi32>
    %swap3A_429 = vector.shape_cast %shift_right_arithmetic3A_425 : vector<16xi32> to vector<16xi32>
    tpu.vector_store %arg14[%swap3A_426], %swap3A_429 {strides = array<i32>} : memref<512xi32, #tpu.memory_space<vmem>>, vector<16xi32>,
    %get3A_430 = arith.constant 224 : index
    %get3A_431 = tpu.vector_load %arg9[%get3A_430] {strides = array<i32>} : memref<512xi32, #tpu.memory_space<vmem>>, vector<16xi32>,
    %get3A_432 = vector.shape_cast %get3A_431 : vector<16xi32> to vector<16xi32>
    %shift_right_arithmetic3A_433 = arith.constant 1 : i32
    %shift_right_arithmetic3A_434 = vector.broadcast %shift_right_arithmetic3A_433 : i32 to vector<16xi32>
    %shift_right_arithmetic3A_435 = arith.shrsi %get3A_432, %shift_right_arithmetic3A_434 : vector<16xi32>
    %swap3A_436 = arith.constant 224 : index
    %swap3A_437 = tpu.vector_load %arg12[%swap3A_436] {strides = array<i32>} : memref<512xi32, #tpu.memory_space<vmem>>, vector<16xi32>,
    %swap3A_438 = vector.shape_cast %swap3A_437 : vector<16xi32> to vector<16xi32>
    %swap3A_439 = vector.shape_cast %shift_right_arithmetic3A_435 : vector<16xi32> to vector<16xi32>
    tpu.vector_store %arg12[%swap3A_436], %swap3A_439 {strides = array<i32>} : memref<512xi32, #tpu.memory_space<vmem>>, vector<16xi32>,
    %get3A_440 = arith.constant 224 : index
    %get3A_441 = tpu.vector_load %arg10[%get3A_440] {strides = array<i32>} : memref<512xi32, #tpu.memory_space<vmem>>, vector<16xi32>,
    %get3A_442 = vector.shape_cast %get3A_441 : vector<16xi32> to vector<16xi32>
    %shift_right_arithmetic3A_443 = arith.constant 1 : i32
    %shift_right_arithmetic3A_444 = vector.broadcast %shift_right_arithmetic3A_443 : i32 to vector<16xi32>
    %shift_right_arithmetic3A_445 = arith.shrsi %get3A_442, %shift_right_arithmetic3A_444 : vector<16xi32>
    %swap3A_446 = arith.constant 224 : index
    %swap3A_447 = tpu.vector_load %arg13[%swap3A_446] {strides = array<i32>} : memref<512xi32, #tpu.memory_space<vmem>>, vector<16xi32>,
    %swap3A_448 = vector.shape_cast %swap3A_447 : vector<16xi32> to vector<16xi32>
    %swap3A_449 = vector.shape_cast %shift_right_arithmetic3A_445 : vector<16xi32> to vector<16xi32>
    tpu.vector_store %arg13[%swap3A_446], %swap3A_449 {strides = array<i32>} : memref<512xi32, #tpu.memory_space<vmem>>, vector<16xi32>,
    %get3A_450 = arith.constant 224 : index
    %get3A_451 = tpu.vector_load %arg11[%get3A_450] {strides = array<i32>} : memref<512xi32, #tpu.memory_space<vmem>>, vector<16xi32>,
    %get3A_452 = vector.shape_cast %get3A_451 : vector<16xi32> to vector<16xi32>
    %shift_right_arithmetic3A_453 = arith.constant 1 : i32
    %shift_right_arithmetic3A_454 = vector.broadcast %shift_right_arithmetic3A_453 : i32 to vector<16xi32>
    %shift_right_arithmetic3A_455 = arith.shrsi %get3A_452, %shift_right_arithmetic3A_454 : vector<16xi32>
    %swap3A_456 = arith.constant 224 : index
    %swap3A_457 = tpu.vector_load %arg14[%swap3A_456] {strides = array<i32>} : memref<512xi32, #tpu.memory_space<vmem>>, vector<16xi32>,
    %swap3A_458 = vector.shape_cast %swap3A_457 : vector<16xi32> to vector<16xi32>
    %swap3A_459 = vector.shape_cast %shift_right_arithmetic3A_455 : vector<16xi32> to vector<16xi32>
    tpu.vector_store %arg14[%swap3A_456], %swap3A_459 {strides = array<i32>} : memref<512xi32, #tpu.memory_space<vmem>>, vector<16xi32>,
    %get3A_460 = arith.constant 240 : index
    %get3A_461 = tpu.vector_load %arg9[%get3A_460] {strides = array<i32>} : memref<512xi32, #tpu.memory_space<vmem>>, vector<16xi32>,
    %get3A_462 = vector.shape_cast %get3A_461 : vector<16xi32> to vector<16xi32>
    %shift_right_arithmetic3A_463 = arith.constant 1 : i32
    %shift_right_arithmetic3A_464 = vector.broadcast %shift_right_arithmetic3A_463 : i32 to vector<16xi32>
    %shift_right_arithmetic3A_465 = arith.shrsi %get3A_462, %shift_right_arithmetic3A_464 : vector<16xi32>
    %swap3A_466 = arith.constant 240 : index
    %swap3A_467 = tpu.vector_load %arg12[%swap3A_466] {strides = array<i32>} : memref<512xi32, #tpu.memory_space<vmem>>, vector<16xi32>,
    %swap3A_468 = vector.shape_cast %swap3A_467 : vector<16xi32> to vector<16xi32>
    %swap3A_469 = vector.shape_cast %shift_right_arithmetic3A_465 : vector<16xi32> to vector<16xi32>
    tpu.vector_store %arg12[%swap3A_466], %swap3A_469 {strides = array<i32>} : memref<512xi32, #tpu.memory_space<vmem>>, vector<16xi32>,
    %get3A_470 = arith.constant 240 : index
    %get3A_471 = tpu.vector_load %arg10[%get3A_470] {strides = array<i32>} : memref<512xi32, #tpu.memory_space<vmem>>, vector<16xi32>,
    %get3A_472 = vector.shape_cast %get3A_471 : vector<16xi32> to vector<16xi32>
    %shift_right_arithmetic3A_473 = arith.constant 1 : i32
    %shift_right_arithmetic3A_474 = vector.broadcast %shift_right_arithmetic3A_473 : i32 to vector<16xi32>
    %shift_right_arithmetic3A_475 = arith.shrsi %get3A_472, %shift_right_arithmetic3A_474 : vector<16xi32>
    %swap3A_476 = arith.constant 240 : index
    %swap3A_477 = tpu.vector_load %arg13[%swap3A_476] {strides = array<i32>} : memref<512xi32, #tpu.memory_space<vmem>>, vector<16xi32>,
    %swap3A_478 = vector.shape_cast %swap3A_477 : vector<16xi32> to vector<16xi32>
    %swap3A_479 = vector.shape_cast %shift_right_arithmetic3A_475 : vector<16xi32> to vector<16xi32>
    tpu.vector_store %arg13[%swap3A_476], %swap3A_479 {strides = array<i32>} : memref<512xi32, #tpu.memory_space<vmem>>, vector<16xi32>,
    %get3A_480 = arith.constant 240 : index
    %get3A_481 = tpu.vector_load %arg11[%get3A_480] {strides = array<i32>} : memref<512xi32, #tpu.memory_space<vmem>>, vector<16xi32>,
    %get3A_482 = vector.shape_cast %get3A_481 : vector<16xi32> to vector<16xi32>
    %shift_right_arithmetic3A_483 = arith.constant 1 : i32
    %shift_right_arithmetic3A_484 = vector.broadcast %shift_right_arithmetic3A_483 : i32 to vector<16xi32>
    %shift_right_arithmetic3A_485 = arith.shrsi %get3A_482, %shift_right_arithmetic3A_484 : vector<16xi32>
    %swap3A_486 = arith.constant 240 : index
    %swap3A_487 = tpu.vector_load %arg14[%swap3A_486] {strides = array<i32>} : memref<512xi32, #tpu.memory_space<vmem>>, vector<16xi32>,
    %swap3A_488 = vector.shape_cast %swap3A_487 : vector<16xi32> to vector<16xi32>
    %swap3A_489 = vector.shape_cast %shift_right_arithmetic3A_485 : vector<16xi32> to vector<16xi32>
    tpu.vector_store %arg14[%swap3A_486], %swap3A_489 {strides = array<i32>} : memref<512xi32, #tpu.memory_space<vmem>>, vector<16xi32>,
    %get3A_490 = arith.constant 256 : index
    %get3A_491 = tpu.vector_load %arg9[%get3A_490] {strides = array<i32>} : memref<512xi32, #tpu.memory_space<vmem>>, vector<16xi32>,
    %get3A_492 = vector.shape_cast %get3A_491 : vector<16xi32> to vector<16xi32>
    %shift_right_arithmetic3A_493 = arith.constant 1 : i32
    %shift_right_arithmetic3A_494 = vector.broadcast %shift_right_arithmetic3A_493 : i32 to vector<16xi32>
    %shift_right_arithmetic3A_495 = arith.shrsi %get3A_492, %shift_right_arithmetic3A_494 : vector<16xi32>
    %swap3A_496 = arith.constant 256 : index
    %swap3A_497 = tpu.vector_load %arg12[%swap3A_496] {strides = array<i32>} : memref<512xi32, #tpu.memory_space<vmem>>, vector<16xi32>,
    %swap3A_498 = vector.shape_cast %swap3A_497 : vector<16xi32> to vector<16xi32>
    %swap3A_499 = vector.shape_cast %shift_right_arithmetic3A_495 : vector<16xi32> to vector<16xi32>
    tpu.vector_store %arg12[%swap3A_496], %swap3A_499 {strides = array<i32>} : memref<512xi32, #tpu.memory_space<vmem>>, vector<16xi32>,
    %get3A_500 = arith.constant 256 : index
    %get3A_501 = tpu.vector_load %arg10[%get3A_500] {strides = array<i32>} : memref<512xi32, #tpu.memory_space<vmem>>, vector<16xi32>,
    %get3A_502 = vector.shape_cast %get3A_501 : vector<16xi32> to vector<16xi32>
    %shift_right_arithmetic3A_503 = arith.constant 1 : i32
    %shift_right_arithmetic3A_504 = vector.broadcast %shift_right_arithmetic3A_503 : i32 to vector<16xi32>
    %shift_right_arithmetic3A_505 = arith.shrsi %get3A_502, %shift_right_arithmetic3A_504 : vector<16xi32>
    %swap3A_506 = arith.constant 256 : index
    %swap3A_507 = tpu.vector_load %arg13[%swap3A_506] {strides = array<i32>} : memref<512xi32, #tpu.memory_space<vmem>>, vector<16xi32>,
    %swap3A_508 = vector.shape_cast %swap3A_507 : vector<16xi32> to vector<16xi32>
    %swap3A_509 = vector.shape_cast %shift_right_arithmetic3A_505 : vector<16xi32> to vector<16xi32>
    tpu.vector_store %arg13[%swap3A_506], %swap3A_509 {strides = array<i32>} : memref<512xi32, #tpu.memory_space<vmem>>, vector<16xi32>,
    %get3A_510 = arith.constant 256 : index
    %get3A_511 = tpu.vector_load %arg11[%get3A_510] {strides = array<i32>} : memref<512xi32, #tpu.memory_space<vmem>>, vector<16xi32>,
    %get3A_512 = vector.shape_cast %get3A_511 : vector<16xi32> to vector<16xi32>
    %shift_right_arithmetic3A_513 = arith.constant 1 : i32
    %shift_right_arithmetic3A_514 = vector.broadcast %shift_right_arithmetic3A_513 : i32 to vector<16xi32>
    %shift_right_arithmetic3A_515 = arith.shrsi %get3A_512, %shift_right_arithmetic3A_514 : vector<16xi32>
    %swap3A_516 = arith.constant 256 : index
    %swap3A_517 = tpu.vector_load %arg14[%swap3A_516] {strides = array<i32>} : memref<512xi32, #tpu.memory_space<vmem>>, vector<16xi32>,
    %swap3A_518 = vector.shape_cast %swap3A_517 : vector<16xi32> to vector<16xi32>
    %swap3A_519 = vector.shape_cast %shift_right_arithmetic3A_515 : vector<16xi32> to vector<16xi32>
    tpu.vector_store %arg14[%swap3A_516], %swap3A_519 {strides = array<i32>} : memref<512xi32, #tpu.memory_space<vmem>>, vector<16xi32>,
    %get3A_520 = arith.constant 272 : index
    %get3A_521 = tpu.vector_load %arg9[%get3A_520] {strides = array<i32>} : memref<512xi32, #tpu.memory_space<vmem>>, vector<16xi32>,
    %get3A_522 = vector.shape_cast %get3A_521 : vector<16xi32> to vector<16xi32>
    %shift_right_arithmetic3A_523 = arith.constant 1 : i32
    %shift_right_arithmetic3A_524 = vector.broadcast %shift_right_arithmetic3A_523 : i32 to vector<16xi32>
    %shift_right_arithmetic3A_525 = arith.shrsi %get3A_522, %shift_right_arithmetic3A_524 : vector<16xi32>
    %swap3A_526 = arith.constant 272 : index
    %swap3A_527 = tpu.vector_load %arg12[%swap3A_526] {strides = array<i32>} : memref<512xi32, #tpu.memory_space<vmem>>, vector<16xi32>,
    %swap3A_528 = vector.shape_cast %swap3A_527 : vector<16xi32> to vector<16xi32>
    %swap3A_529 = vector.shape_cast %shift_right_arithmetic3A_525 : vector<16xi32> to vector<16xi32>
    tpu.vector_store %arg12[%swap3A_526], %swap3A_529 {strides = array<i32>} : memref<512xi32, #tpu.memory_space<vmem>>, vector<16xi32>,
    %get3A_530 = arith.constant 272 : index
    %get3A_531 = tpu.vector_load %arg10[%get3A_530] {strides = array<i32>} : memref<512xi32, #tpu.memory_space<vmem>>, vector<16xi32>,
    %get3A_532 = vector.shape_cast %get3A_531 : vector<16xi32> to vector<16xi32>
    %shift_right_arithmetic3A_533 = arith.constant 1 : i32
    %shift_right_arithmetic3A_534 = vector.broadcast %shift_right_arithmetic3A_533 : i32 to vector<16xi32>
    %shift_right_arithmetic3A_535 = arith.shrsi %get3A_532, %shift_right_arithmetic3A_534 : vector<16xi32>
    %swap3A_536 = arith.constant 272 : index
    %swap3A_537 = tpu.vector_load %arg13[%swap3A_536] {strides = array<i32>} : memref<512xi32, #tpu.memory_space<vmem>>, vector<16xi32>,
    %swap3A_538 = vector.shape_cast %swap3A_537 : vector<16xi32> to vector<16xi32>
    %swap3A_539 = vector.shape_cast %shift_right_arithmetic3A_535 : vector<16xi32> to vector<16xi32>
    tpu.vector_store %arg13[%swap3A_536], %swap3A_539 {strides = array<i32>} : memref<512xi32, #tpu.memory_space<vmem>>, vector<16xi32>,
    %get3A_540 = arith.constant 272 : index
    %get3A_541 = tpu.vector_load %arg11[%get3A_540] {strides = array<i32>} : memref<512xi32, #tpu.memory_space<vmem>>, vector<16xi32>,
    %get3A_542 = vector.shape_cast %get3A_541 : vector<16xi32> to vector<16xi32>
    %shift_right_arithmetic3A_543 = arith.constant 1 : i32
    %shift_right_arithmetic3A_544 = vector.broadcast %shift_right_arithmetic3A_543 : i32 to vector<16xi32>
    %shift_right_arithmetic3A_545 = arith.shrsi %get3A_542, %shift_right_arithmetic3A_544 : vector<16xi32>
    %swap3A_546 = arith.constant 272 : index
    %swap3A_547 = tpu.vector_load %arg14[%swap3A_546] {strides = array<i32>} : memref<512xi32, #tpu.memory_space<vmem>>, vector<16xi32>,
    %swap3A_548 = vector.shape_cast %swap3A_547 : vector<16xi32> to vector<16xi32>
    %swap3A_549 = vector.shape_cast %shift_right_arithmetic3A_545 : vector<16xi32> to vector<16xi32>
    tpu.vector_store %arg14[%swap3A_546], %swap3A_549 {strides = array<i32>} : memref<512xi32, #tpu.memory_space<vmem>>, vector<16xi32>,
    %get3A_550 = arith.constant 288 : index
    %get3A_551 = tpu.vector_load %arg9[%get3A_550] {strides = array<i32>} : memref<512xi32, #tpu.memory_space<vmem>>, vector<16xi32>,
    %get3A_552 = vector.shape_cast %get3A_551 : vector<16xi32> to vector<16xi32>
    %shift_right_arithmetic3A_553 = arith.constant 1 : i32
    %shift_right_arithmetic3A_554 = vector.broadcast %shift_right_arithmetic3A_553 : i32 to vector<16xi32>
    %shift_right_arithmetic3A_555 = arith.shrsi %get3A_552, %shift_right_arithmetic3A_554 : vector<16xi32>
    %swap3A_556 = arith.constant 288 : index
    %swap3A_557 = tpu.vector_load %arg12[%swap3A_556] {strides = array<i32>} : memref<512xi32, #tpu.memory_space<vmem>>, vector<16xi32>,
    %swap3A_558 = vector.shape_cast %swap3A_557 : vector<16xi32> to vector<16xi32>
    %swap3A_559 = vector.shape_cast %shift_right_arithmetic3A_555 : vector<16xi32> to vector<16xi32>
    tpu.vector_store %arg12[%swap3A_556], %swap3A_559 {strides = array<i32>} : memref<512xi32, #tpu.memory_space<vmem>>, vector<16xi32>,
    %get3A_560 = arith.constant 288 : index
    %get3A_561 = tpu.vector_load %arg10[%get3A_560] {strides = array<i32>} : memref<512xi32, #tpu.memory_space<vmem>>, vector<16xi32>,
    %get3A_562 = vector.shape_cast %get3A_561 : vector<16xi32> to vector<16xi32>
    %shift_right_arithmetic3A_563 = arith.constant 1 : i32
    %shift_right_arithmetic3A_564 = vector.broadcast %shift_right_arithmetic3A_563 : i32 to vector<16xi32>
    %shift_right_arithmetic3A_565 = arith.shrsi %get3A_562, %shift_right_arithmetic3A_564 : vector<16xi32>
    %swap3A_566 = arith.constant 288 : index
    %swap3A_567 = tpu.vector_load %arg13[%swap3A_566] {strides = array<i32>} : memref<512xi32, #tpu.memory_space<vmem>>, vector<16xi32>,
    %swap3A_568 = vector.shape_cast %swap3A_567 : vector<16xi32> to vector<16xi32>
    %swap3A_569 = vector.shape_cast %shift_right_arithmetic3A_565 : vector<16xi32> to vector<16xi32>
    tpu.vector_store %arg13[%swap3A_566], %swap3A_569 {strides = array<i32>} : memref<512xi32, #tpu.memory_space<vmem>>, vector<16xi32>,
    %get3A_570 = arith.constant 288 : index
    %get3A_571 = tpu.vector_load %arg11[%get3A_570] {strides = array<i32>} : memref<512xi32, #tpu.memory_space<vmem>>, vector<16xi32>,
    %get3A_572 = vector.shape_cast %get3A_571 : vector<16xi32> to vector<16xi32>
    %shift_right_arithmetic3A_573 = arith.constant 1 : i32
    %shift_right_arithmetic3A_574 = vector.broadcast %shift_right_arithmetic3A_573 : i32 to vector<16xi32>
    %shift_right_arithmetic3A_575 = arith.shrsi %get3A_572, %shift_right_arithmetic3A_574 : vector<16xi32>
    %swap3A_576 = arith.constant 288 : index
    %swap3A_577 = tpu.vector_load %arg14[%swap3A_576] {strides = array<i32>} : memref<512xi32, #tpu.memory_space<vmem>>, vector<16xi32>,
    %swap3A_578 = vector.shape_cast %swap3A_577 : vector<16xi32> to vector<16xi32>
    %swap3A_579 = vector.shape_cast %shift_right_arithmetic3A_575 : vector<16xi32> to vector<16xi32>
    tpu.vector_store %arg14[%swap3A_576], %swap3A_579 {strides = array<i32>} : memref<512xi32, #tpu.memory_space<vmem>>, vector<16xi32>,
    %get3A_580 = arith.constant 304 : index
    %get3A_581 = tpu.vector_load %arg9[%get3A_580] {strides = array<i32>} : memref<512xi32, #tpu.memory_space<vmem>>, vector<16xi32>,
    %get3A_582 = vector.shape_cast %get3A_581 : vector<16xi32> to vector<16xi32>
    %shift_right_arithmetic3A_583 = arith.constant 1 : i32
    %shift_right_arithmetic3A_584 = vector.broadcast %shift_right_arithmetic3A_583 : i32 to vector<16xi32>
    %shift_right_arithmetic3A_585 = arith.shrsi %get3A_582, %shift_right_arithmetic3A_584 : vector<16xi32>
    %swap3A_586 = arith.constant 304 : index
    %swap3A_587 = tpu.vector_load %arg12[%swap3A_586] {strides = array<i32>} : memref<512xi32, #tpu.memory_space<vmem>>, vector<16xi32>,
    %swap3A_588 = vector.shape_cast %swap3A_587 : vector<16xi32> to vector<16xi32>
    %swap3A_589 = vector.shape_cast %shift_right_arithmetic3A_585 : vector<16xi32> to vector<16xi32>
    tpu.vector_store %arg12[%swap3A_586], %swap3A_589 {strides = array<i32>} : memref<512xi32, #tpu.memory_space<vmem>>, vector<16xi32>,
    %get3A_590 = arith.constant 304 : index
    %get3A_591 = tpu.vector_load %arg10[%get3A_590] {strides = array<i32>} : memref<512xi32, #tpu.memory_space<vmem>>, vector<16xi32>,
    %get3A_592 = vector.shape_cast %get3A_591 : vector<16xi32> to vector<16xi32>
    %shift_right_arithmetic3A_593 = arith.constant 1 : i32
    %shift_right_arithmetic3A_594 = vector.broadcast %shift_right_arithmetic3A_593 : i32 to vector<16xi32>
    %shift_right_arithmetic3A_595 = arith.shrsi %get3A_592, %shift_right_arithmetic3A_594 : vector<16xi32>
    %swap3A_596 = arith.constant 304 : index
    %swap3A_597 = tpu.vector_load %arg13[%swap3A_596] {strides = array<i32>} : memref<512xi32, #tpu.memory_space<vmem>>, vector<16xi32>,
    %swap3A_598 = vector.shape_cast %swap3A_597 : vector<16xi32> to vector<16xi32>
    %swap3A_599 = vector.shape_cast %shift_right_arithmetic3A_595 : vector<16xi32> to vector<16xi32>
    tpu.vector_store %arg13[%swap3A_596], %swap3A_599 {strides = array<i32>} : memref<512xi32, #tpu.memory_space<vmem>>, vector<16xi32>,
    %get3A_600 = arith.constant 304 : index
    %get3A_601 = tpu.vector_load %arg11[%get3A_600] {strides = array<i32>} : memref<512xi32, #tpu.memory_space<vmem>>, vector<16xi32>,
    %get3A_602 = vector.shape_cast %get3A_601 : vector<16xi32> to vector<16xi32>
    %shift_right_arithmetic3A_603 = arith.constant 1 : i32
    %shift_right_arithmetic3A_604 = vector.broadcast %shift_right_arithmetic3A_603 : i32 to vector<16xi32>
    %shift_right_arithmetic3A_605 = arith.shrsi %get3A_602, %shift_right_arithmetic3A_604 : vector<16xi32>
    %swap3A_606 = arith.constant 304 : index
    %swap3A_607 = tpu.vector_load %arg14[%swap3A_606] {strides = array<i32>} : memref<512xi32, #tpu.memory_space<vmem>>, vector<16xi32>,
    %swap3A_608 = vector.shape_cast %swap3A_607 : vector<16xi32> to vector<16xi32>
    %swap3A_609 = vector.shape_cast %shift_right_arithmetic3A_605 : vector<16xi32> to vector<16xi32>
    tpu.vector_store %arg14[%swap3A_606], %swap3A_609 {strides = array<i32>} : memref<512xi32, #tpu.memory_space<vmem>>, vector<16xi32>,
    %get3A_610 = arith.constant 320 : index
    %get3A_611 = tpu.vector_load %arg9[%get3A_610] {strides = array<i32>} : memref<512xi32, #tpu.memory_space<vmem>>, vector<16xi32>,
    %get3A_612 = vector.shape_cast %get3A_611 : vector<16xi32> to vector<16xi32>
    %shift_right_arithmetic3A_613 = arith.constant 1 : i32
    %shift_right_arithmetic3A_614 = vector.broadcast %shift_right_arithmetic3A_613 : i32 to vector<16xi32>
    %shift_right_arithmetic3A_615 = arith.shrsi %get3A_612, %shift_right_arithmetic3A_614 : vector<16xi32>
    %swap3A_616 = arith.constant 320 : index
    %swap3A_617 = tpu.vector_load %arg12[%swap3A_616] {strides = array<i32>} : memref<512xi32, #tpu.memory_space<vmem>>, vector<16xi32>,
    %swap3A_618 = vector.shape_cast %swap3A_617 : vector<16xi32> to vector<16xi32>
    %swap3A_619 = vector.shape_cast %shift_right_arithmetic3A_615 : vector<16xi32> to vector<16xi32>
    tpu.vector_store %arg12[%swap3A_616], %swap3A_619 {strides = array<i32>} : memref<512xi32, #tpu.memory_space<vmem>>, vector<16xi32>,
    %get3A_620 = arith.constant 320 : index
    %get3A_621 = tpu.vector_load %arg10[%get3A_620] {strides = array<i32>} : memref<512xi32, #tpu.memory_space<vmem>>, vector<16xi32>,
    %get3A_622 = vector.shape_cast %get3A_621 : vector<16xi32> to vector<16xi32>
    %shift_right_arithmetic3A_623 = arith.constant 1 : i32
    %shift_right_arithmetic3A_624 = vector.broadcast %shift_right_arithmetic3A_623 : i32 to vector<16xi32>
    %shift_right_arithmetic3A_625 = arith.shrsi %get3A_622, %shift_right_arithmetic3A_624 : vector<16xi32>
    %swap3A_626 = arith.constant 320 : index
    %swap3A_627 = tpu.vector_load %arg13[%swap3A_626] {strides = array<i32>} : memref<512xi32, #tpu.memory_space<vmem>>, vector<16xi32>,
    %swap3A_628 = vector.shape_cast %swap3A_627 : vector<16xi32> to vector<16xi32>
    %swap3A_629 = vector.shape_cast %shift_right_arithmetic3A_625 : vector<16xi32> to vector<16xi32>
    tpu.vector_store %arg13[%swap3A_626], %swap3A_629 {strides = array<i32>} : memref<512xi32, #tpu.memory_space<vmem>>, vector<16xi32>,
    %get3A_630 = arith.constant 320 : index
    %get3A_631 = tpu.vector_load %arg11[%get3A_630] {strides = array<i32>} : memref<512xi32, #tpu.memory_space<vmem>>, vector<16xi32>,
    %get3A_632 = vector.shape_cast %get3A_631 : vector<16xi32> to vector<16xi32>
    %shift_right_arithmetic3A_633 = arith.constant 1 : i32
    %shift_right_arithmetic3A_634 = vector.broadcast %shift_right_arithmetic3A_633 : i32 to vector<16xi32>
    %shift_right_arithmetic3A_635 = arith.shrsi %get3A_632, %shift_right_arithmetic3A_634 : vector<16xi32>
    %swap3A_636 = arith.constant 320 : index
    %swap3A_637 = tpu.vector_load %arg14[%swap3A_636] {strides = array<i32>} : memref<512xi32, #tpu.memory_space<vmem>>, vector<16xi32>,
    %swap3A_638 = vector.shape_cast %swap3A_637 : vector<16xi32> to vector<16xi32>
    %swap3A_639 = vector.shape_cast %shift_right_arithmetic3A_635 : vector<16xi32> to vector<16xi32>
    tpu.vector_store %arg14[%swap3A_636], %swap3A_639 {strides = array<i32>} : memref<512xi32, #tpu.memory_space<vmem>>, vector<16xi32>,
    %get3A_640 = arith.constant 336 : index
    %get3A_641 = tpu.vector_load %arg9[%get3A_640] {strides = array<i32>} : memref<512xi32, #tpu.memory_space<vmem>>, vector<16xi32>,
    %get3A_642 = vector.shape_cast %get3A_641 : vector<16xi32> to vector<16xi32>
    %shift_right_arithmetic3A_643 = arith.constant 1 : i32
    %shift_right_arithmetic3A_644 = vector.broadcast %shift_right_arithmetic3A_643 : i32 to vector<16xi32>
    %shift_right_arithmetic3A_645 = arith.shrsi %get3A_642, %shift_right_arithmetic3A_644 : vector<16xi32>
    %swap3A_646 = arith.constant 336 : index
    %swap3A_647 = tpu.vector_load %arg12[%swap3A_646] {strides = array<i32>} : memref<512xi32, #tpu.memory_space<vmem>>, vector<16xi32>,
    %swap3A_648 = vector.shape_cast %swap3A_647 : vector<16xi32> to vector<16xi32>
    %swap3A_649 = vector.shape_cast %shift_right_arithmetic3A_645 : vector<16xi32> to vector<16xi32>
    tpu.vector_store %arg12[%swap3A_646], %swap3A_649 {strides = array<i32>} : memref<512xi32, #tpu.memory_space<vmem>>, vector<16xi32>,
    %get3A_650 = arith.constant 336 : index
    %get3A_651 = tpu.vector_load %arg10[%get3A_650] {strides = array<i32>} : memref<512xi32, #tpu.memory_space<vmem>>, vector<16xi32>,
    %get3A_652 = vector.shape_cast %get3A_651 : vector<16xi32> to vector<16xi32>
    %shift_right_arithmetic3A_653 = arith.constant 1 : i32
    %shift_right_arithmetic3A_654 = vector.broadcast %shift_right_arithmetic3A_653 : i32 to vector<16xi32>
    %shift_right_arithmetic3A_655 = arith.shrsi %get3A_652, %shift_right_arithmetic3A_654 : vector<16xi32>
    %swap3A_656 = arith.constant 336 : index
    %swap3A_657 = tpu.vector_load %arg13[%swap3A_656] {strides = array<i32>} : memref<512xi32, #tpu.memory_space<vmem>>, vector<16xi32>,
    %swap3A_658 = vector.shape_cast %swap3A_657 : vector<16xi32> to vector<16xi32>
    %swap3A_659 = vector.shape_cast %shift_right_arithmetic3A_655 : vector<16xi32> to vector<16xi32>
    tpu.vector_store %arg13[%swap3A_656], %swap3A_659 {strides = array<i32>} : memref<512xi32, #tpu.memory_space<vmem>>, vector<16xi32>,
    %get3A_660 = arith.constant 336 : index
    %get3A_661 = tpu.vector_load %arg11[%get3A_660] {strides = array<i32>} : memref<512xi32, #tpu.memory_space<vmem>>, vector<16xi32>,
    %get3A_662 = vector.shape_cast %get3A_661 : vector<16xi32> to vector<16xi32>
    %shift_right_arithmetic3A_663 = arith.constant 1 : i32
    %shift_right_arithmetic3A_664 = vector.broadcast %shift_right_arithmetic3A_663 : i32 to vector<16xi32>
    %shift_right_arithmetic3A_665 = arith.shrsi %get3A_662, %shift_right_arithmetic3A_664 : vector<16xi32>
    %swap3A_666 = arith.constant 336 : index
    %swap3A_667 = tpu.vector_load %arg14[%swap3A_666] {strides = array<i32>} : memref<512xi32, #tpu.memory_space<vmem>>, vector<16xi32>,
    %swap3A_668 = vector.shape_cast %swap3A_667 : vector<16xi32> to vector<16xi32>
    %swap3A_669 = vector.shape_cast %shift_right_arithmetic3A_665 : vector<16xi32> to vector<16xi32>
    tpu.vector_store %arg14[%swap3A_666], %swap3A_669 {strides = array<i32>} : memref<512xi32, #tpu.memory_space<vmem>>, vector<16xi32>,
    %get3A_670 = arith.constant 352 : index
    %get3A_671 = tpu.vector_load %arg9[%get3A_670] {strides = array<i32>} : memref<512xi32, #tpu.memory_space<vmem>>, vector<16xi32>,
    %get3A_672 = vector.shape_cast %get3A_671 : vector<16xi32> to vector<16xi32>
    %shift_right_arithmetic3A_673 = arith.constant 1 : i32
    %shift_right_arithmetic3A_674 = vector.broadcast %shift_right_arithmetic3A_673 : i32 to vector<16xi32>
    %shift_right_arithmetic3A_675 = arith.shrsi %get3A_672, %shift_right_arithmetic3A_674 : vector<16xi32>
    %swap3A_676 = arith.constant 352 : index
    %swap3A_677 = tpu.vector_load %arg12[%swap3A_676] {strides = array<i32>} : memref<512xi32, #tpu.memory_space<vmem>>, vector<16xi32>,
    %swap3A_678 = vector.shape_cast %swap3A_677 : vector<16xi32> to vector<16xi32>
    %swap3A_679 = vector.shape_cast %shift_right_arithmetic3A_675 : vector<16xi32> to vector<16xi32>
    tpu.vector_store %arg12[%swap3A_676], %swap3A_679 {strides = array<i32>} : memref<512xi32, #tpu.memory_space<vmem>>, vector<16xi32>,
    %get3A_680 = arith.constant 352 : index
    %get3A_681 = tpu.vector_load %arg10[%get3A_680] {strides = array<i32>} : memref<512xi32, #tpu.memory_space<vmem>>, vector<16xi32>,
    %get3A_682 = vector.shape_cast %get3A_681 : vector<16xi32> to vector<16xi32>
    %shift_right_arithmetic3A_683 = arith.constant 1 : i32
    %shift_right_arithmetic3A_684 = vector.broadcast %shift_right_arithmetic3A_683 : i32 to vector<16xi32>
    %shift_right_arithmetic3A_685 = arith.shrsi %get3A_682, %shift_right_arithmetic3A_684 : vector<16xi32>
    %swap3A_686 = arith.constant 352 : index
    %swap3A_687 = tpu.vector_load %arg13[%swap3A_686] {strides = array<i32>} : memref<512xi32, #tpu.memory_space<vmem>>, vector<16xi32>,
    %swap3A_688 = vector.shape_cast %swap3A_687 : vector<16xi32> to vector<16xi32>
    %swap3A_689 = vector.shape_cast %shift_right_arithmetic3A_685 : vector<16xi32> to vector<16xi32>
    tpu.vector_store %arg13[%swap3A_686], %swap3A_689 {strides = array<i32>} : memref<512xi32, #tpu.memory_space<vmem>>, vector<16xi32>,
    %get3A_690 = arith.constant 352 : index
    %get3A_691 = tpu.vector_load %arg11[%get3A_690] {strides = array<i32>} : memref<512xi32, #tpu.memory_space<vmem>>, vector<16xi32>,
    %get3A_692 = vector.shape_cast %get3A_691 : vector<16xi32> to vector<16xi32>
    %shift_right_arithmetic3A_693 = arith.constant 1 : i32
    %shift_right_arithmetic3A_694 = vector.broadcast %shift_right_arithmetic3A_693 : i32 to vector<16xi32>
    %shift_right_arithmetic3A_695 = arith.shrsi %get3A_692, %shift_right_arithmetic3A_694 : vector<16xi32>
    %swap3A_696 = arith.constant 352 : index
    %swap3A_697 = tpu.vector_load %arg14[%swap3A_696] {strides = array<i32>} : memref<512xi32, #tpu.memory_space<vmem>>, vector<16xi32>,
    %swap3A_698 = vector.shape_cast %swap3A_697 : vector<16xi32> to vector<16xi32>
    %swap3A_699 = vector.shape_cast %shift_right_arithmetic3A_695 : vector<16xi32> to vector<16xi32>
    tpu.vector_store %arg14[%swap3A_696], %swap3A_699 {strides = array<i32>} : memref<512xi32, #tpu.memory_space<vmem>>, vector<16xi32>,
    %get3A_700 = arith.constant 368 : index
    %get3A_701 = tpu.vector_load %arg9[%get3A_700] {strides = array<i32>} : memref<512xi32, #tpu.memory_space<vmem>>, vector<16xi32>,
    %get3A_702 = vector.shape_cast %get3A_701 : vector<16xi32> to vector<16xi32>
    %shift_right_arithmetic3A_703 = arith.constant 1 : i32
    %shift_right_arithmetic3A_704 = vector.broadcast %shift_right_arithmetic3A_703 : i32 to vector<16xi32>
    %shift_right_arithmetic3A_705 = arith.shrsi %get3A_702, %shift_right_arithmetic3A_704 : vector<16xi32>
    %swap3A_706 = arith.constant 368 : index
    %swap3A_707 = tpu.vector_load %arg12[%swap3A_706] {strides = array<i32>} : memref<512xi32, #tpu.memory_space<vmem>>, vector<16xi32>,
    %swap3A_708 = vector.shape_cast %swap3A_707 : vector<16xi32> to vector<16xi32>
    %swap3A_709 = vector.shape_cast %shift_right_arithmetic3A_705 : vector<16xi32> to vector<16xi32>
    tpu.vector_store %arg12[%swap3A_706], %swap3A_709 {strides = array<i32>} : memref<512xi32, #tpu.memory_space<vmem>>, vector<16xi32>,
    %get3A_710 = arith.constant 368 : index
    %get3A_711 = tpu.vector_load %arg10[%get3A_710] {strides = array<i32>} : memref<512xi32, #tpu.memory_space<vmem>>, vector<16xi32>,
    %get3A_712 = vector.shape_cast %get3A_711 : vector<16xi32> to vector<16xi32>
    %shift_right_arithmetic3A_713 = arith.constant 1 : i32
    %shift_right_arithmetic3A_714 = vector.broadcast %shift_right_arithmetic3A_713 : i32 to vector<16xi32>
    %shift_right_arithmetic3A_715 = arith.shrsi %get3A_712, %shift_right_arithmetic3A_714 : vector<16xi32>
    %swap3A_716 = arith.constant 368 : index
    %swap3A_717 = tpu.vector_load %arg13[%swap3A_716] {strides = array<i32>} : memref<512xi32, #tpu.memory_space<vmem>>, vector<16xi32>,
    %swap3A_718 = vector.shape_cast %swap3A_717 : vector<16xi32> to vector<16xi32>
    %swap3A_719 = vector.shape_cast %shift_right_arithmetic3A_715 : vector<16xi32> to vector<16xi32>
    tpu.vector_store %arg13[%swap3A_716], %swap3A_719 {strides = array<i32>} : memref<512xi32, #tpu.memory_space<vmem>>, vector<16xi32>,
    %get3A_720 = arith.constant 368 : index
    %get3A_721 = tpu.vector_load %arg11[%get3A_720] {strides = array<i32>} : memref<512xi32, #tpu.memory_space<vmem>>, vector<16xi32>,
    %get3A_722 = vector.shape_cast %get3A_721 : vector<16xi32> to vector<16xi32>
    %shift_right_arithmetic3A_723 = arith.constant 1 : i32
    %shift_right_arithmetic3A_724 = vector.broadcast %shift_right_arithmetic3A_723 : i32 to vector<16xi32>
    %shift_right_arithmetic3A_725 = arith.shrsi %get3A_722, %shift_right_arithmetic3A_724 : vector<16xi32>
    %swap3A_726 = arith.constant 368 : index
    %swap3A_727 = tpu.vector_load %arg14[%swap3A_726] {strides = array<i32>} : memref<512xi32, #tpu.memory_space<vmem>>, vector<16xi32>,
    %swap3A_728 = vector.shape_cast %swap3A_727 : vector<16xi32> to vector<16xi32>
    %swap3A_729 = vector.shape_cast %shift_right_arithmetic3A_725 : vector<16xi32> to vector<16xi32>
    tpu.vector_store %arg14[%swap3A_726], %swap3A_729 {strides = array<i32>} : memref<512xi32, #tpu.memory_space<vmem>>, vector<16xi32>,
    %get3A_730 = arith.constant 384 : index
    %get3A_731 = tpu.vector_load %arg9[%get3A_730] {strides = array<i32>} : memref<512xi32, #tpu.memory_space<vmem>>, vector<16xi32>,
    %get3A_732 = vector.shape_cast %get3A_731 : vector<16xi32> to vector<16xi32>
    %shift_right_arithmetic3A_733 = arith.constant 1 : i32
    %shift_right_arithmetic3A_734 = vector.broadcast %shift_right_arithmetic3A_733 : i32 to vector<16xi32>
    %shift_right_arithmetic3A_735 = arith.shrsi %get3A_732, %shift_right_arithmetic3A_734 : vector<16xi32>
    %swap3A_736 = arith.constant 384 : index
    %swap3A_737 = tpu.vector_load %arg12[%swap3A_736] {strides = array<i32>} : memref<512xi32, #tpu.memory_space<vmem>>, vector<16xi32>,
    %swap3A_738 = vector.shape_cast %swap3A_737 : vector<16xi32> to vector<16xi32>
    %swap3A_739 = vector.shape_cast %shift_right_arithmetic3A_735 : vector<16xi32> to vector<16xi32>
    tpu.vector_store %arg12[%swap3A_736], %swap3A_739 {strides = array<i32>} : memref<512xi32, #tpu.memory_space<vmem>>, vector<16xi32>,
    %get3A_740 = arith.constant 384 : index
    %get3A_741 = tpu.vector_load %arg10[%get3A_740] {strides = array<i32>} : memref<512xi32, #tpu.memory_space<vmem>>, vector<16xi32>,
    %get3A_742 = vector.shape_cast %get3A_741 : vector<16xi32> to vector<16xi32>
    %shift_right_arithmetic3A_743 = arith.constant 1 : i32
    %shift_right_arithmetic3A_744 = vector.broadcast %shift_right_arithmetic3A_743 : i32 to vector<16xi32>
    %shift_right_arithmetic3A_745 = arith.shrsi %get3A_742, %shift_right_arithmetic3A_744 : vector<16xi32>
    %swap3A_746 = arith.constant 384 : index
    %swap3A_747 = tpu.vector_load %arg13[%swap3A_746] {strides = array<i32>} : memref<512xi32, #tpu.memory_space<vmem>>, vector<16xi32>,
    %swap3A_748 = vector.shape_cast %swap3A_747 : vector<16xi32> to vector<16xi32>
    %swap3A_749 = vector.shape_cast %shift_right_arithmetic3A_745 : vector<16xi32> to vector<16xi32>
    tpu.vector_store %arg13[%swap3A_746], %swap3A_749 {strides = array<i32>} : memref<512xi32, #tpu.memory_space<vmem>>, vector<16xi32>,
    %get3A_750 = arith.constant 384 : index
    %get3A_751 = tpu.vector_load %arg11[%get3A_750] {strides = array<i32>} : memref<512xi32, #tpu.memory_space<vmem>>, vector<16xi32>,
    %get3A_752 = vector.shape_cast %get3A_751 : vector<16xi32> to vector<16xi32>
    %shift_right_arithmetic3A_753 = arith.constant 1 : i32
    %shift_right_arithmetic3A_754 = vector.broadcast %shift_right_arithmetic3A_753 : i32 to vector<16xi32>
    %shift_right_arithmetic3A_755 = arith.shrsi %get3A_752, %shift_right_arithmetic3A_754 : vector<16xi32>
    %swap3A_756 = arith.constant 384 : index
    %swap3A_757 = tpu.vector_load %arg14[%swap3A_756] {strides = array<i32>} : memref<512xi32, #tpu.memory_space<vmem>>, vector<16xi32>,
    %swap3A_758 = vector.shape_cast %swap3A_757 : vector<16xi32> to vector<16xi32>
    %swap3A_759 = vector.shape_cast %shift_right_arithmetic3A_755 : vector<16xi32> to vector<16xi32>
    tpu.vector_store %arg14[%swap3A_756], %swap3A_759 {strides = array<i32>} : memref<512xi32, #tpu.memory_space<vmem>>, vector<16xi32>,
    %get3A_760 = arith.constant 400 : index
    %get3A_761 = tpu.vector_load %arg9[%get3A_760] {strides = array<i32>} : memref<512xi32, #tpu.memory_space<vmem>>, vector<16xi32>,
    %get3A_762 = vector.shape_cast %get3A_761 : vector<16xi32> to vector<16xi32>
    %shift_right_arithmetic3A_763 = arith.constant 1 : i32
    %shift_right_arithmetic3A_764 = vector.broadcast %shift_right_arithmetic3A_763 : i32 to vector<16xi32>
    %shift_right_arithmetic3A_765 = arith.shrsi %get3A_762, %shift_right_arithmetic3A_764 : vector<16xi32>
    %swap3A_766 = arith.constant 400 : index
    %swap3A_767 = tpu.vector_load %arg12[%swap3A_766] {strides = array<i32>} : memref<512xi32, #tpu.memory_space<vmem>>, vector<16xi32>,
    %swap3A_768 = vector.shape_cast %swap3A_767 : vector<16xi32> to vector<16xi32>
    %swap3A_769 = vector.shape_cast %shift_right_arithmetic3A_765 : vector<16xi32> to vector<16xi32>
    tpu.vector_store %arg12[%swap3A_766], %swap3A_769 {strides = array<i32>} : memref<512xi32, #tpu.memory_space<vmem>>, vector<16xi32>,
    %get3A_770 = arith.constant 400 : index
    %get3A_771 = tpu.vector_load %arg10[%get3A_770] {strides = array<i32>} : memref<512xi32, #tpu.memory_space<vmem>>, vector<16xi32>,
    %get3A_772 = vector.shape_cast %get3A_771 : vector<16xi32> to vector<16xi32>
    %shift_right_arithmetic3A_773 = arith.constant 1 : i32
    %shift_right_arithmetic3A_774 = vector.broadcast %shift_right_arithmetic3A_773 : i32 to vector<16xi32>
    %shift_right_arithmetic3A_775 = arith.shrsi %get3A_772, %shift_right_arithmetic3A_774 : vector<16xi32>
    %swap3A_776 = arith.constant 400 : index
    %swap3A_777 = tpu.vector_load %arg13[%swap3A_776] {strides = array<i32>} : memref<512xi32, #tpu.memory_space<vmem>>, vector<16xi32>,
    %swap3A_778 = vector.shape_cast %swap3A_777 : vector<16xi32> to vector<16xi32>
    %swap3A_779 = vector.shape_cast %shift_right_arithmetic3A_775 : vector<16xi32> to vector<16xi32>
    tpu.vector_store %arg13[%swap3A_776], %swap3A_779 {strides = array<i32>} : memref<512xi32, #tpu.memory_space<vmem>>, vector<16xi32>,
    %get3A_780 = arith.constant 400 : index
    %get3A_781 = tpu.vector_load %arg11[%get3A_780] {strides = array<i32>} : memref<512xi32, #tpu.memory_space<vmem>>, vector<16xi32>,
    %get3A_782 = vector.shape_cast %get3A_781 : vector<16xi32> to vector<16xi32>
    %shift_right_arithmetic3A_783 = arith.constant 1 : i32
    %shift_right_arithmetic3A_784 = vector.broadcast %shift_right_arithmetic3A_783 : i32 to vector<16xi32>
    %shift_right_arithmetic3A_785 = arith.shrsi %get3A_782, %shift_right_arithmetic3A_784 : vector<16xi32>
    %swap3A_786 = arith.constant 400 : index
    %swap3A_787 = tpu.vector_load %arg14[%swap3A_786] {strides = array<i32>} : memref<512xi32, #tpu.memory_space<vmem>>, vector<16xi32>,
    %swap3A_788 = vector.shape_cast %swap3A_787 : vector<16xi32> to vector<16xi32>
    %swap3A_789 = vector.shape_cast %shift_right_arithmetic3A_785 : vector<16xi32> to vector<16xi32>
    tpu.vector_store %arg14[%swap3A_786], %swap3A_789 {strides = array<i32>} : memref<512xi32, #tpu.memory_space<vmem>>, vector<16xi32>,
    %get3A_790 = arith.constant 416 : index
    %get3A_791 = tpu.vector_load %arg9[%get3A_790] {strides = array<i32>} : memref<512xi32, #tpu.memory_space<vmem>>, vector<16xi32>,
    %get3A_792 = vector.shape_cast %get3A_791 : vector<16xi32> to vector<16xi32>
    %shift_right_arithmetic3A_793 = arith.constant 1 : i32
    %shift_right_arithmetic3A_794 = vector.broadcast %shift_right_arithmetic3A_793 : i32 to vector<16xi32>
    %shift_right_arithmetic3A_795 = arith.shrsi %get3A_792, %shift_right_arithmetic3A_794 : vector<16xi32>
    %swap3A_796 = arith.constant 416 : index
    %swap3A_797 = tpu.vector_load %arg12[%swap3A_796] {strides = array<i32>} : memref<512xi32, #tpu.memory_space<vmem>>, vector<16xi32>,
    %swap3A_798 = vector.shape_cast %swap3A_797 : vector<16xi32> to vector<16xi32>
    %swap3A_799 = vector.shape_cast %shift_right_arithmetic3A_795 : vector<16xi32> to vector<16xi32>
    tpu.vector_store %arg12[%swap3A_796], %swap3A_799 {strides = array<i32>} : memref<512xi32, #tpu.memory_space<vmem>>, vector<16xi32>,
    %get3A_800 = arith.constant 416 : index
    %get3A_801 = tpu.vector_load %arg10[%get3A_800] {strides = array<i32>} : memref<512xi32, #tpu.memory_space<vmem>>, vector<16xi32>,
    %get3A_802 = vector.shape_cast %get3A_801 : vector<16xi32> to vector<16xi32>
    %shift_right_arithmetic3A_803 = arith.constant 1 : i32
    %shift_right_arithmetic3A_804 = vector.broadcast %shift_right_arithmetic3A_803 : i32 to vector<16xi32>
    %shift_right_arithmetic3A_805 = arith.shrsi %get3A_802, %shift_right_arithmetic3A_804 : vector<16xi32>
    %swap3A_806 = arith.constant 416 : index
    %swap3A_807 = tpu.vector_load %arg13[%swap3A_806] {strides = array<i32>} : memref<512xi32, #tpu.memory_space<vmem>>, vector<16xi32>,
    %swap3A_808 = vector.shape_cast %swap3A_807 : vector<16xi32> to vector<16xi32>
    %swap3A_809 = vector.shape_cast %shift_right_arithmetic3A_805 : vector<16xi32> to vector<16xi32>
    tpu.vector_store %arg13[%swap3A_806], %swap3A_809 {strides = array<i32>} : memref<512xi32, #tpu.memory_space<vmem>>, vector<16xi32>,
    %get3A_810 = arith.constant 416 : index
    %get3A_811 = tpu.vector_load %arg11[%get3A_810] {strides = array<i32>} : memref<512xi32, #tpu.memory_space<vmem>>, vector<16xi32>,
    %get3A_812 = vector.shape_cast %get3A_811 : vector<16xi32> to vector<16xi32>
    %shift_right_arithmetic3A_813 = arith.constant 1 : i32
    %shift_right_arithmetic3A_814 = vector.broadcast %shift_right_arithmetic3A_813 : i32 to vector<16xi32>
    %shift_right_arithmetic3A_815 = arith.shrsi %get3A_812, %shift_right_arithmetic3A_814 : vector<16xi32>
    %swap3A_816 = arith.constant 416 : index
    %swap3A_817 = tpu.vector_load %arg14[%swap3A_816] {strides = array<i32>} : memref<512xi32, #tpu.memory_space<vmem>>, vector<16xi32>,
    %swap3A_818 = vector.shape_cast %swap3A_817 : vector<16xi32> to vector<16xi32>
    %swap3A_819 = vector.shape_cast %shift_right_arithmetic3A_815 : vector<16xi32> to vector<16xi32>
    tpu.vector_store %arg14[%swap3A_816], %swap3A_819 {strides = array<i32>} : memref<512xi32, #tpu.memory_space<vmem>>, vector<16xi32>,
    %get3A_820 = arith.constant 432 : index
    %get3A_821 = tpu.vector_load %arg9[%get3A_820] {strides = array<i32>} : memref<512xi32, #tpu.memory_space<vmem>>, vector<16xi32>,
    %get3A_822 = vector.shape_cast %get3A_821 : vector<16xi32> to vector<16xi32>
    %shift_right_arithmetic3A_823 = arith.constant 1 : i32
    %shift_right_arithmetic3A_824 = vector.broadcast %shift_right_arithmetic3A_823 : i32 to vector<16xi32>
    %shift_right_arithmetic3A_825 = arith.shrsi %get3A_822, %shift_right_arithmetic3A_824 : vector<16xi32>
    %swap3A_826 = arith.constant 432 : index
    %swap3A_827 = tpu.vector_load %arg12[%swap3A_826] {strides = array<i32>} : memref<512xi32, #tpu.memory_space<vmem>>, vector<16xi32>,
    %swap3A_828 = vector.shape_cast %swap3A_827 : vector<16xi32> to vector<16xi32>
    %swap3A_829 = vector.shape_cast %shift_right_arithmetic3A_825 : vector<16xi32> to vector<16xi32>
    tpu.vector_store %arg12[%swap3A_826], %swap3A_829 {strides = array<i32>} : memref<512xi32, #tpu.memory_space<vmem>>, vector<16xi32>,
    %get3A_830 = arith.constant 432 : index
    %get3A_831 = tpu.vector_load %arg10[%get3A_830] {strides = array<i32>} : memref<512xi32, #tpu.memory_space<vmem>>, vector<16xi32>,
    %get3A_832 = vector.shape_cast %get3A_831 : vector<16xi32> to vector<16xi32>
    %shift_right_arithmetic3A_833 = arith.constant 1 : i32
    %shift_right_arithmetic3A_834 = vector.broadcast %shift_right_arithmetic3A_833 : i32 to vector<16xi32>
    %shift_right_arithmetic3A_835 = arith.shrsi %get3A_832, %shift_right_arithmetic3A_834 : vector<16xi32>
    %swap3A_836 = arith.constant 432 : index
    %swap3A_837 = tpu.vector_load %arg13[%swap3A_836] {strides = array<i32>} : memref<512xi32, #tpu.memory_space<vmem>>, vector<16xi32>,
    %swap3A_838 = vector.shape_cast %swap3A_837 : vector<16xi32> to vector<16xi32>
    %swap3A_839 = vector.shape_cast %shift_right_arithmetic3A_835 : vector<16xi32> to vector<16xi32>
    tpu.vector_store %arg13[%swap3A_836], %swap3A_839 {strides = array<i32>} : memref<512xi32, #tpu.memory_space<vmem>>, vector<16xi32>,
    %get3A_840 = arith.constant 432 : index
    %get3A_841 = tpu.vector_load %arg11[%get3A_840] {strides = array<i32>} : memref<512xi32, #tpu.memory_space<vmem>>, vector<16xi32>,
    %get3A_842 = vector.shape_cast %get3A_841 : vector<16xi32> to vector<16xi32>
    %shift_right_arithmetic3A_843 = arith.constant 1 : i32
    %shift_right_arithmetic3A_844 = vector.broadcast %shift_right_arithmetic3A_843 : i32 to vector<16xi32>
    %shift_right_arithmetic3A_845 = arith.shrsi %get3A_842, %shift_right_arithmetic3A_844 : vector<16xi32>
    %swap3A_846 = arith.constant 432 : index
    %swap3A_847 = tpu.vector_load %arg14[%swap3A_846] {strides = array<i32>} : memref<512xi32, #tpu.memory_space<vmem>>, vector<16xi32>,
    %swap3A_848 = vector.shape_cast %swap3A_847 : vector<16xi32> to vector<16xi32>
    %swap3A_849 = vector.shape_cast %shift_right_arithmetic3A_845 : vector<16xi32> to vector<16xi32>
    tpu.vector_store %arg14[%swap3A_846], %swap3A_849 {strides = array<i32>} : memref<512xi32, #tpu.memory_space<vmem>>, vector<16xi32>,
    %get3A_850 = arith.constant 448 : index
    %get3A_851 = tpu.vector_load %arg9[%get3A_850] {strides = array<i32>} : memref<512xi32, #tpu.memory_space<vmem>>, vector<16xi32>,
    %get3A_852 = vector.shape_cast %get3A_851 : vector<16xi32> to vector<16xi32>
    %shift_right_arithmetic3A_853 = arith.constant 1 : i32
    %shift_right_arithmetic3A_854 = vector.broadcast %shift_right_arithmetic3A_853 : i32 to vector<16xi32>
    %shift_right_arithmetic3A_855 = arith.shrsi %get3A_852, %shift_right_arithmetic3A_854 : vector<16xi32>
    %swap3A_856 = arith.constant 448 : index
    %swap3A_857 = tpu.vector_load %arg12[%swap3A_856] {strides = array<i32>} : memref<512xi32, #tpu.memory_space<vmem>>, vector<16xi32>,
    %swap3A_858 = vector.shape_cast %swap3A_857 : vector<16xi32> to vector<16xi32>
    %swap3A_859 = vector.shape_cast %shift_right_arithmetic3A_855 : vector<16xi32> to vector<16xi32>
    tpu.vector_store %arg12[%swap3A_856], %swap3A_859 {strides = array<i32>} : memref<512xi32, #tpu.memory_space<vmem>>, vector<16xi32>,
    %get3A_860 = arith.constant 448 : index
    %get3A_861 = tpu.vector_load %arg10[%get3A_860] {strides = array<i32>} : memref<512xi32, #tpu.memory_space<vmem>>, vector<16xi32>,
    %get3A_862 = vector.shape_cast %get3A_861 : vector<16xi32> to vector<16xi32>
    %shift_right_arithmetic3A_863 = arith.constant 1 : i32
    %shift_right_arithmetic3A_864 = vector.broadcast %shift_right_arithmetic3A_863 : i32 to vector<16xi32>
    %shift_right_arithmetic3A_865 = arith.shrsi %get3A_862, %shift_right_arithmetic3A_864 : vector<16xi32>
    %swap3A_866 = arith.constant 448 : index
    %swap3A_867 = tpu.vector_load %arg13[%swap3A_866] {strides = array<i32>} : memref<512xi32, #tpu.memory_space<vmem>>, vector<16xi32>,
    %swap3A_868 = vector.shape_cast %swap3A_867 : vector<16xi32> to vector<16xi32>
    %swap3A_869 = vector.shape_cast %shift_right_arithmetic3A_865 : vector<16xi32> to vector<16xi32>
    tpu.vector_store %arg13[%swap3A_866], %swap3A_869 {strides = array<i32>} : memref<512xi32, #tpu.memory_space<vmem>>, vector<16xi32>,
    %get3A_870 = arith.constant 448 : index
    %get3A_871 = tpu.vector_load %arg11[%get3A_870] {strides = array<i32>} : memref<512xi32, #tpu.memory_space<vmem>>, vector<16xi32>,
    %get3A_872 = vector.shape_cast %get3A_871 : vector<16xi32> to vector<16xi32>
    %shift_right_arithmetic3A_873 = arith.constant 1 : i32
    %shift_right_arithmetic3A_874 = vector.broadcast %shift_right_arithmetic3A_873 : i32 to vector<16xi32>
    %shift_right_arithmetic3A_875 = arith.shrsi %get3A_872, %shift_right_arithmetic3A_874 : vector<16xi32>
    %swap3A_876 = arith.constant 448 : index
    %swap3A_877 = tpu.vector_load %arg14[%swap3A_876] {strides = array<i32>} : memref<512xi32, #tpu.memory_space<vmem>>, vector<16xi32>,
    %swap3A_878 = vector.shape_cast %swap3A_877 : vector<16xi32> to vector<16xi32>
    %swap3A_879 = vector.shape_cast %shift_right_arithmetic3A_875 : vector<16xi32> to vector<16xi32>
    tpu.vector_store %arg14[%swap3A_876], %swap3A_879 {strides = array<i32>} : memref<512xi32, #tpu.memory_space<vmem>>, vector<16xi32>,
    %get3A_880 = arith.constant 464 : index
    %get3A_881 = tpu.vector_load %arg9[%get3A_880] {strides = array<i32>} : memref<512xi32, #tpu.memory_space<vmem>>, vector<16xi32>,
    %get3A_882 = vector.shape_cast %get3A_881 : vector<16xi32> to vector<16xi32>
    %shift_right_arithmetic3A_883 = arith.constant 1 : i32
    %shift_right_arithmetic3A_884 = vector.broadcast %shift_right_arithmetic3A_883 : i32 to vector<16xi32>
    %shift_right_arithmetic3A_885 = arith.shrsi %get3A_882, %shift_right_arithmetic3A_884 : vector<16xi32>
    %swap3A_886 = arith.constant 464 : index
    %swap3A_887 = tpu.vector_load %arg12[%swap3A_886] {strides = array<i32>} : memref<512xi32, #tpu.memory_space<vmem>>, vector<16xi32>,
    %swap3A_888 = vector.shape_cast %swap3A_887 : vector<16xi32> to vector<16xi32>
    %swap3A_889 = vector.shape_cast %shift_right_arithmetic3A_885 : vector<16xi32> to vector<16xi32>
    tpu.vector_store %arg12[%swap3A_886], %swap3A_889 {strides = array<i32>} : memref<512xi32, #tpu.memory_space<vmem>>, vector<16xi32>,
    %get3A_890 = arith.constant 464 : index
    %get3A_891 = tpu.vector_load %arg10[%get3A_890] {strides = array<i32>} : memref<512xi32, #tpu.memory_space<vmem>>, vector<16xi32>,
    %get3A_892 = vector.shape_cast %get3A_891 : vector<16xi32> to vector<16xi32>
    %shift_right_arithmetic3A_893 = arith.constant 1 : i32
    %shift_right_arithmetic3A_894 = vector.broadcast %shift_right_arithmetic3A_893 : i32 to vector<16xi32>
    %shift_right_arithmetic3A_895 = arith.shrsi %get3A_892, %shift_right_arithmetic3A_894 : vector<16xi32>
    %swap3A_896 = arith.constant 464 : index
    %swap3A_897 = tpu.vector_load %arg13[%swap3A_896] {strides = array<i32>} : memref<512xi32, #tpu.memory_space<vmem>>, vector<16xi32>,
    %swap3A_898 = vector.shape_cast %swap3A_897 : vector<16xi32> to vector<16xi32>
    %swap3A_899 = vector.shape_cast %shift_right_arithmetic3A_895 : vector<16xi32> to vector<16xi32>
    tpu.vector_store %arg13[%swap3A_896], %swap3A_899 {strides = array<i32>} : memref<512xi32, #tpu.memory_space<vmem>>, vector<16xi32>,
    %get3A_900 = arith.constant 464 : index
    %get3A_901 = tpu.vector_load %arg11[%get3A_900] {strides = array<i32>} : memref<512xi32, #tpu.memory_space<vmem>>, vector<16xi32>,
    %get3A_902 = vector.shape_cast %get3A_901 : vector<16xi32> to vector<16xi32>
    %shift_right_arithmetic3A_903 = arith.constant 1 : i32
    %shift_right_arithmetic3A_904 = vector.broadcast %shift_right_arithmetic3A_903 : i32 to vector<16xi32>
    %shift_right_arithmetic3A_905 = arith.shrsi %get3A_902, %shift_right_arithmetic3A_904 : vector<16xi32>
    %swap3A_906 = arith.constant 464 : index
    %swap3A_907 = tpu.vector_load %arg14[%swap3A_906] {strides = array<i32>} : memref<512xi32, #tpu.memory_space<vmem>>, vector<16xi32>,
    %swap3A_908 = vector.shape_cast %swap3A_907 : vector<16xi32> to vector<16xi32>
    %swap3A_909 = vector.shape_cast %shift_right_arithmetic3A_905 : vector<16xi32> to vector<16xi32>
    tpu.vector_store %arg14[%swap3A_906], %swap3A_909 {strides = array<i32>} : memref<512xi32, #tpu.memory_space<vmem>>, vector<16xi32>,
    %get3A_910 = arith.constant 480 : index
    %get3A_911 = tpu.vector_load %arg9[%get3A_910] {strides = array<i32>} : memref<512xi32, #tpu.memory_space<vmem>>, vector<16xi32>,
    %get3A_912 = vector.shape_cast %get3A_911 : vector<16xi32> to vector<16xi32>
    %shift_right_arithmetic3A_913 = arith.constant 1 : i32
    %shift_right_arithmetic3A_914 = vector.broadcast %shift_right_arithmetic3A_913 : i32 to vector<16xi32>
    %shift_right_arithmetic3A_915 = arith.shrsi %get3A_912, %shift_right_arithmetic3A_914 : vector<16xi32>
    %swap3A_916 = arith.constant 480 : index
    %swap3A_917 = tpu.vector_load %arg12[%swap3A_916] {strides = array<i32>} : memref<512xi32, #tpu.memory_space<vmem>>, vector<16xi32>,
    %swap3A_918 = vector.shape_cast %swap3A_917 : vector<16xi32> to vector<16xi32>
    %swap3A_919 = vector.shape_cast %shift_right_arithmetic3A_915 : vector<16xi32> to vector<16xi32>
    tpu.vector_store %arg12[%swap3A_916], %swap3A_919 {strides = array<i32>} : memref<512xi32, #tpu.memory_space<vmem>>, vector<16xi32>,
    %get3A_920 = arith.constant 480 : index
    %get3A_921 = tpu.vector_load %arg10[%get3A_920] {strides = array<i32>} : memref<512xi32, #tpu.memory_space<vmem>>, vector<16xi32>,
    %get3A_922 = vector.shape_cast %get3A_921 : vector<16xi32> to vector<16xi32>
    %shift_right_arithmetic3A_923 = arith.constant 1 : i32
    %shift_right_arithmetic3A_924 = vector.broadcast %shift_right_arithmetic3A_923 : i32 to vector<16xi32>
    %shift_right_arithmetic3A_925 = arith.shrsi %get3A_922, %shift_right_arithmetic3A_924 : vector<16xi32>
    %swap3A_926 = arith.constant 480 : index
    %swap3A_927 = tpu.vector_load %arg13[%swap3A_926] {strides = array<i32>} : memref<512xi32, #tpu.memory_space<vmem>>, vector<16xi32>,
    %swap3A_928 = vector.shape_cast %swap3A_927 : vector<16xi32> to vector<16xi32>
    %swap3A_929 = vector.shape_cast %shift_right_arithmetic3A_925 : vector<16xi32> to vector<16xi32>
    tpu.vector_store %arg13[%swap3A_926], %swap3A_929 {strides = array<i32>} : memref<512xi32, #tpu.memory_space<vmem>>, vector<16xi32>,
    %get3A_930 = arith.constant 480 : index
    %get3A_931 = tpu.vector_load %arg11[%get3A_930] {strides = array<i32>} : memref<512xi32, #tpu.memory_space<vmem>>, vector<16xi32>,
    %get3A_932 = vector.shape_cast %get3A_931 : vector<16xi32> to vector<16xi32>
    %shift_right_arithmetic3A_933 = arith.constant 1 : i32
    %shift_right_arithmetic3A_934 = vector.broadcast %shift_right_arithmetic3A_933 : i32 to vector<16xi32>
    %shift_right_arithmetic3A_935 = arith.shrsi %get3A_932, %shift_right_arithmetic3A_934 : vector<16xi32>
    %swap3A_936 = arith.constant 480 : index
    %swap3A_937 = tpu.vector_load %arg14[%swap3A_936] {strides = array<i32>} : memref<512xi32, #tpu.memory_space<vmem>>, vector<16xi32>,
    %swap3A_938 = vector.shape_cast %swap3A_937 : vector<16xi32> to vector<16xi32>
    %swap3A_939 = vector.shape_cast %shift_right_arithmetic3A_935 : vector<16xi32> to vector<16xi32>
    tpu.vector_store %arg14[%swap3A_936], %swap3A_939 {strides = array<i32>} : memref<512xi32, #tpu.memory_space<vmem>>, vector<16xi32>,
    %get3A_940 = arith.constant 496 : index
    %get3A_941 = tpu.vector_load %arg9[%get3A_940] {strides = array<i32>} : memref<512xi32, #tpu.memory_space<vmem>>, vector<16xi32>,
    %get3A_942 = vector.shape_cast %get3A_941 : vector<16xi32> to vector<16xi32>
    %shift_right_arithmetic3A_943 = arith.constant 1 : i32
    %shift_right_arithmetic3A_944 = vector.broadcast %shift_right_arithmetic3A_943 : i32 to vector<16xi32>
    %shift_right_arithmetic3A_945 = arith.shrsi %get3A_942, %shift_right_arithmetic3A_944 : vector<16xi32>
    %swap3A_946 = arith.constant 496 : index
    %swap3A_947 = tpu.vector_load %arg12[%swap3A_946] {strides = array<i32>} : memref<512xi32, #tpu.memory_space<vmem>>, vector<16xi32>,
    %swap3A_948 = vector.shape_cast %swap3A_947 : vector<16xi32> to vector<16xi32>
    %swap3A_949 = vector.shape_cast %shift_right_arithmetic3A_945 : vector<16xi32> to vector<16xi32>
    tpu.vector_store %arg12[%swap3A_946], %swap3A_949 {strides = array<i32>} : memref<512xi32, #tpu.memory_space<vmem>>, vector<16xi32>,
    %get3A_950 = arith.constant 496 : index
    %get3A_951 = tpu.vector_load %arg10[%get3A_950] {strides = array<i32>} : memref<512xi32, #tpu.memory_space<vmem>>, vector<16xi32>,
    %get3A_952 = vector.shape_cast %get3A_951 : vector<16xi32> to vector<16xi32>
    %shift_right_arithmetic3A_953 = arith.constant 1 : i32
    %shift_right_arithmetic3A_954 = vector.broadcast %shift_right_arithmetic3A_953 : i32 to vector<16xi32>
    %shift_right_arithmetic3A_955 = arith.shrsi %get3A_952, %shift_right_arithmetic3A_954 : vector<16xi32>
    %swap3A_956 = arith.constant 496 : index
    %swap3A_957 = tpu.vector_load %arg13[%swap3A_956] {strides = array<i32>} : memref<512xi32, #tpu.memory_space<vmem>>, vector<16xi32>,
    %swap3A_958 = vector.shape_cast %swap3A_957 : vector<16xi32> to vector<16xi32>
    %swap3A_959 = vector.shape_cast %shift_right_arithmetic3A_955 : vector<16xi32> to vector<16xi32>
    tpu.vector_store %arg13[%swap3A_956], %swap3A_959 {strides = array<i32>} : memref<512xi32, #tpu.memory_space<vmem>>, vector<16xi32>,
    %get3A_960 = arith.constant 496 : index
    %get3A_961 = tpu.vector_load %arg11[%get3A_960] {strides = array<i32>} : memref<512xi32, #tpu.memory_space<vmem>>, vector<16xi32>,
    %get3A_962 = vector.shape_cast %get3A_961 : vector<16xi32> to vector<16xi32>
    %shift_right_arithmetic3A_963 = arith.constant 1 : i32
    %shift_right_arithmetic3A_964 = vector.broadcast %shift_right_arithmetic3A_963 : i32 to vector<16xi32>
    %shift_right_arithmetic3A_965 = arith.shrsi %get3A_962, %shift_right_arithmetic3A_964 : vector<16xi32>
    %swap3A_966 = arith.constant 496 : index
    %swap3A_967 = tpu.vector_load %arg14[%swap3A_966] {strides = array<i32>} : memref<512xi32, #tpu.memory_space<vmem>>, vector<16xi32>,
    %swap3A_968 = vector.shape_cast %swap3A_967 : vector<16xi32> to vector<16xi32>
    %swap3A_969 = vector.shape_cast %shift_right_arithmetic3A_965 : vector<16xi32> to vector<16xi32>
    tpu.vector_store %arg14[%swap3A_966], %swap3A_969 {strides = array<i32>} : memref<512xi32, #tpu.memory_space<vmem>>, vector<16xi32>,
    %dma_start3A_970 = arith.constant 0 : i32
    %dma_start3A_971 = tpu.memref_slice %arg18[%dma_start3A_970] : memref<512xf32, #tpu.memory_space<vmem>> -> memref<128xf32, #tpu.memory_space<vmem>>
    %dma_start3A_972 = arith.constant 0 : i32
    %dma_start3A_973 = tpu.memref_slice %arg11[%dma_start3A_972] : memref<512xi32, #tpu.memory_space<vmem>> -> memref<128xi32, #tpu.memory_space<vmem>>
    %dma_start3A_974 = arith.constant 0 : i32
    %dma_start3A_975 = tpu.memref_slice %arg7[%dma_start3A_974] : memref<1000000xf32, #tpu.memory_space<hbm>> -> memref<1000000xf32, #tpu.memory_space<hbm>>
    tpu.enqueue_indirect_dma source(%dma_start3A_975 : memref<1000000xf32, #tpu.memory_space<hbm>>) target(%dma_start3A_971 : memref<128xf32, #tpu.memory_space<vmem>>) offsets(%dma_start3A_973 : memref<128xi32, #tpu.memory_space<vmem>>) semaphore(%arg20 : memref<!tpu.dma_semaphore, #tpu.memory_space<semaphore_mem>>)
    %dma_start3A_976 = arith.constant 128 : i32
    %dma_start3A_977 = tpu.memref_slice %arg18[%dma_start3A_976] : memref<512xf32, #tpu.memory_space<vmem>> -> memref<128xf32, #tpu.memory_space<vmem>>
    %dma_start3A_978 = arith.constant 128 : i32
    %dma_start3A_979 = tpu.memref_slice %arg11[%dma_start3A_978] : memref<512xi32, #tpu.memory_space<vmem>> -> memref<128xi32, #tpu.memory_space<vmem>>
    %dma_start3A_980 = arith.constant 0 : i32
    %dma_start3A_981 = tpu.memref_slice %arg7[%dma_start3A_980] : memref<1000000xf32, #tpu.memory_space<hbm>> -> memref<1000000xf32, #tpu.memory_space<hbm>>
    tpu.enqueue_indirect_dma source(%dma_start3A_981 : memref<1000000xf32, #tpu.memory_space<hbm>>) target(%dma_start3A_977 : memref<128xf32, #tpu.memory_space<vmem>>) offsets(%dma_start3A_979 : memref<128xi32, #tpu.memory_space<vmem>>) semaphore(%arg20 : memref<!tpu.dma_semaphore, #tpu.memory_space<semaphore_mem>>)
    %dma_start3A_982 = arith.constant 256 : i32
    %dma_start3A_983 = tpu.memref_slice %arg18[%dma_start3A_982] : memref<512xf32, #tpu.memory_space<vmem>> -> memref<128xf32, #tpu.memory_space<vmem>>
    %dma_start3A_984 = arith.constant 256 : i32
    %dma_start3A_985 = tpu.memref_slice %arg11[%dma_start3A_984] : memref<512xi32, #tpu.memory_space<vmem>> -> memref<128xi32, #tpu.memory_space<vmem>>
    %dma_start3A_986 = arith.constant 0 : i32
    %dma_start3A_987 = tpu.memref_slice %arg7[%dma_start3A_986] : memref<1000000xf32, #tpu.memory_space<hbm>> -> memref<1000000xf32, #tpu.memory_space<hbm>>
    tpu.enqueue_indirect_dma source(%dma_start3A_987 : memref<1000000xf32, #tpu.memory_space<hbm>>) target(%dma_start3A_983 : memref<128xf32, #tpu.memory_space<vmem>>) offsets(%dma_start3A_985 : memref<128xi32, #tpu.memory_space<vmem>>) semaphore(%arg20 : memref<!tpu.dma_semaphore, #tpu.memory_space<semaphore_mem>>)
    %dma_start3A_988 = arith.constant 384 : i32
    %dma_start3A_989 = tpu.memref_slice %arg18[%dma_start3A_988] : memref<512xf32, #tpu.memory_space<vmem>> -> memref<128xf32, #tpu.memory_space<vmem>>
    %dma_start3A_990 = arith.constant 384 : i32
    %dma_start3A_991 = tpu.memref_slice %arg11[%dma_start3A_990] : memref<512xi32, #tpu.memory_space<vmem>> -> memref<128xi32, #tpu.memory_space<vmem>>
    %dma_start3A_992 = arith.constant 0 : i32
    %dma_start3A_993 = tpu.memref_slice %arg7[%dma_start3A_992] : memref<1000000xf32, #tpu.memory_space<hbm>> -> memref<1000000xf32, #tpu.memory_space<hbm>>
    tpu.enqueue_indirect_dma source(%dma_start3A_993 : memref<1000000xf32, #tpu.memory_space<hbm>>) target(%dma_start3A_989 : memref<128xf32, #tpu.memory_space<vmem>>) offsets(%dma_start3A_991 : memref<128xi32, #tpu.memory_space<vmem>>) semaphore(%arg20 : memref<!tpu.dma_semaphore, #tpu.memory_space<semaphore_mem>>)
    %iota3A = tpu.iota {dimensions = array<i32: 0>} : vector<16xi32>
    %add3A_994 = arith.constant 8 : i32
    %add3A_995 = vector.broadcast %add3A_994 : i32 to vector<16xi32>
    %add3A_996 = arith.addi %iota3A, %add3A_995 : vector<16xi32>
    %and3A = arith.constant 15 : i32
    %and3A_997 = vector.broadcast %and3A : i32 to vector<16xi32>
    %and3A_998 = arith.andi %add3A_996, %and3A_997 : vector<16xi32>
    %reshape3A = vector.shape_cast %and3A_998 : vector<16xi32> to vector<16x1xi32>
    %add3A_999 = arith.constant 4 : i32
    %add3A_1000 = vector.broadcast %add3A_999 : i32 to vector<16xi32>
    %add3A_1001 = arith.addi %iota3A, %add3A_1000 : vector<16xi32>
    %and3A_1002 = arith.constant 15 : i32
    %and3A_1003 = vector.broadcast %and3A_1002 : i32 to vector<16xi32>
    %and3A_1004 = arith.andi %add3A_1001, %and3A_1003 : vector<16xi32>
    %reshape3A_1005 = vector.shape_cast %and3A_1004 : vector<16xi32> to vector<16x1xi32>
    %add3A_1006 = arith.constant 2 : i32
    %add3A_1007 = vector.broadcast %add3A_1006 : i32 to vector<16xi32>
    %add3A_1008 = arith.addi %iota3A, %add3A_1007 : vector<16xi32>
    %and3A_1009 = arith.constant 15 : i32
    %and3A_1010 = vector.broadcast %and3A_1009 : i32 to vector<16xi32>
    %and3A_1011 = arith.andi %add3A_1008, %and3A_1010 : vector<16xi32>
    %reshape3A_1012 = vector.shape_cast %and3A_1011 : vector<16xi32> to vector<16x1xi32>
    %add3A_1013 = arith.constant 1 : i32
    %add3A_1014 = vector.broadcast %add3A_1013 : i32 to vector<16xi32>
    %add3A_1015 = arith.addi %iota3A, %add3A_1014 : vector<16xi32>
    %and3A_1016 = arith.constant 15 : i32
    %and3A_1017 = vector.broadcast %and3A_1016 : i32 to vector<16xi32>
    %and3A_1018 = arith.andi %add3A_1015, %and3A_1017 : vector<16xi32>
    %reshape3A_1019 = vector.shape_cast %and3A_1018 : vector<16xi32> to vector<16x1xi32>
    %dma_start3A_1020 = arith.constant 0 : i32
    %dma_start3A_1021 = arith.constant 0 : i32
    %dma_start3A_1022 = tpu.memref_slice %arg15[%dma_start3A_1020, %dma_start3A_1021] : memref<256x128xf32, #tpu.memory_space<vmem>> -> memref<128x128xf32, #tpu.memory_space<vmem>>
    %dma_start3A_1023 = arith.constant 0 : i32
    %dma_start3A_1024 = tpu.memref_slice %arg12[%dma_start3A_1023] : memref<512xi32, #tpu.memory_space<vmem>> -> memref<128xi32, #tpu.memory_space<vmem>>
    %dma_start3A_1025 = arith.constant 0 : i32
    %dma_start3A_1026 = arith.constant 0 : i32
    %dma_start3A_1027 = tpu.memref_slice %arg5[%dma_start3A_1025, %dma_start3A_1026] : memref<500000x128xf32, #tpu.memory_space<hbm>> -> memref<500000x128xf32, #tpu.memory_space<hbm>>
    tpu.enqueue_indirect_dma source(%dma_start3A_1027 : memref<500000x128xf32, #tpu.memory_space<hbm>>) target(%dma_start3A_1022 : memref<128x128xf32, #tpu.memory_space<vmem>>) offsets(%dma_start3A_1024 : memref<128xi32, #tpu.memory_space<vmem>>) semaphore(%arg20 : memref<!tpu.dma_semaphore, #tpu.memory_space<semaphore_mem>>)
    %dma_start3A_1028 = arith.constant 0 : i32
    %dma_start3A_1029 = arith.constant 0 : i32
    %dma_start3A_1030 = tpu.memref_slice %arg16[%dma_start3A_1028, %dma_start3A_1029] : memref<256x128xf32, #tpu.memory_space<vmem>> -> memref<128x128xf32, #tpu.memory_space<vmem>>
    %dma_start3A_1031 = arith.constant 0 : i32
    %dma_start3A_1032 = tpu.memref_slice %arg13[%dma_start3A_1031] : memref<512xi32, #tpu.memory_space<vmem>> -> memref<128xi32, #tpu.memory_space<vmem>>
    %dma_start3A_1033 = arith.constant 0 : i32
    %dma_start3A_1034 = arith.constant 0 : i32
    %dma_start3A_1035 = tpu.memref_slice %arg6[%dma_start3A_1033, %dma_start3A_1034] : memref<500x128xf32, #tpu.memory_space<hbm>> -> memref<500x128xf32, #tpu.memory_space<hbm>>
    tpu.enqueue_indirect_dma source(%dma_start3A_1035 : memref<500x128xf32, #tpu.memory_space<hbm>>) target(%dma_start3A_1030 : memref<128x128xf32, #tpu.memory_space<vmem>>) offsets(%dma_start3A_1032 : memref<128xi32, #tpu.memory_space<vmem>>) semaphore(%arg20 : memref<!tpu.dma_semaphore, #tpu.memory_space<semaphore_mem>>)
    %dma_start3A_1036 = arith.constant 0 : i32
    %dma_start3A_1037 = arith.constant 0 : i32
    %dma_start3A_1038 = tpu.memref_slice %arg17[%dma_start3A_1036, %dma_start3A_1037] : memref<256x128xf32, #tpu.memory_space<vmem>> -> memref<128x128xf32, #tpu.memory_space<vmem>>
    %dma_start3A_1039 = arith.constant 0 : i32
    %dma_start3A_1040 = tpu.memref_slice %arg14[%dma_start3A_1039] : memref<512xi32, #tpu.memory_space<vmem>> -> memref<128xi32, #tpu.memory_space<vmem>>
    %dma_start3A_1041 = arith.constant 0 : i32
    %dma_start3A_1042 = arith.constant 0 : i32
    %dma_start3A_1043 = tpu.memref_slice %arg5[%dma_start3A_1041, %dma_start3A_1042] : memref<500000x128xf32, #tpu.memory_space<hbm>> -> memref<500000x128xf32, #tpu.memory_space<hbm>>
    tpu.enqueue_indirect_dma source(%dma_start3A_1043 : memref<500000x128xf32, #tpu.memory_space<hbm>>) target(%dma_start3A_1038 : memref<128x128xf32, #tpu.memory_space<vmem>>) offsets(%dma_start3A_1040 : memref<128xi32, #tpu.memory_space<vmem>>) semaphore(%arg20 : memref<!tpu.dma_semaphore, #tpu.memory_space<semaphore_mem>>)
    %dma_start3A_1044 = arith.constant 128 : i32
    %dma_start3A_1045 = arith.constant 0 : i32
    %dma_start3A_1046 = tpu.memref_slice %arg15[%dma_start3A_1044, %dma_start3A_1045] : memref<256x128xf32, #tpu.memory_space<vmem>> -> memref<128x128xf32, #tpu.memory_space<vmem>>
    %dma_start3A_1047 = arith.constant 128 : i32
    %dma_start3A_1048 = tpu.memref_slice %arg12[%dma_start3A_1047] : memref<512xi32, #tpu.memory_space<vmem>> -> memref<128xi32, #tpu.memory_space<vmem>>
    %dma_start3A_1049 = arith.constant 0 : i32
    %dma_start3A_1050 = arith.constant 0 : i32
    %dma_start3A_1051 = tpu.memref_slice %arg5[%dma_start3A_1049, %dma_start3A_1050] : memref<500000x128xf32, #tpu.memory_space<hbm>> -> memref<500000x128xf32, #tpu.memory_space<hbm>>
    tpu.enqueue_indirect_dma source(%dma_start3A_1051 : memref<500000x128xf32, #tpu.memory_space<hbm>>) target(%dma_start3A_1046 : memref<128x128xf32, #tpu.memory_space<vmem>>) offsets(%dma_start3A_1048 : memref<128xi32, #tpu.memory_space<vmem>>) semaphore(%arg20 : memref<!tpu.dma_semaphore, #tpu.memory_space<semaphore_mem>>)
    %dma_start3A_1052 = arith.constant 128 : i32
    %dma_start3A_1053 = arith.constant 0 : i32
    %dma_start3A_1054 = tpu.memref_slice %arg16[%dma_start3A_1052, %dma_start3A_1053] : memref<256x128xf32, #tpu.memory_space<vmem>> -> memref<128x128xf32, #tpu.memory_space<vmem>>
    %dma_start3A_1055 = arith.constant 128 : i32
    %dma_start3A_1056 = tpu.memref_slice %arg13[%dma_start3A_1055] : memref<512xi32, #tpu.memory_space<vmem>> -> memref<128xi32, #tpu.memory_space<vmem>>
    %dma_start3A_1057 = arith.constant 0 : i32
    %dma_start3A_1058 = arith.constant 0 : i32
    %dma_start3A_1059 = tpu.memref_slice %arg6[%dma_start3A_1057, %dma_start3A_1058] : memref<500x128xf32, #tpu.memory_space<hbm>> -> memref<500x128xf32, #tpu.memory_space<hbm>>
    tpu.enqueue_indirect_dma source(%dma_start3A_1059 : memref<500x128xf32, #tpu.memory_space<hbm>>) target(%dma_start3A_1054 : memref<128x128xf32, #tpu.memory_space<vmem>>) offsets(%dma_start3A_1056 : memref<128xi32, #tpu.memory_space<vmem>>) semaphore(%arg20 : memref<!tpu.dma_semaphore, #tpu.memory_space<semaphore_mem>>)
    %dma_start3A_1060 = arith.constant 128 : i32
    %dma_start3A_1061 = arith.constant 0 : i32
    %dma_start3A_1062 = tpu.memref_slice %arg17[%dma_start3A_1060, %dma_start3A_1061] : memref<256x128xf32, #tpu.memory_space<vmem>> -> memref<128x128xf32, #tpu.memory_space<vmem>>
    %dma_start3A_1063 = arith.constant 128 : i32
    %dma_start3A_1064 = tpu.memref_slice %arg14[%dma_start3A_1063] : memref<512xi32, #tpu.memory_space<vmem>> -> memref<128xi32, #tpu.memory_space<vmem>>
    %dma_start3A_1065 = arith.constant 0 : i32
    %dma_start3A_1066 = arith.constant 0 : i32
    %dma_start3A_1067 = tpu.memref_slice %arg5[%dma_start3A_1065, %dma_start3A_1066] : memref<500000x128xf32, #tpu.memory_space<hbm>> -> memref<500000x128xf32, #tpu.memory_space<hbm>>
    tpu.enqueue_indirect_dma source(%dma_start3A_1067 : memref<500000x128xf32, #tpu.memory_space<hbm>>) target(%dma_start3A_1062 : memref<128x128xf32, #tpu.memory_space<vmem>>) offsets(%dma_start3A_1064 : memref<128xi32, #tpu.memory_space<vmem>>) semaphore(%arg20 : memref<!tpu.dma_semaphore, #tpu.memory_space<semaphore_mem>>)
    %dma_wait3A_1068 = arith.constant 0 : i32
    %dma_wait3A_1069 = arith.constant 0 : i32
    %dma_wait3A_1070 = tpu.memref_slice %arg15[%dma_wait3A_1068, %dma_wait3A_1069] : memref<256x128xf32, #tpu.memory_space<vmem>> -> memref<128x128xf32, #tpu.memory_space<vmem>>
    %dma_wait3A_1071 = arith.constant 0 : i32
    %dma_wait3A_1072 = tpu.memref_slice %arg12[%dma_wait3A_1071] : memref<512xi32, #tpu.memory_space<vmem>> -> memref<128xi32, #tpu.memory_space<vmem>>
    %dma_wait3A_1073 = arith.constant 0 : i32
    %dma_wait3A_1074 = arith.constant 0 : i32
    %dma_wait3A_1075 = tpu.memref_slice %arg5[%dma_wait3A_1073, %dma_wait3A_1074] : memref<500000x128xf32, #tpu.memory_space<hbm>> -> memref<500000x128xf32, #tpu.memory_space<hbm>>
    tpu.wait_indirect_dma semaphore(%arg20 : memref<!tpu.dma_semaphore, #tpu.memory_space<semaphore_mem>>) src(%dma_wait3A_1075 : memref<500000x128xf32, #tpu.memory_space<hbm>>) dst(%dma_wait3A_1070 : memref<128x128xf32, #tpu.memory_space<vmem>>)
    %dma_wait3A_1076 = arith.constant 0 : i32
    %dma_wait3A_1077 = arith.constant 0 : i32
    %dma_wait3A_1078 = tpu.memref_slice %arg16[%dma_wait3A_1076, %dma_wait3A_1077] : memref<256x128xf32, #tpu.memory_space<vmem>> -> memref<128x128xf32, #tpu.memory_space<vmem>>
    %dma_wait3A_1079 = arith.constant 0 : i32
    %dma_wait3A_1080 = tpu.memref_slice %arg13[%dma_wait3A_1079] : memref<512xi32, #tpu.memory_space<vmem>> -> memref<128xi32, #tpu.memory_space<vmem>>
    %dma_wait3A_1081 = arith.constant 0 : i32
    %dma_wait3A_1082 = arith.constant 0 : i32
    %dma_wait3A_1083 = tpu.memref_slice %arg6[%dma_wait3A_1081, %dma_wait3A_1082] : memref<500x128xf32, #tpu.memory_space<hbm>> -> memref<500x128xf32, #tpu.memory_space<hbm>>
    tpu.wait_indirect_dma semaphore(%arg20 : memref<!tpu.dma_semaphore, #tpu.memory_space<semaphore_mem>>) src(%dma_wait3A_1083 : memref<500x128xf32, #tpu.memory_space<hbm>>) dst(%dma_wait3A_1078 : memref<128x128xf32, #tpu.memory_space<vmem>>)
    %dma_wait3A_1084 = arith.constant 0 : i32
    %dma_wait3A_1085 = arith.constant 0 : i32
    %dma_wait3A_1086 = tpu.memref_slice %arg17[%dma_wait3A_1084, %dma_wait3A_1085] : memref<256x128xf32, #tpu.memory_space<vmem>> -> memref<128x128xf32, #tpu.memory_space<vmem>>
    %dma_wait3A_1087 = arith.constant 0 : i32
    %dma_wait3A_1088 = tpu.memref_slice %arg14[%dma_wait3A_1087] : memref<512xi32, #tpu.memory_space<vmem>> -> memref<128xi32, #tpu.memory_space<vmem>>
    %dma_wait3A_1089 = arith.constant 0 : i32
    %dma_wait3A_1090 = arith.constant 0 : i32
    %dma_wait3A_1091 = tpu.memref_slice %arg5[%dma_wait3A_1089, %dma_wait3A_1090] : memref<500000x128xf32, #tpu.memory_space<hbm>> -> memref<500000x128xf32, #tpu.memory_space<hbm>>
    tpu.wait_indirect_dma semaphore(%arg20 : memref<!tpu.dma_semaphore, #tpu.memory_space<semaphore_mem>>) src(%dma_wait3A_1091 : memref<500000x128xf32, #tpu.memory_space<hbm>>) dst(%dma_wait3A_1086 : memref<128x128xf32, #tpu.memory_space<vmem>>)
    %dma_wait3A_1092 = arith.constant 128 : i32
    %dma_wait3A_1093 = arith.constant 0 : i32
    %dma_wait3A_1094 = tpu.memref_slice %arg15[%dma_wait3A_1092, %dma_wait3A_1093] : memref<256x128xf32, #tpu.memory_space<vmem>> -> memref<128x128xf32, #tpu.memory_space<vmem>>
    %dma_wait3A_1095 = arith.constant 128 : i32
    %dma_wait3A_1096 = tpu.memref_slice %arg12[%dma_wait3A_1095] : memref<512xi32, #tpu.memory_space<vmem>> -> memref<128xi32, #tpu.memory_space<vmem>>
    %dma_wait3A_1097 = arith.constant 0 : i32
    %dma_wait3A_1098 = arith.constant 0 : i32
    %dma_wait3A_1099 = tpu.memref_slice %arg5[%dma_wait3A_1097, %dma_wait3A_1098] : memref<500000x128xf32, #tpu.memory_space<hbm>> -> memref<500000x128xf32, #tpu.memory_space<hbm>>
    tpu.wait_indirect_dma semaphore(%arg20 : memref<!tpu.dma_semaphore, #tpu.memory_space<semaphore_mem>>) src(%dma_wait3A_1099 : memref<500000x128xf32, #tpu.memory_space<hbm>>) dst(%dma_wait3A_1094 : memref<128x128xf32, #tpu.memory_space<vmem>>)
    %dma_wait3A_1100 = arith.constant 128 : i32
    %dma_wait3A_1101 = arith.constant 0 : i32
    %dma_wait3A_1102 = tpu.memref_slice %arg16[%dma_wait3A_1100, %dma_wait3A_1101] : memref<256x128xf32, #tpu.memory_space<vmem>> -> memref<128x128xf32, #tpu.memory_space<vmem>>
    %dma_wait3A_1103 = arith.constant 128 : i32
    %dma_wait3A_1104 = tpu.memref_slice %arg13[%dma_wait3A_1103] : memref<512xi32, #tpu.memory_space<vmem>> -> memref<128xi32, #tpu.memory_space<vmem>>
    %dma_wait3A_1105 = arith.constant 0 : i32
    %dma_wait3A_1106 = arith.constant 0 : i32
    %dma_wait3A_1107 = tpu.memref_slice %arg6[%dma_wait3A_1105, %dma_wait3A_1106] : memref<500x128xf32, #tpu.memory_space<hbm>> -> memref<500x128xf32, #tpu.memory_space<hbm>>
    tpu.wait_indirect_dma semaphore(%arg20 : memref<!tpu.dma_semaphore, #tpu.memory_space<semaphore_mem>>) src(%dma_wait3A_1107 : memref<500x128xf32, #tpu.memory_space<hbm>>) dst(%dma_wait3A_1102 : memref<128x128xf32, #tpu.memory_space<vmem>>)
    %dma_wait3A_1108 = arith.constant 128 : i32
    %dma_wait3A_1109 = arith.constant 0 : i32
    %dma_wait3A_1110 = tpu.memref_slice %arg17[%dma_wait3A_1108, %dma_wait3A_1109] : memref<256x128xf32, #tpu.memory_space<vmem>> -> memref<128x128xf32, #tpu.memory_space<vmem>>
    %dma_wait3A_1111 = arith.constant 128 : i32
    %dma_wait3A_1112 = tpu.memref_slice %arg14[%dma_wait3A_1111] : memref<512xi32, #tpu.memory_space<vmem>> -> memref<128xi32, #tpu.memory_space<vmem>>
    %dma_wait3A_1113 = arith.constant 0 : i32
    %dma_wait3A_1114 = arith.constant 0 : i32
    %dma_wait3A_1115 = tpu.memref_slice %arg5[%dma_wait3A_1113, %dma_wait3A_1114] : memref<500000x128xf32, #tpu.memory_space<hbm>> -> memref<500000x128xf32, #tpu.memory_space<hbm>>
    tpu.wait_indirect_dma semaphore(%arg20 : memref<!tpu.dma_semaphore, #tpu.memory_space<semaphore_mem>>) src(%dma_wait3A_1115 : memref<500000x128xf32, #tpu.memory_space<hbm>>) dst(%dma_wait3A_1110 : memref<128x128xf32, #tpu.memory_space<vmem>>)
    %dma_wait3A_1116 = arith.constant 0 : i32
    %dma_wait3A_1117 = tpu.memref_slice %arg18[%dma_wait3A_1116] : memref<512xf32, #tpu.memory_space<vmem>> -> memref<128xf32, #tpu.memory_space<vmem>>
    %dma_wait3A_1118 = arith.constant 0 : i32
    %dma_wait3A_1119 = tpu.memref_slice %arg11[%dma_wait3A_1118] : memref<512xi32, #tpu.memory_space<vmem>> -> memref<128xi32, #tpu.memory_space<vmem>>
    %dma_wait3A_1120 = arith.constant 0 : i32
    %dma_wait3A_1121 = tpu.memref_slice %arg7[%dma_wait3A_1120] : memref<1000000xf32, #tpu.memory_space<hbm>> -> memref<1000000xf32, #tpu.memory_space<hbm>>
    tpu.wait_indirect_dma semaphore(%arg20 : memref<!tpu.dma_semaphore, #tpu.memory_space<semaphore_mem>>) src(%dma_wait3A_1121 : memref<1000000xf32, #tpu.memory_space<hbm>>) dst(%dma_wait3A_1117 : memref<128xf32, #tpu.memory_space<vmem>>)
    %dma_wait3A_1122 = arith.constant 128 : i32
    %dma_wait3A_1123 = tpu.memref_slice %arg18[%dma_wait3A_1122] : memref<512xf32, #tpu.memory_space<vmem>> -> memref<128xf32, #tpu.memory_space<vmem>>
    %dma_wait3A_1124 = arith.constant 128 : i32
    %dma_wait3A_1125 = tpu.memref_slice %arg11[%dma_wait3A_1124] : memref<512xi32, #tpu.memory_space<vmem>> -> memref<128xi32, #tpu.memory_space<vmem>>
    %dma_wait3A_1126 = arith.constant 0 : i32
    %dma_wait3A_1127 = tpu.memref_slice %arg7[%dma_wait3A_1126] : memref<1000000xf32, #tpu.memory_space<hbm>> -> memref<1000000xf32, #tpu.memory_space<hbm>>
    tpu.wait_indirect_dma semaphore(%arg20 : memref<!tpu.dma_semaphore, #tpu.memory_space<semaphore_mem>>) src(%dma_wait3A_1127 : memref<1000000xf32, #tpu.memory_space<hbm>>) dst(%dma_wait3A_1123 : memref<128xf32, #tpu.memory_space<vmem>>)
    %dma_wait3A_1128 = arith.constant 256 : i32
    %dma_wait3A_1129 = tpu.memref_slice %arg18[%dma_wait3A_1128] : memref<512xf32, #tpu.memory_space<vmem>> -> memref<128xf32, #tpu.memory_space<vmem>>
    %dma_wait3A_1130 = arith.constant 256 : i32
    %dma_wait3A_1131 = tpu.memref_slice %arg11[%dma_wait3A_1130] : memref<512xi32, #tpu.memory_space<vmem>> -> memref<128xi32, #tpu.memory_space<vmem>>
    %dma_wait3A_1132 = arith.constant 0 : i32
    %dma_wait3A_1133 = tpu.memref_slice %arg7[%dma_wait3A_1132] : memref<1000000xf32, #tpu.memory_space<hbm>> -> memref<1000000xf32, #tpu.memory_space<hbm>>
    tpu.wait_indirect_dma semaphore(%arg20 : memref<!tpu.dma_semaphore, #tpu.memory_space<semaphore_mem>>) src(%dma_wait3A_1133 : memref<1000000xf32, #tpu.memory_space<hbm>>) dst(%dma_wait3A_1129 : memref<128xf32, #tpu.memory_space<vmem>>)
    %dma_wait3A_1134 = arith.constant 384 : i32
    %dma_wait3A_1135 = tpu.memref_slice %arg18[%dma_wait3A_1134] : memref<512xf32, #tpu.memory_space<vmem>> -> memref<128xf32, #tpu.memory_space<vmem>>
    %dma_wait3A_1136 = arith.constant 384 : i32
    %dma_wait3A_1137 = tpu.memref_slice %arg11[%dma_wait3A_1136] : memref<512xi32, #tpu.memory_space<vmem>> -> memref<128xi32, #tpu.memory_space<vmem>>
    %dma_wait3A_1138 = arith.constant 0 : i32
    %dma_wait3A_1139 = tpu.memref_slice %arg7[%dma_wait3A_1138] : memref<1000000xf32, #tpu.memory_space<hbm>> -> memref<1000000xf32, #tpu.memory_space<hbm>>
    tpu.wait_indirect_dma semaphore(%arg20 : memref<!tpu.dma_semaphore, #tpu.memory_space<semaphore_mem>>) src(%dma_wait3A_1139 : memref<1000000xf32, #tpu.memory_space<hbm>>) dst(%dma_wait3A_1135 : memref<128xf32, #tpu.memory_space<vmem>>)
    %scan3A = arith.constant 0 : i32
    %scan3A_1140 = arith.constant 0 : i32
    %scan3A_1141 = arith.constant 16 : i32
    %scan3A_1142 = arith.addi %scan3A_1140, %scan3A_1141 : i32
    %scan3A_1143 = arith.constant 1 : i32
    scf.for %scan3A_1247 = %scan3A_1140 to %scan3A_1142 step %scan3A_1143  : i32 {
      %mul3A_1248 = arith.constant 16 : i32
      %mul3A_1249 = arith.muli %scan3A_1247, %mul3A_1248 : i32
      %add3A_1250 = arith.constant 0 : i32
      %add3A_1251 = arith.addi %add3A_1250, %mul3A_1249 : i32
      %get3A_1252 = arith.index_cast %add3A_1251 : i32 to index
      %get3A_1253 = tpu.vector_load %arg9[%get3A_1252] {strides = array<i32>} : memref<512xi32, #tpu.memory_space<vmem>>, vector<16xi32>,
      %get3A_1254 = vector.shape_cast %get3A_1253 : vector<16xi32> to vector<16xi32>
      %and3A_1255 = arith.constant 1 : i32
      %and3A_1256 = vector.broadcast %and3A_1255 : i32 to vector<16xi32>
      %and3A_1257 = arith.andi %get3A_1254, %and3A_1256 : vector<16xi32>
      %mul3A_1258 = arith.constant 64 : i32
      %mul3A_1259 = vector.broadcast %mul3A_1258 : i32 to vector<16xi32>
      %mul3A_1260 = arith.muli %and3A_1257, %mul3A_1259 : vector<16xi32>
      %get3A_1261 = arith.index_cast %add3A_1251 : i32 to index
      %get3A_1262 = tpu.vector_load %arg10[%get3A_1261] {strides = array<i32>} : memref<512xi32, #tpu.memory_space<vmem>>, vector<16xi32>,
      %get3A_1263 = vector.shape_cast %get3A_1262 : vector<16xi32> to vector<16xi32>
      %and3A_1264 = arith.constant 1 : i32
      %and3A_1265 = vector.broadcast %and3A_1264 : i32 to vector<16xi32>
      %and3A_1266 = arith.andi %get3A_1263, %and3A_1265 : vector<16xi32>
      %mul3A_1267 = arith.constant 64 : i32
      %mul3A_1268 = vector.broadcast %mul3A_1267 : i32 to vector<16xi32>
      %mul3A_1269 = arith.muli %and3A_1266, %mul3A_1268 : vector<16xi32>
      %get3A_1270 = arith.index_cast %add3A_1251 : i32 to index
      %get3A_1271 = tpu.vector_load %arg11[%get3A_1270] {strides = array<i32>} : memref<512xi32, #tpu.memory_space<vmem>>, vector<16xi32>,
      %get3A_1272 = vector.shape_cast %get3A_1271 : vector<16xi32> to vector<16xi32>
      %and3A_1273 = arith.constant 1 : i32
      %and3A_1274 = vector.broadcast %and3A_1273 : i32 to vector<16xi32>
      %and3A_1275 = arith.andi %get3A_1272, %and3A_1274 : vector<16xi32>
      %mul3A_1276 = arith.constant 64 : i32
      %mul3A_1277 = vector.broadcast %mul3A_1276 : i32 to vector<16xi32>
      %mul3A_1278 = arith.muli %and3A_1275, %mul3A_1277 : vector<16xi32>
      %broadcast_in_dim3A = arith.constant 0.000000e+00 : f32
      %broadcast_in_dim3A_1279 = vector.broadcast %broadcast_in_dim3A : f32 to vector<16xf32>
      %add3A_1280 = arith.constant 0 : i32
      %add3A_1281 = arith.addi %mul3A_1249, %add3A_1280 : i32
      %slice3A = vector.extract_strided_slice %mul3A_1260 {offsets = [0], sizes = [1], strides = [1]} : vector<16xi32> to vector<1xi32>
      %squeeze3A = vector.extract %slice3A[0] : i32 from vector<1xi32>
      %slice3A_1282 = vector.extract_strided_slice %mul3A_1269 {offsets = [0], sizes = [1], strides = [1]} : vector<16xi32> to vector<1xi32>
      %squeeze3A_1283 = vector.extract %slice3A_1282[0] : i32 from vector<1xi32>
      %slice3A_1284 = vector.extract_strided_slice %mul3A_1278 {offsets = [0], sizes = [1], strides = [1]} : vector<16xi32> to vector<1xi32>
      %squeeze3A_1285 = vector.extract %slice3A_1284[0] : i32 from vector<1xi32>
      %get3A_1286 = arith.index_cast %add3A_1281 : i32 to index
      %get3A_1287 = arith.index_cast %squeeze3A : i32 to index
      %get3A_1288 = tpu.vector_load %arg15[%get3A_1286, %get3A_1287] {strides = array<i32>} : memref<256x128xf32, #tpu.memory_space<vmem>>, vector<1x16xf32>,
      %get3A_1289 = vector.shape_cast %get3A_1288 : vector<1x16xf32> to vector<16xf32>
      %get3A_1290 = arith.index_cast %add3A_1281 : i32 to index
      %get3A_1291 = arith.index_cast %squeeze3A_1283 : i32 to index
      %get3A_1292 = tpu.vector_load %arg16[%get3A_1290, %get3A_1291] {strides = array<i32>} : memref<256x128xf32, #tpu.memory_space<vmem>>, vector<1x16xf32>,
      %get3A_1293 = vector.shape_cast %get3A_1292 : vector<1x16xf32> to vector<16xf32>
      %mul3A_1294 = arith.mulf %get3A_1289, %get3A_1293 : vector<16xf32>
      %get3A_1295 = arith.index_cast %add3A_1281 : i32 to index
      %get3A_1296 = arith.index_cast %squeeze3A_1285 : i32 to index
      %get3A_1297 = tpu.vector_load %arg17[%get3A_1295, %get3A_1296] {strides = array<i32>} : memref<256x128xf32, #tpu.memory_space<vmem>>, vector<1x16xf32>,
      %get3A_1298 = vector.shape_cast %get3A_1297 : vector<1x16xf32> to vector<16xf32>
      %mul3A_1299 = arith.mulf %mul3A_1294, %get3A_1298 : vector<16xf32>
      %add3A_1300 = arith.constant 16 : i32
      %add3A_1301 = arith.addi %squeeze3A, %add3A_1300 : i32
      %get3A_1302 = arith.index_cast %add3A_1281 : i32 to index
      %get3A_1303 = arith.index_cast %add3A_1301 : i32 to index
      %get3A_1304 = tpu.vector_load %arg15[%get3A_1302, %get3A_1303] {strides = array<i32>} : memref<256x128xf32, #tpu.memory_space<vmem>>, vector<1x16xf32>,
      %get3A_1305 = vector.shape_cast %get3A_1304 : vector<1x16xf32> to vector<16xf32>
      %add3A_1306 = arith.constant 16 : i32
      %add3A_1307 = arith.addi %squeeze3A_1283, %add3A_1306 : i32
      %get3A_1308 = arith.index_cast %add3A_1281 : i32 to index
      %get3A_1309 = arith.index_cast %add3A_1307 : i32 to index
      %get3A_1310 = tpu.vector_load %arg16[%get3A_1308, %get3A_1309] {strides = array<i32>} : memref<256x128xf32, #tpu.memory_space<vmem>>, vector<1x16xf32>,
      %get3A_1311 = vector.shape_cast %get3A_1310 : vector<1x16xf32> to vector<16xf32>
      %mul3A_1312 = arith.mulf %get3A_1305, %get3A_1311 : vector<16xf32>
      %add3A_1313 = arith.constant 16 : i32
      %add3A_1314 = arith.addi %squeeze3A_1285, %add3A_1313 : i32
      %get3A_1315 = arith.index_cast %add3A_1281 : i32 to index
      %get3A_1316 = arith.index_cast %add3A_1314 : i32 to index
      %get3A_1317 = tpu.vector_load %arg17[%get3A_1315, %get3A_1316] {strides = array<i32>} : memref<256x128xf32, #tpu.memory_space<vmem>>, vector<1x16xf32>,
      %get3A_1318 = vector.shape_cast %get3A_1317 : vector<1x16xf32> to vector<16xf32>
      %mul3A_1319 = arith.mulf %mul3A_1312, %get3A_1318 : vector<16xf32>
      %add3A_1320 = arith.addf %mul3A_1299, %mul3A_1319 : vector<16xf32>
      %add3A_1321 = arith.constant 32 : i32
      %add3A_1322 = arith.addi %squeeze3A, %add3A_1321 : i32
      %get3A_1323 = arith.index_cast %add3A_1281 : i32 to index
      %get3A_1324 = arith.index_cast %add3A_1322 : i32 to index
      %get3A_1325 = tpu.vector_load %arg15[%get3A_1323, %get3A_1324] {strides = array<i32>} : memref<256x128xf32, #tpu.memory_space<vmem>>, vector<1x16xf32>,
      %get3A_1326 = vector.shape_cast %get3A_1325 : vector<1x16xf32> to vector<16xf32>
      %add3A_1327 = arith.constant 32 : i32
      %add3A_1328 = arith.addi %squeeze3A_1283, %add3A_1327 : i32
      %get3A_1329 = arith.index_cast %add3A_1281 : i32 to index
      %get3A_1330 = arith.index_cast %add3A_1328 : i32 to index
      %get3A_1331 = tpu.vector_load %arg16[%get3A_1329, %get3A_1330] {strides = array<i32>} : memref<256x128xf32, #tpu.memory_space<vmem>>, vector<1x16xf32>,
      %get3A_1332 = vector.shape_cast %get3A_1331 : vector<1x16xf32> to vector<16xf32>
      %mul3A_1333 = arith.mulf %get3A_1326, %get3A_1332 : vector<16xf32>
      %add3A_1334 = arith.constant 32 : i32
      %add3A_1335 = arith.addi %squeeze3A_1285, %add3A_1334 : i32
      %get3A_1336 = arith.index_cast %add3A_1281 : i32 to index
      %get3A_1337 = arith.index_cast %add3A_1335 : i32 to index
      %get3A_1338 = tpu.vector_load %arg17[%get3A_1336, %get3A_1337] {strides = array<i32>} : memref<256x128xf32, #tpu.memory_space<vmem>>, vector<1x16xf32>,
      %get3A_1339 = vector.shape_cast %get3A_1338 : vector<1x16xf32> to vector<16xf32>
      %mul3A_1340 = arith.mulf %mul3A_1333, %get3A_1339 : vector<16xf32>
      %add3A_1341 = arith.addf %add3A_1320, %mul3A_1340 : vector<16xf32>
      %add3A_1342 = arith.constant 48 : i32
      %add3A_1343 = arith.addi %squeeze3A, %add3A_1342 : i32
      %get3A_1344 = arith.index_cast %add3A_1281 : i32 to index
      %get3A_1345 = arith.index_cast %add3A_1343 : i32 to index
      %get3A_1346 = tpu.vector_load %arg15[%get3A_1344, %get3A_1345] {strides = array<i32>} : memref<256x128xf32, #tpu.memory_space<vmem>>, vector<1x16xf32>,
      %get3A_1347 = vector.shape_cast %get3A_1346 : vector<1x16xf32> to vector<16xf32>
      %add3A_1348 = arith.constant 48 : i32
      %add3A_1349 = arith.addi %squeeze3A_1283, %add3A_1348 : i32
      %get3A_1350 = arith.index_cast %add3A_1281 : i32 to index
      %get3A_1351 = arith.index_cast %add3A_1349 : i32 to index
      %get3A_1352 = tpu.vector_load %arg16[%get3A_1350, %get3A_1351] {strides = array<i32>} : memref<256x128xf32, #tpu.memory_space<vmem>>, vector<1x16xf32>,
      %get3A_1353 = vector.shape_cast %get3A_1352 : vector<1x16xf32> to vector<16xf32>
      %mul3A_1354 = arith.mulf %get3A_1347, %get3A_1353 : vector<16xf32>
      %add3A_1355 = arith.constant 48 : i32
      %add3A_1356 = arith.addi %squeeze3A_1285, %add3A_1355 : i32
      %get3A_1357 = arith.index_cast %add3A_1281 : i32 to index
      %get3A_1358 = arith.index_cast %add3A_1356 : i32 to index
      %get3A_1359 = tpu.vector_load %arg17[%get3A_1357, %get3A_1358] {strides = array<i32>} : memref<256x128xf32, #tpu.memory_space<vmem>>, vector<1x16xf32>,
      %get3A_1360 = vector.shape_cast %get3A_1359 : vector<1x16xf32> to vector<16xf32>
      %mul3A_1361 = arith.mulf %mul3A_1354, %get3A_1360 : vector<16xf32>
      %add3A_1362 = arith.addf %add3A_1341, %mul3A_1361 : vector<16xf32>
      %gather3A = vector.shape_cast %reshape3A : vector<16x1xi32> to vector<16xi32>
      %gather3A_1363 = tpu.dynamic_gather %add3A_1362[%gather3A] in [0] : vector<16xf32>, vector<16xi32> -> vector<16xf32>
      %add3A_1364 = arith.addf %add3A_1362, %gather3A_1363 : vector<16xf32>
      %gather3A_1365 = vector.shape_cast %reshape3A_1005 : vector<16x1xi32> to vector<16xi32>
      %gather3A_1366 = tpu.dynamic_gather %add3A_1364[%gather3A_1365] in [0] : vector<16xf32>, vector<16xi32> -> vector<16xf32>
      %add3A_1367 = arith.addf %add3A_1364, %gather3A_1366 : vector<16xf32>
      %gather3A_1368 = vector.shape_cast %reshape3A_1012 : vector<16x1xi32> to vector<16xi32>
      %gather3A_1369 = tpu.dynamic_gather %add3A_1367[%gather3A_1368] in [0] : vector<16xf32>, vector<16xi32> -> vector<16xf32>
      %add3A_1370 = arith.addf %add3A_1367, %gather3A_1369 : vector<16xf32>
      %gather3A_1371 = vector.shape_cast %reshape3A_1019 : vector<16x1xi32> to vector<16xi32>
      %gather3A_1372 = tpu.dynamic_gather %add3A_1370[%gather3A_1371] in [0] : vector<16xf32>, vector<16xi32> -> vector<16xf32>
      %add3A_1373 = arith.addf %add3A_1370, %gather3A_1372 : vector<16xf32>
      %eq3A = arith.constant 0 : i32
      %eq3A_1374 = vector.broadcast %eq3A : i32 to vector<16xi32>
      %eq3A_1375 = arith.cmpi eq, %iota3A, %eq3A_1374 : vector<16xi32>
      %select_n3A = arith.select %eq3A_1375, %add3A_1373, %broadcast_in_dim3A_1279 : vector<16xi1>, vector<16xf32>
      %add3A_1376 = arith.constant 1 : i32
      %add3A_1377 = arith.addi %mul3A_1249, %add3A_1376 : i32
      %slice3A_1378 = vector.extract_strided_slice %mul3A_1260 {offsets = [1], sizes = [1], strides = [1]} : vector<16xi32> to vector<1xi32>
      %squeeze3A_1379 = vector.extract %slice3A_1378[0] : i32 from vector<1xi32>
      %slice3A_1380 = vector.extract_strided_slice %mul3A_1269 {offsets = [1], sizes = [1], strides = [1]} : vector<16xi32> to vector<1xi32>
      %squeeze3A_1381 = vector.extract %slice3A_1380[0] : i32 from vector<1xi32>
      %slice3A_1382 = vector.extract_strided_slice %mul3A_1278 {offsets = [1], sizes = [1], strides = [1]} : vector<16xi32> to vector<1xi32>
      %squeeze3A_1383 = vector.extract %slice3A_1382[0] : i32 from vector<1xi32>
      %get3A_1384 = arith.index_cast %add3A_1377 : i32 to index
      %get3A_1385 = arith.index_cast %squeeze3A_1379 : i32 to index
      %get3A_1386 = tpu.vector_load %arg15[%get3A_1384, %get3A_1385] {strides = array<i32>} : memref<256x128xf32, #tpu.memory_space<vmem>>, vector<1x16xf32>,
      %get3A_1387 = vector.shape_cast %get3A_1386 : vector<1x16xf32> to vector<16xf32>
      %get3A_1388 = arith.index_cast %add3A_1377 : i32 to index
      %get3A_1389 = arith.index_cast %squeeze3A_1381 : i32 to index
      %get3A_1390 = tpu.vector_load %arg16[%get3A_1388, %get3A_1389] {strides = array<i32>} : memref<256x128xf32, #tpu.memory_space<vmem>>, vector<1x16xf32>,
      %get3A_1391 = vector.shape_cast %get3A_1390 : vector<1x16xf32> to vector<16xf32>
      %mul3A_1392 = arith.mulf %get3A_1387, %get3A_1391 : vector<16xf32>
      %get3A_1393 = arith.index_cast %add3A_1377 : i32 to index
      %get3A_1394 = arith.index_cast %squeeze3A_1383 : i32 to index
      %get3A_1395 = tpu.vector_load %arg17[%get3A_1393, %get3A_1394] {strides = array<i32>} : memref<256x128xf32, #tpu.memory_space<vmem>>, vector<1x16xf32>,
      %get3A_1396 = vector.shape_cast %get3A_1395 : vector<1x16xf32> to vector<16xf32>
      %mul3A_1397 = arith.mulf %mul3A_1392, %get3A_1396 : vector<16xf32>
      %add3A_1398 = arith.constant 16 : i32
      %add3A_1399 = arith.addi %squeeze3A_1379, %add3A_1398 : i32
      %get3A_1400 = arith.index_cast %add3A_1377 : i32 to index
      %get3A_1401 = arith.index_cast %add3A_1399 : i32 to index
      %get3A_1402 = tpu.vector_load %arg15[%get3A_1400, %get3A_1401] {strides = array<i32>} : memref<256x128xf32, #tpu.memory_space<vmem>>, vector<1x16xf32>,
      %get3A_1403 = vector.shape_cast %get3A_1402 : vector<1x16xf32> to vector<16xf32>
      %add3A_1404 = arith.constant 16 : i32
      %add3A_1405 = arith.addi %squeeze3A_1381, %add3A_1404 : i32
      %get3A_1406 = arith.index_cast %add3A_1377 : i32 to index
      %get3A_1407 = arith.index_cast %add3A_1405 : i32 to index
      %get3A_1408 = tpu.vector_load %arg16[%get3A_1406, %get3A_1407] {strides = array<i32>} : memref<256x128xf32, #tpu.memory_space<vmem>>, vector<1x16xf32>,
      %get3A_1409 = vector.shape_cast %get3A_1408 : vector<1x16xf32> to vector<16xf32>
      %mul3A_1410 = arith.mulf %get3A_1403, %get3A_1409 : vector<16xf32>
      %add3A_1411 = arith.constant 16 : i32
      %add3A_1412 = arith.addi %squeeze3A_1383, %add3A_1411 : i32
      %get3A_1413 = arith.index_cast %add3A_1377 : i32 to index
      %get3A_1414 = arith.index_cast %add3A_1412 : i32 to index
      %get3A_1415 = tpu.vector_load %arg17[%get3A_1413, %get3A_1414] {strides = array<i32>} : memref<256x128xf32, #tpu.memory_space<vmem>>, vector<1x16xf32>,
      %get3A_1416 = vector.shape_cast %get3A_1415 : vector<1x16xf32> to vector<16xf32>
      %mul3A_1417 = arith.mulf %mul3A_1410, %get3A_1416 : vector<16xf32>
      %add3A_1418 = arith.addf %mul3A_1397, %mul3A_1417 : vector<16xf32>
      %add3A_1419 = arith.constant 32 : i32
      %add3A_1420 = arith.addi %squeeze3A_1379, %add3A_1419 : i32
      %get3A_1421 = arith.index_cast %add3A_1377 : i32 to index
      %get3A_1422 = arith.index_cast %add3A_1420 : i32 to index
      %get3A_1423 = tpu.vector_load %arg15[%get3A_1421, %get3A_1422] {strides = array<i32>} : memref<256x128xf32, #tpu.memory_space<vmem>>, vector<1x16xf32>,
      %get3A_1424 = vector.shape_cast %get3A_1423 : vector<1x16xf32> to vector<16xf32>
      %add3A_1425 = arith.constant 32 : i32
      %add3A_1426 = arith.addi %squeeze3A_1381, %add3A_1425 : i32
      %get3A_1427 = arith.index_cast %add3A_1377 : i32 to index
      %get3A_1428 = arith.index_cast %add3A_1426 : i32 to index
      %get3A_1429 = tpu.vector_load %arg16[%get3A_1427, %get3A_1428] {strides = array<i32>} : memref<256x128xf32, #tpu.memory_space<vmem>>, vector<1x16xf32>,
      %get3A_1430 = vector.shape_cast %get3A_1429 : vector<1x16xf32> to vector<16xf32>
      %mul3A_1431 = arith.mulf %get3A_1424, %get3A_1430 : vector<16xf32>
      %add3A_1432 = arith.constant 32 : i32
      %add3A_1433 = arith.addi %squeeze3A_1383, %add3A_1432 : i32
      %get3A_1434 = arith.index_cast %add3A_1377 : i32 to index
      %get3A_1435 = arith.index_cast %add3A_1433 : i32 to index
      %get3A_1436 = tpu.vector_load %arg17[%get3A_1434, %get3A_1435] {strides = array<i32>} : memref<256x128xf32, #tpu.memory_space<vmem>>, vector<1x16xf32>,
      %get3A_1437 = vector.shape_cast %get3A_1436 : vector<1x16xf32> to vector<16xf32>
      %mul3A_1438 = arith.mulf %mul3A_1431, %get3A_1437 : vector<16xf32>
      %add3A_1439 = arith.addf %add3A_1418, %mul3A_1438 : vector<16xf32>
      %add3A_1440 = arith.constant 48 : i32
      %add3A_1441 = arith.addi %squeeze3A_1379, %add3A_1440 : i32
      %get3A_1442 = arith.index_cast %add3A_1377 : i32 to index
      %get3A_1443 = arith.index_cast %add3A_1441 : i32 to index
      %get3A_1444 = tpu.vector_load %arg15[%get3A_1442, %get3A_1443] {strides = array<i32>} : memref<256x128xf32, #tpu.memory_space<vmem>>, vector<1x16xf32>,
      %get3A_1445 = vector.shape_cast %get3A_1444 : vector<1x16xf32> to vector<16xf32>
      %add3A_1446 = arith.constant 48 : i32
      %add3A_1447 = arith.addi %squeeze3A_1381, %add3A_1446 : i32
      %get3A_1448 = arith.index_cast %add3A_1377 : i32 to index
      %get3A_1449 = arith.index_cast %add3A_1447 : i32 to index
      %get3A_1450 = tpu.vector_load %arg16[%get3A_1448, %get3A_1449] {strides = array<i32>} : memref<256x128xf32, #tpu.memory_space<vmem>>, vector<1x16xf32>,
      %get3A_1451 = vector.shape_cast %get3A_1450 : vector<1x16xf32> to vector<16xf32>
      %mul3A_1452 = arith.mulf %get3A_1445, %get3A_1451 : vector<16xf32>
      %add3A_1453 = arith.constant 48 : i32
      %add3A_1454 = arith.addi %squeeze3A_1383, %add3A_1453 : i32
      %get3A_1455 = arith.index_cast %add3A_1377 : i32 to index
      %get3A_1456 = arith.index_cast %add3A_1454 : i32 to index
      %get3A_1457 = tpu.vector_load %arg17[%get3A_1455, %get3A_1456] {strides = array<i32>} : memref<256x128xf32, #tpu.memory_space<vmem>>, vector<1x16xf32>,
      %get3A_1458 = vector.shape_cast %get3A_1457 : vector<1x16xf32> to vector<16xf32>
      %mul3A_1459 = arith.mulf %mul3A_1452, %get3A_1458 : vector<16xf32>
      %add3A_1460 = arith.addf %add3A_1439, %mul3A_1459 : vector<16xf32>
      %gather3A_1461 = vector.shape_cast %reshape3A : vector<16x1xi32> to vector<16xi32>
      %gather3A_1462 = tpu.dynamic_gather %add3A_1460[%gather3A_1461] in [0] : vector<16xf32>, vector<16xi32> -> vector<16xf32>
      %add3A_1463 = arith.addf %add3A_1460, %gather3A_1462 : vector<16xf32>
      %gather3A_1464 = vector.shape_cast %reshape3A_1005 : vector<16x1xi32> to vector<16xi32>
      %gather3A_1465 = tpu.dynamic_gather %add3A_1463[%gather3A_1464] in [0] : vector<16xf32>, vector<16xi32> -> vector<16xf32>
      %add3A_1466 = arith.addf %add3A_1463, %gather3A_1465 : vector<16xf32>
      %gather3A_1467 = vector.shape_cast %reshape3A_1012 : vector<16x1xi32> to vector<16xi32>
      %gather3A_1468 = tpu.dynamic_gather %add3A_1466[%gather3A_1467] in [0] : vector<16xf32>, vector<16xi32> -> vector<16xf32>
      %add3A_1469 = arith.addf %add3A_1466, %gather3A_1468 : vector<16xf32>
      %gather3A_1470 = vector.shape_cast %reshape3A_1019 : vector<16x1xi32> to vector<16xi32>
      %gather3A_1471 = tpu.dynamic_gather %add3A_1469[%gather3A_1470] in [0] : vector<16xf32>, vector<16xi32> -> vector<16xf32>
      %add3A_1472 = arith.addf %add3A_1469, %gather3A_1471 : vector<16xf32>
      %eq3A_1473 = arith.constant 1 : i32
      %eq3A_1474 = vector.broadcast %eq3A_1473 : i32 to vector<16xi32>
      %eq3A_1475 = arith.cmpi eq, %iota3A, %eq3A_1474 : vector<16xi32>
      %select_n3A_1476 = arith.select %eq3A_1475, %add3A_1472, %select_n3A : vector<16xi1>, vector<16xf32>
      %add3A_1477 = arith.constant 2 : i32
      %add3A_1478 = arith.addi %mul3A_1249, %add3A_1477 : i32
      %slice3A_1479 = vector.extract_strided_slice %mul3A_1260 {offsets = [2], sizes = [1], strides = [1]} : vector<16xi32> to vector<1xi32>
      %squeeze3A_1480 = vector.extract %slice3A_1479[0] : i32 from vector<1xi32>
      %slice3A_1481 = vector.extract_strided_slice %mul3A_1269 {offsets = [2], sizes = [1], strides = [1]} : vector<16xi32> to vector<1xi32>
      %squeeze3A_1482 = vector.extract %slice3A_1481[0] : i32 from vector<1xi32>
      %slice3A_1483 = vector.extract_strided_slice %mul3A_1278 {offsets = [2], sizes = [1], strides = [1]} : vector<16xi32> to vector<1xi32>
      %squeeze3A_1484 = vector.extract %slice3A_1483[0] : i32 from vector<1xi32>
      %get3A_1485 = arith.index_cast %add3A_1478 : i32 to index
      %get3A_1486 = arith.index_cast %squeeze3A_1480 : i32 to index
      %get3A_1487 = tpu.vector_load %arg15[%get3A_1485, %get3A_1486] {strides = array<i32>} : memref<256x128xf32, #tpu.memory_space<vmem>>, vector<1x16xf32>,
      %get3A_1488 = vector.shape_cast %get3A_1487 : vector<1x16xf32> to vector<16xf32>
      %get3A_1489 = arith.index_cast %add3A_1478 : i32 to index
      %get3A_1490 = arith.index_cast %squeeze3A_1482 : i32 to index
      %get3A_1491 = tpu.vector_load %arg16[%get3A_1489, %get3A_1490] {strides = array<i32>} : memref<256x128xf32, #tpu.memory_space<vmem>>, vector<1x16xf32>,
      %get3A_1492 = vector.shape_cast %get3A_1491 : vector<1x16xf32> to vector<16xf32>
      %mul3A_1493 = arith.mulf %get3A_1488, %get3A_1492 : vector<16xf32>
      %get3A_1494 = arith.index_cast %add3A_1478 : i32 to index
      %get3A_1495 = arith.index_cast %squeeze3A_1484 : i32 to index
      %get3A_1496 = tpu.vector_load %arg17[%get3A_1494, %get3A_1495] {strides = array<i32>} : memref<256x128xf32, #tpu.memory_space<vmem>>, vector<1x16xf32>,
      %get3A_1497 = vector.shape_cast %get3A_1496 : vector<1x16xf32> to vector<16xf32>
      %mul3A_1498 = arith.mulf %mul3A_1493, %get3A_1497 : vector<16xf32>
      %add3A_1499 = arith.constant 16 : i32
      %add3A_1500 = arith.addi %squeeze3A_1480, %add3A_1499 : i32
      %get3A_1501 = arith.index_cast %add3A_1478 : i32 to index
      %get3A_1502 = arith.index_cast %add3A_1500 : i32 to index
      %get3A_1503 = tpu.vector_load %arg15[%get3A_1501, %get3A_1502] {strides = array<i32>} : memref<256x128xf32, #tpu.memory_space<vmem>>, vector<1x16xf32>,
      %get3A_1504 = vector.shape_cast %get3A_1503 : vector<1x16xf32> to vector<16xf32>
      %add3A_1505 = arith.constant 16 : i32
      %add3A_1506 = arith.addi %squeeze3A_1482, %add3A_1505 : i32
      %get3A_1507 = arith.index_cast %add3A_1478 : i32 to index
      %get3A_1508 = arith.index_cast %add3A_1506 : i32 to index
      %get3A_1509 = tpu.vector_load %arg16[%get3A_1507, %get3A_1508] {strides = array<i32>} : memref<256x128xf32, #tpu.memory_space<vmem>>, vector<1x16xf32>,
      %get3A_1510 = vector.shape_cast %get3A_1509 : vector<1x16xf32> to vector<16xf32>
      %mul3A_1511 = arith.mulf %get3A_1504, %get3A_1510 : vector<16xf32>
      %add3A_1512 = arith.constant 16 : i32
      %add3A_1513 = arith.addi %squeeze3A_1484, %add3A_1512 : i32
      %get3A_1514 = arith.index_cast %add3A_1478 : i32 to index
      %get3A_1515 = arith.index_cast %add3A_1513 : i32 to index
      %get3A_1516 = tpu.vector_load %arg17[%get3A_1514, %get3A_1515] {strides = array<i32>} : memref<256x128xf32, #tpu.memory_space<vmem>>, vector<1x16xf32>,
      %get3A_1517 = vector.shape_cast %get3A_1516 : vector<1x16xf32> to vector<16xf32>
      %mul3A_1518 = arith.mulf %mul3A_1511, %get3A_1517 : vector<16xf32>
      %add3A_1519 = arith.addf %mul3A_1498, %mul3A_1518 : vector<16xf32>
      %add3A_1520 = arith.constant 32 : i32
      %add3A_1521 = arith.addi %squeeze3A_1480, %add3A_1520 : i32
      %get3A_1522 = arith.index_cast %add3A_1478 : i32 to index
      %get3A_1523 = arith.index_cast %add3A_1521 : i32 to index
      %get3A_1524 = tpu.vector_load %arg15[%get3A_1522, %get3A_1523] {strides = array<i32>} : memref<256x128xf32, #tpu.memory_space<vmem>>, vector<1x16xf32>,
      %get3A_1525 = vector.shape_cast %get3A_1524 : vector<1x16xf32> to vector<16xf32>
      %add3A_1526 = arith.constant 32 : i32
      %add3A_1527 = arith.addi %squeeze3A_1482, %add3A_1526 : i32
      %get3A_1528 = arith.index_cast %add3A_1478 : i32 to index
      %get3A_1529 = arith.index_cast %add3A_1527 : i32 to index
      %get3A_1530 = tpu.vector_load %arg16[%get3A_1528, %get3A_1529] {strides = array<i32>} : memref<256x128xf32, #tpu.memory_space<vmem>>, vector<1x16xf32>,
      %get3A_1531 = vector.shape_cast %get3A_1530 : vector<1x16xf32> to vector<16xf32>
      %mul3A_1532 = arith.mulf %get3A_1525, %get3A_1531 : vector<16xf32>
      %add3A_1533 = arith.constant 32 : i32
      %add3A_1534 = arith.addi %squeeze3A_1484, %add3A_1533 : i32
      %get3A_1535 = arith.index_cast %add3A_1478 : i32 to index
      %get3A_1536 = arith.index_cast %add3A_1534 : i32 to index
      %get3A_1537 = tpu.vector_load %arg17[%get3A_1535, %get3A_1536] {strides = array<i32>} : memref<256x128xf32, #tpu.memory_space<vmem>>, vector<1x16xf32>,
      %get3A_1538 = vector.shape_cast %get3A_1537 : vector<1x16xf32> to vector<16xf32>
      %mul3A_1539 = arith.mulf %mul3A_1532, %get3A_1538 : vector<16xf32>
      %add3A_1540 = arith.addf %add3A_1519, %mul3A_1539 : vector<16xf32>
      %add3A_1541 = arith.constant 48 : i32
      %add3A_1542 = arith.addi %squeeze3A_1480, %add3A_1541 : i32
      %get3A_1543 = arith.index_cast %add3A_1478 : i32 to index
      %get3A_1544 = arith.index_cast %add3A_1542 : i32 to index
      %get3A_1545 = tpu.vector_load %arg15[%get3A_1543, %get3A_1544] {strides = array<i32>} : memref<256x128xf32, #tpu.memory_space<vmem>>, vector<1x16xf32>,
      %get3A_1546 = vector.shape_cast %get3A_1545 : vector<1x16xf32> to vector<16xf32>
      %add3A_1547 = arith.constant 48 : i32
      %add3A_1548 = arith.addi %squeeze3A_1482, %add3A_1547 : i32
      %get3A_1549 = arith.index_cast %add3A_1478 : i32 to index
      %get3A_1550 = arith.index_cast %add3A_1548 : i32 to index
      %get3A_1551 = tpu.vector_load %arg16[%get3A_1549, %get3A_1550] {strides = array<i32>} : memref<256x128xf32, #tpu.memory_space<vmem>>, vector<1x16xf32>,
      %get3A_1552 = vector.shape_cast %get3A_1551 : vector<1x16xf32> to vector<16xf32>
      %mul3A_1553 = arith.mulf %get3A_1546, %get3A_1552 : vector<16xf32>
      %add3A_1554 = arith.constant 48 : i32
      %add3A_1555 = arith.addi %squeeze3A_1484, %add3A_1554 : i32
      %get3A_1556 = arith.index_cast %add3A_1478 : i32 to index
      %get3A_1557 = arith.index_cast %add3A_1555 : i32 to index
      %get3A_1558 = tpu.vector_load %arg17[%get3A_1556, %get3A_1557] {strides = array<i32>} : memref<256x128xf32, #tpu.memory_space<vmem>>, vector<1x16xf32>,
      %get3A_1559 = vector.shape_cast %get3A_1558 : vector<1x16xf32> to vector<16xf32>
      %mul3A_1560 = arith.mulf %mul3A_1553, %get3A_1559 : vector<16xf32>
      %add3A_1561 = arith.addf %add3A_1540, %mul3A_1560 : vector<16xf32>
      %gather3A_1562 = vector.shape_cast %reshape3A : vector<16x1xi32> to vector<16xi32>
      %gather3A_1563 = tpu.dynamic_gather %add3A_1561[%gather3A_1562] in [0] : vector<16xf32>, vector<16xi32> -> vector<16xf32>
      %add3A_1564 = arith.addf %add3A_1561, %gather3A_1563 : vector<16xf32>
      %gather3A_1565 = vector.shape_cast %reshape3A_1005 : vector<16x1xi32> to vector<16xi32>
      %gather3A_1566 = tpu.dynamic_gather %add3A_1564[%gather3A_1565] in [0] : vector<16xf32>, vector<16xi32> -> vector<16xf32>
      %add3A_1567 = arith.addf %add3A_1564, %gather3A_1566 : vector<16xf32>
      %gather3A_1568 = vector.shape_cast %reshape3A_1012 : vector<16x1xi32> to vector<16xi32>
      %gather3A_1569 = tpu.dynamic_gather %add3A_1567[%gather3A_1568] in [0] : vector<16xf32>, vector<16xi32> -> vector<16xf32>
      %add3A_1570 = arith.addf %add3A_1567, %gather3A_1569 : vector<16xf32>
      %gather3A_1571 = vector.shape_cast %reshape3A_1019 : vector<16x1xi32> to vector<16xi32>
      %gather3A_1572 = tpu.dynamic_gather %add3A_1570[%gather3A_1571] in [0] : vector<16xf32>, vector<16xi32> -> vector<16xf32>
      %add3A_1573 = arith.addf %add3A_1570, %gather3A_1572 : vector<16xf32>
      %eq3A_1574 = arith.constant 2 : i32
      %eq3A_1575 = vector.broadcast %eq3A_1574 : i32 to vector<16xi32>
      %eq3A_1576 = arith.cmpi eq, %iota3A, %eq3A_1575 : vector<16xi32>
      %select_n3A_1577 = arith.select %eq3A_1576, %add3A_1573, %select_n3A_1476 : vector<16xi1>, vector<16xf32>
      %add3A_1578 = arith.constant 3 : i32
      %add3A_1579 = arith.addi %mul3A_1249, %add3A_1578 : i32
      %slice3A_1580 = vector.extract_strided_slice %mul3A_1260 {offsets = [3], sizes = [1], strides = [1]} : vector<16xi32> to vector<1xi32>
      %squeeze3A_1581 = vector.extract %slice3A_1580[0] : i32 from vector<1xi32>
      %slice3A_1582 = vector.extract_strided_slice %mul3A_1269 {offsets = [3], sizes = [1], strides = [1]} : vector<16xi32> to vector<1xi32>
      %squeeze3A_1583 = vector.extract %slice3A_1582[0] : i32 from vector<1xi32>
      %slice3A_1584 = vector.extract_strided_slice %mul3A_1278 {offsets = [3], sizes = [1], strides = [1]} : vector<16xi32> to vector<1xi32>
      %squeeze3A_1585 = vector.extract %slice3A_1584[0] : i32 from vector<1xi32>
      %get3A_1586 = arith.index_cast %add3A_1579 : i32 to index
      %get3A_1587 = arith.index_cast %squeeze3A_1581 : i32 to index
      %get3A_1588 = tpu.vector_load %arg15[%get3A_1586, %get3A_1587] {strides = array<i32>} : memref<256x128xf32, #tpu.memory_space<vmem>>, vector<1x16xf32>,
      %get3A_1589 = vector.shape_cast %get3A_1588 : vector<1x16xf32> to vector<16xf32>
      %get3A_1590 = arith.index_cast %add3A_1579 : i32 to index
      %get3A_1591 = arith.index_cast %squeeze3A_1583 : i32 to index
      %get3A_1592 = tpu.vector_load %arg16[%get3A_1590, %get3A_1591] {strides = array<i32>} : memref<256x128xf32, #tpu.memory_space<vmem>>, vector<1x16xf32>,
      %get3A_1593 = vector.shape_cast %get3A_1592 : vector<1x16xf32> to vector<16xf32>
      %mul3A_1594 = arith.mulf %get3A_1589, %get3A_1593 : vector<16xf32>
      %get3A_1595 = arith.index_cast %add3A_1579 : i32 to index
      %get3A_1596 = arith.index_cast %squeeze3A_1585 : i32 to index
      %get3A_1597 = tpu.vector_load %arg17[%get3A_1595, %get3A_1596] {strides = array<i32>} : memref<256x128xf32, #tpu.memory_space<vmem>>, vector<1x16xf32>,
      %get3A_1598 = vector.shape_cast %get3A_1597 : vector<1x16xf32> to vector<16xf32>
      %mul3A_1599 = arith.mulf %mul3A_1594, %get3A_1598 : vector<16xf32>
      %add3A_1600 = arith.constant 16 : i32
      %add3A_1601 = arith.addi %squeeze3A_1581, %add3A_1600 : i32
      %get3A_1602 = arith.index_cast %add3A_1579 : i32 to index
      %get3A_1603 = arith.index_cast %add3A_1601 : i32 to index
      %get3A_1604 = tpu.vector_load %arg15[%get3A_1602, %get3A_1603] {strides = array<i32>} : memref<256x128xf32, #tpu.memory_space<vmem>>, vector<1x16xf32>,
      %get3A_1605 = vector.shape_cast %get3A_1604 : vector<1x16xf32> to vector<16xf32>
      %add3A_1606 = arith.constant 16 : i32
      %add3A_1607 = arith.addi %squeeze3A_1583, %add3A_1606 : i32
      %get3A_1608 = arith.index_cast %add3A_1579 : i32 to index
      %get3A_1609 = arith.index_cast %add3A_1607 : i32 to index
      %get3A_1610 = tpu.vector_load %arg16[%get3A_1608, %get3A_1609] {strides = array<i32>} : memref<256x128xf32, #tpu.memory_space<vmem>>, vector<1x16xf32>,
      %get3A_1611 = vector.shape_cast %get3A_1610 : vector<1x16xf32> to vector<16xf32>
      %mul3A_1612 = arith.mulf %get3A_1605, %get3A_1611 : vector<16xf32>
      %add3A_1613 = arith.constant 16 : i32
      %add3A_1614 = arith.addi %squeeze3A_1585, %add3A_1613 : i32
      %get3A_1615 = arith.index_cast %add3A_1579 : i32 to index
      %get3A_1616 = arith.index_cast %add3A_1614 : i32 to index
      %get3A_1617 = tpu.vector_load %arg17[%get3A_1615, %get3A_1616] {strides = array<i32>} : memref<256x128xf32, #tpu.memory_space<vmem>>, vector<1x16xf32>,
      %get3A_1618 = vector.shape_cast %get3A_1617 : vector<1x16xf32> to vector<16xf32>
      %mul3A_1619 = arith.mulf %mul3A_1612, %get3A_1618 : vector<16xf32>
      %add3A_1620 = arith.addf %mul3A_1599, %mul3A_1619 : vector<16xf32>
      %add3A_1621 = arith.constant 32 : i32
      %add3A_1622 = arith.addi %squeeze3A_1581, %add3A_1621 : i32
      %get3A_1623 = arith.index_cast %add3A_1579 : i32 to index
      %get3A_1624 = arith.index_cast %add3A_1622 : i32 to index
      %get3A_1625 = tpu.vector_load %arg15[%get3A_1623, %get3A_1624] {strides = array<i32>} : memref<256x128xf32, #tpu.memory_space<vmem>>, vector<1x16xf32>,
      %get3A_1626 = vector.shape_cast %get3A_1625 : vector<1x16xf32> to vector<16xf32>
      %add3A_1627 = arith.constant 32 : i32
      %add3A_1628 = arith.addi %squeeze3A_1583, %add3A_1627 : i32
      %get3A_1629 = arith.index_cast %add3A_1579 : i32 to index
      %get3A_1630 = arith.index_cast %add3A_1628 : i32 to index
      %get3A_1631 = tpu.vector_load %arg16[%get3A_1629, %get3A_1630] {strides = array<i32>} : memref<256x128xf32, #tpu.memory_space<vmem>>, vector<1x16xf32>,
      %get3A_1632 = vector.shape_cast %get3A_1631 : vector<1x16xf32> to vector<16xf32>
      %mul3A_1633 = arith.mulf %get3A_1626, %get3A_1632 : vector<16xf32>
      %add3A_1634 = arith.constant 32 : i32
      %add3A_1635 = arith.addi %squeeze3A_1585, %add3A_1634 : i32
      %get3A_1636 = arith.index_cast %add3A_1579 : i32 to index
      %get3A_1637 = arith.index_cast %add3A_1635 : i32 to index
      %get3A_1638 = tpu.vector_load %arg17[%get3A_1636, %get3A_1637] {strides = array<i32>} : memref<256x128xf32, #tpu.memory_space<vmem>>, vector<1x16xf32>,
      %get3A_1639 = vector.shape_cast %get3A_1638 : vector<1x16xf32> to vector<16xf32>
      %mul3A_1640 = arith.mulf %mul3A_1633, %get3A_1639 : vector<16xf32>
      %add3A_1641 = arith.addf %add3A_1620, %mul3A_1640 : vector<16xf32>
      %add3A_1642 = arith.constant 48 : i32
      %add3A_1643 = arith.addi %squeeze3A_1581, %add3A_1642 : i32
      %get3A_1644 = arith.index_cast %add3A_1579 : i32 to index
      %get3A_1645 = arith.index_cast %add3A_1643 : i32 to index
      %get3A_1646 = tpu.vector_load %arg15[%get3A_1644, %get3A_1645] {strides = array<i32>} : memref<256x128xf32, #tpu.memory_space<vmem>>, vector<1x16xf32>,
      %get3A_1647 = vector.shape_cast %get3A_1646 : vector<1x16xf32> to vector<16xf32>
      %add3A_1648 = arith.constant 48 : i32
      %add3A_1649 = arith.addi %squeeze3A_1583, %add3A_1648 : i32
      %get3A_1650 = arith.index_cast %add3A_1579 : i32 to index
      %get3A_1651 = arith.index_cast %add3A_1649 : i32 to index
      %get3A_1652 = tpu.vector_load %arg16[%get3A_1650, %get3A_1651] {strides = array<i32>} : memref<256x128xf32, #tpu.memory_space<vmem>>, vector<1x16xf32>,
      %get3A_1653 = vector.shape_cast %get3A_1652 : vector<1x16xf32> to vector<16xf32>
      %mul3A_1654 = arith.mulf %get3A_1647, %get3A_1653 : vector<16xf32>
      %add3A_1655 = arith.constant 48 : i32
      %add3A_1656 = arith.addi %squeeze3A_1585, %add3A_1655 : i32
      %get3A_1657 = arith.index_cast %add3A_1579 : i32 to index
      %get3A_1658 = arith.index_cast %add3A_1656 : i32 to index
      %get3A_1659 = tpu.vector_load %arg17[%get3A_1657, %get3A_1658] {strides = array<i32>} : memref<256x128xf32, #tpu.memory_space<vmem>>, vector<1x16xf32>,
      %get3A_1660 = vector.shape_cast %get3A_1659 : vector<1x16xf32> to vector<16xf32>
      %mul3A_1661 = arith.mulf %mul3A_1654, %get3A_1660 : vector<16xf32>
      %add3A_1662 = arith.addf %add3A_1641, %mul3A_1661 : vector<16xf32>
      %gather3A_1663 = vector.shape_cast %reshape3A : vector<16x1xi32> to vector<16xi32>
      %gather3A_1664 = tpu.dynamic_gather %add3A_1662[%gather3A_1663] in [0] : vector<16xf32>, vector<16xi32> -> vector<16xf32>
      %add3A_1665 = arith.addf %add3A_1662, %gather3A_1664 : vector<16xf32>
      %gather3A_1666 = vector.shape_cast %reshape3A_1005 : vector<16x1xi32> to vector<16xi32>
      %gather3A_1667 = tpu.dynamic_gather %add3A_1665[%gather3A_1666] in [0] : vector<16xf32>, vector<16xi32> -> vector<16xf32>
      %add3A_1668 = arith.addf %add3A_1665, %gather3A_1667 : vector<16xf32>
      %gather3A_1669 = vector.shape_cast %reshape3A_1012 : vector<16x1xi32> to vector<16xi32>
      %gather3A_1670 = tpu.dynamic_gather %add3A_1668[%gather3A_1669] in [0] : vector<16xf32>, vector<16xi32> -> vector<16xf32>
      %add3A_1671 = arith.addf %add3A_1668, %gather3A_1670 : vector<16xf32>
      %gather3A_1672 = vector.shape_cast %reshape3A_1019 : vector<16x1xi32> to vector<16xi32>
      %gather3A_1673 = tpu.dynamic_gather %add3A_1671[%gather3A_1672] in [0] : vector<16xf32>, vector<16xi32> -> vector<16xf32>
      %add3A_1674 = arith.addf %add3A_1671, %gather3A_1673 : vector<16xf32>
      %eq3A_1675 = arith.constant 3 : i32
      %eq3A_1676 = vector.broadcast %eq3A_1675 : i32 to vector<16xi32>
      %eq3A_1677 = arith.cmpi eq, %iota3A, %eq3A_1676 : vector<16xi32>
      %select_n3A_1678 = arith.select %eq3A_1677, %add3A_1674, %select_n3A_1577 : vector<16xi1>, vector<16xf32>
      %add3A_1679 = arith.constant 4 : i32
      %add3A_1680 = arith.addi %mul3A_1249, %add3A_1679 : i32
      %slice3A_1681 = vector.extract_strided_slice %mul3A_1260 {offsets = [4], sizes = [1], strides = [1]} : vector<16xi32> to vector<1xi32>
      %squeeze3A_1682 = vector.extract %slice3A_1681[0] : i32 from vector<1xi32>
      %slice3A_1683 = vector.extract_strided_slice %mul3A_1269 {offsets = [4], sizes = [1], strides = [1]} : vector<16xi32> to vector<1xi32>
      %squeeze3A_1684 = vector.extract %slice3A_1683[0] : i32 from vector<1xi32>
      %slice3A_1685 = vector.extract_strided_slice %mul3A_1278 {offsets = [4], sizes = [1], strides = [1]} : vector<16xi32> to vector<1xi32>
      %squeeze3A_1686 = vector.extract %slice3A_1685[0] : i32 from vector<1xi32>
      %get3A_1687 = arith.index_cast %add3A_1680 : i32 to index
      %get3A_1688 = arith.index_cast %squeeze3A_1682 : i32 to index
      %get3A_1689 = tpu.vector_load %arg15[%get3A_1687, %get3A_1688] {strides = array<i32>} : memref<256x128xf32, #tpu.memory_space<vmem>>, vector<1x16xf32>,
      %get3A_1690 = vector.shape_cast %get3A_1689 : vector<1x16xf32> to vector<16xf32>
      %get3A_1691 = arith.index_cast %add3A_1680 : i32 to index
      %get3A_1692 = arith.index_cast %squeeze3A_1684 : i32 to index
      %get3A_1693 = tpu.vector_load %arg16[%get3A_1691, %get3A_1692] {strides = array<i32>} : memref<256x128xf32, #tpu.memory_space<vmem>>, vector<1x16xf32>,
      %get3A_1694 = vector.shape_cast %get3A_1693 : vector<1x16xf32> to vector<16xf32>
      %mul3A_1695 = arith.mulf %get3A_1690, %get3A_1694 : vector<16xf32>
      %get3A_1696 = arith.index_cast %add3A_1680 : i32 to index
      %get3A_1697 = arith.index_cast %squeeze3A_1686 : i32 to index
      %get3A_1698 = tpu.vector_load %arg17[%get3A_1696, %get3A_1697] {strides = array<i32>} : memref<256x128xf32, #tpu.memory_space<vmem>>, vector<1x16xf32>,
      %get3A_1699 = vector.shape_cast %get3A_1698 : vector<1x16xf32> to vector<16xf32>
      %mul3A_1700 = arith.mulf %mul3A_1695, %get3A_1699 : vector<16xf32>
      %add3A_1701 = arith.constant 16 : i32
      %add3A_1702 = arith.addi %squeeze3A_1682, %add3A_1701 : i32
      %get3A_1703 = arith.index_cast %add3A_1680 : i32 to index
      %get3A_1704 = arith.index_cast %add3A_1702 : i32 to index
      %get3A_1705 = tpu.vector_load %arg15[%get3A_1703, %get3A_1704] {strides = array<i32>} : memref<256x128xf32, #tpu.memory_space<vmem>>, vector<1x16xf32>,
      %get3A_1706 = vector.shape_cast %get3A_1705 : vector<1x16xf32> to vector<16xf32>
      %add3A_1707 = arith.constant 16 : i32
      %add3A_1708 = arith.addi %squeeze3A_1684, %add3A_1707 : i32
      %get3A_1709 = arith.index_cast %add3A_1680 : i32 to index
      %get3A_1710 = arith.index_cast %add3A_1708 : i32 to index
      %get3A_1711 = tpu.vector_load %arg16[%get3A_1709, %get3A_1710] {strides = array<i32>} : memref<256x128xf32, #tpu.memory_space<vmem>>, vector<1x16xf32>,
      %get3A_1712 = vector.shape_cast %get3A_1711 : vector<1x16xf32> to vector<16xf32>
      %mul3A_1713 = arith.mulf %get3A_1706, %get3A_1712 : vector<16xf32>
      %add3A_1714 = arith.constant 16 : i32
      %add3A_1715 = arith.addi %squeeze3A_1686, %add3A_1714 : i32
      %get3A_1716 = arith.index_cast %add3A_1680 : i32 to index
      %get3A_1717 = arith.index_cast %add3A_1715 : i32 to index
      %get3A_1718 = tpu.vector_load %arg17[%get3A_1716, %get3A_1717] {strides = array<i32>} : memref<256x128xf32, #tpu.memory_space<vmem>>, vector<1x16xf32>,
      %get3A_1719 = vector.shape_cast %get3A_1718 : vector<1x16xf32> to vector<16xf32>
      %mul3A_1720 = arith.mulf %mul3A_1713, %get3A_1719 : vector<16xf32>
      %add3A_1721 = arith.addf %mul3A_1700, %mul3A_1720 : vector<16xf32>
      %add3A_1722 = arith.constant 32 : i32
      %add3A_1723 = arith.addi %squeeze3A_1682, %add3A_1722 : i32
      %get3A_1724 = arith.index_cast %add3A_1680 : i32 to index
      %get3A_1725 = arith.index_cast %add3A_1723 : i32 to index
      %get3A_1726 = tpu.vector_load %arg15[%get3A_1724, %get3A_1725] {strides = array<i32>} : memref<256x128xf32, #tpu.memory_space<vmem>>, vector<1x16xf32>,
      %get3A_1727 = vector.shape_cast %get3A_1726 : vector<1x16xf32> to vector<16xf32>
      %add3A_1728 = arith.constant 32 : i32
      %add3A_1729 = arith.addi %squeeze3A_1684, %add3A_1728 : i32
      %get3A_1730 = arith.index_cast %add3A_1680 : i32 to index
      %get3A_1731 = arith.index_cast %add3A_1729 : i32 to index
      %get3A_1732 = tpu.vector_load %arg16[%get3A_1730, %get3A_1731] {strides = array<i32>} : memref<256x128xf32, #tpu.memory_space<vmem>>, vector<1x16xf32>,
      %get3A_1733 = vector.shape_cast %get3A_1732 : vector<1x16xf32> to vector<16xf32>
      %mul3A_1734 = arith.mulf %get3A_1727, %get3A_1733 : vector<16xf32>
      %add3A_1735 = arith.constant 32 : i32
      %add3A_1736 = arith.addi %squeeze3A_1686, %add3A_1735 : i32
      %get3A_1737 = arith.index_cast %add3A_1680 : i32 to index
      %get3A_1738 = arith.index_cast %add3A_1736 : i32 to index
      %get3A_1739 = tpu.vector_load %arg17[%get3A_1737, %get3A_1738] {strides = array<i32>} : memref<256x128xf32, #tpu.memory_space<vmem>>, vector<1x16xf32>,
      %get3A_1740 = vector.shape_cast %get3A_1739 : vector<1x16xf32> to vector<16xf32>
      %mul3A_1741 = arith.mulf %mul3A_1734, %get3A_1740 : vector<16xf32>
      %add3A_1742 = arith.addf %add3A_1721, %mul3A_1741 : vector<16xf32>
      %add3A_1743 = arith.constant 48 : i32
      %add3A_1744 = arith.addi %squeeze3A_1682, %add3A_1743 : i32
      %get3A_1745 = arith.index_cast %add3A_1680 : i32 to index
      %get3A_1746 = arith.index_cast %add3A_1744 : i32 to index
      %get3A_1747 = tpu.vector_load %arg15[%get3A_1745, %get3A_1746] {strides = array<i32>} : memref<256x128xf32, #tpu.memory_space<vmem>>, vector<1x16xf32>,
      %get3A_1748 = vector.shape_cast %get3A_1747 : vector<1x16xf32> to vector<16xf32>
      %add3A_1749 = arith.constant 48 : i32
      %add3A_1750 = arith.addi %squeeze3A_1684, %add3A_1749 : i32
      %get3A_1751 = arith.index_cast %add3A_1680 : i32 to index
      %get3A_1752 = arith.index_cast %add3A_1750 : i32 to index
      %get3A_1753 = tpu.vector_load %arg16[%get3A_1751, %get3A_1752] {strides = array<i32>} : memref<256x128xf32, #tpu.memory_space<vmem>>, vector<1x16xf32>,
      %get3A_1754 = vector.shape_cast %get3A_1753 : vector<1x16xf32> to vector<16xf32>
      %mul3A_1755 = arith.mulf %get3A_1748, %get3A_1754 : vector<16xf32>
      %add3A_1756 = arith.constant 48 : i32
      %add3A_1757 = arith.addi %squeeze3A_1686, %add3A_1756 : i32
      %get3A_1758 = arith.index_cast %add3A_1680 : i32 to index
      %get3A_1759 = arith.index_cast %add3A_1757 : i32 to index
      %get3A_1760 = tpu.vector_load %arg17[%get3A_1758, %get3A_1759] {strides = array<i32>} : memref<256x128xf32, #tpu.memory_space<vmem>>, vector<1x16xf32>,
      %get3A_1761 = vector.shape_cast %get3A_1760 : vector<1x16xf32> to vector<16xf32>
      %mul3A_1762 = arith.mulf %mul3A_1755, %get3A_1761 : vector<16xf32>
      %add3A_1763 = arith.addf %add3A_1742, %mul3A_1762 : vector<16xf32>
      %gather3A_1764 = vector.shape_cast %reshape3A : vector<16x1xi32> to vector<16xi32>
      %gather3A_1765 = tpu.dynamic_gather %add3A_1763[%gather3A_1764] in [0] : vector<16xf32>, vector<16xi32> -> vector<16xf32>
      %add3A_1766 = arith.addf %add3A_1763, %gather3A_1765 : vector<16xf32>
      %gather3A_1767 = vector.shape_cast %reshape3A_1005 : vector<16x1xi32> to vector<16xi32>
      %gather3A_1768 = tpu.dynamic_gather %add3A_1766[%gather3A_1767] in [0] : vector<16xf32>, vector<16xi32> -> vector<16xf32>
      %add3A_1769 = arith.addf %add3A_1766, %gather3A_1768 : vector<16xf32>
      %gather3A_1770 = vector.shape_cast %reshape3A_1012 : vector<16x1xi32> to vector<16xi32>
      %gather3A_1771 = tpu.dynamic_gather %add3A_1769[%gather3A_1770] in [0] : vector<16xf32>, vector<16xi32> -> vector<16xf32>
      %add3A_1772 = arith.addf %add3A_1769, %gather3A_1771 : vector<16xf32>
      %gather3A_1773 = vector.shape_cast %reshape3A_1019 : vector<16x1xi32> to vector<16xi32>
      %gather3A_1774 = tpu.dynamic_gather %add3A_1772[%gather3A_1773] in [0] : vector<16xf32>, vector<16xi32> -> vector<16xf32>
      %add3A_1775 = arith.addf %add3A_1772, %gather3A_1774 : vector<16xf32>
      %eq3A_1776 = arith.constant 4 : i32
      %eq3A_1777 = vector.broadcast %eq3A_1776 : i32 to vector<16xi32>
      %eq3A_1778 = arith.cmpi eq, %iota3A, %eq3A_1777 : vector<16xi32>
      %select_n3A_1779 = arith.select %eq3A_1778, %add3A_1775, %select_n3A_1678 : vector<16xi1>, vector<16xf32>
      %add3A_1780 = arith.constant 5 : i32
      %add3A_1781 = arith.addi %mul3A_1249, %add3A_1780 : i32
      %slice3A_1782 = vector.extract_strided_slice %mul3A_1260 {offsets = [5], sizes = [1], strides = [1]} : vector<16xi32> to vector<1xi32>
      %squeeze3A_1783 = vector.extract %slice3A_1782[0] : i32 from vector<1xi32>
      %slice3A_1784 = vector.extract_strided_slice %mul3A_1269 {offsets = [5], sizes = [1], strides = [1]} : vector<16xi32> to vector<1xi32>
      %squeeze3A_1785 = vector.extract %slice3A_1784[0] : i32 from vector<1xi32>
      %slice3A_1786 = vector.extract_strided_slice %mul3A_1278 {offsets = [5], sizes = [1], strides = [1]} : vector<16xi32> to vector<1xi32>
      %squeeze3A_1787 = vector.extract %slice3A_1786[0] : i32 from vector<1xi32>
      %get3A_1788 = arith.index_cast %add3A_1781 : i32 to index
      %get3A_1789 = arith.index_cast %squeeze3A_1783 : i32 to index
      %get3A_1790 = tpu.vector_load %arg15[%get3A_1788, %get3A_1789] {strides = array<i32>} : memref<256x128xf32, #tpu.memory_space<vmem>>, vector<1x16xf32>,
      %get3A_1791 = vector.shape_cast %get3A_1790 : vector<1x16xf32> to vector<16xf32>
      %get3A_1792 = arith.index_cast %add3A_1781 : i32 to index
      %get3A_1793 = arith.index_cast %squeeze3A_1785 : i32 to index
      %get3A_1794 = tpu.vector_load %arg16[%get3A_1792, %get3A_1793] {strides = array<i32>} : memref<256x128xf32, #tpu.memory_space<vmem>>, vector<1x16xf32>,
      %get3A_1795 = vector.shape_cast %get3A_1794 : vector<1x16xf32> to vector<16xf32>
      %mul3A_1796 = arith.mulf %get3A_1791, %get3A_1795 : vector<16xf32>
      %get3A_1797 = arith.index_cast %add3A_1781 : i32 to index
      %get3A_1798 = arith.index_cast %squeeze3A_1787 : i32 to index
      %get3A_1799 = tpu.vector_load %arg17[%get3A_1797, %get3A_1798] {strides = array<i32>} : memref<256x128xf32, #tpu.memory_space<vmem>>, vector<1x16xf32>,
      %get3A_1800 = vector.shape_cast %get3A_1799 : vector<1x16xf32> to vector<16xf32>
      %mul3A_1801 = arith.mulf %mul3A_1796, %get3A_1800 : vector<16xf32>
      %add3A_1802 = arith.constant 16 : i32
      %add3A_1803 = arith.addi %squeeze3A_1783, %add3A_1802 : i32
      %get3A_1804 = arith.index_cast %add3A_1781 : i32 to index
      %get3A_1805 = arith.index_cast %add3A_1803 : i32 to index
      %get3A_1806 = tpu.vector_load %arg15[%get3A_1804, %get3A_1805] {strides = array<i32>} : memref<256x128xf32, #tpu.memory_space<vmem>>, vector<1x16xf32>,
      %get3A_1807 = vector.shape_cast %get3A_1806 : vector<1x16xf32> to vector<16xf32>
      %add3A_1808 = arith.constant 16 : i32
      %add3A_1809 = arith.addi %squeeze3A_1785, %add3A_1808 : i32
      %get3A_1810 = arith.index_cast %add3A_1781 : i32 to index
      %get3A_1811 = arith.index_cast %add3A_1809 : i32 to index
      %get3A_1812 = tpu.vector_load %arg16[%get3A_1810, %get3A_1811] {strides = array<i32>} : memref<256x128xf32, #tpu.memory_space<vmem>>, vector<1x16xf32>,
      %get3A_1813 = vector.shape_cast %get3A_1812 : vector<1x16xf32> to vector<16xf32>
      %mul3A_1814 = arith.mulf %get3A_1807, %get3A_1813 : vector<16xf32>
      %add3A_1815 = arith.constant 16 : i32
      %add3A_1816 = arith.addi %squeeze3A_1787, %add3A_1815 : i32
      %get3A_1817 = arith.index_cast %add3A_1781 : i32 to index
      %get3A_1818 = arith.index_cast %add3A_1816 : i32 to index
      %get3A_1819 = tpu.vector_load %arg17[%get3A_1817, %get3A_1818] {strides = array<i32>} : memref<256x128xf32, #tpu.memory_space<vmem>>, vector<1x16xf32>,
      %get3A_1820 = vector.shape_cast %get3A_1819 : vector<1x16xf32> to vector<16xf32>
      %mul3A_1821 = arith.mulf %mul3A_1814, %get3A_1820 : vector<16xf32>
      %add3A_1822 = arith.addf %mul3A_1801, %mul3A_1821 : vector<16xf32>
      %add3A_1823 = arith.constant 32 : i32
      %add3A_1824 = arith.addi %squeeze3A_1783, %add3A_1823 : i32
      %get3A_1825 = arith.index_cast %add3A_1781 : i32 to index
      %get3A_1826 = arith.index_cast %add3A_1824 : i32 to index
      %get3A_1827 = tpu.vector_load %arg15[%get3A_1825, %get3A_1826] {strides = array<i32>} : memref<256x128xf32, #tpu.memory_space<vmem>>, vector<1x16xf32>,
      %get3A_1828 = vector.shape_cast %get3A_1827 : vector<1x16xf32> to vector<16xf32>
      %add3A_1829 = arith.constant 32 : i32
      %add3A_1830 = arith.addi %squeeze3A_1785, %add3A_1829 : i32
      %get3A_1831 = arith.index_cast %add3A_1781 : i32 to index
      %get3A_1832 = arith.index_cast %add3A_1830 : i32 to index
      %get3A_1833 = tpu.vector_load %arg16[%get3A_1831, %get3A_1832] {strides = array<i32>} : memref<256x128xf32, #tpu.memory_space<vmem>>, vector<1x16xf32>,
      %get3A_1834 = vector.shape_cast %get3A_1833 : vector<1x16xf32> to vector<16xf32>
      %mul3A_1835 = arith.mulf %get3A_1828, %get3A_1834 : vector<16xf32>
      %add3A_1836 = arith.constant 32 : i32
      %add3A_1837 = arith.addi %squeeze3A_1787, %add3A_1836 : i32
      %get3A_1838 = arith.index_cast %add3A_1781 : i32 to index
      %get3A_1839 = arith.index_cast %add3A_1837 : i32 to index
      %get3A_1840 = tpu.vector_load %arg17[%get3A_1838, %get3A_1839] {strides = array<i32>} : memref<256x128xf32, #tpu.memory_space<vmem>>, vector<1x16xf32>,
      %get3A_1841 = vector.shape_cast %get3A_1840 : vector<1x16xf32> to vector<16xf32>
      %mul3A_1842 = arith.mulf %mul3A_1835, %get3A_1841 : vector<16xf32>
      %add3A_1843 = arith.addf %add3A_1822, %mul3A_1842 : vector<16xf32>
      %add3A_1844 = arith.constant 48 : i32
      %add3A_1845 = arith.addi %squeeze3A_1783, %add3A_1844 : i32
      %get3A_1846 = arith.index_cast %add3A_1781 : i32 to index
      %get3A_1847 = arith.index_cast %add3A_1845 : i32 to index
      %get3A_1848 = tpu.vector_load %arg15[%get3A_1846, %get3A_1847] {strides = array<i32>} : memref<256x128xf32, #tpu.memory_space<vmem>>, vector<1x16xf32>,
      %get3A_1849 = vector.shape_cast %get3A_1848 : vector<1x16xf32> to vector<16xf32>
      %add3A_1850 = arith.constant 48 : i32
      %add3A_1851 = arith.addi %squeeze3A_1785, %add3A_1850 : i32
      %get3A_1852 = arith.index_cast %add3A_1781 : i32 to index
      %get3A_1853 = arith.index_cast %add3A_1851 : i32 to index
      %get3A_1854 = tpu.vector_load %arg16[%get3A_1852, %get3A_1853] {strides = array<i32>} : memref<256x128xf32, #tpu.memory_space<vmem>>, vector<1x16xf32>,
      %get3A_1855 = vector.shape_cast %get3A_1854 : vector<1x16xf32> to vector<16xf32>
      %mul3A_1856 = arith.mulf %get3A_1849, %get3A_1855 : vector<16xf32>
      %add3A_1857 = arith.constant 48 : i32
      %add3A_1858 = arith.addi %squeeze3A_1787, %add3A_1857 : i32
      %get3A_1859 = arith.index_cast %add3A_1781 : i32 to index
      %get3A_1860 = arith.index_cast %add3A_1858 : i32 to index
      %get3A_1861 = tpu.vector_load %arg17[%get3A_1859, %get3A_1860] {strides = array<i32>} : memref<256x128xf32, #tpu.memory_space<vmem>>, vector<1x16xf32>,
      %get3A_1862 = vector.shape_cast %get3A_1861 : vector<1x16xf32> to vector<16xf32>
      %mul3A_1863 = arith.mulf %mul3A_1856, %get3A_1862 : vector<16xf32>
      %add3A_1864 = arith.addf %add3A_1843, %mul3A_1863 : vector<16xf32>
      %gather3A_1865 = vector.shape_cast %reshape3A : vector<16x1xi32> to vector<16xi32>
      %gather3A_1866 = tpu.dynamic_gather %add3A_1864[%gather3A_1865] in [0] : vector<16xf32>, vector<16xi32> -> vector<16xf32>
      %add3A_1867 = arith.addf %add3A_1864, %gather3A_1866 : vector<16xf32>
      %gather3A_1868 = vector.shape_cast %reshape3A_1005 : vector<16x1xi32> to vector<16xi32>
      %gather3A_1869 = tpu.dynamic_gather %add3A_1867[%gather3A_1868] in [0] : vector<16xf32>, vector<16xi32> -> vector<16xf32>
      %add3A_1870 = arith.addf %add3A_1867, %gather3A_1869 : vector<16xf32>
      %gather3A_1871 = vector.shape_cast %reshape3A_1012 : vector<16x1xi32> to vector<16xi32>
      %gather3A_1872 = tpu.dynamic_gather %add3A_1870[%gather3A_1871] in [0] : vector<16xf32>, vector<16xi32> -> vector<16xf32>
      %add3A_1873 = arith.addf %add3A_1870, %gather3A_1872 : vector<16xf32>
      %gather3A_1874 = vector.shape_cast %reshape3A_1019 : vector<16x1xi32> to vector<16xi32>
      %gather3A_1875 = tpu.dynamic_gather %add3A_1873[%gather3A_1874] in [0] : vector<16xf32>, vector<16xi32> -> vector<16xf32>
      %add3A_1876 = arith.addf %add3A_1873, %gather3A_1875 : vector<16xf32>
      %eq3A_1877 = arith.constant 5 : i32
      %eq3A_1878 = vector.broadcast %eq3A_1877 : i32 to vector<16xi32>
      %eq3A_1879 = arith.cmpi eq, %iota3A, %eq3A_1878 : vector<16xi32>
      %select_n3A_1880 = arith.select %eq3A_1879, %add3A_1876, %select_n3A_1779 : vector<16xi1>, vector<16xf32>
      %add3A_1881 = arith.constant 6 : i32
      %add3A_1882 = arith.addi %mul3A_1249, %add3A_1881 : i32
      %slice3A_1883 = vector.extract_strided_slice %mul3A_1260 {offsets = [6], sizes = [1], strides = [1]} : vector<16xi32> to vector<1xi32>
      %squeeze3A_1884 = vector.extract %slice3A_1883[0] : i32 from vector<1xi32>
      %slice3A_1885 = vector.extract_strided_slice %mul3A_1269 {offsets = [6], sizes = [1], strides = [1]} : vector<16xi32> to vector<1xi32>
      %squeeze3A_1886 = vector.extract %slice3A_1885[0] : i32 from vector<1xi32>
      %slice3A_1887 = vector.extract_strided_slice %mul3A_1278 {offsets = [6], sizes = [1], strides = [1]} : vector<16xi32> to vector<1xi32>
      %squeeze3A_1888 = vector.extract %slice3A_1887[0] : i32 from vector<1xi32>
      %get3A_1889 = arith.index_cast %add3A_1882 : i32 to index
      %get3A_1890 = arith.index_cast %squeeze3A_1884 : i32 to index
      %get3A_1891 = tpu.vector_load %arg15[%get3A_1889, %get3A_1890] {strides = array<i32>} : memref<256x128xf32, #tpu.memory_space<vmem>>, vector<1x16xf32>,
      %get3A_1892 = vector.shape_cast %get3A_1891 : vector<1x16xf32> to vector<16xf32>
      %get3A_1893 = arith.index_cast %add3A_1882 : i32 to index
      %get3A_1894 = arith.index_cast %squeeze3A_1886 : i32 to index
      %get3A_1895 = tpu.vector_load %arg16[%get3A_1893, %get3A_1894] {strides = array<i32>} : memref<256x128xf32, #tpu.memory_space<vmem>>, vector<1x16xf32>,
      %get3A_1896 = vector.shape_cast %get3A_1895 : vector<1x16xf32> to vector<16xf32>
      %mul3A_1897 = arith.mulf %get3A_1892, %get3A_1896 : vector<16xf32>
      %get3A_1898 = arith.index_cast %add3A_1882 : i32 to index
      %get3A_1899 = arith.index_cast %squeeze3A_1888 : i32 to index
      %get3A_1900 = tpu.vector_load %arg17[%get3A_1898, %get3A_1899] {strides = array<i32>} : memref<256x128xf32, #tpu.memory_space<vmem>>, vector<1x16xf32>,
      %get3A_1901 = vector.shape_cast %get3A_1900 : vector<1x16xf32> to vector<16xf32>
      %mul3A_1902 = arith.mulf %mul3A_1897, %get3A_1901 : vector<16xf32>
      %add3A_1903 = arith.constant 16 : i32
      %add3A_1904 = arith.addi %squeeze3A_1884, %add3A_1903 : i32
      %get3A_1905 = arith.index_cast %add3A_1882 : i32 to index
      %get3A_1906 = arith.index_cast %add3A_1904 : i32 to index
      %get3A_1907 = tpu.vector_load %arg15[%get3A_1905, %get3A_1906] {strides = array<i32>} : memref<256x128xf32, #tpu.memory_space<vmem>>, vector<1x16xf32>,
      %get3A_1908 = vector.shape_cast %get3A_1907 : vector<1x16xf32> to vector<16xf32>
      %add3A_1909 = arith.constant 16 : i32
      %add3A_1910 = arith.addi %squeeze3A_1886, %add3A_1909 : i32
      %get3A_1911 = arith.index_cast %add3A_1882 : i32 to index
      %get3A_1912 = arith.index_cast %add3A_1910 : i32 to index
      %get3A_1913 = tpu.vector_load %arg16[%get3A_1911, %get3A_1912] {strides = array<i32>} : memref<256x128xf32, #tpu.memory_space<vmem>>, vector<1x16xf32>,
      %get3A_1914 = vector.shape_cast %get3A_1913 : vector<1x16xf32> to vector<16xf32>
      %mul3A_1915 = arith.mulf %get3A_1908, %get3A_1914 : vector<16xf32>
      %add3A_1916 = arith.constant 16 : i32
      %add3A_1917 = arith.addi %squeeze3A_1888, %add3A_1916 : i32
      %get3A_1918 = arith.index_cast %add3A_1882 : i32 to index
      %get3A_1919 = arith.index_cast %add3A_1917 : i32 to index
      %get3A_1920 = tpu.vector_load %arg17[%get3A_1918, %get3A_1919] {strides = array<i32>} : memref<256x128xf32, #tpu.memory_space<vmem>>, vector<1x16xf32>,
      %get3A_1921 = vector.shape_cast %get3A_1920 : vector<1x16xf32> to vector<16xf32>
      %mul3A_1922 = arith.mulf %mul3A_1915, %get3A_1921 : vector<16xf32>
      %add3A_1923 = arith.addf %mul3A_1902, %mul3A_1922 : vector<16xf32>
      %add3A_1924 = arith.constant 32 : i32
      %add3A_1925 = arith.addi %squeeze3A_1884, %add3A_1924 : i32
      %get3A_1926 = arith.index_cast %add3A_1882 : i32 to index
      %get3A_1927 = arith.index_cast %add3A_1925 : i32 to index
      %get3A_1928 = tpu.vector_load %arg15[%get3A_1926, %get3A_1927] {strides = array<i32>} : memref<256x128xf32, #tpu.memory_space<vmem>>, vector<1x16xf32>,
      %get3A_1929 = vector.shape_cast %get3A_1928 : vector<1x16xf32> to vector<16xf32>
      %add3A_1930 = arith.constant 32 : i32
      %add3A_1931 = arith.addi %squeeze3A_1886, %add3A_1930 : i32
      %get3A_1932 = arith.index_cast %add3A_1882 : i32 to index
      %get3A_1933 = arith.index_cast %add3A_1931 : i32 to index
      %get3A_1934 = tpu.vector_load %arg16[%get3A_1932, %get3A_1933] {strides = array<i32>} : memref<256x128xf32, #tpu.memory_space<vmem>>, vector<1x16xf32>,
      %get3A_1935 = vector.shape_cast %get3A_1934 : vector<1x16xf32> to vector<16xf32>
      %mul3A_1936 = arith.mulf %get3A_1929, %get3A_1935 : vector<16xf32>
      %add3A_1937 = arith.constant 32 : i32
      %add3A_1938 = arith.addi %squeeze3A_1888, %add3A_1937 : i32
      %get3A_1939 = arith.index_cast %add3A_1882 : i32 to index
      %get3A_1940 = arith.index_cast %add3A_1938 : i32 to index
      %get3A_1941 = tpu.vector_load %arg17[%get3A_1939, %get3A_1940] {strides = array<i32>} : memref<256x128xf32, #tpu.memory_space<vmem>>, vector<1x16xf32>,
      %get3A_1942 = vector.shape_cast %get3A_1941 : vector<1x16xf32> to vector<16xf32>
      %mul3A_1943 = arith.mulf %mul3A_1936, %get3A_1942 : vector<16xf32>
      %add3A_1944 = arith.addf %add3A_1923, %mul3A_1943 : vector<16xf32>
      %add3A_1945 = arith.constant 48 : i32
      %add3A_1946 = arith.addi %squeeze3A_1884, %add3A_1945 : i32
      %get3A_1947 = arith.index_cast %add3A_1882 : i32 to index
      %get3A_1948 = arith.index_cast %add3A_1946 : i32 to index
      %get3A_1949 = tpu.vector_load %arg15[%get3A_1947, %get3A_1948] {strides = array<i32>} : memref<256x128xf32, #tpu.memory_space<vmem>>, vector<1x16xf32>,
      %get3A_1950 = vector.shape_cast %get3A_1949 : vector<1x16xf32> to vector<16xf32>
      %add3A_1951 = arith.constant 48 : i32
      %add3A_1952 = arith.addi %squeeze3A_1886, %add3A_1951 : i32
      %get3A_1953 = arith.index_cast %add3A_1882 : i32 to index
      %get3A_1954 = arith.index_cast %add3A_1952 : i32 to index
      %get3A_1955 = tpu.vector_load %arg16[%get3A_1953, %get3A_1954] {strides = array<i32>} : memref<256x128xf32, #tpu.memory_space<vmem>>, vector<1x16xf32>,
      %get3A_1956 = vector.shape_cast %get3A_1955 : vector<1x16xf32> to vector<16xf32>
      %mul3A_1957 = arith.mulf %get3A_1950, %get3A_1956 : vector<16xf32>
      %add3A_1958 = arith.constant 48 : i32
      %add3A_1959 = arith.addi %squeeze3A_1888, %add3A_1958 : i32
      %get3A_1960 = arith.index_cast %add3A_1882 : i32 to index
      %get3A_1961 = arith.index_cast %add3A_1959 : i32 to index
      %get3A_1962 = tpu.vector_load %arg17[%get3A_1960, %get3A_1961] {strides = array<i32>} : memref<256x128xf32, #tpu.memory_space<vmem>>, vector<1x16xf32>,
      %get3A_1963 = vector.shape_cast %get3A_1962 : vector<1x16xf32> to vector<16xf32>
      %mul3A_1964 = arith.mulf %mul3A_1957, %get3A_1963 : vector<16xf32>
      %add3A_1965 = arith.addf %add3A_1944, %mul3A_1964 : vector<16xf32>
      %gather3A_1966 = vector.shape_cast %reshape3A : vector<16x1xi32> to vector<16xi32>
      %gather3A_1967 = tpu.dynamic_gather %add3A_1965[%gather3A_1966] in [0] : vector<16xf32>, vector<16xi32> -> vector<16xf32>
      %add3A_1968 = arith.addf %add3A_1965, %gather3A_1967 : vector<16xf32>
      %gather3A_1969 = vector.shape_cast %reshape3A_1005 : vector<16x1xi32> to vector<16xi32>
      %gather3A_1970 = tpu.dynamic_gather %add3A_1968[%gather3A_1969] in [0] : vector<16xf32>, vector<16xi32> -> vector<16xf32>
      %add3A_1971 = arith.addf %add3A_1968, %gather3A_1970 : vector<16xf32>
      %gather3A_1972 = vector.shape_cast %reshape3A_1012 : vector<16x1xi32> to vector<16xi32>
      %gather3A_1973 = tpu.dynamic_gather %add3A_1971[%gather3A_1972] in [0] : vector<16xf32>, vector<16xi32> -> vector<16xf32>
      %add3A_1974 = arith.addf %add3A_1971, %gather3A_1973 : vector<16xf32>
      %gather3A_1975 = vector.shape_cast %reshape3A_1019 : vector<16x1xi32> to vector<16xi32>
      %gather3A_1976 = tpu.dynamic_gather %add3A_1974[%gather3A_1975] in [0] : vector<16xf32>, vector<16xi32> -> vector<16xf32>
      %add3A_1977 = arith.addf %add3A_1974, %gather3A_1976 : vector<16xf32>
      %eq3A_1978 = arith.constant 6 : i32
      %eq3A_1979 = vector.broadcast %eq3A_1978 : i32 to vector<16xi32>
      %eq3A_1980 = arith.cmpi eq, %iota3A, %eq3A_1979 : vector<16xi32>
      %select_n3A_1981 = arith.select %eq3A_1980, %add3A_1977, %select_n3A_1880 : vector<16xi1>, vector<16xf32>
      %add3A_1982 = arith.constant 7 : i32
      %add3A_1983 = arith.addi %mul3A_1249, %add3A_1982 : i32
      %slice3A_1984 = vector.extract_strided_slice %mul3A_1260 {offsets = [7], sizes = [1], strides = [1]} : vector<16xi32> to vector<1xi32>
      %squeeze3A_1985 = vector.extract %slice3A_1984[0] : i32 from vector<1xi32>
      %slice3A_1986 = vector.extract_strided_slice %mul3A_1269 {offsets = [7], sizes = [1], strides = [1]} : vector<16xi32> to vector<1xi32>
      %squeeze3A_1987 = vector.extract %slice3A_1986[0] : i32 from vector<1xi32>
      %slice3A_1988 = vector.extract_strided_slice %mul3A_1278 {offsets = [7], sizes = [1], strides = [1]} : vector<16xi32> to vector<1xi32>
      %squeeze3A_1989 = vector.extract %slice3A_1988[0] : i32 from vector<1xi32>
      %get3A_1990 = arith.index_cast %add3A_1983 : i32 to index
      %get3A_1991 = arith.index_cast %squeeze3A_1985 : i32 to index
      %get3A_1992 = tpu.vector_load %arg15[%get3A_1990, %get3A_1991] {strides = array<i32>} : memref<256x128xf32, #tpu.memory_space<vmem>>, vector<1x16xf32>,
      %get3A_1993 = vector.shape_cast %get3A_1992 : vector<1x16xf32> to vector<16xf32>
      %get3A_1994 = arith.index_cast %add3A_1983 : i32 to index
      %get3A_1995 = arith.index_cast %squeeze3A_1987 : i32 to index
      %get3A_1996 = tpu.vector_load %arg16[%get3A_1994, %get3A_1995] {strides = array<i32>} : memref<256x128xf32, #tpu.memory_space<vmem>>, vector<1x16xf32>,
      %get3A_1997 = vector.shape_cast %get3A_1996 : vector<1x16xf32> to vector<16xf32>
      %mul3A_1998 = arith.mulf %get3A_1993, %get3A_1997 : vector<16xf32>
      %get3A_1999 = arith.index_cast %add3A_1983 : i32 to index
      %get3A_2000 = arith.index_cast %squeeze3A_1989 : i32 to index
      %get3A_2001 = tpu.vector_load %arg17[%get3A_1999, %get3A_2000] {strides = array<i32>} : memref<256x128xf32, #tpu.memory_space<vmem>>, vector<1x16xf32>,
      %get3A_2002 = vector.shape_cast %get3A_2001 : vector<1x16xf32> to vector<16xf32>
      %mul3A_2003 = arith.mulf %mul3A_1998, %get3A_2002 : vector<16xf32>
      %add3A_2004 = arith.constant 16 : i32
      %add3A_2005 = arith.addi %squeeze3A_1985, %add3A_2004 : i32
      %get3A_2006 = arith.index_cast %add3A_1983 : i32 to index
      %get3A_2007 = arith.index_cast %add3A_2005 : i32 to index
      %get3A_2008 = tpu.vector_load %arg15[%get3A_2006, %get3A_2007] {strides = array<i32>} : memref<256x128xf32, #tpu.memory_space<vmem>>, vector<1x16xf32>,
      %get3A_2009 = vector.shape_cast %get3A_2008 : vector<1x16xf32> to vector<16xf32>
      %add3A_2010 = arith.constant 16 : i32
      %add3A_2011 = arith.addi %squeeze3A_1987, %add3A_2010 : i32
      %get3A_2012 = arith.index_cast %add3A_1983 : i32 to index
      %get3A_2013 = arith.index_cast %add3A_2011 : i32 to index
      %get3A_2014 = tpu.vector_load %arg16[%get3A_2012, %get3A_2013] {strides = array<i32>} : memref<256x128xf32, #tpu.memory_space<vmem>>, vector<1x16xf32>,
      %get3A_2015 = vector.shape_cast %get3A_2014 : vector<1x16xf32> to vector<16xf32>
      %mul3A_2016 = arith.mulf %get3A_2009, %get3A_2015 : vector<16xf32>
      %add3A_2017 = arith.constant 16 : i32
      %add3A_2018 = arith.addi %squeeze3A_1989, %add3A_2017 : i32
      %get3A_2019 = arith.index_cast %add3A_1983 : i32 to index
      %get3A_2020 = arith.index_cast %add3A_2018 : i32 to index
      %get3A_2021 = tpu.vector_load %arg17[%get3A_2019, %get3A_2020] {strides = array<i32>} : memref<256x128xf32, #tpu.memory_space<vmem>>, vector<1x16xf32>,
      %get3A_2022 = vector.shape_cast %get3A_2021 : vector<1x16xf32> to vector<16xf32>
      %mul3A_2023 = arith.mulf %mul3A_2016, %get3A_2022 : vector<16xf32>
      %add3A_2024 = arith.addf %mul3A_2003, %mul3A_2023 : vector<16xf32>
      %add3A_2025 = arith.constant 32 : i32
      %add3A_2026 = arith.addi %squeeze3A_1985, %add3A_2025 : i32
      %get3A_2027 = arith.index_cast %add3A_1983 : i32 to index
      %get3A_2028 = arith.index_cast %add3A_2026 : i32 to index
      %get3A_2029 = tpu.vector_load %arg15[%get3A_2027, %get3A_2028] {strides = array<i32>} : memref<256x128xf32, #tpu.memory_space<vmem>>, vector<1x16xf32>,
      %get3A_2030 = vector.shape_cast %get3A_2029 : vector<1x16xf32> to vector<16xf32>
      %add3A_2031 = arith.constant 32 : i32
      %add3A_2032 = arith.addi %squeeze3A_1987, %add3A_2031 : i32
      %get3A_2033 = arith.index_cast %add3A_1983 : i32 to index
      %get3A_2034 = arith.index_cast %add3A_2032 : i32 to index
      %get3A_2035 = tpu.vector_load %arg16[%get3A_2033, %get3A_2034] {strides = array<i32>} : memref<256x128xf32, #tpu.memory_space<vmem>>, vector<1x16xf32>,
      %get3A_2036 = vector.shape_cast %get3A_2035 : vector<1x16xf32> to vector<16xf32>
      %mul3A_2037 = arith.mulf %get3A_2030, %get3A_2036 : vector<16xf32>
      %add3A_2038 = arith.constant 32 : i32
      %add3A_2039 = arith.addi %squeeze3A_1989, %add3A_2038 : i32
      %get3A_2040 = arith.index_cast %add3A_1983 : i32 to index
      %get3A_2041 = arith.index_cast %add3A_2039 : i32 to index
      %get3A_2042 = tpu.vector_load %arg17[%get3A_2040, %get3A_2041] {strides = array<i32>} : memref<256x128xf32, #tpu.memory_space<vmem>>, vector<1x16xf32>,
      %get3A_2043 = vector.shape_cast %get3A_2042 : vector<1x16xf32> to vector<16xf32>
      %mul3A_2044 = arith.mulf %mul3A_2037, %get3A_2043 : vector<16xf32>
      %add3A_2045 = arith.addf %add3A_2024, %mul3A_2044 : vector<16xf32>
      %add3A_2046 = arith.constant 48 : i32
      %add3A_2047 = arith.addi %squeeze3A_1985, %add3A_2046 : i32
      %get3A_2048 = arith.index_cast %add3A_1983 : i32 to index
      %get3A_2049 = arith.index_cast %add3A_2047 : i32 to index
      %get3A_2050 = tpu.vector_load %arg15[%get3A_2048, %get3A_2049] {strides = array<i32>} : memref<256x128xf32, #tpu.memory_space<vmem>>, vector<1x16xf32>,
      %get3A_2051 = vector.shape_cast %get3A_2050 : vector<1x16xf32> to vector<16xf32>
      %add3A_2052 = arith.constant 48 : i32
      %add3A_2053 = arith.addi %squeeze3A_1987, %add3A_2052 : i32
      %get3A_2054 = arith.index_cast %add3A_1983 : i32 to index
      %get3A_2055 = arith.index_cast %add3A_2053 : i32 to index
      %get3A_2056 = tpu.vector_load %arg16[%get3A_2054, %get3A_2055] {strides = array<i32>} : memref<256x128xf32, #tpu.memory_space<vmem>>, vector<1x16xf32>,
      %get3A_2057 = vector.shape_cast %get3A_2056 : vector<1x16xf32> to vector<16xf32>
      %mul3A_2058 = arith.mulf %get3A_2051, %get3A_2057 : vector<16xf32>
      %add3A_2059 = arith.constant 48 : i32
      %add3A_2060 = arith.addi %squeeze3A_1989, %add3A_2059 : i32
      %get3A_2061 = arith.index_cast %add3A_1983 : i32 to index
      %get3A_2062 = arith.index_cast %add3A_2060 : i32 to index
      %get3A_2063 = tpu.vector_load %arg17[%get3A_2061, %get3A_2062] {strides = array<i32>} : memref<256x128xf32, #tpu.memory_space<vmem>>, vector<1x16xf32>,
      %get3A_2064 = vector.shape_cast %get3A_2063 : vector<1x16xf32> to vector<16xf32>
      %mul3A_2065 = arith.mulf %mul3A_2058, %get3A_2064 : vector<16xf32>
      %add3A_2066 = arith.addf %add3A_2045, %mul3A_2065 : vector<16xf32>
      %gather3A_2067 = vector.shape_cast %reshape3A : vector<16x1xi32> to vector<16xi32>
      %gather3A_2068 = tpu.dynamic_gather %add3A_2066[%gather3A_2067] in [0] : vector<16xf32>, vector<16xi32> -> vector<16xf32>
      %add3A_2069 = arith.addf %add3A_2066, %gather3A_2068 : vector<16xf32>
      %gather3A_2070 = vector.shape_cast %reshape3A_1005 : vector<16x1xi32> to vector<16xi32>
      %gather3A_2071 = tpu.dynamic_gather %add3A_2069[%gather3A_2070] in [0] : vector<16xf32>, vector<16xi32> -> vector<16xf32>
      %add3A_2072 = arith.addf %add3A_2069, %gather3A_2071 : vector<16xf32>
      %gather3A_2073 = vector.shape_cast %reshape3A_1012 : vector<16x1xi32> to vector<16xi32>
      %gather3A_2074 = tpu.dynamic_gather %add3A_2072[%gather3A_2073] in [0] : vector<16xf32>, vector<16xi32> -> vector<16xf32>
      %add3A_2075 = arith.addf %add3A_2072, %gather3A_2074 : vector<16xf32>
      %gather3A_2076 = vector.shape_cast %reshape3A_1019 : vector<16x1xi32> to vector<16xi32>
      %gather3A_2077 = tpu.dynamic_gather %add3A_2075[%gather3A_2076] in [0] : vector<16xf32>, vector<16xi32> -> vector<16xf32>
      %add3A_2078 = arith.addf %add3A_2075, %gather3A_2077 : vector<16xf32>
      %eq3A_2079 = arith.constant 7 : i32
      %eq3A_2080 = vector.broadcast %eq3A_2079 : i32 to vector<16xi32>
      %eq3A_2081 = arith.cmpi eq, %iota3A, %eq3A_2080 : vector<16xi32>
      %select_n3A_2082 = arith.select %eq3A_2081, %add3A_2078, %select_n3A_1981 : vector<16xi1>, vector<16xf32>
      %add3A_2083 = arith.constant 8 : i32
      %add3A_2084 = arith.addi %mul3A_1249, %add3A_2083 : i32
      %slice3A_2085 = vector.extract_strided_slice %mul3A_1260 {offsets = [8], sizes = [1], strides = [1]} : vector<16xi32> to vector<1xi32>
      %squeeze3A_2086 = vector.extract %slice3A_2085[0] : i32 from vector<1xi32>
      %slice3A_2087 = vector.extract_strided_slice %mul3A_1269 {offsets = [8], sizes = [1], strides = [1]} : vector<16xi32> to vector<1xi32>
      %squeeze3A_2088 = vector.extract %slice3A_2087[0] : i32 from vector<1xi32>
      %slice3A_2089 = vector.extract_strided_slice %mul3A_1278 {offsets = [8], sizes = [1], strides = [1]} : vector<16xi32> to vector<1xi32>
      %squeeze3A_2090 = vector.extract %slice3A_2089[0] : i32 from vector<1xi32>
      %get3A_2091 = arith.index_cast %add3A_2084 : i32 to index
      %get3A_2092 = arith.index_cast %squeeze3A_2086 : i32 to index
      %get3A_2093 = tpu.vector_load %arg15[%get3A_2091, %get3A_2092] {strides = array<i32>} : memref<256x128xf32, #tpu.memory_space<vmem>>, vector<1x16xf32>,
      %get3A_2094 = vector.shape_cast %get3A_2093 : vector<1x16xf32> to vector<16xf32>
      %get3A_2095 = arith.index_cast %add3A_2084 : i32 to index
      %get3A_2096 = arith.index_cast %squeeze3A_2088 : i32 to index
      %get3A_2097 = tpu.vector_load %arg16[%get3A_2095, %get3A_2096] {strides = array<i32>} : memref<256x128xf32, #tpu.memory_space<vmem>>, vector<1x16xf32>,
      %get3A_2098 = vector.shape_cast %get3A_2097 : vector<1x16xf32> to vector<16xf32>
      %mul3A_2099 = arith.mulf %get3A_2094, %get3A_2098 : vector<16xf32>
      %get3A_2100 = arith.index_cast %add3A_2084 : i32 to index
      %get3A_2101 = arith.index_cast %squeeze3A_2090 : i32 to index
      %get3A_2102 = tpu.vector_load %arg17[%get3A_2100, %get3A_2101] {strides = array<i32>} : memref<256x128xf32, #tpu.memory_space<vmem>>, vector<1x16xf32>,
      %get3A_2103 = vector.shape_cast %get3A_2102 : vector<1x16xf32> to vector<16xf32>
      %mul3A_2104 = arith.mulf %mul3A_2099, %get3A_2103 : vector<16xf32>
      %add3A_2105 = arith.constant 16 : i32
      %add3A_2106 = arith.addi %squeeze3A_2086, %add3A_2105 : i32
      %get3A_2107 = arith.index_cast %add3A_2084 : i32 to index
      %get3A_2108 = arith.index_cast %add3A_2106 : i32 to index
      %get3A_2109 = tpu.vector_load %arg15[%get3A_2107, %get3A_2108] {strides = array<i32>} : memref<256x128xf32, #tpu.memory_space<vmem>>, vector<1x16xf32>,
      %get3A_2110 = vector.shape_cast %get3A_2109 : vector<1x16xf32> to vector<16xf32>
      %add3A_2111 = arith.constant 16 : i32
      %add3A_2112 = arith.addi %squeeze3A_2088, %add3A_2111 : i32
      %get3A_2113 = arith.index_cast %add3A_2084 : i32 to index
      %get3A_2114 = arith.index_cast %add3A_2112 : i32 to index
      %get3A_2115 = tpu.vector_load %arg16[%get3A_2113, %get3A_2114] {strides = array<i32>} : memref<256x128xf32, #tpu.memory_space<vmem>>, vector<1x16xf32>,
      %get3A_2116 = vector.shape_cast %get3A_2115 : vector<1x16xf32> to vector<16xf32>
      %mul3A_2117 = arith.mulf %get3A_2110, %get3A_2116 : vector<16xf32>
      %add3A_2118 = arith.constant 16 : i32
      %add3A_2119 = arith.addi %squeeze3A_2090, %add3A_2118 : i32
      %get3A_2120 = arith.index_cast %add3A_2084 : i32 to index
      %get3A_2121 = arith.index_cast %add3A_2119 : i32 to index
      %get3A_2122 = tpu.vector_load %arg17[%get3A_2120, %get3A_2121] {strides = array<i32>} : memref<256x128xf32, #tpu.memory_space<vmem>>, vector<1x16xf32>,
      %get3A_2123 = vector.shape_cast %get3A_2122 : vector<1x16xf32> to vector<16xf32>
      %mul3A_2124 = arith.mulf %mul3A_2117, %get3A_2123 : vector<16xf32>
      %add3A_2125 = arith.addf %mul3A_2104, %mul3A_2124 : vector<16xf32>
      %add3A_2126 = arith.constant 32 : i32
      %add3A_2127 = arith.addi %squeeze3A_2086, %add3A_2126 : i32
      %get3A_2128 = arith.index_cast %add3A_2084 : i32 to index
      %get3A_2129 = arith.index_cast %add3A_2127 : i32 to index
      %get3A_2130 = tpu.vector_load %arg15[%get3A_2128, %get3A_2129] {strides = array<i32>} : memref<256x128xf32, #tpu.memory_space<vmem>>, vector<1x16xf32>,
      %get3A_2131 = vector.shape_cast %get3A_2130 : vector<1x16xf32> to vector<16xf32>
      %add3A_2132 = arith.constant 32 : i32
      %add3A_2133 = arith.addi %squeeze3A_2088, %add3A_2132 : i32
      %get3A_2134 = arith.index_cast %add3A_2084 : i32 to index
      %get3A_2135 = arith.index_cast %add3A_2133 : i32 to index
      %get3A_2136 = tpu.vector_load %arg16[%get3A_2134, %get3A_2135] {strides = array<i32>} : memref<256x128xf32, #tpu.memory_space<vmem>>, vector<1x16xf32>,
      %get3A_2137 = vector.shape_cast %get3A_2136 : vector<1x16xf32> to vector<16xf32>
      %mul3A_2138 = arith.mulf %get3A_2131, %get3A_2137 : vector<16xf32>
      %add3A_2139 = arith.constant 32 : i32
      %add3A_2140 = arith.addi %squeeze3A_2090, %add3A_2139 : i32
      %get3A_2141 = arith.index_cast %add3A_2084 : i32 to index
      %get3A_2142 = arith.index_cast %add3A_2140 : i32 to index
      %get3A_2143 = tpu.vector_load %arg17[%get3A_2141, %get3A_2142] {strides = array<i32>} : memref<256x128xf32, #tpu.memory_space<vmem>>, vector<1x16xf32>,
      %get3A_2144 = vector.shape_cast %get3A_2143 : vector<1x16xf32> to vector<16xf32>
      %mul3A_2145 = arith.mulf %mul3A_2138, %get3A_2144 : vector<16xf32>
      %add3A_2146 = arith.addf %add3A_2125, %mul3A_2145 : vector<16xf32>
      %add3A_2147 = arith.constant 48 : i32
      %add3A_2148 = arith.addi %squeeze3A_2086, %add3A_2147 : i32
      %get3A_2149 = arith.index_cast %add3A_2084 : i32 to index
      %get3A_2150 = arith.index_cast %add3A_2148 : i32 to index
      %get3A_2151 = tpu.vector_load %arg15[%get3A_2149, %get3A_2150] {strides = array<i32>} : memref<256x128xf32, #tpu.memory_space<vmem>>, vector<1x16xf32>,
      %get3A_2152 = vector.shape_cast %get3A_2151 : vector<1x16xf32> to vector<16xf32>
      %add3A_2153 = arith.constant 48 : i32
      %add3A_2154 = arith.addi %squeeze3A_2088, %add3A_2153 : i32
      %get3A_2155 = arith.index_cast %add3A_2084 : i32 to index
      %get3A_2156 = arith.index_cast %add3A_2154 : i32 to index
      %get3A_2157 = tpu.vector_load %arg16[%get3A_2155, %get3A_2156] {strides = array<i32>} : memref<256x128xf32, #tpu.memory_space<vmem>>, vector<1x16xf32>,
      %get3A_2158 = vector.shape_cast %get3A_2157 : vector<1x16xf32> to vector<16xf32>
      %mul3A_2159 = arith.mulf %get3A_2152, %get3A_2158 : vector<16xf32>
      %add3A_2160 = arith.constant 48 : i32
      %add3A_2161 = arith.addi %squeeze3A_2090, %add3A_2160 : i32
      %get3A_2162 = arith.index_cast %add3A_2084 : i32 to index
      %get3A_2163 = arith.index_cast %add3A_2161 : i32 to index
      %get3A_2164 = tpu.vector_load %arg17[%get3A_2162, %get3A_2163] {strides = array<i32>} : memref<256x128xf32, #tpu.memory_space<vmem>>, vector<1x16xf32>,
      %get3A_2165 = vector.shape_cast %get3A_2164 : vector<1x16xf32> to vector<16xf32>
      %mul3A_2166 = arith.mulf %mul3A_2159, %get3A_2165 : vector<16xf32>
      %add3A_2167 = arith.addf %add3A_2146, %mul3A_2166 : vector<16xf32>
      %gather3A_2168 = vector.shape_cast %reshape3A : vector<16x1xi32> to vector<16xi32>
      %gather3A_2169 = tpu.dynamic_gather %add3A_2167[%gather3A_2168] in [0] : vector<16xf32>, vector<16xi32> -> vector<16xf32>
      %add3A_2170 = arith.addf %add3A_2167, %gather3A_2169 : vector<16xf32>
      %gather3A_2171 = vector.shape_cast %reshape3A_1005 : vector<16x1xi32> to vector<16xi32>
      %gather3A_2172 = tpu.dynamic_gather %add3A_2170[%gather3A_2171] in [0] : vector<16xf32>, vector<16xi32> -> vector<16xf32>
      %add3A_2173 = arith.addf %add3A_2170, %gather3A_2172 : vector<16xf32>
      %gather3A_2174 = vector.shape_cast %reshape3A_1012 : vector<16x1xi32> to vector<16xi32>
      %gather3A_2175 = tpu.dynamic_gather %add3A_2173[%gather3A_2174] in [0] : vector<16xf32>, vector<16xi32> -> vector<16xf32>
      %add3A_2176 = arith.addf %add3A_2173, %gather3A_2175 : vector<16xf32>
      %gather3A_2177 = vector.shape_cast %reshape3A_1019 : vector<16x1xi32> to vector<16xi32>
      %gather3A_2178 = tpu.dynamic_gather %add3A_2176[%gather3A_2177] in [0] : vector<16xf32>, vector<16xi32> -> vector<16xf32>
      %add3A_2179 = arith.addf %add3A_2176, %gather3A_2178 : vector<16xf32>
      %eq3A_2180 = arith.constant 8 : i32
      %eq3A_2181 = vector.broadcast %eq3A_2180 : i32 to vector<16xi32>
      %eq3A_2182 = arith.cmpi eq, %iota3A, %eq3A_2181 : vector<16xi32>
      %select_n3A_2183 = arith.select %eq3A_2182, %add3A_2179, %select_n3A_2082 : vector<16xi1>, vector<16xf32>
      %add3A_2184 = arith.constant 9 : i32
      %add3A_2185 = arith.addi %mul3A_1249, %add3A_2184 : i32
      %slice3A_2186 = vector.extract_strided_slice %mul3A_1260 {offsets = [9], sizes = [1], strides = [1]} : vector<16xi32> to vector<1xi32>
      %squeeze3A_2187 = vector.extract %slice3A_2186[0] : i32 from vector<1xi32>
      %slice3A_2188 = vector.extract_strided_slice %mul3A_1269 {offsets = [9], sizes = [1], strides = [1]} : vector<16xi32> to vector<1xi32>
      %squeeze3A_2189 = vector.extract %slice3A_2188[0] : i32 from vector<1xi32>
      %slice3A_2190 = vector.extract_strided_slice %mul3A_1278 {offsets = [9], sizes = [1], strides = [1]} : vector<16xi32> to vector<1xi32>
      %squeeze3A_2191 = vector.extract %slice3A_2190[0] : i32 from vector<1xi32>
      %get3A_2192 = arith.index_cast %add3A_2185 : i32 to index
      %get3A_2193 = arith.index_cast %squeeze3A_2187 : i32 to index
      %get3A_2194 = tpu.vector_load %arg15[%get3A_2192, %get3A_2193] {strides = array<i32>} : memref<256x128xf32, #tpu.memory_space<vmem>>, vector<1x16xf32>,
      %get3A_2195 = vector.shape_cast %get3A_2194 : vector<1x16xf32> to vector<16xf32>
      %get3A_2196 = arith.index_cast %add3A_2185 : i32 to index
      %get3A_2197 = arith.index_cast %squeeze3A_2189 : i32 to index
      %get3A_2198 = tpu.vector_load %arg16[%get3A_2196, %get3A_2197] {strides = array<i32>} : memref<256x128xf32, #tpu.memory_space<vmem>>, vector<1x16xf32>,
      %get3A_2199 = vector.shape_cast %get3A_2198 : vector<1x16xf32> to vector<16xf32>
      %mul3A_2200 = arith.mulf %get3A_2195, %get3A_2199 : vector<16xf32>
      %get3A_2201 = arith.index_cast %add3A_2185 : i32 to index
      %get3A_2202 = arith.index_cast %squeeze3A_2191 : i32 to index
      %get3A_2203 = tpu.vector_load %arg17[%get3A_2201, %get3A_2202] {strides = array<i32>} : memref<256x128xf32, #tpu.memory_space<vmem>>, vector<1x16xf32>,
      %get3A_2204 = vector.shape_cast %get3A_2203 : vector<1x16xf32> to vector<16xf32>
      %mul3A_2205 = arith.mulf %mul3A_2200, %get3A_2204 : vector<16xf32>
      %add3A_2206 = arith.constant 16 : i32
      %add3A_2207 = arith.addi %squeeze3A_2187, %add3A_2206 : i32
      %get3A_2208 = arith.index_cast %add3A_2185 : i32 to index
      %get3A_2209 = arith.index_cast %add3A_2207 : i32 to index
      %get3A_2210 = tpu.vector_load %arg15[%get3A_2208, %get3A_2209] {strides = array<i32>} : memref<256x128xf32, #tpu.memory_space<vmem>>, vector<1x16xf32>,
      %get3A_2211 = vector.shape_cast %get3A_2210 : vector<1x16xf32> to vector<16xf32>
      %add3A_2212 = arith.constant 16 : i32
      %add3A_2213 = arith.addi %squeeze3A_2189, %add3A_2212 : i32
      %get3A_2214 = arith.index_cast %add3A_2185 : i32 to index
      %get3A_2215 = arith.index_cast %add3A_2213 : i32 to index
      %get3A_2216 = tpu.vector_load %arg16[%get3A_2214, %get3A_2215] {strides = array<i32>} : memref<256x128xf32, #tpu.memory_space<vmem>>, vector<1x16xf32>,
      %get3A_2217 = vector.shape_cast %get3A_2216 : vector<1x16xf32> to vector<16xf32>
      %mul3A_2218 = arith.mulf %get3A_2211, %get3A_2217 : vector<16xf32>
      %add3A_2219 = arith.constant 16 : i32
      %add3A_2220 = arith.addi %squeeze3A_2191, %add3A_2219 : i32
      %get3A_2221 = arith.index_cast %add3A_2185 : i32 to index
      %get3A_2222 = arith.index_cast %add3A_2220 : i32 to index
      %get3A_2223 = tpu.vector_load %arg17[%get3A_2221, %get3A_2222] {strides = array<i32>} : memref<256x128xf32, #tpu.memory_space<vmem>>, vector<1x16xf32>,
      %get3A_2224 = vector.shape_cast %get3A_2223 : vector<1x16xf32> to vector<16xf32>
      %mul3A_2225 = arith.mulf %mul3A_2218, %get3A_2224 : vector<16xf32>
      %add3A_2226 = arith.addf %mul3A_2205, %mul3A_2225 : vector<16xf32>
      %add3A_2227 = arith.constant 32 : i32
      %add3A_2228 = arith.addi %squeeze3A_2187, %add3A_2227 : i32
      %get3A_2229 = arith.index_cast %add3A_2185 : i32 to index
      %get3A_2230 = arith.index_cast %add3A_2228 : i32 to index
      %get3A_2231 = tpu.vector_load %arg15[%get3A_2229, %get3A_2230] {strides = array<i32>} : memref<256x128xf32, #tpu.memory_space<vmem>>, vector<1x16xf32>,
      %get3A_2232 = vector.shape_cast %get3A_2231 : vector<1x16xf32> to vector<16xf32>
      %add3A_2233 = arith.constant 32 : i32
      %add3A_2234 = arith.addi %squeeze3A_2189, %add3A_2233 : i32
      %get3A_2235 = arith.index_cast %add3A_2185 : i32 to index
      %get3A_2236 = arith.index_cast %add3A_2234 : i32 to index
      %get3A_2237 = tpu.vector_load %arg16[%get3A_2235, %get3A_2236] {strides = array<i32>} : memref<256x128xf32, #tpu.memory_space<vmem>>, vector<1x16xf32>,
      %get3A_2238 = vector.shape_cast %get3A_2237 : vector<1x16xf32> to vector<16xf32>
      %mul3A_2239 = arith.mulf %get3A_2232, %get3A_2238 : vector<16xf32>
      %add3A_2240 = arith.constant 32 : i32
      %add3A_2241 = arith.addi %squeeze3A_2191, %add3A_2240 : i32
      %get3A_2242 = arith.index_cast %add3A_2185 : i32 to index
      %get3A_2243 = arith.index_cast %add3A_2241 : i32 to index
      %get3A_2244 = tpu.vector_load %arg17[%get3A_2242, %get3A_2243] {strides = array<i32>} : memref<256x128xf32, #tpu.memory_space<vmem>>, vector<1x16xf32>,
      %get3A_2245 = vector.shape_cast %get3A_2244 : vector<1x16xf32> to vector<16xf32>
      %mul3A_2246 = arith.mulf %mul3A_2239, %get3A_2245 : vector<16xf32>
      %add3A_2247 = arith.addf %add3A_2226, %mul3A_2246 : vector<16xf32>
      %add3A_2248 = arith.constant 48 : i32
      %add3A_2249 = arith.addi %squeeze3A_2187, %add3A_2248 : i32
      %get3A_2250 = arith.index_cast %add3A_2185 : i32 to index
      %get3A_2251 = arith.index_cast %add3A_2249 : i32 to index
      %get3A_2252 = tpu.vector_load %arg15[%get3A_2250, %get3A_2251] {strides = array<i32>} : memref<256x128xf32, #tpu.memory_space<vmem>>, vector<1x16xf32>,
      %get3A_2253 = vector.shape_cast %get3A_2252 : vector<1x16xf32> to vector<16xf32>
      %add3A_2254 = arith.constant 48 : i32
      %add3A_2255 = arith.addi %squeeze3A_2189, %add3A_2254 : i32
      %get3A_2256 = arith.index_cast %add3A_2185 : i32 to index
      %get3A_2257 = arith.index_cast %add3A_2255 : i32 to index
      %get3A_2258 = tpu.vector_load %arg16[%get3A_2256, %get3A_2257] {strides = array<i32>} : memref<256x128xf32, #tpu.memory_space<vmem>>, vector<1x16xf32>,
      %get3A_2259 = vector.shape_cast %get3A_2258 : vector<1x16xf32> to vector<16xf32>
      %mul3A_2260 = arith.mulf %get3A_2253, %get3A_2259 : vector<16xf32>
      %add3A_2261 = arith.constant 48 : i32
      %add3A_2262 = arith.addi %squeeze3A_2191, %add3A_2261 : i32
      %get3A_2263 = arith.index_cast %add3A_2185 : i32 to index
      %get3A_2264 = arith.index_cast %add3A_2262 : i32 to index
      %get3A_2265 = tpu.vector_load %arg17[%get3A_2263, %get3A_2264] {strides = array<i32>} : memref<256x128xf32, #tpu.memory_space<vmem>>, vector<1x16xf32>,
      %get3A_2266 = vector.shape_cast %get3A_2265 : vector<1x16xf32> to vector<16xf32>
      %mul3A_2267 = arith.mulf %mul3A_2260, %get3A_2266 : vector<16xf32>
      %add3A_2268 = arith.addf %add3A_2247, %mul3A_2267 : vector<16xf32>
      %gather3A_2269 = vector.shape_cast %reshape3A : vector<16x1xi32> to vector<16xi32>
      %gather3A_2270 = tpu.dynamic_gather %add3A_2268[%gather3A_2269] in [0] : vector<16xf32>, vector<16xi32> -> vector<16xf32>
      %add3A_2271 = arith.addf %add3A_2268, %gather3A_2270 : vector<16xf32>
      %gather3A_2272 = vector.shape_cast %reshape3A_1005 : vector<16x1xi32> to vector<16xi32>
      %gather3A_2273 = tpu.dynamic_gather %add3A_2271[%gather3A_2272] in [0] : vector<16xf32>, vector<16xi32> -> vector<16xf32>
      %add3A_2274 = arith.addf %add3A_2271, %gather3A_2273 : vector<16xf32>
      %gather3A_2275 = vector.shape_cast %reshape3A_1012 : vector<16x1xi32> to vector<16xi32>
      %gather3A_2276 = tpu.dynamic_gather %add3A_2274[%gather3A_2275] in [0] : vector<16xf32>, vector<16xi32> -> vector<16xf32>
      %add3A_2277 = arith.addf %add3A_2274, %gather3A_2276 : vector<16xf32>
      %gather3A_2278 = vector.shape_cast %reshape3A_1019 : vector<16x1xi32> to vector<16xi32>
      %gather3A_2279 = tpu.dynamic_gather %add3A_2277[%gather3A_2278] in [0] : vector<16xf32>, vector<16xi32> -> vector<16xf32>
      %add3A_2280 = arith.addf %add3A_2277, %gather3A_2279 : vector<16xf32>
      %eq3A_2281 = arith.constant 9 : i32
      %eq3A_2282 = vector.broadcast %eq3A_2281 : i32 to vector<16xi32>
      %eq3A_2283 = arith.cmpi eq, %iota3A, %eq3A_2282 : vector<16xi32>
      %select_n3A_2284 = arith.select %eq3A_2283, %add3A_2280, %select_n3A_2183 : vector<16xi1>, vector<16xf32>
      %add3A_2285 = arith.constant 10 : i32
      %add3A_2286 = arith.addi %mul3A_1249, %add3A_2285 : i32
      %slice3A_2287 = vector.extract_strided_slice %mul3A_1260 {offsets = [10], sizes = [1], strides = [1]} : vector<16xi32> to vector<1xi32>
      %squeeze3A_2288 = vector.extract %slice3A_2287[0] : i32 from vector<1xi32>
      %slice3A_2289 = vector.extract_strided_slice %mul3A_1269 {offsets = [10], sizes = [1], strides = [1]} : vector<16xi32> to vector<1xi32>
      %squeeze3A_2290 = vector.extract %slice3A_2289[0] : i32 from vector<1xi32>
      %slice3A_2291 = vector.extract_strided_slice %mul3A_1278 {offsets = [10], sizes = [1], strides = [1]} : vector<16xi32> to vector<1xi32>
      %squeeze3A_2292 = vector.extract %slice3A_2291[0] : i32 from vector<1xi32>
      %get3A_2293 = arith.index_cast %add3A_2286 : i32 to index
      %get3A_2294 = arith.index_cast %squeeze3A_2288 : i32 to index
      %get3A_2295 = tpu.vector_load %arg15[%get3A_2293, %get3A_2294] {strides = array<i32>} : memref<256x128xf32, #tpu.memory_space<vmem>>, vector<1x16xf32>,
      %get3A_2296 = vector.shape_cast %get3A_2295 : vector<1x16xf32> to vector<16xf32>
      %get3A_2297 = arith.index_cast %add3A_2286 : i32 to index
      %get3A_2298 = arith.index_cast %squeeze3A_2290 : i32 to index
      %get3A_2299 = tpu.vector_load %arg16[%get3A_2297, %get3A_2298] {strides = array<i32>} : memref<256x128xf32, #tpu.memory_space<vmem>>, vector<1x16xf32>,
      %get3A_2300 = vector.shape_cast %get3A_2299 : vector<1x16xf32> to vector<16xf32>
      %mul3A_2301 = arith.mulf %get3A_2296, %get3A_2300 : vector<16xf32>
      %get3A_2302 = arith.index_cast %add3A_2286 : i32 to index
      %get3A_2303 = arith.index_cast %squeeze3A_2292 : i32 to index
      %get3A_2304 = tpu.vector_load %arg17[%get3A_2302, %get3A_2303] {strides = array<i32>} : memref<256x128xf32, #tpu.memory_space<vmem>>, vector<1x16xf32>,
      %get3A_2305 = vector.shape_cast %get3A_2304 : vector<1x16xf32> to vector<16xf32>
      %mul3A_2306 = arith.mulf %mul3A_2301, %get3A_2305 : vector<16xf32>
      %add3A_2307 = arith.constant 16 : i32
      %add3A_2308 = arith.addi %squeeze3A_2288, %add3A_2307 : i32
      %get3A_2309 = arith.index_cast %add3A_2286 : i32 to index
      %get3A_2310 = arith.index_cast %add3A_2308 : i32 to index
      %get3A_2311 = tpu.vector_load %arg15[%get3A_2309, %get3A_2310] {strides = array<i32>} : memref<256x128xf32, #tpu.memory_space<vmem>>, vector<1x16xf32>,
      %get3A_2312 = vector.shape_cast %get3A_2311 : vector<1x16xf32> to vector<16xf32>
      %add3A_2313 = arith.constant 16 : i32
      %add3A_2314 = arith.addi %squeeze3A_2290, %add3A_2313 : i32
      %get3A_2315 = arith.index_cast %add3A_2286 : i32 to index
      %get3A_2316 = arith.index_cast %add3A_2314 : i32 to index
      %get3A_2317 = tpu.vector_load %arg16[%get3A_2315, %get3A_2316] {strides = array<i32>} : memref<256x128xf32, #tpu.memory_space<vmem>>, vector<1x16xf32>,
      %get3A_2318 = vector.shape_cast %get3A_2317 : vector<1x16xf32> to vector<16xf32>
      %mul3A_2319 = arith.mulf %get3A_2312, %get3A_2318 : vector<16xf32>
      %add3A_2320 = arith.constant 16 : i32
      %add3A_2321 = arith.addi %squeeze3A_2292, %add3A_2320 : i32
      %get3A_2322 = arith.index_cast %add3A_2286 : i32 to index
      %get3A_2323 = arith.index_cast %add3A_2321 : i32 to index
      %get3A_2324 = tpu.vector_load %arg17[%get3A_2322, %get3A_2323] {strides = array<i32>} : memref<256x128xf32, #tpu.memory_space<vmem>>, vector<1x16xf32>,
      %get3A_2325 = vector.shape_cast %get3A_2324 : vector<1x16xf32> to vector<16xf32>
      %mul3A_2326 = arith.mulf %mul3A_2319, %get3A_2325 : vector<16xf32>
      %add3A_2327 = arith.addf %mul3A_2306, %mul3A_2326 : vector<16xf32>
      %add3A_2328 = arith.constant 32 : i32
      %add3A_2329 = arith.addi %squeeze3A_2288, %add3A_2328 : i32
      %get3A_2330 = arith.index_cast %add3A_2286 : i32 to index
      %get3A_2331 = arith.index_cast %add3A_2329 : i32 to index
      %get3A_2332 = tpu.vector_load %arg15[%get3A_2330, %get3A_2331] {strides = array<i32>} : memref<256x128xf32, #tpu.memory_space<vmem>>, vector<1x16xf32>,
      %get3A_2333 = vector.shape_cast %get3A_2332 : vector<1x16xf32> to vector<16xf32>
      %add3A_2334 = arith.constant 32 : i32
      %add3A_2335 = arith.addi %squeeze3A_2290, %add3A_2334 : i32
      %get3A_2336 = arith.index_cast %add3A_2286 : i32 to index
      %get3A_2337 = arith.index_cast %add3A_2335 : i32 to index
      %get3A_2338 = tpu.vector_load %arg16[%get3A_2336, %get3A_2337] {strides = array<i32>} : memref<256x128xf32, #tpu.memory_space<vmem>>, vector<1x16xf32>,
      %get3A_2339 = vector.shape_cast %get3A_2338 : vector<1x16xf32> to vector<16xf32>
      %mul3A_2340 = arith.mulf %get3A_2333, %get3A_2339 : vector<16xf32>
      %add3A_2341 = arith.constant 32 : i32
      %add3A_2342 = arith.addi %squeeze3A_2292, %add3A_2341 : i32
      %get3A_2343 = arith.index_cast %add3A_2286 : i32 to index
      %get3A_2344 = arith.index_cast %add3A_2342 : i32 to index
      %get3A_2345 = tpu.vector_load %arg17[%get3A_2343, %get3A_2344] {strides = array<i32>} : memref<256x128xf32, #tpu.memory_space<vmem>>, vector<1x16xf32>,
      %get3A_2346 = vector.shape_cast %get3A_2345 : vector<1x16xf32> to vector<16xf32>
      %mul3A_2347 = arith.mulf %mul3A_2340, %get3A_2346 : vector<16xf32>
      %add3A_2348 = arith.addf %add3A_2327, %mul3A_2347 : vector<16xf32>
      %add3A_2349 = arith.constant 48 : i32
      %add3A_2350 = arith.addi %squeeze3A_2288, %add3A_2349 : i32
      %get3A_2351 = arith.index_cast %add3A_2286 : i32 to index
      %get3A_2352 = arith.index_cast %add3A_2350 : i32 to index
      %get3A_2353 = tpu.vector_load %arg15[%get3A_2351, %get3A_2352] {strides = array<i32>} : memref<256x128xf32, #tpu.memory_space<vmem>>, vector<1x16xf32>,
      %get3A_2354 = vector.shape_cast %get3A_2353 : vector<1x16xf32> to vector<16xf32>
      %add3A_2355 = arith.constant 48 : i32
      %add3A_2356 = arith.addi %squeeze3A_2290, %add3A_2355 : i32
      %get3A_2357 = arith.index_cast %add3A_2286 : i32 to index
      %get3A_2358 = arith.index_cast %add3A_2356 : i32 to index
      %get3A_2359 = tpu.vector_load %arg16[%get3A_2357, %get3A_2358] {strides = array<i32>} : memref<256x128xf32, #tpu.memory_space<vmem>>, vector<1x16xf32>,
      %get3A_2360 = vector.shape_cast %get3A_2359 : vector<1x16xf32> to vector<16xf32>
      %mul3A_2361 = arith.mulf %get3A_2354, %get3A_2360 : vector<16xf32>
      %add3A_2362 = arith.constant 48 : i32
      %add3A_2363 = arith.addi %squeeze3A_2292, %add3A_2362 : i32
      %get3A_2364 = arith.index_cast %add3A_2286 : i32 to index
      %get3A_2365 = arith.index_cast %add3A_2363 : i32 to index
      %get3A_2366 = tpu.vector_load %arg17[%get3A_2364, %get3A_2365] {strides = array<i32>} : memref<256x128xf32, #tpu.memory_space<vmem>>, vector<1x16xf32>,
      %get3A_2367 = vector.shape_cast %get3A_2366 : vector<1x16xf32> to vector<16xf32>
      %mul3A_2368 = arith.mulf %mul3A_2361, %get3A_2367 : vector<16xf32>
      %add3A_2369 = arith.addf %add3A_2348, %mul3A_2368 : vector<16xf32>
      %gather3A_2370 = vector.shape_cast %reshape3A : vector<16x1xi32> to vector<16xi32>
      %gather3A_2371 = tpu.dynamic_gather %add3A_2369[%gather3A_2370] in [0] : vector<16xf32>, vector<16xi32> -> vector<16xf32>
      %add3A_2372 = arith.addf %add3A_2369, %gather3A_2371 : vector<16xf32>
      %gather3A_2373 = vector.shape_cast %reshape3A_1005 : vector<16x1xi32> to vector<16xi32>
      %gather3A_2374 = tpu.dynamic_gather %add3A_2372[%gather3A_2373] in [0] : vector<16xf32>, vector<16xi32> -> vector<16xf32>
      %add3A_2375 = arith.addf %add3A_2372, %gather3A_2374 : vector<16xf32>
      %gather3A_2376 = vector.shape_cast %reshape3A_1012 : vector<16x1xi32> to vector<16xi32>
      %gather3A_2377 = tpu.dynamic_gather %add3A_2375[%gather3A_2376] in [0] : vector<16xf32>, vector<16xi32> -> vector<16xf32>
      %add3A_2378 = arith.addf %add3A_2375, %gather3A_2377 : vector<16xf32>
      %gather3A_2379 = vector.shape_cast %reshape3A_1019 : vector<16x1xi32> to vector<16xi32>
      %gather3A_2380 = tpu.dynamic_gather %add3A_2378[%gather3A_2379] in [0] : vector<16xf32>, vector<16xi32> -> vector<16xf32>
      %add3A_2381 = arith.addf %add3A_2378, %gather3A_2380 : vector<16xf32>
      %eq3A_2382 = arith.constant 10 : i32
      %eq3A_2383 = vector.broadcast %eq3A_2382 : i32 to vector<16xi32>
      %eq3A_2384 = arith.cmpi eq, %iota3A, %eq3A_2383 : vector<16xi32>
      %select_n3A_2385 = arith.select %eq3A_2384, %add3A_2381, %select_n3A_2284 : vector<16xi1>, vector<16xf32>
      %add3A_2386 = arith.constant 11 : i32
      %add3A_2387 = arith.addi %mul3A_1249, %add3A_2386 : i32
      %slice3A_2388 = vector.extract_strided_slice %mul3A_1260 {offsets = [11], sizes = [1], strides = [1]} : vector<16xi32> to vector<1xi32>
      %squeeze3A_2389 = vector.extract %slice3A_2388[0] : i32 from vector<1xi32>
      %slice3A_2390 = vector.extract_strided_slice %mul3A_1269 {offsets = [11], sizes = [1], strides = [1]} : vector<16xi32> to vector<1xi32>
      %squeeze3A_2391 = vector.extract %slice3A_2390[0] : i32 from vector<1xi32>
      %slice3A_2392 = vector.extract_strided_slice %mul3A_1278 {offsets = [11], sizes = [1], strides = [1]} : vector<16xi32> to vector<1xi32>
      %squeeze3A_2393 = vector.extract %slice3A_2392[0] : i32 from vector<1xi32>
      %get3A_2394 = arith.index_cast %add3A_2387 : i32 to index
      %get3A_2395 = arith.index_cast %squeeze3A_2389 : i32 to index
      %get3A_2396 = tpu.vector_load %arg15[%get3A_2394, %get3A_2395] {strides = array<i32>} : memref<256x128xf32, #tpu.memory_space<vmem>>, vector<1x16xf32>,
      %get3A_2397 = vector.shape_cast %get3A_2396 : vector<1x16xf32> to vector<16xf32>
      %get3A_2398 = arith.index_cast %add3A_2387 : i32 to index
      %get3A_2399 = arith.index_cast %squeeze3A_2391 : i32 to index
      %get3A_2400 = tpu.vector_load %arg16[%get3A_2398, %get3A_2399] {strides = array<i32>} : memref<256x128xf32, #tpu.memory_space<vmem>>, vector<1x16xf32>,
      %get3A_2401 = vector.shape_cast %get3A_2400 : vector<1x16xf32> to vector<16xf32>
      %mul3A_2402 = arith.mulf %get3A_2397, %get3A_2401 : vector<16xf32>
      %get3A_2403 = arith.index_cast %add3A_2387 : i32 to index
      %get3A_2404 = arith.index_cast %squeeze3A_2393 : i32 to index
      %get3A_2405 = tpu.vector_load %arg17[%get3A_2403, %get3A_2404] {strides = array<i32>} : memref<256x128xf32, #tpu.memory_space<vmem>>, vector<1x16xf32>,
      %get3A_2406 = vector.shape_cast %get3A_2405 : vector<1x16xf32> to vector<16xf32>
      %mul3A_2407 = arith.mulf %mul3A_2402, %get3A_2406 : vector<16xf32>
      %add3A_2408 = arith.constant 16 : i32
      %add3A_2409 = arith.addi %squeeze3A_2389, %add3A_2408 : i32
      %get3A_2410 = arith.index_cast %add3A_2387 : i32 to index
      %get3A_2411 = arith.index_cast %add3A_2409 : i32 to index
      %get3A_2412 = tpu.vector_load %arg15[%get3A_2410, %get3A_2411] {strides = array<i32>} : memref<256x128xf32, #tpu.memory_space<vmem>>, vector<1x16xf32>,
      %get3A_2413 = vector.shape_cast %get3A_2412 : vector<1x16xf32> to vector<16xf32>
      %add3A_2414 = arith.constant 16 : i32
      %add3A_2415 = arith.addi %squeeze3A_2391, %add3A_2414 : i32
      %get3A_2416 = arith.index_cast %add3A_2387 : i32 to index
      %get3A_2417 = arith.index_cast %add3A_2415 : i32 to index
      %get3A_2418 = tpu.vector_load %arg16[%get3A_2416, %get3A_2417] {strides = array<i32>} : memref<256x128xf32, #tpu.memory_space<vmem>>, vector<1x16xf32>,
      %get3A_2419 = vector.shape_cast %get3A_2418 : vector<1x16xf32> to vector<16xf32>
      %mul3A_2420 = arith.mulf %get3A_2413, %get3A_2419 : vector<16xf32>
      %add3A_2421 = arith.constant 16 : i32
      %add3A_2422 = arith.addi %squeeze3A_2393, %add3A_2421 : i32
      %get3A_2423 = arith.index_cast %add3A_2387 : i32 to index
      %get3A_2424 = arith.index_cast %add3A_2422 : i32 to index
      %get3A_2425 = tpu.vector_load %arg17[%get3A_2423, %get3A_2424] {strides = array<i32>} : memref<256x128xf32, #tpu.memory_space<vmem>>, vector<1x16xf32>,
      %get3A_2426 = vector.shape_cast %get3A_2425 : vector<1x16xf32> to vector<16xf32>
      %mul3A_2427 = arith.mulf %mul3A_2420, %get3A_2426 : vector<16xf32>
      %add3A_2428 = arith.addf %mul3A_2407, %mul3A_2427 : vector<16xf32>
      %add3A_2429 = arith.constant 32 : i32
      %add3A_2430 = arith.addi %squeeze3A_2389, %add3A_2429 : i32
      %get3A_2431 = arith.index_cast %add3A_2387 : i32 to index
      %get3A_2432 = arith.index_cast %add3A_2430 : i32 to index
      %get3A_2433 = tpu.vector_load %arg15[%get3A_2431, %get3A_2432] {strides = array<i32>} : memref<256x128xf32, #tpu.memory_space<vmem>>, vector<1x16xf32>,
      %get3A_2434 = vector.shape_cast %get3A_2433 : vector<1x16xf32> to vector<16xf32>
      %add3A_2435 = arith.constant 32 : i32
      %add3A_2436 = arith.addi %squeeze3A_2391, %add3A_2435 : i32
      %get3A_2437 = arith.index_cast %add3A_2387 : i32 to index
      %get3A_2438 = arith.index_cast %add3A_2436 : i32 to index
      %get3A_2439 = tpu.vector_load %arg16[%get3A_2437, %get3A_2438] {strides = array<i32>} : memref<256x128xf32, #tpu.memory_space<vmem>>, vector<1x16xf32>,
      %get3A_2440 = vector.shape_cast %get3A_2439 : vector<1x16xf32> to vector<16xf32>
      %mul3A_2441 = arith.mulf %get3A_2434, %get3A_2440 : vector<16xf32>
      %add3A_2442 = arith.constant 32 : i32
      %add3A_2443 = arith.addi %squeeze3A_2393, %add3A_2442 : i32
      %get3A_2444 = arith.index_cast %add3A_2387 : i32 to index
      %get3A_2445 = arith.index_cast %add3A_2443 : i32 to index
      %get3A_2446 = tpu.vector_load %arg17[%get3A_2444, %get3A_2445] {strides = array<i32>} : memref<256x128xf32, #tpu.memory_space<vmem>>, vector<1x16xf32>,
      %get3A_2447 = vector.shape_cast %get3A_2446 : vector<1x16xf32> to vector<16xf32>
      %mul3A_2448 = arith.mulf %mul3A_2441, %get3A_2447 : vector<16xf32>
      %add3A_2449 = arith.addf %add3A_2428, %mul3A_2448 : vector<16xf32>
      %add3A_2450 = arith.constant 48 : i32
      %add3A_2451 = arith.addi %squeeze3A_2389, %add3A_2450 : i32
      %get3A_2452 = arith.index_cast %add3A_2387 : i32 to index
      %get3A_2453 = arith.index_cast %add3A_2451 : i32 to index
      %get3A_2454 = tpu.vector_load %arg15[%get3A_2452, %get3A_2453] {strides = array<i32>} : memref<256x128xf32, #tpu.memory_space<vmem>>, vector<1x16xf32>,
      %get3A_2455 = vector.shape_cast %get3A_2454 : vector<1x16xf32> to vector<16xf32>
      %add3A_2456 = arith.constant 48 : i32
      %add3A_2457 = arith.addi %squeeze3A_2391, %add3A_2456 : i32
      %get3A_2458 = arith.index_cast %add3A_2387 : i32 to index
      %get3A_2459 = arith.index_cast %add3A_2457 : i32 to index
      %get3A_2460 = tpu.vector_load %arg16[%get3A_2458, %get3A_2459] {strides = array<i32>} : memref<256x128xf32, #tpu.memory_space<vmem>>, vector<1x16xf32>,
      %get3A_2461 = vector.shape_cast %get3A_2460 : vector<1x16xf32> to vector<16xf32>
      %mul3A_2462 = arith.mulf %get3A_2455, %get3A_2461 : vector<16xf32>
      %add3A_2463 = arith.constant 48 : i32
      %add3A_2464 = arith.addi %squeeze3A_2393, %add3A_2463 : i32
      %get3A_2465 = arith.index_cast %add3A_2387 : i32 to index
      %get3A_2466 = arith.index_cast %add3A_2464 : i32 to index
      %get3A_2467 = tpu.vector_load %arg17[%get3A_2465, %get3A_2466] {strides = array<i32>} : memref<256x128xf32, #tpu.memory_space<vmem>>, vector<1x16xf32>,
      %get3A_2468 = vector.shape_cast %get3A_2467 : vector<1x16xf32> to vector<16xf32>
      %mul3A_2469 = arith.mulf %mul3A_2462, %get3A_2468 : vector<16xf32>
      %add3A_2470 = arith.addf %add3A_2449, %mul3A_2469 : vector<16xf32>
      %gather3A_2471 = vector.shape_cast %reshape3A : vector<16x1xi32> to vector<16xi32>
      %gather3A_2472 = tpu.dynamic_gather %add3A_2470[%gather3A_2471] in [0] : vector<16xf32>, vector<16xi32> -> vector<16xf32>
      %add3A_2473 = arith.addf %add3A_2470, %gather3A_2472 : vector<16xf32>
      %gather3A_2474 = vector.shape_cast %reshape3A_1005 : vector<16x1xi32> to vector<16xi32>
      %gather3A_2475 = tpu.dynamic_gather %add3A_2473[%gather3A_2474] in [0] : vector<16xf32>, vector<16xi32> -> vector<16xf32>
      %add3A_2476 = arith.addf %add3A_2473, %gather3A_2475 : vector<16xf32>
      %gather3A_2477 = vector.shape_cast %reshape3A_1012 : vector<16x1xi32> to vector<16xi32>
      %gather3A_2478 = tpu.dynamic_gather %add3A_2476[%gather3A_2477] in [0] : vector<16xf32>, vector<16xi32> -> vector<16xf32>
      %add3A_2479 = arith.addf %add3A_2476, %gather3A_2478 : vector<16xf32>
      %gather3A_2480 = vector.shape_cast %reshape3A_1019 : vector<16x1xi32> to vector<16xi32>
      %gather3A_2481 = tpu.dynamic_gather %add3A_2479[%gather3A_2480] in [0] : vector<16xf32>, vector<16xi32> -> vector<16xf32>
      %add3A_2482 = arith.addf %add3A_2479, %gather3A_2481 : vector<16xf32>
      %eq3A_2483 = arith.constant 11 : i32
      %eq3A_2484 = vector.broadcast %eq3A_2483 : i32 to vector<16xi32>
      %eq3A_2485 = arith.cmpi eq, %iota3A, %eq3A_2484 : vector<16xi32>
      %select_n3A_2486 = arith.select %eq3A_2485, %add3A_2482, %select_n3A_2385 : vector<16xi1>, vector<16xf32>
      %add3A_2487 = arith.constant 12 : i32
      %add3A_2488 = arith.addi %mul3A_1249, %add3A_2487 : i32
      %slice3A_2489 = vector.extract_strided_slice %mul3A_1260 {offsets = [12], sizes = [1], strides = [1]} : vector<16xi32> to vector<1xi32>
      %squeeze3A_2490 = vector.extract %slice3A_2489[0] : i32 from vector<1xi32>
      %slice3A_2491 = vector.extract_strided_slice %mul3A_1269 {offsets = [12], sizes = [1], strides = [1]} : vector<16xi32> to vector<1xi32>
      %squeeze3A_2492 = vector.extract %slice3A_2491[0] : i32 from vector<1xi32>
      %slice3A_2493 = vector.extract_strided_slice %mul3A_1278 {offsets = [12], sizes = [1], strides = [1]} : vector<16xi32> to vector<1xi32>
      %squeeze3A_2494 = vector.extract %slice3A_2493[0] : i32 from vector<1xi32>
      %get3A_2495 = arith.index_cast %add3A_2488 : i32 to index
      %get3A_2496 = arith.index_cast %squeeze3A_2490 : i32 to index
      %get3A_2497 = tpu.vector_load %arg15[%get3A_2495, %get3A_2496] {strides = array<i32>} : memref<256x128xf32, #tpu.memory_space<vmem>>, vector<1x16xf32>,
      %get3A_2498 = vector.shape_cast %get3A_2497 : vector<1x16xf32> to vector<16xf32>
      %get3A_2499 = arith.index_cast %add3A_2488 : i32 to index
      %get3A_2500 = arith.index_cast %squeeze3A_2492 : i32 to index
      %get3A_2501 = tpu.vector_load %arg16[%get3A_2499, %get3A_2500] {strides = array<i32>} : memref<256x128xf32, #tpu.memory_space<vmem>>, vector<1x16xf32>,
      %get3A_2502 = vector.shape_cast %get3A_2501 : vector<1x16xf32> to vector<16xf32>
      %mul3A_2503 = arith.mulf %get3A_2498, %get3A_2502 : vector<16xf32>
      %get3A_2504 = arith.index_cast %add3A_2488 : i32 to index
      %get3A_2505 = arith.index_cast %squeeze3A_2494 : i32 to index
      %get3A_2506 = tpu.vector_load %arg17[%get3A_2504, %get3A_2505] {strides = array<i32>} : memref<256x128xf32, #tpu.memory_space<vmem>>, vector<1x16xf32>,
      %get3A_2507 = vector.shape_cast %get3A_2506 : vector<1x16xf32> to vector<16xf32>
      %mul3A_2508 = arith.mulf %mul3A_2503, %get3A_2507 : vector<16xf32>
      %add3A_2509 = arith.constant 16 : i32
      %add3A_2510 = arith.addi %squeeze3A_2490, %add3A_2509 : i32
      %get3A_2511 = arith.index_cast %add3A_2488 : i32 to index
      %get3A_2512 = arith.index_cast %add3A_2510 : i32 to index
      %get3A_2513 = tpu.vector_load %arg15[%get3A_2511, %get3A_2512] {strides = array<i32>} : memref<256x128xf32, #tpu.memory_space<vmem>>, vector<1x16xf32>,
      %get3A_2514 = vector.shape_cast %get3A_2513 : vector<1x16xf32> to vector<16xf32>
      %add3A_2515 = arith.constant 16 : i32
      %add3A_2516 = arith.addi %squeeze3A_2492, %add3A_2515 : i32
      %get3A_2517 = arith.index_cast %add3A_2488 : i32 to index
      %get3A_2518 = arith.index_cast %add3A_2516 : i32 to index
      %get3A_2519 = tpu.vector_load %arg16[%get3A_2517, %get3A_2518] {strides = array<i32>} : memref<256x128xf32, #tpu.memory_space<vmem>>, vector<1x16xf32>,
      %get3A_2520 = vector.shape_cast %get3A_2519 : vector<1x16xf32> to vector<16xf32>
      %mul3A_2521 = arith.mulf %get3A_2514, %get3A_2520 : vector<16xf32>
      %add3A_2522 = arith.constant 16 : i32
      %add3A_2523 = arith.addi %squeeze3A_2494, %add3A_2522 : i32
      %get3A_2524 = arith.index_cast %add3A_2488 : i32 to index
      %get3A_2525 = arith.index_cast %add3A_2523 : i32 to index
      %get3A_2526 = tpu.vector_load %arg17[%get3A_2524, %get3A_2525] {strides = array<i32>} : memref<256x128xf32, #tpu.memory_space<vmem>>, vector<1x16xf32>,
      %get3A_2527 = vector.shape_cast %get3A_2526 : vector<1x16xf32> to vector<16xf32>
      %mul3A_2528 = arith.mulf %mul3A_2521, %get3A_2527 : vector<16xf32>
      %add3A_2529 = arith.addf %mul3A_2508, %mul3A_2528 : vector<16xf32>
      %add3A_2530 = arith.constant 32 : i32
      %add3A_2531 = arith.addi %squeeze3A_2490, %add3A_2530 : i32
      %get3A_2532 = arith.index_cast %add3A_2488 : i32 to index
      %get3A_2533 = arith.index_cast %add3A_2531 : i32 to index
      %get3A_2534 = tpu.vector_load %arg15[%get3A_2532, %get3A_2533] {strides = array<i32>} : memref<256x128xf32, #tpu.memory_space<vmem>>, vector<1x16xf32>,
      %get3A_2535 = vector.shape_cast %get3A_2534 : vector<1x16xf32> to vector<16xf32>
      %add3A_2536 = arith.constant 32 : i32
      %add3A_2537 = arith.addi %squeeze3A_2492, %add3A_2536 : i32
      %get3A_2538 = arith.index_cast %add3A_2488 : i32 to index
      %get3A_2539 = arith.index_cast %add3A_2537 : i32 to index
      %get3A_2540 = tpu.vector_load %arg16[%get3A_2538, %get3A_2539] {strides = array<i32>} : memref<256x128xf32, #tpu.memory_space<vmem>>, vector<1x16xf32>,
      %get3A_2541 = vector.shape_cast %get3A_2540 : vector<1x16xf32> to vector<16xf32>
      %mul3A_2542 = arith.mulf %get3A_2535, %get3A_2541 : vector<16xf32>
      %add3A_2543 = arith.constant 32 : i32
      %add3A_2544 = arith.addi %squeeze3A_2494, %add3A_2543 : i32
      %get3A_2545 = arith.index_cast %add3A_2488 : i32 to index
      %get3A_2546 = arith.index_cast %add3A_2544 : i32 to index
      %get3A_2547 = tpu.vector_load %arg17[%get3A_2545, %get3A_2546] {strides = array<i32>} : memref<256x128xf32, #tpu.memory_space<vmem>>, vector<1x16xf32>,
      %get3A_2548 = vector.shape_cast %get3A_2547 : vector<1x16xf32> to vector<16xf32>
      %mul3A_2549 = arith.mulf %mul3A_2542, %get3A_2548 : vector<16xf32>
      %add3A_2550 = arith.addf %add3A_2529, %mul3A_2549 : vector<16xf32>
      %add3A_2551 = arith.constant 48 : i32
      %add3A_2552 = arith.addi %squeeze3A_2490, %add3A_2551 : i32
      %get3A_2553 = arith.index_cast %add3A_2488 : i32 to index
      %get3A_2554 = arith.index_cast %add3A_2552 : i32 to index
      %get3A_2555 = tpu.vector_load %arg15[%get3A_2553, %get3A_2554] {strides = array<i32>} : memref<256x128xf32, #tpu.memory_space<vmem>>, vector<1x16xf32>,
      %get3A_2556 = vector.shape_cast %get3A_2555 : vector<1x16xf32> to vector<16xf32>
      %add3A_2557 = arith.constant 48 : i32
      %add3A_2558 = arith.addi %squeeze3A_2492, %add3A_2557 : i32
      %get3A_2559 = arith.index_cast %add3A_2488 : i32 to index
      %get3A_2560 = arith.index_cast %add3A_2558 : i32 to index
      %get3A_2561 = tpu.vector_load %arg16[%get3A_2559, %get3A_2560] {strides = array<i32>} : memref<256x128xf32, #tpu.memory_space<vmem>>, vector<1x16xf32>,
      %get3A_2562 = vector.shape_cast %get3A_2561 : vector<1x16xf32> to vector<16xf32>
      %mul3A_2563 = arith.mulf %get3A_2556, %get3A_2562 : vector<16xf32>
      %add3A_2564 = arith.constant 48 : i32
      %add3A_2565 = arith.addi %squeeze3A_2494, %add3A_2564 : i32
      %get3A_2566 = arith.index_cast %add3A_2488 : i32 to index
      %get3A_2567 = arith.index_cast %add3A_2565 : i32 to index
      %get3A_2568 = tpu.vector_load %arg17[%get3A_2566, %get3A_2567] {strides = array<i32>} : memref<256x128xf32, #tpu.memory_space<vmem>>, vector<1x16xf32>,
      %get3A_2569 = vector.shape_cast %get3A_2568 : vector<1x16xf32> to vector<16xf32>
      %mul3A_2570 = arith.mulf %mul3A_2563, %get3A_2569 : vector<16xf32>
      %add3A_2571 = arith.addf %add3A_2550, %mul3A_2570 : vector<16xf32>
      %gather3A_2572 = vector.shape_cast %reshape3A : vector<16x1xi32> to vector<16xi32>
      %gather3A_2573 = tpu.dynamic_gather %add3A_2571[%gather3A_2572] in [0] : vector<16xf32>, vector<16xi32> -> vector<16xf32>
      %add3A_2574 = arith.addf %add3A_2571, %gather3A_2573 : vector<16xf32>
      %gather3A_2575 = vector.shape_cast %reshape3A_1005 : vector<16x1xi32> to vector<16xi32>
      %gather3A_2576 = tpu.dynamic_gather %add3A_2574[%gather3A_2575] in [0] : vector<16xf32>, vector<16xi32> -> vector<16xf32>
      %add3A_2577 = arith.addf %add3A_2574, %gather3A_2576 : vector<16xf32>
      %gather3A_2578 = vector.shape_cast %reshape3A_1012 : vector<16x1xi32> to vector<16xi32>
      %gather3A_2579 = tpu.dynamic_gather %add3A_2577[%gather3A_2578] in [0] : vector<16xf32>, vector<16xi32> -> vector<16xf32>
      %add3A_2580 = arith.addf %add3A_2577, %gather3A_2579 : vector<16xf32>
      %gather3A_2581 = vector.shape_cast %reshape3A_1019 : vector<16x1xi32> to vector<16xi32>
      %gather3A_2582 = tpu.dynamic_gather %add3A_2580[%gather3A_2581] in [0] : vector<16xf32>, vector<16xi32> -> vector<16xf32>
      %add3A_2583 = arith.addf %add3A_2580, %gather3A_2582 : vector<16xf32>
      %eq3A_2584 = arith.constant 12 : i32
      %eq3A_2585 = vector.broadcast %eq3A_2584 : i32 to vector<16xi32>
      %eq3A_2586 = arith.cmpi eq, %iota3A, %eq3A_2585 : vector<16xi32>
      %select_n3A_2587 = arith.select %eq3A_2586, %add3A_2583, %select_n3A_2486 : vector<16xi1>, vector<16xf32>
      %add3A_2588 = arith.constant 13 : i32
      %add3A_2589 = arith.addi %mul3A_1249, %add3A_2588 : i32
      %slice3A_2590 = vector.extract_strided_slice %mul3A_1260 {offsets = [13], sizes = [1], strides = [1]} : vector<16xi32> to vector<1xi32>
      %squeeze3A_2591 = vector.extract %slice3A_2590[0] : i32 from vector<1xi32>
      %slice3A_2592 = vector.extract_strided_slice %mul3A_1269 {offsets = [13], sizes = [1], strides = [1]} : vector<16xi32> to vector<1xi32>
      %squeeze3A_2593 = vector.extract %slice3A_2592[0] : i32 from vector<1xi32>
      %slice3A_2594 = vector.extract_strided_slice %mul3A_1278 {offsets = [13], sizes = [1], strides = [1]} : vector<16xi32> to vector<1xi32>
      %squeeze3A_2595 = vector.extract %slice3A_2594[0] : i32 from vector<1xi32>
      %get3A_2596 = arith.index_cast %add3A_2589 : i32 to index
      %get3A_2597 = arith.index_cast %squeeze3A_2591 : i32 to index
      %get3A_2598 = tpu.vector_load %arg15[%get3A_2596, %get3A_2597] {strides = array<i32>} : memref<256x128xf32, #tpu.memory_space<vmem>>, vector<1x16xf32>,
      %get3A_2599 = vector.shape_cast %get3A_2598 : vector<1x16xf32> to vector<16xf32>
      %get3A_2600 = arith.index_cast %add3A_2589 : i32 to index
      %get3A_2601 = arith.index_cast %squeeze3A_2593 : i32 to index
      %get3A_2602 = tpu.vector_load %arg16[%get3A_2600, %get3A_2601] {strides = array<i32>} : memref<256x128xf32, #tpu.memory_space<vmem>>, vector<1x16xf32>,
      %get3A_2603 = vector.shape_cast %get3A_2602 : vector<1x16xf32> to vector<16xf32>
      %mul3A_2604 = arith.mulf %get3A_2599, %get3A_2603 : vector<16xf32>
      %get3A_2605 = arith.index_cast %add3A_2589 : i32 to index
      %get3A_2606 = arith.index_cast %squeeze3A_2595 : i32 to index
      %get3A_2607 = tpu.vector_load %arg17[%get3A_2605, %get3A_2606] {strides = array<i32>} : memref<256x128xf32, #tpu.memory_space<vmem>>, vector<1x16xf32>,
      %get3A_2608 = vector.shape_cast %get3A_2607 : vector<1x16xf32> to vector<16xf32>
      %mul3A_2609 = arith.mulf %mul3A_2604, %get3A_2608 : vector<16xf32>
      %add3A_2610 = arith.constant 16 : i32
      %add3A_2611 = arith.addi %squeeze3A_2591, %add3A_2610 : i32
      %get3A_2612 = arith.index_cast %add3A_2589 : i32 to index
      %get3A_2613 = arith.index_cast %add3A_2611 : i32 to index
      %get3A_2614 = tpu.vector_load %arg15[%get3A_2612, %get3A_2613] {strides = array<i32>} : memref<256x128xf32, #tpu.memory_space<vmem>>, vector<1x16xf32>,
      %get3A_2615 = vector.shape_cast %get3A_2614 : vector<1x16xf32> to vector<16xf32>
      %add3A_2616 = arith.constant 16 : i32
      %add3A_2617 = arith.addi %squeeze3A_2593, %add3A_2616 : i32
      %get3A_2618 = arith.index_cast %add3A_2589 : i32 to index
      %get3A_2619 = arith.index_cast %add3A_2617 : i32 to index
      %get3A_2620 = tpu.vector_load %arg16[%get3A_2618, %get3A_2619] {strides = array<i32>} : memref<256x128xf32, #tpu.memory_space<vmem>>, vector<1x16xf32>,
      %get3A_2621 = vector.shape_cast %get3A_2620 : vector<1x16xf32> to vector<16xf32>
      %mul3A_2622 = arith.mulf %get3A_2615, %get3A_2621 : vector<16xf32>
      %add3A_2623 = arith.constant 16 : i32
      %add3A_2624 = arith.addi %squeeze3A_2595, %add3A_2623 : i32
      %get3A_2625 = arith.index_cast %add3A_2589 : i32 to index
      %get3A_2626 = arith.index_cast %add3A_2624 : i32 to index
      %get3A_2627 = tpu.vector_load %arg17[%get3A_2625, %get3A_2626] {strides = array<i32>} : memref<256x128xf32, #tpu.memory_space<vmem>>, vector<1x16xf32>,
      %get3A_2628 = vector.shape_cast %get3A_2627 : vector<1x16xf32> to vector<16xf32>
      %mul3A_2629 = arith.mulf %mul3A_2622, %get3A_2628 : vector<16xf32>
      %add3A_2630 = arith.addf %mul3A_2609, %mul3A_2629 : vector<16xf32>
      %add3A_2631 = arith.constant 32 : i32
      %add3A_2632 = arith.addi %squeeze3A_2591, %add3A_2631 : i32
      %get3A_2633 = arith.index_cast %add3A_2589 : i32 to index
      %get3A_2634 = arith.index_cast %add3A_2632 : i32 to index
      %get3A_2635 = tpu.vector_load %arg15[%get3A_2633, %get3A_2634] {strides = array<i32>} : memref<256x128xf32, #tpu.memory_space<vmem>>, vector<1x16xf32>,
      %get3A_2636 = vector.shape_cast %get3A_2635 : vector<1x16xf32> to vector<16xf32>
      %add3A_2637 = arith.constant 32 : i32
      %add3A_2638 = arith.addi %squeeze3A_2593, %add3A_2637 : i32
      %get3A_2639 = arith.index_cast %add3A_2589 : i32 to index
      %get3A_2640 = arith.index_cast %add3A_2638 : i32 to index
      %get3A_2641 = tpu.vector_load %arg16[%get3A_2639, %get3A_2640] {strides = array<i32>} : memref<256x128xf32, #tpu.memory_space<vmem>>, vector<1x16xf32>,
      %get3A_2642 = vector.shape_cast %get3A_2641 : vector<1x16xf32> to vector<16xf32>
      %mul3A_2643 = arith.mulf %get3A_2636, %get3A_2642 : vector<16xf32>
      %add3A_2644 = arith.constant 32 : i32
      %add3A_2645 = arith.addi %squeeze3A_2595, %add3A_2644 : i32
      %get3A_2646 = arith.index_cast %add3A_2589 : i32 to index
      %get3A_2647 = arith.index_cast %add3A_2645 : i32 to index
      %get3A_2648 = tpu.vector_load %arg17[%get3A_2646, %get3A_2647] {strides = array<i32>} : memref<256x128xf32, #tpu.memory_space<vmem>>, vector<1x16xf32>,
      %get3A_2649 = vector.shape_cast %get3A_2648 : vector<1x16xf32> to vector<16xf32>
      %mul3A_2650 = arith.mulf %mul3A_2643, %get3A_2649 : vector<16xf32>
      %add3A_2651 = arith.addf %add3A_2630, %mul3A_2650 : vector<16xf32>
      %add3A_2652 = arith.constant 48 : i32
      %add3A_2653 = arith.addi %squeeze3A_2591, %add3A_2652 : i32
      %get3A_2654 = arith.index_cast %add3A_2589 : i32 to index
      %get3A_2655 = arith.index_cast %add3A_2653 : i32 to index
      %get3A_2656 = tpu.vector_load %arg15[%get3A_2654, %get3A_2655] {strides = array<i32>} : memref<256x128xf32, #tpu.memory_space<vmem>>, vector<1x16xf32>,
      %get3A_2657 = vector.shape_cast %get3A_2656 : vector<1x16xf32> to vector<16xf32>
      %add3A_2658 = arith.constant 48 : i32
      %add3A_2659 = arith.addi %squeeze3A_2593, %add3A_2658 : i32
      %get3A_2660 = arith.index_cast %add3A_2589 : i32 to index
      %get3A_2661 = arith.index_cast %add3A_2659 : i32 to index
      %get3A_2662 = tpu.vector_load %arg16[%get3A_2660, %get3A_2661] {strides = array<i32>} : memref<256x128xf32, #tpu.memory_space<vmem>>, vector<1x16xf32>,
      %get3A_2663 = vector.shape_cast %get3A_2662 : vector<1x16xf32> to vector<16xf32>
      %mul3A_2664 = arith.mulf %get3A_2657, %get3A_2663 : vector<16xf32>
      %add3A_2665 = arith.constant 48 : i32
      %add3A_2666 = arith.addi %squeeze3A_2595, %add3A_2665 : i32
      %get3A_2667 = arith.index_cast %add3A_2589 : i32 to index
      %get3A_2668 = arith.index_cast %add3A_2666 : i32 to index
      %get3A_2669 = tpu.vector_load %arg17[%get3A_2667, %get3A_2668] {strides = array<i32>} : memref<256x128xf32, #tpu.memory_space<vmem>>, vector<1x16xf32>,
      %get3A_2670 = vector.shape_cast %get3A_2669 : vector<1x16xf32> to vector<16xf32>
      %mul3A_2671 = arith.mulf %mul3A_2664, %get3A_2670 : vector<16xf32>
      %add3A_2672 = arith.addf %add3A_2651, %mul3A_2671 : vector<16xf32>
      %gather3A_2673 = vector.shape_cast %reshape3A : vector<16x1xi32> to vector<16xi32>
      %gather3A_2674 = tpu.dynamic_gather %add3A_2672[%gather3A_2673] in [0] : vector<16xf32>, vector<16xi32> -> vector<16xf32>
      %add3A_2675 = arith.addf %add3A_2672, %gather3A_2674 : vector<16xf32>
      %gather3A_2676 = vector.shape_cast %reshape3A_1005 : vector<16x1xi32> to vector<16xi32>
      %gather3A_2677 = tpu.dynamic_gather %add3A_2675[%gather3A_2676] in [0] : vector<16xf32>, vector<16xi32> -> vector<16xf32>
      %add3A_2678 = arith.addf %add3A_2675, %gather3A_2677 : vector<16xf32>
      %gather3A_2679 = vector.shape_cast %reshape3A_1012 : vector<16x1xi32> to vector<16xi32>
      %gather3A_2680 = tpu.dynamic_gather %add3A_2678[%gather3A_2679] in [0] : vector<16xf32>, vector<16xi32> -> vector<16xf32>
      %add3A_2681 = arith.addf %add3A_2678, %gather3A_2680 : vector<16xf32>
      %gather3A_2682 = vector.shape_cast %reshape3A_1019 : vector<16x1xi32> to vector<16xi32>
      %gather3A_2683 = tpu.dynamic_gather %add3A_2681[%gather3A_2682] in [0] : vector<16xf32>, vector<16xi32> -> vector<16xf32>
      %add3A_2684 = arith.addf %add3A_2681, %gather3A_2683 : vector<16xf32>
      %eq3A_2685 = arith.constant 13 : i32
      %eq3A_2686 = vector.broadcast %eq3A_2685 : i32 to vector<16xi32>
      %eq3A_2687 = arith.cmpi eq, %iota3A, %eq3A_2686 : vector<16xi32>
      %select_n3A_2688 = arith.select %eq3A_2687, %add3A_2684, %select_n3A_2587 : vector<16xi1>, vector<16xf32>
      %add3A_2689 = arith.constant 14 : i32
      %add3A_2690 = arith.addi %mul3A_1249, %add3A_2689 : i32
      %slice3A_2691 = vector.extract_strided_slice %mul3A_1260 {offsets = [14], sizes = [1], strides = [1]} : vector<16xi32> to vector<1xi32>
      %squeeze3A_2692 = vector.extract %slice3A_2691[0] : i32 from vector<1xi32>
      %slice3A_2693 = vector.extract_strided_slice %mul3A_1269 {offsets = [14], sizes = [1], strides = [1]} : vector<16xi32> to vector<1xi32>
      %squeeze3A_2694 = vector.extract %slice3A_2693[0] : i32 from vector<1xi32>
      %slice3A_2695 = vector.extract_strided_slice %mul3A_1278 {offsets = [14], sizes = [1], strides = [1]} : vector<16xi32> to vector<1xi32>
      %squeeze3A_2696 = vector.extract %slice3A_2695[0] : i32 from vector<1xi32>
      %get3A_2697 = arith.index_cast %add3A_2690 : i32 to index
      %get3A_2698 = arith.index_cast %squeeze3A_2692 : i32 to index
      %get3A_2699 = tpu.vector_load %arg15[%get3A_2697, %get3A_2698] {strides = array<i32>} : memref<256x128xf32, #tpu.memory_space<vmem>>, vector<1x16xf32>,
      %get3A_2700 = vector.shape_cast %get3A_2699 : vector<1x16xf32> to vector<16xf32>
      %get3A_2701 = arith.index_cast %add3A_2690 : i32 to index
      %get3A_2702 = arith.index_cast %squeeze3A_2694 : i32 to index
      %get3A_2703 = tpu.vector_load %arg16[%get3A_2701, %get3A_2702] {strides = array<i32>} : memref<256x128xf32, #tpu.memory_space<vmem>>, vector<1x16xf32>,
      %get3A_2704 = vector.shape_cast %get3A_2703 : vector<1x16xf32> to vector<16xf32>
      %mul3A_2705 = arith.mulf %get3A_2700, %get3A_2704 : vector<16xf32>
      %get3A_2706 = arith.index_cast %add3A_2690 : i32 to index
      %get3A_2707 = arith.index_cast %squeeze3A_2696 : i32 to index
      %get3A_2708 = tpu.vector_load %arg17[%get3A_2706, %get3A_2707] {strides = array<i32>} : memref<256x128xf32, #tpu.memory_space<vmem>>, vector<1x16xf32>,
      %get3A_2709 = vector.shape_cast %get3A_2708 : vector<1x16xf32> to vector<16xf32>
      %mul3A_2710 = arith.mulf %mul3A_2705, %get3A_2709 : vector<16xf32>
      %add3A_2711 = arith.constant 16 : i32
      %add3A_2712 = arith.addi %squeeze3A_2692, %add3A_2711 : i32
      %get3A_2713 = arith.index_cast %add3A_2690 : i32 to index
      %get3A_2714 = arith.index_cast %add3A_2712 : i32 to index
      %get3A_2715 = tpu.vector_load %arg15[%get3A_2713, %get3A_2714] {strides = array<i32>} : memref<256x128xf32, #tpu.memory_space<vmem>>, vector<1x16xf32>,
      %get3A_2716 = vector.shape_cast %get3A_2715 : vector<1x16xf32> to vector<16xf32>
      %add3A_2717 = arith.constant 16 : i32
      %add3A_2718 = arith.addi %squeeze3A_2694, %add3A_2717 : i32
      %get3A_2719 = arith.index_cast %add3A_2690 : i32 to index
      %get3A_2720 = arith.index_cast %add3A_2718 : i32 to index
      %get3A_2721 = tpu.vector_load %arg16[%get3A_2719, %get3A_2720] {strides = array<i32>} : memref<256x128xf32, #tpu.memory_space<vmem>>, vector<1x16xf32>,
      %get3A_2722 = vector.shape_cast %get3A_2721 : vector<1x16xf32> to vector<16xf32>
      %mul3A_2723 = arith.mulf %get3A_2716, %get3A_2722 : vector<16xf32>
      %add3A_2724 = arith.constant 16 : i32
      %add3A_2725 = arith.addi %squeeze3A_2696, %add3A_2724 : i32
      %get3A_2726 = arith.index_cast %add3A_2690 : i32 to index
      %get3A_2727 = arith.index_cast %add3A_2725 : i32 to index
      %get3A_2728 = tpu.vector_load %arg17[%get3A_2726, %get3A_2727] {strides = array<i32>} : memref<256x128xf32, #tpu.memory_space<vmem>>, vector<1x16xf32>,
      %get3A_2729 = vector.shape_cast %get3A_2728 : vector<1x16xf32> to vector<16xf32>
      %mul3A_2730 = arith.mulf %mul3A_2723, %get3A_2729 : vector<16xf32>
      %add3A_2731 = arith.addf %mul3A_2710, %mul3A_2730 : vector<16xf32>
      %add3A_2732 = arith.constant 32 : i32
      %add3A_2733 = arith.addi %squeeze3A_2692, %add3A_2732 : i32
      %get3A_2734 = arith.index_cast %add3A_2690 : i32 to index
      %get3A_2735 = arith.index_cast %add3A_2733 : i32 to index
      %get3A_2736 = tpu.vector_load %arg15[%get3A_2734, %get3A_2735] {strides = array<i32>} : memref<256x128xf32, #tpu.memory_space<vmem>>, vector<1x16xf32>,
      %get3A_2737 = vector.shape_cast %get3A_2736 : vector<1x16xf32> to vector<16xf32>
      %add3A_2738 = arith.constant 32 : i32
      %add3A_2739 = arith.addi %squeeze3A_2694, %add3A_2738 : i32
      %get3A_2740 = arith.index_cast %add3A_2690 : i32 to index
      %get3A_2741 = arith.index_cast %add3A_2739 : i32 to index
      %get3A_2742 = tpu.vector_load %arg16[%get3A_2740, %get3A_2741] {strides = array<i32>} : memref<256x128xf32, #tpu.memory_space<vmem>>, vector<1x16xf32>,
      %get3A_2743 = vector.shape_cast %get3A_2742 : vector<1x16xf32> to vector<16xf32>
      %mul3A_2744 = arith.mulf %get3A_2737, %get3A_2743 : vector<16xf32>
      %add3A_2745 = arith.constant 32 : i32
      %add3A_2746 = arith.addi %squeeze3A_2696, %add3A_2745 : i32
      %get3A_2747 = arith.index_cast %add3A_2690 : i32 to index
      %get3A_2748 = arith.index_cast %add3A_2746 : i32 to index
      %get3A_2749 = tpu.vector_load %arg17[%get3A_2747, %get3A_2748] {strides = array<i32>} : memref<256x128xf32, #tpu.memory_space<vmem>>, vector<1x16xf32>,
      %get3A_2750 = vector.shape_cast %get3A_2749 : vector<1x16xf32> to vector<16xf32>
      %mul3A_2751 = arith.mulf %mul3A_2744, %get3A_2750 : vector<16xf32>
      %add3A_2752 = arith.addf %add3A_2731, %mul3A_2751 : vector<16xf32>
      %add3A_2753 = arith.constant 48 : i32
      %add3A_2754 = arith.addi %squeeze3A_2692, %add3A_2753 : i32
      %get3A_2755 = arith.index_cast %add3A_2690 : i32 to index
      %get3A_2756 = arith.index_cast %add3A_2754 : i32 to index
      %get3A_2757 = tpu.vector_load %arg15[%get3A_2755, %get3A_2756] {strides = array<i32>} : memref<256x128xf32, #tpu.memory_space<vmem>>, vector<1x16xf32>,
      %get3A_2758 = vector.shape_cast %get3A_2757 : vector<1x16xf32> to vector<16xf32>
      %add3A_2759 = arith.constant 48 : i32
      %add3A_2760 = arith.addi %squeeze3A_2694, %add3A_2759 : i32
      %get3A_2761 = arith.index_cast %add3A_2690 : i32 to index
      %get3A_2762 = arith.index_cast %add3A_2760 : i32 to index
      %get3A_2763 = tpu.vector_load %arg16[%get3A_2761, %get3A_2762] {strides = array<i32>} : memref<256x128xf32, #tpu.memory_space<vmem>>, vector<1x16xf32>,
      %get3A_2764 = vector.shape_cast %get3A_2763 : vector<1x16xf32> to vector<16xf32>
      %mul3A_2765 = arith.mulf %get3A_2758, %get3A_2764 : vector<16xf32>
      %add3A_2766 = arith.constant 48 : i32
      %add3A_2767 = arith.addi %squeeze3A_2696, %add3A_2766 : i32
      %get3A_2768 = arith.index_cast %add3A_2690 : i32 to index
      %get3A_2769 = arith.index_cast %add3A_2767 : i32 to index
      %get3A_2770 = tpu.vector_load %arg17[%get3A_2768, %get3A_2769] {strides = array<i32>} : memref<256x128xf32, #tpu.memory_space<vmem>>, vector<1x16xf32>,
      %get3A_2771 = vector.shape_cast %get3A_2770 : vector<1x16xf32> to vector<16xf32>
      %mul3A_2772 = arith.mulf %mul3A_2765, %get3A_2771 : vector<16xf32>
      %add3A_2773 = arith.addf %add3A_2752, %mul3A_2772 : vector<16xf32>
      %gather3A_2774 = vector.shape_cast %reshape3A : vector<16x1xi32> to vector<16xi32>
      %gather3A_2775 = tpu.dynamic_gather %add3A_2773[%gather3A_2774] in [0] : vector<16xf32>, vector<16xi32> -> vector<16xf32>
      %add3A_2776 = arith.addf %add3A_2773, %gather3A_2775 : vector<16xf32>
      %gather3A_2777 = vector.shape_cast %reshape3A_1005 : vector<16x1xi32> to vector<16xi32>
      %gather3A_2778 = tpu.dynamic_gather %add3A_2776[%gather3A_2777] in [0] : vector<16xf32>, vector<16xi32> -> vector<16xf32>
      %add3A_2779 = arith.addf %add3A_2776, %gather3A_2778 : vector<16xf32>
      %gather3A_2780 = vector.shape_cast %reshape3A_1012 : vector<16x1xi32> to vector<16xi32>
      %gather3A_2781 = tpu.dynamic_gather %add3A_2779[%gather3A_2780] in [0] : vector<16xf32>, vector<16xi32> -> vector<16xf32>
      %add3A_2782 = arith.addf %add3A_2779, %gather3A_2781 : vector<16xf32>
      %gather3A_2783 = vector.shape_cast %reshape3A_1019 : vector<16x1xi32> to vector<16xi32>
      %gather3A_2784 = tpu.dynamic_gather %add3A_2782[%gather3A_2783] in [0] : vector<16xf32>, vector<16xi32> -> vector<16xf32>
      %add3A_2785 = arith.addf %add3A_2782, %gather3A_2784 : vector<16xf32>
      %eq3A_2786 = arith.constant 14 : i32
      %eq3A_2787 = vector.broadcast %eq3A_2786 : i32 to vector<16xi32>
      %eq3A_2788 = arith.cmpi eq, %iota3A, %eq3A_2787 : vector<16xi32>
      %select_n3A_2789 = arith.select %eq3A_2788, %add3A_2785, %select_n3A_2688 : vector<16xi1>, vector<16xf32>
      %add3A_2790 = arith.constant 15 : i32
      %add3A_2791 = arith.addi %mul3A_1249, %add3A_2790 : i32
      %slice3A_2792 = vector.extract_strided_slice %mul3A_1260 {offsets = [15], sizes = [1], strides = [1]} : vector<16xi32> to vector<1xi32>
      %squeeze3A_2793 = vector.extract %slice3A_2792[0] : i32 from vector<1xi32>
      %slice3A_2794 = vector.extract_strided_slice %mul3A_1269 {offsets = [15], sizes = [1], strides = [1]} : vector<16xi32> to vector<1xi32>
      %squeeze3A_2795 = vector.extract %slice3A_2794[0] : i32 from vector<1xi32>
      %slice3A_2796 = vector.extract_strided_slice %mul3A_1278 {offsets = [15], sizes = [1], strides = [1]} : vector<16xi32> to vector<1xi32>
      %squeeze3A_2797 = vector.extract %slice3A_2796[0] : i32 from vector<1xi32>
      %get3A_2798 = arith.index_cast %add3A_2791 : i32 to index
      %get3A_2799 = arith.index_cast %squeeze3A_2793 : i32 to index
      %get3A_2800 = tpu.vector_load %arg15[%get3A_2798, %get3A_2799] {strides = array<i32>} : memref<256x128xf32, #tpu.memory_space<vmem>>, vector<1x16xf32>,
      %get3A_2801 = vector.shape_cast %get3A_2800 : vector<1x16xf32> to vector<16xf32>
      %get3A_2802 = arith.index_cast %add3A_2791 : i32 to index
      %get3A_2803 = arith.index_cast %squeeze3A_2795 : i32 to index
      %get3A_2804 = tpu.vector_load %arg16[%get3A_2802, %get3A_2803] {strides = array<i32>} : memref<256x128xf32, #tpu.memory_space<vmem>>, vector<1x16xf32>,
      %get3A_2805 = vector.shape_cast %get3A_2804 : vector<1x16xf32> to vector<16xf32>
      %mul3A_2806 = arith.mulf %get3A_2801, %get3A_2805 : vector<16xf32>
      %get3A_2807 = arith.index_cast %add3A_2791 : i32 to index
      %get3A_2808 = arith.index_cast %squeeze3A_2797 : i32 to index
      %get3A_2809 = tpu.vector_load %arg17[%get3A_2807, %get3A_2808] {strides = array<i32>} : memref<256x128xf32, #tpu.memory_space<vmem>>, vector<1x16xf32>,
      %get3A_2810 = vector.shape_cast %get3A_2809 : vector<1x16xf32> to vector<16xf32>
      %mul3A_2811 = arith.mulf %mul3A_2806, %get3A_2810 : vector<16xf32>
      %add3A_2812 = arith.constant 16 : i32
      %add3A_2813 = arith.addi %squeeze3A_2793, %add3A_2812 : i32
      %get3A_2814 = arith.index_cast %add3A_2791 : i32 to index
      %get3A_2815 = arith.index_cast %add3A_2813 : i32 to index
      %get3A_2816 = tpu.vector_load %arg15[%get3A_2814, %get3A_2815] {strides = array<i32>} : memref<256x128xf32, #tpu.memory_space<vmem>>, vector<1x16xf32>,
      %get3A_2817 = vector.shape_cast %get3A_2816 : vector<1x16xf32> to vector<16xf32>
      %add3A_2818 = arith.constant 16 : i32
      %add3A_2819 = arith.addi %squeeze3A_2795, %add3A_2818 : i32
      %get3A_2820 = arith.index_cast %add3A_2791 : i32 to index
      %get3A_2821 = arith.index_cast %add3A_2819 : i32 to index
      %get3A_2822 = tpu.vector_load %arg16[%get3A_2820, %get3A_2821] {strides = array<i32>} : memref<256x128xf32, #tpu.memory_space<vmem>>, vector<1x16xf32>,
      %get3A_2823 = vector.shape_cast %get3A_2822 : vector<1x16xf32> to vector<16xf32>
      %mul3A_2824 = arith.mulf %get3A_2817, %get3A_2823 : vector<16xf32>
      %add3A_2825 = arith.constant 16 : i32
      %add3A_2826 = arith.addi %squeeze3A_2797, %add3A_2825 : i32
      %get3A_2827 = arith.index_cast %add3A_2791 : i32 to index
      %get3A_2828 = arith.index_cast %add3A_2826 : i32 to index
      %get3A_2829 = tpu.vector_load %arg17[%get3A_2827, %get3A_2828] {strides = array<i32>} : memref<256x128xf32, #tpu.memory_space<vmem>>, vector<1x16xf32>,
      %get3A_2830 = vector.shape_cast %get3A_2829 : vector<1x16xf32> to vector<16xf32>
      %mul3A_2831 = arith.mulf %mul3A_2824, %get3A_2830 : vector<16xf32>
      %add3A_2832 = arith.addf %mul3A_2811, %mul3A_2831 : vector<16xf32>
      %add3A_2833 = arith.constant 32 : i32
      %add3A_2834 = arith.addi %squeeze3A_2793, %add3A_2833 : i32
      %get3A_2835 = arith.index_cast %add3A_2791 : i32 to index
      %get3A_2836 = arith.index_cast %add3A_2834 : i32 to index
      %get3A_2837 = tpu.vector_load %arg15[%get3A_2835, %get3A_2836] {strides = array<i32>} : memref<256x128xf32, #tpu.memory_space<vmem>>, vector<1x16xf32>,
      %get3A_2838 = vector.shape_cast %get3A_2837 : vector<1x16xf32> to vector<16xf32>
      %add3A_2839 = arith.constant 32 : i32
      %add3A_2840 = arith.addi %squeeze3A_2795, %add3A_2839 : i32
      %get3A_2841 = arith.index_cast %add3A_2791 : i32 to index
      %get3A_2842 = arith.index_cast %add3A_2840 : i32 to index
      %get3A_2843 = tpu.vector_load %arg16[%get3A_2841, %get3A_2842] {strides = array<i32>} : memref<256x128xf32, #tpu.memory_space<vmem>>, vector<1x16xf32>,
      %get3A_2844 = vector.shape_cast %get3A_2843 : vector<1x16xf32> to vector<16xf32>
      %mul3A_2845 = arith.mulf %get3A_2838, %get3A_2844 : vector<16xf32>
      %add3A_2846 = arith.constant 32 : i32
      %add3A_2847 = arith.addi %squeeze3A_2797, %add3A_2846 : i32
      %get3A_2848 = arith.index_cast %add3A_2791 : i32 to index
      %get3A_2849 = arith.index_cast %add3A_2847 : i32 to index
      %get3A_2850 = tpu.vector_load %arg17[%get3A_2848, %get3A_2849] {strides = array<i32>} : memref<256x128xf32, #tpu.memory_space<vmem>>, vector<1x16xf32>,
      %get3A_2851 = vector.shape_cast %get3A_2850 : vector<1x16xf32> to vector<16xf32>
      %mul3A_2852 = arith.mulf %mul3A_2845, %get3A_2851 : vector<16xf32>
      %add3A_2853 = arith.addf %add3A_2832, %mul3A_2852 : vector<16xf32>
      %add3A_2854 = arith.constant 48 : i32
      %add3A_2855 = arith.addi %squeeze3A_2793, %add3A_2854 : i32
      %get3A_2856 = arith.index_cast %add3A_2791 : i32 to index
      %get3A_2857 = arith.index_cast %add3A_2855 : i32 to index
      %get3A_2858 = tpu.vector_load %arg15[%get3A_2856, %get3A_2857] {strides = array<i32>} : memref<256x128xf32, #tpu.memory_space<vmem>>, vector<1x16xf32>,
      %get3A_2859 = vector.shape_cast %get3A_2858 : vector<1x16xf32> to vector<16xf32>
      %add3A_2860 = arith.constant 48 : i32
      %add3A_2861 = arith.addi %squeeze3A_2795, %add3A_2860 : i32
      %get3A_2862 = arith.index_cast %add3A_2791 : i32 to index
      %get3A_2863 = arith.index_cast %add3A_2861 : i32 to index
      %get3A_2864 = tpu.vector_load %arg16[%get3A_2862, %get3A_2863] {strides = array<i32>} : memref<256x128xf32, #tpu.memory_space<vmem>>, vector<1x16xf32>,
      %get3A_2865 = vector.shape_cast %get3A_2864 : vector<1x16xf32> to vector<16xf32>
      %mul3A_2866 = arith.mulf %get3A_2859, %get3A_2865 : vector<16xf32>
      %add3A_2867 = arith.constant 48 : i32
      %add3A_2868 = arith.addi %squeeze3A_2797, %add3A_2867 : i32
      %get3A_2869 = arith.index_cast %add3A_2791 : i32 to index
      %get3A_2870 = arith.index_cast %add3A_2868 : i32 to index
      %get3A_2871 = tpu.vector_load %arg17[%get3A_2869, %get3A_2870] {strides = array<i32>} : memref<256x128xf32, #tpu.memory_space<vmem>>, vector<1x16xf32>,
      %get3A_2872 = vector.shape_cast %get3A_2871 : vector<1x16xf32> to vector<16xf32>
      %mul3A_2873 = arith.mulf %mul3A_2866, %get3A_2872 : vector<16xf32>
      %add3A_2874 = arith.addf %add3A_2853, %mul3A_2873 : vector<16xf32>
      %gather3A_2875 = vector.shape_cast %reshape3A : vector<16x1xi32> to vector<16xi32>
      %gather3A_2876 = tpu.dynamic_gather %add3A_2874[%gather3A_2875] in [0] : vector<16xf32>, vector<16xi32> -> vector<16xf32>
      %add3A_2877 = arith.addf %add3A_2874, %gather3A_2876 : vector<16xf32>
      %gather3A_2878 = vector.shape_cast %reshape3A_1005 : vector<16x1xi32> to vector<16xi32>
      %gather3A_2879 = tpu.dynamic_gather %add3A_2877[%gather3A_2878] in [0] : vector<16xf32>, vector<16xi32> -> vector<16xf32>
      %add3A_2880 = arith.addf %add3A_2877, %gather3A_2879 : vector<16xf32>
      %gather3A_2881 = vector.shape_cast %reshape3A_1012 : vector<16x1xi32> to vector<16xi32>
      %gather3A_2882 = tpu.dynamic_gather %add3A_2880[%gather3A_2881] in [0] : vector<16xf32>, vector<16xi32> -> vector<16xf32>
      %add3A_2883 = arith.addf %add3A_2880, %gather3A_2882 : vector<16xf32>
      %gather3A_2884 = vector.shape_cast %reshape3A_1019 : vector<16x1xi32> to vector<16xi32>
      %gather3A_2885 = tpu.dynamic_gather %add3A_2883[%gather3A_2884] in [0] : vector<16xf32>, vector<16xi32> -> vector<16xf32>
      %add3A_2886 = arith.addf %add3A_2883, %gather3A_2885 : vector<16xf32>
      %eq3A_2887 = arith.constant 15 : i32
      %eq3A_2888 = vector.broadcast %eq3A_2887 : i32 to vector<16xi32>
      %eq3A_2889 = arith.cmpi eq, %iota3A, %eq3A_2888 : vector<16xi32>
      %select_n3A_2890 = arith.select %eq3A_2889, %add3A_2886, %select_n3A_2789 : vector<16xi1>, vector<16xf32>
      %add3A_2891 = arith.constant 0 : i32
      %add3A_2892 = arith.addi %add3A_2891, %mul3A_1249 : i32
      %get3A_2893 = arith.index_cast %add3A_2892 : i32 to index
      %get3A_2894 = tpu.vector_load %arg18[%get3A_2893] {strides = array<i32>} : memref<512xf32, #tpu.memory_space<vmem>>, vector<16xf32>,
      %get3A_2895 = vector.shape_cast %get3A_2894 : vector<16xf32> to vector<16xf32>
      %add3A_2896 = arith.addf %select_n3A_2890, %get3A_2895 : vector<16xf32>
      %neg3A = arith.constant 0.000000e+00 : f32
      %neg3A_2897 = vector.broadcast %neg3A : f32 to vector<16xf32>
      %neg3A_2898 = arith.subf %neg3A_2897, %add3A_2896 : vector<16xf32>
      %exp3A = math.exp %neg3A_2898 : vector<16xf32>
      %add3A_2899 = arith.constant 1.000000e+00 : f32
      %add3A_2900 = vector.broadcast %add3A_2899 : f32 to vector<16xf32>
      %add3A_2901 = arith.addf %add3A_2900, %exp3A : vector<16xf32>
      %div3A = arith.constant 1.000000e+00 : f32
      %div3A_2902 = vector.broadcast %div3A : f32 to vector<16xf32>
      %div3A_2903 = arith.divf %div3A_2902, %add3A_2901 : vector<16xf32>
      %add3A_2904 = arith.constant 0 : i32
      %add3A_2905 = arith.addi %add3A_2904, %mul3A_1249 : i32
      %swap3A_2906 = arith.index_cast %add3A_2905 : i32 to index
      %swap3A_2907 = tpu.vector_load %arg19[%swap3A_2906] {strides = array<i32>} : memref<512xf32, #tpu.memory_space<vmem>>, vector<16xf32>,
      %swap3A_2908 = vector.shape_cast %swap3A_2907 : vector<16xf32> to vector<16xf32>
      %swap3A_2909 = vector.shape_cast %div3A_2903 : vector<16xf32> to vector<16xf32>
      tpu.vector_store %arg19[%swap3A_2906], %swap3A_2909 {strides = array<i32>} : memref<512xf32, #tpu.memory_space<vmem>>, vector<16xf32>,
    }
    %scan3A_1144 = arith.constant 16 : i32
    %dma_start3A_1145 = arith.constant 0 : i32
    %dma_start3A_1146 = arith.constant 0 : i32
    %dma_start3A_1147 = tpu.memref_slice %arg15[%dma_start3A_1145, %dma_start3A_1146] : memref<256x128xf32, #tpu.memory_space<vmem>> -> memref<128x128xf32, #tpu.memory_space<vmem>>
    %dma_start3A_1148 = arith.constant 256 : i32
    %dma_start3A_1149 = tpu.memref_slice %arg12[%dma_start3A_1148] : memref<512xi32, #tpu.memory_space<vmem>> -> memref<128xi32, #tpu.memory_space<vmem>>
    %dma_start3A_1150 = arith.constant 0 : i32
    %dma_start3A_1151 = arith.constant 0 : i32
    %dma_start3A_1152 = tpu.memref_slice %arg5[%dma_start3A_1150, %dma_start3A_1151] : memref<500000x128xf32, #tpu.memory_space<hbm>> -> memref<500000x128xf32, #tpu.memory_space<hbm>>
    tpu.enqueue_indirect_dma source(%dma_start3A_1152 : memref<500000x128xf32, #tpu.memory_space<hbm>>) target(%dma_start3A_1147 : memref<128x128xf32, #tpu.memory_space<vmem>>) offsets(%dma_start3A_1149 : memref<128xi32, #tpu.memory_space<vmem>>) semaphore(%arg20 : memref<!tpu.dma_semaphore, #tpu.memory_space<semaphore_mem>>)
    %dma_start3A_1153 = arith.constant 0 : i32
    %dma_start3A_1154 = arith.constant 0 : i32
    %dma_start3A_1155 = tpu.memref_slice %arg16[%dma_start3A_1153, %dma_start3A_1154] : memref<256x128xf32, #tpu.memory_space<vmem>> -> memref<128x128xf32, #tpu.memory_space<vmem>>
    %dma_start3A_1156 = arith.constant 256 : i32
    %dma_start3A_1157 = tpu.memref_slice %arg13[%dma_start3A_1156] : memref<512xi32, #tpu.memory_space<vmem>> -> memref<128xi32, #tpu.memory_space<vmem>>
    %dma_start3A_1158 = arith.constant 0 : i32
    %dma_start3A_1159 = arith.constant 0 : i32
    %dma_start3A_1160 = tpu.memref_slice %arg6[%dma_start3A_1158, %dma_start3A_1159] : memref<500x128xf32, #tpu.memory_space<hbm>> -> memref<500x128xf32, #tpu.memory_space<hbm>>
    tpu.enqueue_indirect_dma source(%dma_start3A_1160 : memref<500x128xf32, #tpu.memory_space<hbm>>) target(%dma_start3A_1155 : memref<128x128xf32, #tpu.memory_space<vmem>>) offsets(%dma_start3A_1157 : memref<128xi32, #tpu.memory_space<vmem>>) semaphore(%arg20 : memref<!tpu.dma_semaphore, #tpu.memory_space<semaphore_mem>>)
    %dma_start3A_1161 = arith.constant 0 : i32
    %dma_start3A_1162 = arith.constant 0 : i32
    %dma_start3A_1163 = tpu.memref_slice %arg17[%dma_start3A_1161, %dma_start3A_1162] : memref<256x128xf32, #tpu.memory_space<vmem>> -> memref<128x128xf32, #tpu.memory_space<vmem>>
    %dma_start3A_1164 = arith.constant 256 : i32
    %dma_start3A_1165 = tpu.memref_slice %arg14[%dma_start3A_1164] : memref<512xi32, #tpu.memory_space<vmem>> -> memref<128xi32, #tpu.memory_space<vmem>>
    %dma_start3A_1166 = arith.constant 0 : i32
    %dma_start3A_1167 = arith.constant 0 : i32
    %dma_start3A_1168 = tpu.memref_slice %arg5[%dma_start3A_1166, %dma_start3A_1167] : memref<500000x128xf32, #tpu.memory_space<hbm>> -> memref<500000x128xf32, #tpu.memory_space<hbm>>
    tpu.enqueue_indirect_dma source(%dma_start3A_1168 : memref<500000x128xf32, #tpu.memory_space<hbm>>) target(%dma_start3A_1163 : memref<128x128xf32, #tpu.memory_space<vmem>>) offsets(%dma_start3A_1165 : memref<128xi32, #tpu.memory_space<vmem>>) semaphore(%arg20 : memref<!tpu.dma_semaphore, #tpu.memory_space<semaphore_mem>>)
    %dma_start3A_1169 = arith.constant 128 : i32
    %dma_start3A_1170 = arith.constant 0 : i32
    %dma_start3A_1171 = tpu.memref_slice %arg15[%dma_start3A_1169, %dma_start3A_1170] : memref<256x128xf32, #tpu.memory_space<vmem>> -> memref<128x128xf32, #tpu.memory_space<vmem>>
    %dma_start3A_1172 = arith.constant 384 : i32
    %dma_start3A_1173 = tpu.memref_slice %arg12[%dma_start3A_1172] : memref<512xi32, #tpu.memory_space<vmem>> -> memref<128xi32, #tpu.memory_space<vmem>>
    %dma_start3A_1174 = arith.constant 0 : i32
    %dma_start3A_1175 = arith.constant 0 : i32
    %dma_start3A_1176 = tpu.memref_slice %arg5[%dma_start3A_1174, %dma_start3A_1175] : memref<500000x128xf32, #tpu.memory_space<hbm>> -> memref<500000x128xf32, #tpu.memory_space<hbm>>
    tpu.enqueue_indirect_dma source(%dma_start3A_1176 : memref<500000x128xf32, #tpu.memory_space<hbm>>) target(%dma_start3A_1171 : memref<128x128xf32, #tpu.memory_space<vmem>>) offsets(%dma_start3A_1173 : memref<128xi32, #tpu.memory_space<vmem>>) semaphore(%arg20 : memref<!tpu.dma_semaphore, #tpu.memory_space<semaphore_mem>>)
    %dma_start3A_1177 = arith.constant 128 : i32
    %dma_start3A_1178 = arith.constant 0 : i32
    %dma_start3A_1179 = tpu.memref_slice %arg16[%dma_start3A_1177, %dma_start3A_1178] : memref<256x128xf32, #tpu.memory_space<vmem>> -> memref<128x128xf32, #tpu.memory_space<vmem>>
    %dma_start3A_1180 = arith.constant 384 : i32
    %dma_start3A_1181 = tpu.memref_slice %arg13[%dma_start3A_1180] : memref<512xi32, #tpu.memory_space<vmem>> -> memref<128xi32, #tpu.memory_space<vmem>>
    %dma_start3A_1182 = arith.constant 0 : i32
    %dma_start3A_1183 = arith.constant 0 : i32
    %dma_start3A_1184 = tpu.memref_slice %arg6[%dma_start3A_1182, %dma_start3A_1183] : memref<500x128xf32, #tpu.memory_space<hbm>> -> memref<500x128xf32, #tpu.memory_space<hbm>>
    tpu.enqueue_indirect_dma source(%dma_start3A_1184 : memref<500x128xf32, #tpu.memory_space<hbm>>) target(%dma_start3A_1179 : memref<128x128xf32, #tpu.memory_space<vmem>>) offsets(%dma_start3A_1181 : memref<128xi32, #tpu.memory_space<vmem>>) semaphore(%arg20 : memref<!tpu.dma_semaphore, #tpu.memory_space<semaphore_mem>>)
    %dma_start3A_1185 = arith.constant 128 : i32
    %dma_start3A_1186 = arith.constant 0 : i32
    %dma_start3A_1187 = tpu.memref_slice %arg17[%dma_start3A_1185, %dma_start3A_1186] : memref<256x128xf32, #tpu.memory_space<vmem>> -> memref<128x128xf32, #tpu.memory_space<vmem>>
    %dma_start3A_1188 = arith.constant 384 : i32
    %dma_start3A_1189 = tpu.memref_slice %arg14[%dma_start3A_1188] : memref<512xi32, #tpu.memory_space<vmem>> -> memref<128xi32, #tpu.memory_space<vmem>>
    %dma_start3A_1190 = arith.constant 0 : i32
    %dma_start3A_1191 = arith.constant 0 : i32
    %dma_start3A_1192 = tpu.memref_slice %arg5[%dma_start3A_1190, %dma_start3A_1191] : memref<500000x128xf32, #tpu.memory_space<hbm>> -> memref<500000x128xf32, #tpu.memory_space<hbm>>
    tpu.enqueue_indirect_dma source(%dma_start3A_1192 : memref<500000x128xf32, #tpu.memory_space<hbm>>) target(%dma_start3A_1187 : memref<128x128xf32, #tpu.memory_space<vmem>>) offsets(%dma_start3A_1189 : memref<128xi32, #tpu.memory_space<vmem>>) semaphore(%arg20 : memref<!tpu.dma_semaphore, #tpu.memory_space<semaphore_mem>>)
    %dma_wait3A_1193 = arith.constant 0 : i32
    %dma_wait3A_1194 = arith.constant 0 : i32
    %dma_wait3A_1195 = tpu.memref_slice %arg15[%dma_wait3A_1193, %dma_wait3A_1194] : memref<256x128xf32, #tpu.memory_space<vmem>> -> memref<128x128xf32, #tpu.memory_space<vmem>>
    %dma_wait3A_1196 = arith.constant 256 : i32
    %dma_wait3A_1197 = tpu.memref_slice %arg12[%dma_wait3A_1196] : memref<512xi32, #tpu.memory_space<vmem>> -> memref<128xi32, #tpu.memory_space<vmem>>
    %dma_wait3A_1198 = arith.constant 0 : i32
    %dma_wait3A_1199 = arith.constant 0 : i32
    %dma_wait3A_1200 = tpu.memref_slice %arg5[%dma_wait3A_1198, %dma_wait3A_1199] : memref<500000x128xf32, #tpu.memory_space<hbm>> -> memref<500000x128xf32, #tpu.memory_space<hbm>>
    tpu.wait_indirect_dma semaphore(%arg20 : memref<!tpu.dma_semaphore, #tpu.memory_space<semaphore_mem>>) src(%dma_wait3A_1200 : memref<500000x128xf32, #tpu.memory_space<hbm>>) dst(%dma_wait3A_1195 : memref<128x128xf32, #tpu.memory_space<vmem>>)
    %dma_wait3A_1201 = arith.constant 0 : i32
    %dma_wait3A_1202 = arith.constant 0 : i32
    %dma_wait3A_1203 = tpu.memref_slice %arg16[%dma_wait3A_1201, %dma_wait3A_1202] : memref<256x128xf32, #tpu.memory_space<vmem>> -> memref<128x128xf32, #tpu.memory_space<vmem>>
    %dma_wait3A_1204 = arith.constant 256 : i32
    %dma_wait3A_1205 = tpu.memref_slice %arg13[%dma_wait3A_1204] : memref<512xi32, #tpu.memory_space<vmem>> -> memref<128xi32, #tpu.memory_space<vmem>>
    %dma_wait3A_1206 = arith.constant 0 : i32
    %dma_wait3A_1207 = arith.constant 0 : i32
    %dma_wait3A_1208 = tpu.memref_slice %arg6[%dma_wait3A_1206, %dma_wait3A_1207] : memref<500x128xf32, #tpu.memory_space<hbm>> -> memref<500x128xf32, #tpu.memory_space<hbm>>
    tpu.wait_indirect_dma semaphore(%arg20 : memref<!tpu.dma_semaphore, #tpu.memory_space<semaphore_mem>>) src(%dma_wait3A_1208 : memref<500x128xf32, #tpu.memory_space<hbm>>) dst(%dma_wait3A_1203 : memref<128x128xf32, #tpu.memory_space<vmem>>)
    %dma_wait3A_1209 = arith.constant 0 : i32
    %dma_wait3A_1210 = arith.constant 0 : i32
    %dma_wait3A_1211 = tpu.memref_slice %arg17[%dma_wait3A_1209, %dma_wait3A_1210] : memref<256x128xf32, #tpu.memory_space<vmem>> -> memref<128x128xf32, #tpu.memory_space<vmem>>
    %dma_wait3A_1212 = arith.constant 256 : i32
    %dma_wait3A_1213 = tpu.memref_slice %arg14[%dma_wait3A_1212] : memref<512xi32, #tpu.memory_space<vmem>> -> memref<128xi32, #tpu.memory_space<vmem>>
    %dma_wait3A_1214 = arith.constant 0 : i32
    %dma_wait3A_1215 = arith.constant 0 : i32
    %dma_wait3A_1216 = tpu.memref_slice %arg5[%dma_wait3A_1214, %dma_wait3A_1215] : memref<500000x128xf32, #tpu.memory_space<hbm>> -> memref<500000x128xf32, #tpu.memory_space<hbm>>
    tpu.wait_indirect_dma semaphore(%arg20 : memref<!tpu.dma_semaphore, #tpu.memory_space<semaphore_mem>>) src(%dma_wait3A_1216 : memref<500000x128xf32, #tpu.memory_space<hbm>>) dst(%dma_wait3A_1211 : memref<128x128xf32, #tpu.memory_space<vmem>>)
    %dma_wait3A_1217 = arith.constant 128 : i32
    %dma_wait3A_1218 = arith.constant 0 : i32
    %dma_wait3A_1219 = tpu.memref_slice %arg15[%dma_wait3A_1217, %dma_wait3A_1218] : memref<256x128xf32, #tpu.memory_space<vmem>> -> memref<128x128xf32, #tpu.memory_space<vmem>>
    %dma_wait3A_1220 = arith.constant 384 : i32
    %dma_wait3A_1221 = tpu.memref_slice %arg12[%dma_wait3A_1220] : memref<512xi32, #tpu.memory_space<vmem>> -> memref<128xi32, #tpu.memory_space<vmem>>
    %dma_wait3A_1222 = arith.constant 0 : i32
    %dma_wait3A_1223 = arith.constant 0 : i32
    %dma_wait3A_1224 = tpu.memref_slice %arg5[%dma_wait3A_1222, %dma_wait3A_1223] : memref<500000x128xf32, #tpu.memory_space<hbm>> -> memref<500000x128xf32, #tpu.memory_space<hbm>>
    tpu.wait_indirect_dma semaphore(%arg20 : memref<!tpu.dma_semaphore, #tpu.memory_space<semaphore_mem>>) src(%dma_wait3A_1224 : memref<500000x128xf32, #tpu.memory_space<hbm>>) dst(%dma_wait3A_1219 : memref<128x128xf32, #tpu.memory_space<vmem>>)
    %dma_wait3A_1225 = arith.constant 128 : i32
    %dma_wait3A_1226 = arith.constant 0 : i32
    %dma_wait3A_1227 = tpu.memref_slice %arg16[%dma_wait3A_1225, %dma_wait3A_1226] : memref<256x128xf32, #tpu.memory_space<vmem>> -> memref<128x128xf32, #tpu.memory_space<vmem>>
    %dma_wait3A_1228 = arith.constant 384 : i32
    %dma_wait3A_1229 = tpu.memref_slice %arg13[%dma_wait3A_1228] : memref<512xi32, #tpu.memory_space<vmem>> -> memref<128xi32, #tpu.memory_space<vmem>>
    %dma_wait3A_1230 = arith.constant 0 : i32
    %dma_wait3A_1231 = arith.constant 0 : i32
    %dma_wait3A_1232 = tpu.memref_slice %arg6[%dma_wait3A_1230, %dma_wait3A_1231] : memref<500x128xf32, #tpu.memory_space<hbm>> -> memref<500x128xf32, #tpu.memory_space<hbm>>
    tpu.wait_indirect_dma semaphore(%arg20 : memref<!tpu.dma_semaphore, #tpu.memory_space<semaphore_mem>>) src(%dma_wait3A_1232 : memref<500x128xf32, #tpu.memory_space<hbm>>) dst(%dma_wait3A_1227 : memref<128x128xf32, #tpu.memory_space<vmem>>)
    %dma_wait3A_1233 = arith.constant 128 : i32
    %dma_wait3A_1234 = arith.constant 0 : i32
    %dma_wait3A_1235 = tpu.memref_slice %arg17[%dma_wait3A_1233, %dma_wait3A_1234] : memref<256x128xf32, #tpu.memory_space<vmem>> -> memref<128x128xf32, #tpu.memory_space<vmem>>
    %dma_wait3A_1236 = arith.constant 384 : i32
    %dma_wait3A_1237 = tpu.memref_slice %arg14[%dma_wait3A_1236] : memref<512xi32, #tpu.memory_space<vmem>> -> memref<128xi32, #tpu.memory_space<vmem>>
    %dma_wait3A_1238 = arith.constant 0 : i32
    %dma_wait3A_1239 = arith.constant 0 : i32
    %dma_wait3A_1240 = tpu.memref_slice %arg5[%dma_wait3A_1238, %dma_wait3A_1239] : memref<500000x128xf32, #tpu.memory_space<hbm>> -> memref<500000x128xf32, #tpu.memory_space<hbm>>
    tpu.wait_indirect_dma semaphore(%arg20 : memref<!tpu.dma_semaphore, #tpu.memory_space<semaphore_mem>>) src(%dma_wait3A_1240 : memref<500000x128xf32, #tpu.memory_space<hbm>>) dst(%dma_wait3A_1235 : memref<128x128xf32, #tpu.memory_space<vmem>>)
    %scan3A_1241 = arith.constant 0 : i32
    %scan3A_1242 = arith.constant 0 : i32
    %scan3A_1243 = arith.constant 16 : i32
    %scan3A_1244 = arith.addi %scan3A_1242, %scan3A_1243 : i32
    %scan3A_1245 = arith.constant 1 : i32
    scf.for %scan3A_1247 = %scan3A_1242 to %scan3A_1244 step %scan3A_1245  : i32 {
      %mul3A_1248 = arith.constant 16 : i32
      %mul3A_1249 = arith.muli %scan3A_1247, %mul3A_1248 : i32
      %add3A_1250 = arith.constant 256 : i32
      %add3A_1251 = arith.addi %add3A_1250, %mul3A_1249 : i32
      %get3A_1252 = arith.index_cast %add3A_1251 : i32 to index
      %get3A_1253 = tpu.vector_load %arg9[%get3A_1252] {strides = array<i32>} : memref<512xi32, #tpu.memory_space<vmem>>, vector<16xi32>,
      %get3A_1254 = vector.shape_cast %get3A_1253 : vector<16xi32> to vector<16xi32>
      %and3A_1255 = arith.constant 1 : i32
      %and3A_1256 = vector.broadcast %and3A_1255 : i32 to vector<16xi32>
      %and3A_1257 = arith.andi %get3A_1254, %and3A_1256 : vector<16xi32>
      %mul3A_1258 = arith.constant 64 : i32
      %mul3A_1259 = vector.broadcast %mul3A_1258 : i32 to vector<16xi32>
      %mul3A_1260 = arith.muli %and3A_1257, %mul3A_1259 : vector<16xi32>
      %get3A_1261 = arith.index_cast %add3A_1251 : i32 to index
      %get3A_1262 = tpu.vector_load %arg10[%get3A_1261] {strides = array<i32>} : memref<512xi32, #tpu.memory_space<vmem>>, vector<16xi32>,
      %get3A_1263 = vector.shape_cast %get3A_1262 : vector<16xi32> to vector<16xi32>
      %and3A_1264 = arith.constant 1 : i32
      %and3A_1265 = vector.broadcast %and3A_1264 : i32 to vector<16xi32>
      %and3A_1266 = arith.andi %get3A_1263, %and3A_1265 : vector<16xi32>
      %mul3A_1267 = arith.constant 64 : i32
      %mul3A_1268 = vector.broadcast %mul3A_1267 : i32 to vector<16xi32>
      %mul3A_1269 = arith.muli %and3A_1266, %mul3A_1268 : vector<16xi32>
      %get3A_1270 = arith.index_cast %add3A_1251 : i32 to index
      %get3A_1271 = tpu.vector_load %arg11[%get3A_1270] {strides = array<i32>} : memref<512xi32, #tpu.memory_space<vmem>>, vector<16xi32>,
      %get3A_1272 = vector.shape_cast %get3A_1271 : vector<16xi32> to vector<16xi32>
      %and3A_1273 = arith.constant 1 : i32
      %and3A_1274 = vector.broadcast %and3A_1273 : i32 to vector<16xi32>
      %and3A_1275 = arith.andi %get3A_1272, %and3A_1274 : vector<16xi32>
      %mul3A_1276 = arith.constant 64 : i32
      %mul3A_1277 = vector.broadcast %mul3A_1276 : i32 to vector<16xi32>
      %mul3A_1278 = arith.muli %and3A_1275, %mul3A_1277 : vector<16xi32>
      %broadcast_in_dim3A = arith.constant 0.000000e+00 : f32
      %broadcast_in_dim3A_1279 = vector.broadcast %broadcast_in_dim3A : f32 to vector<16xf32>
      %add3A_1280 = arith.constant 0 : i32
      %add3A_1281 = arith.addi %mul3A_1249, %add3A_1280 : i32
      %slice3A = vector.extract_strided_slice %mul3A_1260 {offsets = [0], sizes = [1], strides = [1]} : vector<16xi32> to vector<1xi32>
      %squeeze3A = vector.extract %slice3A[0] : i32 from vector<1xi32>
      %slice3A_1282 = vector.extract_strided_slice %mul3A_1269 {offsets = [0], sizes = [1], strides = [1]} : vector<16xi32> to vector<1xi32>
      %squeeze3A_1283 = vector.extract %slice3A_1282[0] : i32 from vector<1xi32>
      %slice3A_1284 = vector.extract_strided_slice %mul3A_1278 {offsets = [0], sizes = [1], strides = [1]} : vector<16xi32> to vector<1xi32>
      %squeeze3A_1285 = vector.extract %slice3A_1284[0] : i32 from vector<1xi32>
      %get3A_1286 = arith.index_cast %add3A_1281 : i32 to index
      %get3A_1287 = arith.index_cast %squeeze3A : i32 to index
      %get3A_1288 = tpu.vector_load %arg15[%get3A_1286, %get3A_1287] {strides = array<i32>} : memref<256x128xf32, #tpu.memory_space<vmem>>, vector<1x16xf32>,
      %get3A_1289 = vector.shape_cast %get3A_1288 : vector<1x16xf32> to vector<16xf32>
      %get3A_1290 = arith.index_cast %add3A_1281 : i32 to index
      %get3A_1291 = arith.index_cast %squeeze3A_1283 : i32 to index
      %get3A_1292 = tpu.vector_load %arg16[%get3A_1290, %get3A_1291] {strides = array<i32>} : memref<256x128xf32, #tpu.memory_space<vmem>>, vector<1x16xf32>,
      %get3A_1293 = vector.shape_cast %get3A_1292 : vector<1x16xf32> to vector<16xf32>
      %mul3A_1294 = arith.mulf %get3A_1289, %get3A_1293 : vector<16xf32>
      %get3A_1295 = arith.index_cast %add3A_1281 : i32 to index
      %get3A_1296 = arith.index_cast %squeeze3A_1285 : i32 to index
      %get3A_1297 = tpu.vector_load %arg17[%get3A_1295, %get3A_1296] {strides = array<i32>} : memref<256x128xf32, #tpu.memory_space<vmem>>, vector<1x16xf32>,
      %get3A_1298 = vector.shape_cast %get3A_1297 : vector<1x16xf32> to vector<16xf32>
      %mul3A_1299 = arith.mulf %mul3A_1294, %get3A_1298 : vector<16xf32>
      %add3A_1300 = arith.constant 16 : i32
      %add3A_1301 = arith.addi %squeeze3A, %add3A_1300 : i32
      %get3A_1302 = arith.index_cast %add3A_1281 : i32 to index
      %get3A_1303 = arith.index_cast %add3A_1301 : i32 to index
      %get3A_1304 = tpu.vector_load %arg15[%get3A_1302, %get3A_1303] {strides = array<i32>} : memref<256x128xf32, #tpu.memory_space<vmem>>, vector<1x16xf32>,
      %get3A_1305 = vector.shape_cast %get3A_1304 : vector<1x16xf32> to vector<16xf32>
      %add3A_1306 = arith.constant 16 : i32
      %add3A_1307 = arith.addi %squeeze3A_1283, %add3A_1306 : i32
      %get3A_1308 = arith.index_cast %add3A_1281 : i32 to index
      %get3A_1309 = arith.index_cast %add3A_1307 : i32 to index
      %get3A_1310 = tpu.vector_load %arg16[%get3A_1308, %get3A_1309] {strides = array<i32>} : memref<256x128xf32, #tpu.memory_space<vmem>>, vector<1x16xf32>,
      %get3A_1311 = vector.shape_cast %get3A_1310 : vector<1x16xf32> to vector<16xf32>
      %mul3A_1312 = arith.mulf %get3A_1305, %get3A_1311 : vector<16xf32>
      %add3A_1313 = arith.constant 16 : i32
      %add3A_1314 = arith.addi %squeeze3A_1285, %add3A_1313 : i32
      %get3A_1315 = arith.index_cast %add3A_1281 : i32 to index
      %get3A_1316 = arith.index_cast %add3A_1314 : i32 to index
      %get3A_1317 = tpu.vector_load %arg17[%get3A_1315, %get3A_1316] {strides = array<i32>} : memref<256x128xf32, #tpu.memory_space<vmem>>, vector<1x16xf32>,
      %get3A_1318 = vector.shape_cast %get3A_1317 : vector<1x16xf32> to vector<16xf32>
      %mul3A_1319 = arith.mulf %mul3A_1312, %get3A_1318 : vector<16xf32>
      %add3A_1320 = arith.addf %mul3A_1299, %mul3A_1319 : vector<16xf32>
      %add3A_1321 = arith.constant 32 : i32
      %add3A_1322 = arith.addi %squeeze3A, %add3A_1321 : i32
      %get3A_1323 = arith.index_cast %add3A_1281 : i32 to index
      %get3A_1324 = arith.index_cast %add3A_1322 : i32 to index
      %get3A_1325 = tpu.vector_load %arg15[%get3A_1323, %get3A_1324] {strides = array<i32>} : memref<256x128xf32, #tpu.memory_space<vmem>>, vector<1x16xf32>,
      %get3A_1326 = vector.shape_cast %get3A_1325 : vector<1x16xf32> to vector<16xf32>
      %add3A_1327 = arith.constant 32 : i32
      %add3A_1328 = arith.addi %squeeze3A_1283, %add3A_1327 : i32
      %get3A_1329 = arith.index_cast %add3A_1281 : i32 to index
      %get3A_1330 = arith.index_cast %add3A_1328 : i32 to index
      %get3A_1331 = tpu.vector_load %arg16[%get3A_1329, %get3A_1330] {strides = array<i32>} : memref<256x128xf32, #tpu.memory_space<vmem>>, vector<1x16xf32>,
      %get3A_1332 = vector.shape_cast %get3A_1331 : vector<1x16xf32> to vector<16xf32>
      %mul3A_1333 = arith.mulf %get3A_1326, %get3A_1332 : vector<16xf32>
      %add3A_1334 = arith.constant 32 : i32
      %add3A_1335 = arith.addi %squeeze3A_1285, %add3A_1334 : i32
      %get3A_1336 = arith.index_cast %add3A_1281 : i32 to index
      %get3A_1337 = arith.index_cast %add3A_1335 : i32 to index
      %get3A_1338 = tpu.vector_load %arg17[%get3A_1336, %get3A_1337] {strides = array<i32>} : memref<256x128xf32, #tpu.memory_space<vmem>>, vector<1x16xf32>,
      %get3A_1339 = vector.shape_cast %get3A_1338 : vector<1x16xf32> to vector<16xf32>
      %mul3A_1340 = arith.mulf %mul3A_1333, %get3A_1339 : vector<16xf32>
      %add3A_1341 = arith.addf %add3A_1320, %mul3A_1340 : vector<16xf32>
      %add3A_1342 = arith.constant 48 : i32
      %add3A_1343 = arith.addi %squeeze3A, %add3A_1342 : i32
      %get3A_1344 = arith.index_cast %add3A_1281 : i32 to index
      %get3A_1345 = arith.index_cast %add3A_1343 : i32 to index
      %get3A_1346 = tpu.vector_load %arg15[%get3A_1344, %get3A_1345] {strides = array<i32>} : memref<256x128xf32, #tpu.memory_space<vmem>>, vector<1x16xf32>,
      %get3A_1347 = vector.shape_cast %get3A_1346 : vector<1x16xf32> to vector<16xf32>
      %add3A_1348 = arith.constant 48 : i32
      %add3A_1349 = arith.addi %squeeze3A_1283, %add3A_1348 : i32
      %get3A_1350 = arith.index_cast %add3A_1281 : i32 to index
      %get3A_1351 = arith.index_cast %add3A_1349 : i32 to index
      %get3A_1352 = tpu.vector_load %arg16[%get3A_1350, %get3A_1351] {strides = array<i32>} : memref<256x128xf32, #tpu.memory_space<vmem>>, vector<1x16xf32>,
      %get3A_1353 = vector.shape_cast %get3A_1352 : vector<1x16xf32> to vector<16xf32>
      %mul3A_1354 = arith.mulf %get3A_1347, %get3A_1353 : vector<16xf32>
      %add3A_1355 = arith.constant 48 : i32
      %add3A_1356 = arith.addi %squeeze3A_1285, %add3A_1355 : i32
      %get3A_1357 = arith.index_cast %add3A_1281 : i32 to index
      %get3A_1358 = arith.index_cast %add3A_1356 : i32 to index
      %get3A_1359 = tpu.vector_load %arg17[%get3A_1357, %get3A_1358] {strides = array<i32>} : memref<256x128xf32, #tpu.memory_space<vmem>>, vector<1x16xf32>,
      %get3A_1360 = vector.shape_cast %get3A_1359 : vector<1x16xf32> to vector<16xf32>
      %mul3A_1361 = arith.mulf %mul3A_1354, %get3A_1360 : vector<16xf32>
      %add3A_1362 = arith.addf %add3A_1341, %mul3A_1361 : vector<16xf32>
      %gather3A = vector.shape_cast %reshape3A : vector<16x1xi32> to vector<16xi32>
      %gather3A_1363 = tpu.dynamic_gather %add3A_1362[%gather3A] in [0] : vector<16xf32>, vector<16xi32> -> vector<16xf32>
      %add3A_1364 = arith.addf %add3A_1362, %gather3A_1363 : vector<16xf32>
      %gather3A_1365 = vector.shape_cast %reshape3A_1005 : vector<16x1xi32> to vector<16xi32>
      %gather3A_1366 = tpu.dynamic_gather %add3A_1364[%gather3A_1365] in [0] : vector<16xf32>, vector<16xi32> -> vector<16xf32>
      %add3A_1367 = arith.addf %add3A_1364, %gather3A_1366 : vector<16xf32>
      %gather3A_1368 = vector.shape_cast %reshape3A_1012 : vector<16x1xi32> to vector<16xi32>
      %gather3A_1369 = tpu.dynamic_gather %add3A_1367[%gather3A_1368] in [0] : vector<16xf32>, vector<16xi32> -> vector<16xf32>
      %add3A_1370 = arith.addf %add3A_1367, %gather3A_1369 : vector<16xf32>
      %gather3A_1371 = vector.shape_cast %reshape3A_1019 : vector<16x1xi32> to vector<16xi32>
      %gather3A_1372 = tpu.dynamic_gather %add3A_1370[%gather3A_1371] in [0] : vector<16xf32>, vector<16xi32> -> vector<16xf32>
      %add3A_1373 = arith.addf %add3A_1370, %gather3A_1372 : vector<16xf32>
      %eq3A = arith.constant 0 : i32
      %eq3A_1374 = vector.broadcast %eq3A : i32 to vector<16xi32>
      %eq3A_1375 = arith.cmpi eq, %iota3A, %eq3A_1374 : vector<16xi32>
      %select_n3A = arith.select %eq3A_1375, %add3A_1373, %broadcast_in_dim3A_1279 : vector<16xi1>, vector<16xf32>
      %add3A_1376 = arith.constant 1 : i32
      %add3A_1377 = arith.addi %mul3A_1249, %add3A_1376 : i32
      %slice3A_1378 = vector.extract_strided_slice %mul3A_1260 {offsets = [1], sizes = [1], strides = [1]} : vector<16xi32> to vector<1xi32>
      %squeeze3A_1379 = vector.extract %slice3A_1378[0] : i32 from vector<1xi32>
      %slice3A_1380 = vector.extract_strided_slice %mul3A_1269 {offsets = [1], sizes = [1], strides = [1]} : vector<16xi32> to vector<1xi32>
      %squeeze3A_1381 = vector.extract %slice3A_1380[0] : i32 from vector<1xi32>
      %slice3A_1382 = vector.extract_strided_slice %mul3A_1278 {offsets = [1], sizes = [1], strides = [1]} : vector<16xi32> to vector<1xi32>
      %squeeze3A_1383 = vector.extract %slice3A_1382[0] : i32 from vector<1xi32>
      %get3A_1384 = arith.index_cast %add3A_1377 : i32 to index
      %get3A_1385 = arith.index_cast %squeeze3A_1379 : i32 to index
      %get3A_1386 = tpu.vector_load %arg15[%get3A_1384, %get3A_1385] {strides = array<i32>} : memref<256x128xf32, #tpu.memory_space<vmem>>, vector<1x16xf32>,
      %get3A_1387 = vector.shape_cast %get3A_1386 : vector<1x16xf32> to vector<16xf32>
      %get3A_1388 = arith.index_cast %add3A_1377 : i32 to index
      %get3A_1389 = arith.index_cast %squeeze3A_1381 : i32 to index
      %get3A_1390 = tpu.vector_load %arg16[%get3A_1388, %get3A_1389] {strides = array<i32>} : memref<256x128xf32, #tpu.memory_space<vmem>>, vector<1x16xf32>,
      %get3A_1391 = vector.shape_cast %get3A_1390 : vector<1x16xf32> to vector<16xf32>
      %mul3A_1392 = arith.mulf %get3A_1387, %get3A_1391 : vector<16xf32>
      %get3A_1393 = arith.index_cast %add3A_1377 : i32 to index
      %get3A_1394 = arith.index_cast %squeeze3A_1383 : i32 to index
      %get3A_1395 = tpu.vector_load %arg17[%get3A_1393, %get3A_1394] {strides = array<i32>} : memref<256x128xf32, #tpu.memory_space<vmem>>, vector<1x16xf32>,
      %get3A_1396 = vector.shape_cast %get3A_1395 : vector<1x16xf32> to vector<16xf32>
      %mul3A_1397 = arith.mulf %mul3A_1392, %get3A_1396 : vector<16xf32>
      %add3A_1398 = arith.constant 16 : i32
      %add3A_1399 = arith.addi %squeeze3A_1379, %add3A_1398 : i32
      %get3A_1400 = arith.index_cast %add3A_1377 : i32 to index
      %get3A_1401 = arith.index_cast %add3A_1399 : i32 to index
      %get3A_1402 = tpu.vector_load %arg15[%get3A_1400, %get3A_1401] {strides = array<i32>} : memref<256x128xf32, #tpu.memory_space<vmem>>, vector<1x16xf32>,
      %get3A_1403 = vector.shape_cast %get3A_1402 : vector<1x16xf32> to vector<16xf32>
      %add3A_1404 = arith.constant 16 : i32
      %add3A_1405 = arith.addi %squeeze3A_1381, %add3A_1404 : i32
      %get3A_1406 = arith.index_cast %add3A_1377 : i32 to index
      %get3A_1407 = arith.index_cast %add3A_1405 : i32 to index
      %get3A_1408 = tpu.vector_load %arg16[%get3A_1406, %get3A_1407] {strides = array<i32>} : memref<256x128xf32, #tpu.memory_space<vmem>>, vector<1x16xf32>,
      %get3A_1409 = vector.shape_cast %get3A_1408 : vector<1x16xf32> to vector<16xf32>
      %mul3A_1410 = arith.mulf %get3A_1403, %get3A_1409 : vector<16xf32>
      %add3A_1411 = arith.constant 16 : i32
      %add3A_1412 = arith.addi %squeeze3A_1383, %add3A_1411 : i32
      %get3A_1413 = arith.index_cast %add3A_1377 : i32 to index
      %get3A_1414 = arith.index_cast %add3A_1412 : i32 to index
      %get3A_1415 = tpu.vector_load %arg17[%get3A_1413, %get3A_1414] {strides = array<i32>} : memref<256x128xf32, #tpu.memory_space<vmem>>, vector<1x16xf32>,
      %get3A_1416 = vector.shape_cast %get3A_1415 : vector<1x16xf32> to vector<16xf32>
      %mul3A_1417 = arith.mulf %mul3A_1410, %get3A_1416 : vector<16xf32>
      %add3A_1418 = arith.addf %mul3A_1397, %mul3A_1417 : vector<16xf32>
      %add3A_1419 = arith.constant 32 : i32
      %add3A_1420 = arith.addi %squeeze3A_1379, %add3A_1419 : i32
      %get3A_1421 = arith.index_cast %add3A_1377 : i32 to index
      %get3A_1422 = arith.index_cast %add3A_1420 : i32 to index
      %get3A_1423 = tpu.vector_load %arg15[%get3A_1421, %get3A_1422] {strides = array<i32>} : memref<256x128xf32, #tpu.memory_space<vmem>>, vector<1x16xf32>,
      %get3A_1424 = vector.shape_cast %get3A_1423 : vector<1x16xf32> to vector<16xf32>
      %add3A_1425 = arith.constant 32 : i32
      %add3A_1426 = arith.addi %squeeze3A_1381, %add3A_1425 : i32
      %get3A_1427 = arith.index_cast %add3A_1377 : i32 to index
      %get3A_1428 = arith.index_cast %add3A_1426 : i32 to index
      %get3A_1429 = tpu.vector_load %arg16[%get3A_1427, %get3A_1428] {strides = array<i32>} : memref<256x128xf32, #tpu.memory_space<vmem>>, vector<1x16xf32>,
      %get3A_1430 = vector.shape_cast %get3A_1429 : vector<1x16xf32> to vector<16xf32>
      %mul3A_1431 = arith.mulf %get3A_1424, %get3A_1430 : vector<16xf32>
      %add3A_1432 = arith.constant 32 : i32
      %add3A_1433 = arith.addi %squeeze3A_1383, %add3A_1432 : i32
      %get3A_1434 = arith.index_cast %add3A_1377 : i32 to index
      %get3A_1435 = arith.index_cast %add3A_1433 : i32 to index
      %get3A_1436 = tpu.vector_load %arg17[%get3A_1434, %get3A_1435] {strides = array<i32>} : memref<256x128xf32, #tpu.memory_space<vmem>>, vector<1x16xf32>,
      %get3A_1437 = vector.shape_cast %get3A_1436 : vector<1x16xf32> to vector<16xf32>
      %mul3A_1438 = arith.mulf %mul3A_1431, %get3A_1437 : vector<16xf32>
      %add3A_1439 = arith.addf %add3A_1418, %mul3A_1438 : vector<16xf32>
      %add3A_1440 = arith.constant 48 : i32
      %add3A_1441 = arith.addi %squeeze3A_1379, %add3A_1440 : i32
      %get3A_1442 = arith.index_cast %add3A_1377 : i32 to index
      %get3A_1443 = arith.index_cast %add3A_1441 : i32 to index
      %get3A_1444 = tpu.vector_load %arg15[%get3A_1442, %get3A_1443] {strides = array<i32>} : memref<256x128xf32, #tpu.memory_space<vmem>>, vector<1x16xf32>,
      %get3A_1445 = vector.shape_cast %get3A_1444 : vector<1x16xf32> to vector<16xf32>
      %add3A_1446 = arith.constant 48 : i32
      %add3A_1447 = arith.addi %squeeze3A_1381, %add3A_1446 : i32
      %get3A_1448 = arith.index_cast %add3A_1377 : i32 to index
      %get3A_1449 = arith.index_cast %add3A_1447 : i32 to index
      %get3A_1450 = tpu.vector_load %arg16[%get3A_1448, %get3A_1449] {strides = array<i32>} : memref<256x128xf32, #tpu.memory_space<vmem>>, vector<1x16xf32>,
      %get3A_1451 = vector.shape_cast %get3A_1450 : vector<1x16xf32> to vector<16xf32>
      %mul3A_1452 = arith.mulf %get3A_1445, %get3A_1451 : vector<16xf32>
      %add3A_1453 = arith.constant 48 : i32
      %add3A_1454 = arith.addi %squeeze3A_1383, %add3A_1453 : i32
      %get3A_1455 = arith.index_cast %add3A_1377 : i32 to index
      %get3A_1456 = arith.index_cast %add3A_1454 : i32 to index
      %get3A_1457 = tpu.vector_load %arg17[%get3A_1455, %get3A_1456] {strides = array<i32>} : memref<256x128xf32, #tpu.memory_space<vmem>>, vector<1x16xf32>,
      %get3A_1458 = vector.shape_cast %get3A_1457 : vector<1x16xf32> to vector<16xf32>
      %mul3A_1459 = arith.mulf %mul3A_1452, %get3A_1458 : vector<16xf32>
      %add3A_1460 = arith.addf %add3A_1439, %mul3A_1459 : vector<16xf32>
      %gather3A_1461 = vector.shape_cast %reshape3A : vector<16x1xi32> to vector<16xi32>
      %gather3A_1462 = tpu.dynamic_gather %add3A_1460[%gather3A_1461] in [0] : vector<16xf32>, vector<16xi32> -> vector<16xf32>
      %add3A_1463 = arith.addf %add3A_1460, %gather3A_1462 : vector<16xf32>
      %gather3A_1464 = vector.shape_cast %reshape3A_1005 : vector<16x1xi32> to vector<16xi32>
      %gather3A_1465 = tpu.dynamic_gather %add3A_1463[%gather3A_1464] in [0] : vector<16xf32>, vector<16xi32> -> vector<16xf32>
      %add3A_1466 = arith.addf %add3A_1463, %gather3A_1465 : vector<16xf32>
      %gather3A_1467 = vector.shape_cast %reshape3A_1012 : vector<16x1xi32> to vector<16xi32>
      %gather3A_1468 = tpu.dynamic_gather %add3A_1466[%gather3A_1467] in [0] : vector<16xf32>, vector<16xi32> -> vector<16xf32>
      %add3A_1469 = arith.addf %add3A_1466, %gather3A_1468 : vector<16xf32>
      %gather3A_1470 = vector.shape_cast %reshape3A_1019 : vector<16x1xi32> to vector<16xi32>
      %gather3A_1471 = tpu.dynamic_gather %add3A_1469[%gather3A_1470] in [0] : vector<16xf32>, vector<16xi32> -> vector<16xf32>
      %add3A_1472 = arith.addf %add3A_1469, %gather3A_1471 : vector<16xf32>
      %eq3A_1473 = arith.constant 1 : i32
      %eq3A_1474 = vector.broadcast %eq3A_1473 : i32 to vector<16xi32>
      %eq3A_1475 = arith.cmpi eq, %iota3A, %eq3A_1474 : vector<16xi32>
      %select_n3A_1476 = arith.select %eq3A_1475, %add3A_1472, %select_n3A : vector<16xi1>, vector<16xf32>
      %add3A_1477 = arith.constant 2 : i32
      %add3A_1478 = arith.addi %mul3A_1249, %add3A_1477 : i32
      %slice3A_1479 = vector.extract_strided_slice %mul3A_1260 {offsets = [2], sizes = [1], strides = [1]} : vector<16xi32> to vector<1xi32>
      %squeeze3A_1480 = vector.extract %slice3A_1479[0] : i32 from vector<1xi32>
      %slice3A_1481 = vector.extract_strided_slice %mul3A_1269 {offsets = [2], sizes = [1], strides = [1]} : vector<16xi32> to vector<1xi32>
      %squeeze3A_1482 = vector.extract %slice3A_1481[0] : i32 from vector<1xi32>
      %slice3A_1483 = vector.extract_strided_slice %mul3A_1278 {offsets = [2], sizes = [1], strides = [1]} : vector<16xi32> to vector<1xi32>
      %squeeze3A_1484 = vector.extract %slice3A_1483[0] : i32 from vector<1xi32>
      %get3A_1485 = arith.index_cast %add3A_1478 : i32 to index
      %get3A_1486 = arith.index_cast %squeeze3A_1480 : i32 to index
      %get3A_1487 = tpu.vector_load %arg15[%get3A_1485, %get3A_1486] {strides = array<i32>} : memref<256x128xf32, #tpu.memory_space<vmem>>, vector<1x16xf32>,
      %get3A_1488 = vector.shape_cast %get3A_1487 : vector<1x16xf32> to vector<16xf32>
      %get3A_1489 = arith.index_cast %add3A_1478 : i32 to index
      %get3A_1490 = arith.index_cast %squeeze3A_1482 : i32 to index
      %get3A_1491 = tpu.vector_load %arg16[%get3A_1489, %get3A_1490] {strides = array<i32>} : memref<256x128xf32, #tpu.memory_space<vmem>>, vector<1x16xf32>,
      %get3A_1492 = vector.shape_cast %get3A_1491 : vector<1x16xf32> to vector<16xf32>
      %mul3A_1493 = arith.mulf %get3A_1488, %get3A_1492 : vector<16xf32>
      %get3A_1494 = arith.index_cast %add3A_1478 : i32 to index
      %get3A_1495 = arith.index_cast %squeeze3A_1484 : i32 to index
      %get3A_1496 = tpu.vector_load %arg17[%get3A_1494, %get3A_1495] {strides = array<i32>} : memref<256x128xf32, #tpu.memory_space<vmem>>, vector<1x16xf32>,
      %get3A_1497 = vector.shape_cast %get3A_1496 : vector<1x16xf32> to vector<16xf32>
      %mul3A_1498 = arith.mulf %mul3A_1493, %get3A_1497 : vector<16xf32>
      %add3A_1499 = arith.constant 16 : i32
      %add3A_1500 = arith.addi %squeeze3A_1480, %add3A_1499 : i32
      %get3A_1501 = arith.index_cast %add3A_1478 : i32 to index
      %get3A_1502 = arith.index_cast %add3A_1500 : i32 to index
      %get3A_1503 = tpu.vector_load %arg15[%get3A_1501, %get3A_1502] {strides = array<i32>} : memref<256x128xf32, #tpu.memory_space<vmem>>, vector<1x16xf32>,
      %get3A_1504 = vector.shape_cast %get3A_1503 : vector<1x16xf32> to vector<16xf32>
      %add3A_1505 = arith.constant 16 : i32
      %add3A_1506 = arith.addi %squeeze3A_1482, %add3A_1505 : i32
      %get3A_1507 = arith.index_cast %add3A_1478 : i32 to index
      %get3A_1508 = arith.index_cast %add3A_1506 : i32 to index
      %get3A_1509 = tpu.vector_load %arg16[%get3A_1507, %get3A_1508] {strides = array<i32>} : memref<256x128xf32, #tpu.memory_space<vmem>>, vector<1x16xf32>,
      %get3A_1510 = vector.shape_cast %get3A_1509 : vector<1x16xf32> to vector<16xf32>
      %mul3A_1511 = arith.mulf %get3A_1504, %get3A_1510 : vector<16xf32>
      %add3A_1512 = arith.constant 16 : i32
      %add3A_1513 = arith.addi %squeeze3A_1484, %add3A_1512 : i32
      %get3A_1514 = arith.index_cast %add3A_1478 : i32 to index
      %get3A_1515 = arith.index_cast %add3A_1513 : i32 to index
      %get3A_1516 = tpu.vector_load %arg17[%get3A_1514, %get3A_1515] {strides = array<i32>} : memref<256x128xf32, #tpu.memory_space<vmem>>, vector<1x16xf32>,
      %get3A_1517 = vector.shape_cast %get3A_1516 : vector<1x16xf32> to vector<16xf32>
      %mul3A_1518 = arith.mulf %mul3A_1511, %get3A_1517 : vector<16xf32>
      %add3A_1519 = arith.addf %mul3A_1498, %mul3A_1518 : vector<16xf32>
      %add3A_1520 = arith.constant 32 : i32
      %add3A_1521 = arith.addi %squeeze3A_1480, %add3A_1520 : i32
      %get3A_1522 = arith.index_cast %add3A_1478 : i32 to index
      %get3A_1523 = arith.index_cast %add3A_1521 : i32 to index
      %get3A_1524 = tpu.vector_load %arg15[%get3A_1522, %get3A_1523] {strides = array<i32>} : memref<256x128xf32, #tpu.memory_space<vmem>>, vector<1x16xf32>,
      %get3A_1525 = vector.shape_cast %get3A_1524 : vector<1x16xf32> to vector<16xf32>
      %add3A_1526 = arith.constant 32 : i32
      %add3A_1527 = arith.addi %squeeze3A_1482, %add3A_1526 : i32
      %get3A_1528 = arith.index_cast %add3A_1478 : i32 to index
      %get3A_1529 = arith.index_cast %add3A_1527 : i32 to index
      %get3A_1530 = tpu.vector_load %arg16[%get3A_1528, %get3A_1529] {strides = array<i32>} : memref<256x128xf32, #tpu.memory_space<vmem>>, vector<1x16xf32>,
      %get3A_1531 = vector.shape_cast %get3A_1530 : vector<1x16xf32> to vector<16xf32>
      %mul3A_1532 = arith.mulf %get3A_1525, %get3A_1531 : vector<16xf32>
      %add3A_1533 = arith.constant 32 : i32
      %add3A_1534 = arith.addi %squeeze3A_1484, %add3A_1533 : i32
      %get3A_1535 = arith.index_cast %add3A_1478 : i32 to index
      %get3A_1536 = arith.index_cast %add3A_1534 : i32 to index
      %get3A_1537 = tpu.vector_load %arg17[%get3A_1535, %get3A_1536] {strides = array<i32>} : memref<256x128xf32, #tpu.memory_space<vmem>>, vector<1x16xf32>,
      %get3A_1538 = vector.shape_cast %get3A_1537 : vector<1x16xf32> to vector<16xf32>
      %mul3A_1539 = arith.mulf %mul3A_1532, %get3A_1538 : vector<16xf32>
      %add3A_1540 = arith.addf %add3A_1519, %mul3A_1539 : vector<16xf32>
      %add3A_1541 = arith.constant 48 : i32
      %add3A_1542 = arith.addi %squeeze3A_1480, %add3A_1541 : i32
      %get3A_1543 = arith.index_cast %add3A_1478 : i32 to index
      %get3A_1544 = arith.index_cast %add3A_1542 : i32 to index
      %get3A_1545 = tpu.vector_load %arg15[%get3A_1543, %get3A_1544] {strides = array<i32>} : memref<256x128xf32, #tpu.memory_space<vmem>>, vector<1x16xf32>,
      %get3A_1546 = vector.shape_cast %get3A_1545 : vector<1x16xf32> to vector<16xf32>
      %add3A_1547 = arith.constant 48 : i32
      %add3A_1548 = arith.addi %squeeze3A_1482, %add3A_1547 : i32
      %get3A_1549 = arith.index_cast %add3A_1478 : i32 to index
      %get3A_1550 = arith.index_cast %add3A_1548 : i32 to index
      %get3A_1551 = tpu.vector_load %arg16[%get3A_1549, %get3A_1550] {strides = array<i32>} : memref<256x128xf32, #tpu.memory_space<vmem>>, vector<1x16xf32>,
      %get3A_1552 = vector.shape_cast %get3A_1551 : vector<1x16xf32> to vector<16xf32>
      %mul3A_1553 = arith.mulf %get3A_1546, %get3A_1552 : vector<16xf32>
      %add3A_1554 = arith.constant 48 : i32
      %add3A_1555 = arith.addi %squeeze3A_1484, %add3A_1554 : i32
      %get3A_1556 = arith.index_cast %add3A_1478 : i32 to index
      %get3A_1557 = arith.index_cast %add3A_1555 : i32 to index
      %get3A_1558 = tpu.vector_load %arg17[%get3A_1556, %get3A_1557] {strides = array<i32>} : memref<256x128xf32, #tpu.memory_space<vmem>>, vector<1x16xf32>,
      %get3A_1559 = vector.shape_cast %get3A_1558 : vector<1x16xf32> to vector<16xf32>
      %mul3A_1560 = arith.mulf %mul3A_1553, %get3A_1559 : vector<16xf32>
      %add3A_1561 = arith.addf %add3A_1540, %mul3A_1560 : vector<16xf32>
      %gather3A_1562 = vector.shape_cast %reshape3A : vector<16x1xi32> to vector<16xi32>
      %gather3A_1563 = tpu.dynamic_gather %add3A_1561[%gather3A_1562] in [0] : vector<16xf32>, vector<16xi32> -> vector<16xf32>
      %add3A_1564 = arith.addf %add3A_1561, %gather3A_1563 : vector<16xf32>
      %gather3A_1565 = vector.shape_cast %reshape3A_1005 : vector<16x1xi32> to vector<16xi32>
      %gather3A_1566 = tpu.dynamic_gather %add3A_1564[%gather3A_1565] in [0] : vector<16xf32>, vector<16xi32> -> vector<16xf32>
      %add3A_1567 = arith.addf %add3A_1564, %gather3A_1566 : vector<16xf32>
      %gather3A_1568 = vector.shape_cast %reshape3A_1012 : vector<16x1xi32> to vector<16xi32>
      %gather3A_1569 = tpu.dynamic_gather %add3A_1567[%gather3A_1568] in [0] : vector<16xf32>, vector<16xi32> -> vector<16xf32>
      %add3A_1570 = arith.addf %add3A_1567, %gather3A_1569 : vector<16xf32>
      %gather3A_1571 = vector.shape_cast %reshape3A_1019 : vector<16x1xi32> to vector<16xi32>
      %gather3A_1572 = tpu.dynamic_gather %add3A_1570[%gather3A_1571] in [0] : vector<16xf32>, vector<16xi32> -> vector<16xf32>
      %add3A_1573 = arith.addf %add3A_1570, %gather3A_1572 : vector<16xf32>
      %eq3A_1574 = arith.constant 2 : i32
      %eq3A_1575 = vector.broadcast %eq3A_1574 : i32 to vector<16xi32>
      %eq3A_1576 = arith.cmpi eq, %iota3A, %eq3A_1575 : vector<16xi32>
      %select_n3A_1577 = arith.select %eq3A_1576, %add3A_1573, %select_n3A_1476 : vector<16xi1>, vector<16xf32>
      %add3A_1578 = arith.constant 3 : i32
      %add3A_1579 = arith.addi %mul3A_1249, %add3A_1578 : i32
      %slice3A_1580 = vector.extract_strided_slice %mul3A_1260 {offsets = [3], sizes = [1], strides = [1]} : vector<16xi32> to vector<1xi32>
      %squeeze3A_1581 = vector.extract %slice3A_1580[0] : i32 from vector<1xi32>
      %slice3A_1582 = vector.extract_strided_slice %mul3A_1269 {offsets = [3], sizes = [1], strides = [1]} : vector<16xi32> to vector<1xi32>
      %squeeze3A_1583 = vector.extract %slice3A_1582[0] : i32 from vector<1xi32>
      %slice3A_1584 = vector.extract_strided_slice %mul3A_1278 {offsets = [3], sizes = [1], strides = [1]} : vector<16xi32> to vector<1xi32>
      %squeeze3A_1585 = vector.extract %slice3A_1584[0] : i32 from vector<1xi32>
      %get3A_1586 = arith.index_cast %add3A_1579 : i32 to index
      %get3A_1587 = arith.index_cast %squeeze3A_1581 : i32 to index
      %get3A_1588 = tpu.vector_load %arg15[%get3A_1586, %get3A_1587] {strides = array<i32>} : memref<256x128xf32, #tpu.memory_space<vmem>>, vector<1x16xf32>,
      %get3A_1589 = vector.shape_cast %get3A_1588 : vector<1x16xf32> to vector<16xf32>
      %get3A_1590 = arith.index_cast %add3A_1579 : i32 to index
      %get3A_1591 = arith.index_cast %squeeze3A_1583 : i32 to index
      %get3A_1592 = tpu.vector_load %arg16[%get3A_1590, %get3A_1591] {strides = array<i32>} : memref<256x128xf32, #tpu.memory_space<vmem>>, vector<1x16xf32>,
      %get3A_1593 = vector.shape_cast %get3A_1592 : vector<1x16xf32> to vector<16xf32>
      %mul3A_1594 = arith.mulf %get3A_1589, %get3A_1593 : vector<16xf32>
      %get3A_1595 = arith.index_cast %add3A_1579 : i32 to index
      %get3A_1596 = arith.index_cast %squeeze3A_1585 : i32 to index
      %get3A_1597 = tpu.vector_load %arg17[%get3A_1595, %get3A_1596] {strides = array<i32>} : memref<256x128xf32, #tpu.memory_space<vmem>>, vector<1x16xf32>,
      %get3A_1598 = vector.shape_cast %get3A_1597 : vector<1x16xf32> to vector<16xf32>
      %mul3A_1599 = arith.mulf %mul3A_1594, %get3A_1598 : vector<16xf32>
      %add3A_1600 = arith.constant 16 : i32
      %add3A_1601 = arith.addi %squeeze3A_1581, %add3A_1600 : i32
      %get3A_1602 = arith.index_cast %add3A_1579 : i32 to index
      %get3A_1603 = arith.index_cast %add3A_1601 : i32 to index
      %get3A_1604 = tpu.vector_load %arg15[%get3A_1602, %get3A_1603] {strides = array<i32>} : memref<256x128xf32, #tpu.memory_space<vmem>>, vector<1x16xf32>,
      %get3A_1605 = vector.shape_cast %get3A_1604 : vector<1x16xf32> to vector<16xf32>
      %add3A_1606 = arith.constant 16 : i32
      %add3A_1607 = arith.addi %squeeze3A_1583, %add3A_1606 : i32
      %get3A_1608 = arith.index_cast %add3A_1579 : i32 to index
      %get3A_1609 = arith.index_cast %add3A_1607 : i32 to index
      %get3A_1610 = tpu.vector_load %arg16[%get3A_1608, %get3A_1609] {strides = array<i32>} : memref<256x128xf32, #tpu.memory_space<vmem>>, vector<1x16xf32>,
      %get3A_1611 = vector.shape_cast %get3A_1610 : vector<1x16xf32> to vector<16xf32>
      %mul3A_1612 = arith.mulf %get3A_1605, %get3A_1611 : vector<16xf32>
      %add3A_1613 = arith.constant 16 : i32
      %add3A_1614 = arith.addi %squeeze3A_1585, %add3A_1613 : i32
      %get3A_1615 = arith.index_cast %add3A_1579 : i32 to index
      %get3A_1616 = arith.index_cast %add3A_1614 : i32 to index
      %get3A_1617 = tpu.vector_load %arg17[%get3A_1615, %get3A_1616] {strides = array<i32>} : memref<256x128xf32, #tpu.memory_space<vmem>>, vector<1x16xf32>,
      %get3A_1618 = vector.shape_cast %get3A_1617 : vector<1x16xf32> to vector<16xf32>
      %mul3A_1619 = arith.mulf %mul3A_1612, %get3A_1618 : vector<16xf32>
      %add3A_1620 = arith.addf %mul3A_1599, %mul3A_1619 : vector<16xf32>
      %add3A_1621 = arith.constant 32 : i32
      %add3A_1622 = arith.addi %squeeze3A_1581, %add3A_1621 : i32
      %get3A_1623 = arith.index_cast %add3A_1579 : i32 to index
      %get3A_1624 = arith.index_cast %add3A_1622 : i32 to index
      %get3A_1625 = tpu.vector_load %arg15[%get3A_1623, %get3A_1624] {strides = array<i32>} : memref<256x128xf32, #tpu.memory_space<vmem>>, vector<1x16xf32>,
      %get3A_1626 = vector.shape_cast %get3A_1625 : vector<1x16xf32> to vector<16xf32>
      %add3A_1627 = arith.constant 32 : i32
      %add3A_1628 = arith.addi %squeeze3A_1583, %add3A_1627 : i32
      %get3A_1629 = arith.index_cast %add3A_1579 : i32 to index
      %get3A_1630 = arith.index_cast %add3A_1628 : i32 to index
      %get3A_1631 = tpu.vector_load %arg16[%get3A_1629, %get3A_1630] {strides = array<i32>} : memref<256x128xf32, #tpu.memory_space<vmem>>, vector<1x16xf32>,
      %get3A_1632 = vector.shape_cast %get3A_1631 : vector<1x16xf32> to vector<16xf32>
      %mul3A_1633 = arith.mulf %get3A_1626, %get3A_1632 : vector<16xf32>
      %add3A_1634 = arith.constant 32 : i32
      %add3A_1635 = arith.addi %squeeze3A_1585, %add3A_1634 : i32
      %get3A_1636 = arith.index_cast %add3A_1579 : i32 to index
      %get3A_1637 = arith.index_cast %add3A_1635 : i32 to index
      %get3A_1638 = tpu.vector_load %arg17[%get3A_1636, %get3A_1637] {strides = array<i32>} : memref<256x128xf32, #tpu.memory_space<vmem>>, vector<1x16xf32>,
      %get3A_1639 = vector.shape_cast %get3A_1638 : vector<1x16xf32> to vector<16xf32>
      %mul3A_1640 = arith.mulf %mul3A_1633, %get3A_1639 : vector<16xf32>
      %add3A_1641 = arith.addf %add3A_1620, %mul3A_1640 : vector<16xf32>
      %add3A_1642 = arith.constant 48 : i32
      %add3A_1643 = arith.addi %squeeze3A_1581, %add3A_1642 : i32
      %get3A_1644 = arith.index_cast %add3A_1579 : i32 to index
      %get3A_1645 = arith.index_cast %add3A_1643 : i32 to index
      %get3A_1646 = tpu.vector_load %arg15[%get3A_1644, %get3A_1645] {strides = array<i32>} : memref<256x128xf32, #tpu.memory_space<vmem>>, vector<1x16xf32>,
      %get3A_1647 = vector.shape_cast %get3A_1646 : vector<1x16xf32> to vector<16xf32>
      %add3A_1648 = arith.constant 48 : i32
      %add3A_1649 = arith.addi %squeeze3A_1583, %add3A_1648 : i32
      %get3A_1650 = arith.index_cast %add3A_1579 : i32 to index
      %get3A_1651 = arith.index_cast %add3A_1649 : i32 to index
      %get3A_1652 = tpu.vector_load %arg16[%get3A_1650, %get3A_1651] {strides = array<i32>} : memref<256x128xf32, #tpu.memory_space<vmem>>, vector<1x16xf32>,
      %get3A_1653 = vector.shape_cast %get3A_1652 : vector<1x16xf32> to vector<16xf32>
      %mul3A_1654 = arith.mulf %get3A_1647, %get3A_1653 : vector<16xf32>
      %add3A_1655 = arith.constant 48 : i32
      %add3A_1656 = arith.addi %squeeze3A_1585, %add3A_1655 : i32
      %get3A_1657 = arith.index_cast %add3A_1579 : i32 to index
      %get3A_1658 = arith.index_cast %add3A_1656 : i32 to index
      %get3A_1659 = tpu.vector_load %arg17[%get3A_1657, %get3A_1658] {strides = array<i32>} : memref<256x128xf32, #tpu.memory_space<vmem>>, vector<1x16xf32>,
      %get3A_1660 = vector.shape_cast %get3A_1659 : vector<1x16xf32> to vector<16xf32>
      %mul3A_1661 = arith.mulf %mul3A_1654, %get3A_1660 : vector<16xf32>
      %add3A_1662 = arith.addf %add3A_1641, %mul3A_1661 : vector<16xf32>
      %gather3A_1663 = vector.shape_cast %reshape3A : vector<16x1xi32> to vector<16xi32>
      %gather3A_1664 = tpu.dynamic_gather %add3A_1662[%gather3A_1663] in [0] : vector<16xf32>, vector<16xi32> -> vector<16xf32>
      %add3A_1665 = arith.addf %add3A_1662, %gather3A_1664 : vector<16xf32>
      %gather3A_1666 = vector.shape_cast %reshape3A_1005 : vector<16x1xi32> to vector<16xi32>
      %gather3A_1667 = tpu.dynamic_gather %add3A_1665[%gather3A_1666] in [0] : vector<16xf32>, vector<16xi32> -> vector<16xf32>
      %add3A_1668 = arith.addf %add3A_1665, %gather3A_1667 : vector<16xf32>
      %gather3A_1669 = vector.shape_cast %reshape3A_1012 : vector<16x1xi32> to vector<16xi32>
      %gather3A_1670 = tpu.dynamic_gather %add3A_1668[%gather3A_1669] in [0] : vector<16xf32>, vector<16xi32> -> vector<16xf32>
      %add3A_1671 = arith.addf %add3A_1668, %gather3A_1670 : vector<16xf32>
      %gather3A_1672 = vector.shape_cast %reshape3A_1019 : vector<16x1xi32> to vector<16xi32>
      %gather3A_1673 = tpu.dynamic_gather %add3A_1671[%gather3A_1672] in [0] : vector<16xf32>, vector<16xi32> -> vector<16xf32>
      %add3A_1674 = arith.addf %add3A_1671, %gather3A_1673 : vector<16xf32>
      %eq3A_1675 = arith.constant 3 : i32
      %eq3A_1676 = vector.broadcast %eq3A_1675 : i32 to vector<16xi32>
      %eq3A_1677 = arith.cmpi eq, %iota3A, %eq3A_1676 : vector<16xi32>
      %select_n3A_1678 = arith.select %eq3A_1677, %add3A_1674, %select_n3A_1577 : vector<16xi1>, vector<16xf32>
      %add3A_1679 = arith.constant 4 : i32
      %add3A_1680 = arith.addi %mul3A_1249, %add3A_1679 : i32
      %slice3A_1681 = vector.extract_strided_slice %mul3A_1260 {offsets = [4], sizes = [1], strides = [1]} : vector<16xi32> to vector<1xi32>
      %squeeze3A_1682 = vector.extract %slice3A_1681[0] : i32 from vector<1xi32>
      %slice3A_1683 = vector.extract_strided_slice %mul3A_1269 {offsets = [4], sizes = [1], strides = [1]} : vector<16xi32> to vector<1xi32>
      %squeeze3A_1684 = vector.extract %slice3A_1683[0] : i32 from vector<1xi32>
      %slice3A_1685 = vector.extract_strided_slice %mul3A_1278 {offsets = [4], sizes = [1], strides = [1]} : vector<16xi32> to vector<1xi32>
      %squeeze3A_1686 = vector.extract %slice3A_1685[0] : i32 from vector<1xi32>
      %get3A_1687 = arith.index_cast %add3A_1680 : i32 to index
      %get3A_1688 = arith.index_cast %squeeze3A_1682 : i32 to index
      %get3A_1689 = tpu.vector_load %arg15[%get3A_1687, %get3A_1688] {strides = array<i32>} : memref<256x128xf32, #tpu.memory_space<vmem>>, vector<1x16xf32>,
      %get3A_1690 = vector.shape_cast %get3A_1689 : vector<1x16xf32> to vector<16xf32>
      %get3A_1691 = arith.index_cast %add3A_1680 : i32 to index
      %get3A_1692 = arith.index_cast %squeeze3A_1684 : i32 to index
      %get3A_1693 = tpu.vector_load %arg16[%get3A_1691, %get3A_1692] {strides = array<i32>} : memref<256x128xf32, #tpu.memory_space<vmem>>, vector<1x16xf32>,
      %get3A_1694 = vector.shape_cast %get3A_1693 : vector<1x16xf32> to vector<16xf32>
      %mul3A_1695 = arith.mulf %get3A_1690, %get3A_1694 : vector<16xf32>
      %get3A_1696 = arith.index_cast %add3A_1680 : i32 to index
      %get3A_1697 = arith.index_cast %squeeze3A_1686 : i32 to index
      %get3A_1698 = tpu.vector_load %arg17[%get3A_1696, %get3A_1697] {strides = array<i32>} : memref<256x128xf32, #tpu.memory_space<vmem>>, vector<1x16xf32>,
      %get3A_1699 = vector.shape_cast %get3A_1698 : vector<1x16xf32> to vector<16xf32>
      %mul3A_1700 = arith.mulf %mul3A_1695, %get3A_1699 : vector<16xf32>
      %add3A_1701 = arith.constant 16 : i32
      %add3A_1702 = arith.addi %squeeze3A_1682, %add3A_1701 : i32
      %get3A_1703 = arith.index_cast %add3A_1680 : i32 to index
      %get3A_1704 = arith.index_cast %add3A_1702 : i32 to index
      %get3A_1705 = tpu.vector_load %arg15[%get3A_1703, %get3A_1704] {strides = array<i32>} : memref<256x128xf32, #tpu.memory_space<vmem>>, vector<1x16xf32>,
      %get3A_1706 = vector.shape_cast %get3A_1705 : vector<1x16xf32> to vector<16xf32>
      %add3A_1707 = arith.constant 16 : i32
      %add3A_1708 = arith.addi %squeeze3A_1684, %add3A_1707 : i32
      %get3A_1709 = arith.index_cast %add3A_1680 : i32 to index
      %get3A_1710 = arith.index_cast %add3A_1708 : i32 to index
      %get3A_1711 = tpu.vector_load %arg16[%get3A_1709, %get3A_1710] {strides = array<i32>} : memref<256x128xf32, #tpu.memory_space<vmem>>, vector<1x16xf32>,
      %get3A_1712 = vector.shape_cast %get3A_1711 : vector<1x16xf32> to vector<16xf32>
      %mul3A_1713 = arith.mulf %get3A_1706, %get3A_1712 : vector<16xf32>
      %add3A_1714 = arith.constant 16 : i32
      %add3A_1715 = arith.addi %squeeze3A_1686, %add3A_1714 : i32
      %get3A_1716 = arith.index_cast %add3A_1680 : i32 to index
      %get3A_1717 = arith.index_cast %add3A_1715 : i32 to index
      %get3A_1718 = tpu.vector_load %arg17[%get3A_1716, %get3A_1717] {strides = array<i32>} : memref<256x128xf32, #tpu.memory_space<vmem>>, vector<1x16xf32>,
      %get3A_1719 = vector.shape_cast %get3A_1718 : vector<1x16xf32> to vector<16xf32>
      %mul3A_1720 = arith.mulf %mul3A_1713, %get3A_1719 : vector<16xf32>
      %add3A_1721 = arith.addf %mul3A_1700, %mul3A_1720 : vector<16xf32>
      %add3A_1722 = arith.constant 32 : i32
      %add3A_1723 = arith.addi %squeeze3A_1682, %add3A_1722 : i32
      %get3A_1724 = arith.index_cast %add3A_1680 : i32 to index
      %get3A_1725 = arith.index_cast %add3A_1723 : i32 to index
      %get3A_1726 = tpu.vector_load %arg15[%get3A_1724, %get3A_1725] {strides = array<i32>} : memref<256x128xf32, #tpu.memory_space<vmem>>, vector<1x16xf32>,
      %get3A_1727 = vector.shape_cast %get3A_1726 : vector<1x16xf32> to vector<16xf32>
      %add3A_1728 = arith.constant 32 : i32
      %add3A_1729 = arith.addi %squeeze3A_1684, %add3A_1728 : i32
      %get3A_1730 = arith.index_cast %add3A_1680 : i32 to index
      %get3A_1731 = arith.index_cast %add3A_1729 : i32 to index
      %get3A_1732 = tpu.vector_load %arg16[%get3A_1730, %get3A_1731] {strides = array<i32>} : memref<256x128xf32, #tpu.memory_space<vmem>>, vector<1x16xf32>,
      %get3A_1733 = vector.shape_cast %get3A_1732 : vector<1x16xf32> to vector<16xf32>
      %mul3A_1734 = arith.mulf %get3A_1727, %get3A_1733 : vector<16xf32>
      %add3A_1735 = arith.constant 32 : i32
      %add3A_1736 = arith.addi %squeeze3A_1686, %add3A_1735 : i32
      %get3A_1737 = arith.index_cast %add3A_1680 : i32 to index
      %get3A_1738 = arith.index_cast %add3A_1736 : i32 to index
      %get3A_1739 = tpu.vector_load %arg17[%get3A_1737, %get3A_1738] {strides = array<i32>} : memref<256x128xf32, #tpu.memory_space<vmem>>, vector<1x16xf32>,
      %get3A_1740 = vector.shape_cast %get3A_1739 : vector<1x16xf32> to vector<16xf32>
      %mul3A_1741 = arith.mulf %mul3A_1734, %get3A_1740 : vector<16xf32>
      %add3A_1742 = arith.addf %add3A_1721, %mul3A_1741 : vector<16xf32>
      %add3A_1743 = arith.constant 48 : i32
      %add3A_1744 = arith.addi %squeeze3A_1682, %add3A_1743 : i32
      %get3A_1745 = arith.index_cast %add3A_1680 : i32 to index
      %get3A_1746 = arith.index_cast %add3A_1744 : i32 to index
      %get3A_1747 = tpu.vector_load %arg15[%get3A_1745, %get3A_1746] {strides = array<i32>} : memref<256x128xf32, #tpu.memory_space<vmem>>, vector<1x16xf32>,
      %get3A_1748 = vector.shape_cast %get3A_1747 : vector<1x16xf32> to vector<16xf32>
      %add3A_1749 = arith.constant 48 : i32
      %add3A_1750 = arith.addi %squeeze3A_1684, %add3A_1749 : i32
      %get3A_1751 = arith.index_cast %add3A_1680 : i32 to index
      %get3A_1752 = arith.index_cast %add3A_1750 : i32 to index
      %get3A_1753 = tpu.vector_load %arg16[%get3A_1751, %get3A_1752] {strides = array<i32>} : memref<256x128xf32, #tpu.memory_space<vmem>>, vector<1x16xf32>,
      %get3A_1754 = vector.shape_cast %get3A_1753 : vector<1x16xf32> to vector<16xf32>
      %mul3A_1755 = arith.mulf %get3A_1748, %get3A_1754 : vector<16xf32>
      %add3A_1756 = arith.constant 48 : i32
      %add3A_1757 = arith.addi %squeeze3A_1686, %add3A_1756 : i32
      %get3A_1758 = arith.index_cast %add3A_1680 : i32 to index
      %get3A_1759 = arith.index_cast %add3A_1757 : i32 to index
      %get3A_1760 = tpu.vector_load %arg17[%get3A_1758, %get3A_1759] {strides = array<i32>} : memref<256x128xf32, #tpu.memory_space<vmem>>, vector<1x16xf32>,
      %get3A_1761 = vector.shape_cast %get3A_1760 : vector<1x16xf32> to vector<16xf32>
      %mul3A_1762 = arith.mulf %mul3A_1755, %get3A_1761 : vector<16xf32>
      %add3A_1763 = arith.addf %add3A_1742, %mul3A_1762 : vector<16xf32>
      %gather3A_1764 = vector.shape_cast %reshape3A : vector<16x1xi32> to vector<16xi32>
      %gather3A_1765 = tpu.dynamic_gather %add3A_1763[%gather3A_1764] in [0] : vector<16xf32>, vector<16xi32> -> vector<16xf32>
      %add3A_1766 = arith.addf %add3A_1763, %gather3A_1765 : vector<16xf32>
      %gather3A_1767 = vector.shape_cast %reshape3A_1005 : vector<16x1xi32> to vector<16xi32>
      %gather3A_1768 = tpu.dynamic_gather %add3A_1766[%gather3A_1767] in [0] : vector<16xf32>, vector<16xi32> -> vector<16xf32>
      %add3A_1769 = arith.addf %add3A_1766, %gather3A_1768 : vector<16xf32>
      %gather3A_1770 = vector.shape_cast %reshape3A_1012 : vector<16x1xi32> to vector<16xi32>
      %gather3A_1771 = tpu.dynamic_gather %add3A_1769[%gather3A_1770] in [0] : vector<16xf32>, vector<16xi32> -> vector<16xf32>
      %add3A_1772 = arith.addf %add3A_1769, %gather3A_1771 : vector<16xf32>
      %gather3A_1773 = vector.shape_cast %reshape3A_1019 : vector<16x1xi32> to vector<16xi32>
      %gather3A_1774 = tpu.dynamic_gather %add3A_1772[%gather3A_1773] in [0] : vector<16xf32>, vector<16xi32> -> vector<16xf32>
      %add3A_1775 = arith.addf %add3A_1772, %gather3A_1774 : vector<16xf32>
      %eq3A_1776 = arith.constant 4 : i32
      %eq3A_1777 = vector.broadcast %eq3A_1776 : i32 to vector<16xi32>
      %eq3A_1778 = arith.cmpi eq, %iota3A, %eq3A_1777 : vector<16xi32>
      %select_n3A_1779 = arith.select %eq3A_1778, %add3A_1775, %select_n3A_1678 : vector<16xi1>, vector<16xf32>
      %add3A_1780 = arith.constant 5 : i32
      %add3A_1781 = arith.addi %mul3A_1249, %add3A_1780 : i32
      %slice3A_1782 = vector.extract_strided_slice %mul3A_1260 {offsets = [5], sizes = [1], strides = [1]} : vector<16xi32> to vector<1xi32>
      %squeeze3A_1783 = vector.extract %slice3A_1782[0] : i32 from vector<1xi32>
      %slice3A_1784 = vector.extract_strided_slice %mul3A_1269 {offsets = [5], sizes = [1], strides = [1]} : vector<16xi32> to vector<1xi32>
      %squeeze3A_1785 = vector.extract %slice3A_1784[0] : i32 from vector<1xi32>
      %slice3A_1786 = vector.extract_strided_slice %mul3A_1278 {offsets = [5], sizes = [1], strides = [1]} : vector<16xi32> to vector<1xi32>
      %squeeze3A_1787 = vector.extract %slice3A_1786[0] : i32 from vector<1xi32>
      %get3A_1788 = arith.index_cast %add3A_1781 : i32 to index
      %get3A_1789 = arith.index_cast %squeeze3A_1783 : i32 to index
      %get3A_1790 = tpu.vector_load %arg15[%get3A_1788, %get3A_1789] {strides = array<i32>} : memref<256x128xf32, #tpu.memory_space<vmem>>, vector<1x16xf32>,
      %get3A_1791 = vector.shape_cast %get3A_1790 : vector<1x16xf32> to vector<16xf32>
      %get3A_1792 = arith.index_cast %add3A_1781 : i32 to index
      %get3A_1793 = arith.index_cast %squeeze3A_1785 : i32 to index
      %get3A_1794 = tpu.vector_load %arg16[%get3A_1792, %get3A_1793] {strides = array<i32>} : memref<256x128xf32, #tpu.memory_space<vmem>>, vector<1x16xf32>,
      %get3A_1795 = vector.shape_cast %get3A_1794 : vector<1x16xf32> to vector<16xf32>
      %mul3A_1796 = arith.mulf %get3A_1791, %get3A_1795 : vector<16xf32>
      %get3A_1797 = arith.index_cast %add3A_1781 : i32 to index
      %get3A_1798 = arith.index_cast %squeeze3A_1787 : i32 to index
      %get3A_1799 = tpu.vector_load %arg17[%get3A_1797, %get3A_1798] {strides = array<i32>} : memref<256x128xf32, #tpu.memory_space<vmem>>, vector<1x16xf32>,
      %get3A_1800 = vector.shape_cast %get3A_1799 : vector<1x16xf32> to vector<16xf32>
      %mul3A_1801 = arith.mulf %mul3A_1796, %get3A_1800 : vector<16xf32>
      %add3A_1802 = arith.constant 16 : i32
      %add3A_1803 = arith.addi %squeeze3A_1783, %add3A_1802 : i32
      %get3A_1804 = arith.index_cast %add3A_1781 : i32 to index
      %get3A_1805 = arith.index_cast %add3A_1803 : i32 to index
      %get3A_1806 = tpu.vector_load %arg15[%get3A_1804, %get3A_1805] {strides = array<i32>} : memref<256x128xf32, #tpu.memory_space<vmem>>, vector<1x16xf32>,
      %get3A_1807 = vector.shape_cast %get3A_1806 : vector<1x16xf32> to vector<16xf32>
      %add3A_1808 = arith.constant 16 : i32
      %add3A_1809 = arith.addi %squeeze3A_1785, %add3A_1808 : i32
      %get3A_1810 = arith.index_cast %add3A_1781 : i32 to index
      %get3A_1811 = arith.index_cast %add3A_1809 : i32 to index
      %get3A_1812 = tpu.vector_load %arg16[%get3A_1810, %get3A_1811] {strides = array<i32>} : memref<256x128xf32, #tpu.memory_space<vmem>>, vector<1x16xf32>,
      %get3A_1813 = vector.shape_cast %get3A_1812 : vector<1x16xf32> to vector<16xf32>
      %mul3A_1814 = arith.mulf %get3A_1807, %get3A_1813 : vector<16xf32>
      %add3A_1815 = arith.constant 16 : i32
      %add3A_1816 = arith.addi %squeeze3A_1787, %add3A_1815 : i32
      %get3A_1817 = arith.index_cast %add3A_1781 : i32 to index
      %get3A_1818 = arith.index_cast %add3A_1816 : i32 to index
      %get3A_1819 = tpu.vector_load %arg17[%get3A_1817, %get3A_1818] {strides = array<i32>} : memref<256x128xf32, #tpu.memory_space<vmem>>, vector<1x16xf32>,
      %get3A_1820 = vector.shape_cast %get3A_1819 : vector<1x16xf32> to vector<16xf32>
      %mul3A_1821 = arith.mulf %mul3A_1814, %get3A_1820 : vector<16xf32>
      %add3A_1822 = arith.addf %mul3A_1801, %mul3A_1821 : vector<16xf32>
      %add3A_1823 = arith.constant 32 : i32
      %add3A_1824 = arith.addi %squeeze3A_1783, %add3A_1823 : i32
      %get3A_1825 = arith.index_cast %add3A_1781 : i32 to index
      %get3A_1826 = arith.index_cast %add3A_1824 : i32 to index
      %get3A_1827 = tpu.vector_load %arg15[%get3A_1825, %get3A_1826] {strides = array<i32>} : memref<256x128xf32, #tpu.memory_space<vmem>>, vector<1x16xf32>,
      %get3A_1828 = vector.shape_cast %get3A_1827 : vector<1x16xf32> to vector<16xf32>
      %add3A_1829 = arith.constant 32 : i32
      %add3A_1830 = arith.addi %squeeze3A_1785, %add3A_1829 : i32
      %get3A_1831 = arith.index_cast %add3A_1781 : i32 to index
      %get3A_1832 = arith.index_cast %add3A_1830 : i32 to index
      %get3A_1833 = tpu.vector_load %arg16[%get3A_1831, %get3A_1832] {strides = array<i32>} : memref<256x128xf32, #tpu.memory_space<vmem>>, vector<1x16xf32>,
      %get3A_1834 = vector.shape_cast %get3A_1833 : vector<1x16xf32> to vector<16xf32>
      %mul3A_1835 = arith.mulf %get3A_1828, %get3A_1834 : vector<16xf32>
      %add3A_1836 = arith.constant 32 : i32
      %add3A_1837 = arith.addi %squeeze3A_1787, %add3A_1836 : i32
      %get3A_1838 = arith.index_cast %add3A_1781 : i32 to index
      %get3A_1839 = arith.index_cast %add3A_1837 : i32 to index
      %get3A_1840 = tpu.vector_load %arg17[%get3A_1838, %get3A_1839] {strides = array<i32>} : memref<256x128xf32, #tpu.memory_space<vmem>>, vector<1x16xf32>,
      %get3A_1841 = vector.shape_cast %get3A_1840 : vector<1x16xf32> to vector<16xf32>
      %mul3A_1842 = arith.mulf %mul3A_1835, %get3A_1841 : vector<16xf32>
      %add3A_1843 = arith.addf %add3A_1822, %mul3A_1842 : vector<16xf32>
      %add3A_1844 = arith.constant 48 : i32
      %add3A_1845 = arith.addi %squeeze3A_1783, %add3A_1844 : i32
      %get3A_1846 = arith.index_cast %add3A_1781 : i32 to index
      %get3A_1847 = arith.index_cast %add3A_1845 : i32 to index
      %get3A_1848 = tpu.vector_load %arg15[%get3A_1846, %get3A_1847] {strides = array<i32>} : memref<256x128xf32, #tpu.memory_space<vmem>>, vector<1x16xf32>,
      %get3A_1849 = vector.shape_cast %get3A_1848 : vector<1x16xf32> to vector<16xf32>
      %add3A_1850 = arith.constant 48 : i32
      %add3A_1851 = arith.addi %squeeze3A_1785, %add3A_1850 : i32
      %get3A_1852 = arith.index_cast %add3A_1781 : i32 to index
      %get3A_1853 = arith.index_cast %add3A_1851 : i32 to index
      %get3A_1854 = tpu.vector_load %arg16[%get3A_1852, %get3A_1853] {strides = array<i32>} : memref<256x128xf32, #tpu.memory_space<vmem>>, vector<1x16xf32>,
      %get3A_1855 = vector.shape_cast %get3A_1854 : vector<1x16xf32> to vector<16xf32>
      %mul3A_1856 = arith.mulf %get3A_1849, %get3A_1855 : vector<16xf32>
      %add3A_1857 = arith.constant 48 : i32
      %add3A_1858 = arith.addi %squeeze3A_1787, %add3A_1857 : i32
      %get3A_1859 = arith.index_cast %add3A_1781 : i32 to index
      %get3A_1860 = arith.index_cast %add3A_1858 : i32 to index
      %get3A_1861 = tpu.vector_load %arg17[%get3A_1859, %get3A_1860] {strides = array<i32>} : memref<256x128xf32, #tpu.memory_space<vmem>>, vector<1x16xf32>,
      %get3A_1862 = vector.shape_cast %get3A_1861 : vector<1x16xf32> to vector<16xf32>
      %mul3A_1863 = arith.mulf %mul3A_1856, %get3A_1862 : vector<16xf32>
      %add3A_1864 = arith.addf %add3A_1843, %mul3A_1863 : vector<16xf32>
      %gather3A_1865 = vector.shape_cast %reshape3A : vector<16x1xi32> to vector<16xi32>
      %gather3A_1866 = tpu.dynamic_gather %add3A_1864[%gather3A_1865] in [0] : vector<16xf32>, vector<16xi32> -> vector<16xf32>
      %add3A_1867 = arith.addf %add3A_1864, %gather3A_1866 : vector<16xf32>
      %gather3A_1868 = vector.shape_cast %reshape3A_1005 : vector<16x1xi32> to vector<16xi32>
      %gather3A_1869 = tpu.dynamic_gather %add3A_1867[%gather3A_1868] in [0] : vector<16xf32>, vector<16xi32> -> vector<16xf32>
      %add3A_1870 = arith.addf %add3A_1867, %gather3A_1869 : vector<16xf32>
      %gather3A_1871 = vector.shape_cast %reshape3A_1012 : vector<16x1xi32> to vector<16xi32>
      %gather3A_1872 = tpu.dynamic_gather %add3A_1870[%gather3A_1871] in [0] : vector<16xf32>, vector<16xi32> -> vector<16xf32>
      %add3A_1873 = arith.addf %add3A_1870, %gather3A_1872 : vector<16xf32>
      %gather3A_1874 = vector.shape_cast %reshape3A_1019 : vector<16x1xi32> to vector<16xi32>
      %gather3A_1875 = tpu.dynamic_gather %add3A_1873[%gather3A_1874] in [0] : vector<16xf32>, vector<16xi32> -> vector<16xf32>
      %add3A_1876 = arith.addf %add3A_1873, %gather3A_1875 : vector<16xf32>
      %eq3A_1877 = arith.constant 5 : i32
      %eq3A_1878 = vector.broadcast %eq3A_1877 : i32 to vector<16xi32>
      %eq3A_1879 = arith.cmpi eq, %iota3A, %eq3A_1878 : vector<16xi32>
      %select_n3A_1880 = arith.select %eq3A_1879, %add3A_1876, %select_n3A_1779 : vector<16xi1>, vector<16xf32>
      %add3A_1881 = arith.constant 6 : i32
      %add3A_1882 = arith.addi %mul3A_1249, %add3A_1881 : i32
      %slice3A_1883 = vector.extract_strided_slice %mul3A_1260 {offsets = [6], sizes = [1], strides = [1]} : vector<16xi32> to vector<1xi32>
      %squeeze3A_1884 = vector.extract %slice3A_1883[0] : i32 from vector<1xi32>
      %slice3A_1885 = vector.extract_strided_slice %mul3A_1269 {offsets = [6], sizes = [1], strides = [1]} : vector<16xi32> to vector<1xi32>
      %squeeze3A_1886 = vector.extract %slice3A_1885[0] : i32 from vector<1xi32>
      %slice3A_1887 = vector.extract_strided_slice %mul3A_1278 {offsets = [6], sizes = [1], strides = [1]} : vector<16xi32> to vector<1xi32>
      %squeeze3A_1888 = vector.extract %slice3A_1887[0] : i32 from vector<1xi32>
      %get3A_1889 = arith.index_cast %add3A_1882 : i32 to index
      %get3A_1890 = arith.index_cast %squeeze3A_1884 : i32 to index
      %get3A_1891 = tpu.vector_load %arg15[%get3A_1889, %get3A_1890] {strides = array<i32>} : memref<256x128xf32, #tpu.memory_space<vmem>>, vector<1x16xf32>,
      %get3A_1892 = vector.shape_cast %get3A_1891 : vector<1x16xf32> to vector<16xf32>
      %get3A_1893 = arith.index_cast %add3A_1882 : i32 to index
      %get3A_1894 = arith.index_cast %squeeze3A_1886 : i32 to index
      %get3A_1895 = tpu.vector_load %arg16[%get3A_1893, %get3A_1894] {strides = array<i32>} : memref<256x128xf32, #tpu.memory_space<vmem>>, vector<1x16xf32>,
      %get3A_1896 = vector.shape_cast %get3A_1895 : vector<1x16xf32> to vector<16xf32>
      %mul3A_1897 = arith.mulf %get3A_1892, %get3A_1896 : vector<16xf32>
      %get3A_1898 = arith.index_cast %add3A_1882 : i32 to index
      %get3A_1899 = arith.index_cast %squeeze3A_1888 : i32 to index
      %get3A_1900 = tpu.vector_load %arg17[%get3A_1898, %get3A_1899] {strides = array<i32>} : memref<256x128xf32, #tpu.memory_space<vmem>>, vector<1x16xf32>,
      %get3A_1901 = vector.shape_cast %get3A_1900 : vector<1x16xf32> to vector<16xf32>
      %mul3A_1902 = arith.mulf %mul3A_1897, %get3A_1901 : vector<16xf32>
      %add3A_1903 = arith.constant 16 : i32
      %add3A_1904 = arith.addi %squeeze3A_1884, %add3A_1903 : i32
      %get3A_1905 = arith.index_cast %add3A_1882 : i32 to index
      %get3A_1906 = arith.index_cast %add3A_1904 : i32 to index
      %get3A_1907 = tpu.vector_load %arg15[%get3A_1905, %get3A_1906] {strides = array<i32>} : memref<256x128xf32, #tpu.memory_space<vmem>>, vector<1x16xf32>,
      %get3A_1908 = vector.shape_cast %get3A_1907 : vector<1x16xf32> to vector<16xf32>
      %add3A_1909 = arith.constant 16 : i32
      %add3A_1910 = arith.addi %squeeze3A_1886, %add3A_1909 : i32
      %get3A_1911 = arith.index_cast %add3A_1882 : i32 to index
      %get3A_1912 = arith.index_cast %add3A_1910 : i32 to index
      %get3A_1913 = tpu.vector_load %arg16[%get3A_1911, %get3A_1912] {strides = array<i32>} : memref<256x128xf32, #tpu.memory_space<vmem>>, vector<1x16xf32>,
      %get3A_1914 = vector.shape_cast %get3A_1913 : vector<1x16xf32> to vector<16xf32>
      %mul3A_1915 = arith.mulf %get3A_1908, %get3A_1914 : vector<16xf32>
      %add3A_1916 = arith.constant 16 : i32
      %add3A_1917 = arith.addi %squeeze3A_1888, %add3A_1916 : i32
      %get3A_1918 = arith.index_cast %add3A_1882 : i32 to index
      %get3A_1919 = arith.index_cast %add3A_1917 : i32 to index
      %get3A_1920 = tpu.vector_load %arg17[%get3A_1918, %get3A_1919] {strides = array<i32>} : memref<256x128xf32, #tpu.memory_space<vmem>>, vector<1x16xf32>,
      %get3A_1921 = vector.shape_cast %get3A_1920 : vector<1x16xf32> to vector<16xf32>
      %mul3A_1922 = arith.mulf %mul3A_1915, %get3A_1921 : vector<16xf32>
      %add3A_1923 = arith.addf %mul3A_1902, %mul3A_1922 : vector<16xf32>
      %add3A_1924 = arith.constant 32 : i32
      %add3A_1925 = arith.addi %squeeze3A_1884, %add3A_1924 : i32
      %get3A_1926 = arith.index_cast %add3A_1882 : i32 to index
      %get3A_1927 = arith.index_cast %add3A_1925 : i32 to index
      %get3A_1928 = tpu.vector_load %arg15[%get3A_1926, %get3A_1927] {strides = array<i32>} : memref<256x128xf32, #tpu.memory_space<vmem>>, vector<1x16xf32>,
      %get3A_1929 = vector.shape_cast %get3A_1928 : vector<1x16xf32> to vector<16xf32>
      %add3A_1930 = arith.constant 32 : i32
      %add3A_1931 = arith.addi %squeeze3A_1886, %add3A_1930 : i32
      %get3A_1932 = arith.index_cast %add3A_1882 : i32 to index
      %get3A_1933 = arith.index_cast %add3A_1931 : i32 to index
      %get3A_1934 = tpu.vector_load %arg16[%get3A_1932, %get3A_1933] {strides = array<i32>} : memref<256x128xf32, #tpu.memory_space<vmem>>, vector<1x16xf32>,
      %get3A_1935 = vector.shape_cast %get3A_1934 : vector<1x16xf32> to vector<16xf32>
      %mul3A_1936 = arith.mulf %get3A_1929, %get3A_1935 : vector<16xf32>
      %add3A_1937 = arith.constant 32 : i32
      %add3A_1938 = arith.addi %squeeze3A_1888, %add3A_1937 : i32
      %get3A_1939 = arith.index_cast %add3A_1882 : i32 to index
      %get3A_1940 = arith.index_cast %add3A_1938 : i32 to index
      %get3A_1941 = tpu.vector_load %arg17[%get3A_1939, %get3A_1940] {strides = array<i32>} : memref<256x128xf32, #tpu.memory_space<vmem>>, vector<1x16xf32>,
      %get3A_1942 = vector.shape_cast %get3A_1941 : vector<1x16xf32> to vector<16xf32>
      %mul3A_1943 = arith.mulf %mul3A_1936, %get3A_1942 : vector<16xf32>
      %add3A_1944 = arith.addf %add3A_1923, %mul3A_1943 : vector<16xf32>
      %add3A_1945 = arith.constant 48 : i32
      %add3A_1946 = arith.addi %squeeze3A_1884, %add3A_1945 : i32
      %get3A_1947 = arith.index_cast %add3A_1882 : i32 to index
      %get3A_1948 = arith.index_cast %add3A_1946 : i32 to index
      %get3A_1949 = tpu.vector_load %arg15[%get3A_1947, %get3A_1948] {strides = array<i32>} : memref<256x128xf32, #tpu.memory_space<vmem>>, vector<1x16xf32>,
      %get3A_1950 = vector.shape_cast %get3A_1949 : vector<1x16xf32> to vector<16xf32>
      %add3A_1951 = arith.constant 48 : i32
      %add3A_1952 = arith.addi %squeeze3A_1886, %add3A_1951 : i32
      %get3A_1953 = arith.index_cast %add3A_1882 : i32 to index
      %get3A_1954 = arith.index_cast %add3A_1952 : i32 to index
      %get3A_1955 = tpu.vector_load %arg16[%get3A_1953, %get3A_1954] {strides = array<i32>} : memref<256x128xf32, #tpu.memory_space<vmem>>, vector<1x16xf32>,
      %get3A_1956 = vector.shape_cast %get3A_1955 : vector<1x16xf32> to vector<16xf32>
      %mul3A_1957 = arith.mulf %get3A_1950, %get3A_1956 : vector<16xf32>
      %add3A_1958 = arith.constant 48 : i32
      %add3A_1959 = arith.addi %squeeze3A_1888, %add3A_1958 : i32
      %get3A_1960 = arith.index_cast %add3A_1882 : i32 to index
      %get3A_1961 = arith.index_cast %add3A_1959 : i32 to index
      %get3A_1962 = tpu.vector_load %arg17[%get3A_1960, %get3A_1961] {strides = array<i32>} : memref<256x128xf32, #tpu.memory_space<vmem>>, vector<1x16xf32>,
      %get3A_1963 = vector.shape_cast %get3A_1962 : vector<1x16xf32> to vector<16xf32>
      %mul3A_1964 = arith.mulf %mul3A_1957, %get3A_1963 : vector<16xf32>
      %add3A_1965 = arith.addf %add3A_1944, %mul3A_1964 : vector<16xf32>
      %gather3A_1966 = vector.shape_cast %reshape3A : vector<16x1xi32> to vector<16xi32>
      %gather3A_1967 = tpu.dynamic_gather %add3A_1965[%gather3A_1966] in [0] : vector<16xf32>, vector<16xi32> -> vector<16xf32>
      %add3A_1968 = arith.addf %add3A_1965, %gather3A_1967 : vector<16xf32>
      %gather3A_1969 = vector.shape_cast %reshape3A_1005 : vector<16x1xi32> to vector<16xi32>
      %gather3A_1970 = tpu.dynamic_gather %add3A_1968[%gather3A_1969] in [0] : vector<16xf32>, vector<16xi32> -> vector<16xf32>
      %add3A_1971 = arith.addf %add3A_1968, %gather3A_1970 : vector<16xf32>
      %gather3A_1972 = vector.shape_cast %reshape3A_1012 : vector<16x1xi32> to vector<16xi32>
      %gather3A_1973 = tpu.dynamic_gather %add3A_1971[%gather3A_1972] in [0] : vector<16xf32>, vector<16xi32> -> vector<16xf32>
      %add3A_1974 = arith.addf %add3A_1971, %gather3A_1973 : vector<16xf32>
      %gather3A_1975 = vector.shape_cast %reshape3A_1019 : vector<16x1xi32> to vector<16xi32>
      %gather3A_1976 = tpu.dynamic_gather %add3A_1974[%gather3A_1975] in [0] : vector<16xf32>, vector<16xi32> -> vector<16xf32>
      %add3A_1977 = arith.addf %add3A_1974, %gather3A_1976 : vector<16xf32>
      %eq3A_1978 = arith.constant 6 : i32
      %eq3A_1979 = vector.broadcast %eq3A_1978 : i32 to vector<16xi32>
      %eq3A_1980 = arith.cmpi eq, %iota3A, %eq3A_1979 : vector<16xi32>
      %select_n3A_1981 = arith.select %eq3A_1980, %add3A_1977, %select_n3A_1880 : vector<16xi1>, vector<16xf32>
      %add3A_1982 = arith.constant 7 : i32
      %add3A_1983 = arith.addi %mul3A_1249, %add3A_1982 : i32
      %slice3A_1984 = vector.extract_strided_slice %mul3A_1260 {offsets = [7], sizes = [1], strides = [1]} : vector<16xi32> to vector<1xi32>
      %squeeze3A_1985 = vector.extract %slice3A_1984[0] : i32 from vector<1xi32>
      %slice3A_1986 = vector.extract_strided_slice %mul3A_1269 {offsets = [7], sizes = [1], strides = [1]} : vector<16xi32> to vector<1xi32>
      %squeeze3A_1987 = vector.extract %slice3A_1986[0] : i32 from vector<1xi32>
      %slice3A_1988 = vector.extract_strided_slice %mul3A_1278 {offsets = [7], sizes = [1], strides = [1]} : vector<16xi32> to vector<1xi32>
      %squeeze3A_1989 = vector.extract %slice3A_1988[0] : i32 from vector<1xi32>
      %get3A_1990 = arith.index_cast %add3A_1983 : i32 to index
      %get3A_1991 = arith.index_cast %squeeze3A_1985 : i32 to index
      %get3A_1992 = tpu.vector_load %arg15[%get3A_1990, %get3A_1991] {strides = array<i32>} : memref<256x128xf32, #tpu.memory_space<vmem>>, vector<1x16xf32>,
      %get3A_1993 = vector.shape_cast %get3A_1992 : vector<1x16xf32> to vector<16xf32>
      %get3A_1994 = arith.index_cast %add3A_1983 : i32 to index
      %get3A_1995 = arith.index_cast %squeeze3A_1987 : i32 to index
      %get3A_1996 = tpu.vector_load %arg16[%get3A_1994, %get3A_1995] {strides = array<i32>} : memref<256x128xf32, #tpu.memory_space<vmem>>, vector<1x16xf32>,
      %get3A_1997 = vector.shape_cast %get3A_1996 : vector<1x16xf32> to vector<16xf32>
      %mul3A_1998 = arith.mulf %get3A_1993, %get3A_1997 : vector<16xf32>
      %get3A_1999 = arith.index_cast %add3A_1983 : i32 to index
      %get3A_2000 = arith.index_cast %squeeze3A_1989 : i32 to index
      %get3A_2001 = tpu.vector_load %arg17[%get3A_1999, %get3A_2000] {strides = array<i32>} : memref<256x128xf32, #tpu.memory_space<vmem>>, vector<1x16xf32>,
      %get3A_2002 = vector.shape_cast %get3A_2001 : vector<1x16xf32> to vector<16xf32>
      %mul3A_2003 = arith.mulf %mul3A_1998, %get3A_2002 : vector<16xf32>
      %add3A_2004 = arith.constant 16 : i32
      %add3A_2005 = arith.addi %squeeze3A_1985, %add3A_2004 : i32
      %get3A_2006 = arith.index_cast %add3A_1983 : i32 to index
      %get3A_2007 = arith.index_cast %add3A_2005 : i32 to index
      %get3A_2008 = tpu.vector_load %arg15[%get3A_2006, %get3A_2007] {strides = array<i32>} : memref<256x128xf32, #tpu.memory_space<vmem>>, vector<1x16xf32>,
      %get3A_2009 = vector.shape_cast %get3A_2008 : vector<1x16xf32> to vector<16xf32>
      %add3A_2010 = arith.constant 16 : i32
      %add3A_2011 = arith.addi %squeeze3A_1987, %add3A_2010 : i32
      %get3A_2012 = arith.index_cast %add3A_1983 : i32 to index
      %get3A_2013 = arith.index_cast %add3A_2011 : i32 to index
      %get3A_2014 = tpu.vector_load %arg16[%get3A_2012, %get3A_2013] {strides = array<i32>} : memref<256x128xf32, #tpu.memory_space<vmem>>, vector<1x16xf32>,
      %get3A_2015 = vector.shape_cast %get3A_2014 : vector<1x16xf32> to vector<16xf32>
      %mul3A_2016 = arith.mulf %get3A_2009, %get3A_2015 : vector<16xf32>
      %add3A_2017 = arith.constant 16 : i32
      %add3A_2018 = arith.addi %squeeze3A_1989, %add3A_2017 : i32
      %get3A_2019 = arith.index_cast %add3A_1983 : i32 to index
      %get3A_2020 = arith.index_cast %add3A_2018 : i32 to index
      %get3A_2021 = tpu.vector_load %arg17[%get3A_2019, %get3A_2020] {strides = array<i32>} : memref<256x128xf32, #tpu.memory_space<vmem>>, vector<1x16xf32>,
      %get3A_2022 = vector.shape_cast %get3A_2021 : vector<1x16xf32> to vector<16xf32>
      %mul3A_2023 = arith.mulf %mul3A_2016, %get3A_2022 : vector<16xf32>
      %add3A_2024 = arith.addf %mul3A_2003, %mul3A_2023 : vector<16xf32>
      %add3A_2025 = arith.constant 32 : i32
      %add3A_2026 = arith.addi %squeeze3A_1985, %add3A_2025 : i32
      %get3A_2027 = arith.index_cast %add3A_1983 : i32 to index
      %get3A_2028 = arith.index_cast %add3A_2026 : i32 to index
      %get3A_2029 = tpu.vector_load %arg15[%get3A_2027, %get3A_2028] {strides = array<i32>} : memref<256x128xf32, #tpu.memory_space<vmem>>, vector<1x16xf32>,
      %get3A_2030 = vector.shape_cast %get3A_2029 : vector<1x16xf32> to vector<16xf32>
      %add3A_2031 = arith.constant 32 : i32
      %add3A_2032 = arith.addi %squeeze3A_1987, %add3A_2031 : i32
      %get3A_2033 = arith.index_cast %add3A_1983 : i32 to index
      %get3A_2034 = arith.index_cast %add3A_2032 : i32 to index
      %get3A_2035 = tpu.vector_load %arg16[%get3A_2033, %get3A_2034] {strides = array<i32>} : memref<256x128xf32, #tpu.memory_space<vmem>>, vector<1x16xf32>,
      %get3A_2036 = vector.shape_cast %get3A_2035 : vector<1x16xf32> to vector<16xf32>
      %mul3A_2037 = arith.mulf %get3A_2030, %get3A_2036 : vector<16xf32>
      %add3A_2038 = arith.constant 32 : i32
      %add3A_2039 = arith.addi %squeeze3A_1989, %add3A_2038 : i32
      %get3A_2040 = arith.index_cast %add3A_1983 : i32 to index
      %get3A_2041 = arith.index_cast %add3A_2039 : i32 to index
      %get3A_2042 = tpu.vector_load %arg17[%get3A_2040, %get3A_2041] {strides = array<i32>} : memref<256x128xf32, #tpu.memory_space<vmem>>, vector<1x16xf32>,
      %get3A_2043 = vector.shape_cast %get3A_2042 : vector<1x16xf32> to vector<16xf32>
      %mul3A_2044 = arith.mulf %mul3A_2037, %get3A_2043 : vector<16xf32>
      %add3A_2045 = arith.addf %add3A_2024, %mul3A_2044 : vector<16xf32>
      %add3A_2046 = arith.constant 48 : i32
      %add3A_2047 = arith.addi %squeeze3A_1985, %add3A_2046 : i32
      %get3A_2048 = arith.index_cast %add3A_1983 : i32 to index
      %get3A_2049 = arith.index_cast %add3A_2047 : i32 to index
      %get3A_2050 = tpu.vector_load %arg15[%get3A_2048, %get3A_2049] {strides = array<i32>} : memref<256x128xf32, #tpu.memory_space<vmem>>, vector<1x16xf32>,
      %get3A_2051 = vector.shape_cast %get3A_2050 : vector<1x16xf32> to vector<16xf32>
      %add3A_2052 = arith.constant 48 : i32
      %add3A_2053 = arith.addi %squeeze3A_1987, %add3A_2052 : i32
      %get3A_2054 = arith.index_cast %add3A_1983 : i32 to index
      %get3A_2055 = arith.index_cast %add3A_2053 : i32 to index
      %get3A_2056 = tpu.vector_load %arg16[%get3A_2054, %get3A_2055] {strides = array<i32>} : memref<256x128xf32, #tpu.memory_space<vmem>>, vector<1x16xf32>,
      %get3A_2057 = vector.shape_cast %get3A_2056 : vector<1x16xf32> to vector<16xf32>
      %mul3A_2058 = arith.mulf %get3A_2051, %get3A_2057 : vector<16xf32>
      %add3A_2059 = arith.constant 48 : i32
      %add3A_2060 = arith.addi %squeeze3A_1989, %add3A_2059 : i32
      %get3A_2061 = arith.index_cast %add3A_1983 : i32 to index
      %get3A_2062 = arith.index_cast %add3A_2060 : i32 to index
      %get3A_2063 = tpu.vector_load %arg17[%get3A_2061, %get3A_2062] {strides = array<i32>} : memref<256x128xf32, #tpu.memory_space<vmem>>, vector<1x16xf32>,
      %get3A_2064 = vector.shape_cast %get3A_2063 : vector<1x16xf32> to vector<16xf32>
      %mul3A_2065 = arith.mulf %mul3A_2058, %get3A_2064 : vector<16xf32>
      %add3A_2066 = arith.addf %add3A_2045, %mul3A_2065 : vector<16xf32>
      %gather3A_2067 = vector.shape_cast %reshape3A : vector<16x1xi32> to vector<16xi32>
      %gather3A_2068 = tpu.dynamic_gather %add3A_2066[%gather3A_2067] in [0] : vector<16xf32>, vector<16xi32> -> vector<16xf32>
      %add3A_2069 = arith.addf %add3A_2066, %gather3A_2068 : vector<16xf32>
      %gather3A_2070 = vector.shape_cast %reshape3A_1005 : vector<16x1xi32> to vector<16xi32>
      %gather3A_2071 = tpu.dynamic_gather %add3A_2069[%gather3A_2070] in [0] : vector<16xf32>, vector<16xi32> -> vector<16xf32>
      %add3A_2072 = arith.addf %add3A_2069, %gather3A_2071 : vector<16xf32>
      %gather3A_2073 = vector.shape_cast %reshape3A_1012 : vector<16x1xi32> to vector<16xi32>
      %gather3A_2074 = tpu.dynamic_gather %add3A_2072[%gather3A_2073] in [0] : vector<16xf32>, vector<16xi32> -> vector<16xf32>
      %add3A_2075 = arith.addf %add3A_2072, %gather3A_2074 : vector<16xf32>
      %gather3A_2076 = vector.shape_cast %reshape3A_1019 : vector<16x1xi32> to vector<16xi32>
      %gather3A_2077 = tpu.dynamic_gather %add3A_2075[%gather3A_2076] in [0] : vector<16xf32>, vector<16xi32> -> vector<16xf32>
      %add3A_2078 = arith.addf %add3A_2075, %gather3A_2077 : vector<16xf32>
      %eq3A_2079 = arith.constant 7 : i32
      %eq3A_2080 = vector.broadcast %eq3A_2079 : i32 to vector<16xi32>
      %eq3A_2081 = arith.cmpi eq, %iota3A, %eq3A_2080 : vector<16xi32>
      %select_n3A_2082 = arith.select %eq3A_2081, %add3A_2078, %select_n3A_1981 : vector<16xi1>, vector<16xf32>
      %add3A_2083 = arith.constant 8 : i32
      %add3A_2084 = arith.addi %mul3A_1249, %add3A_2083 : i32
      %slice3A_2085 = vector.extract_strided_slice %mul3A_1260 {offsets = [8], sizes = [1], strides = [1]} : vector<16xi32> to vector<1xi32>
      %squeeze3A_2086 = vector.extract %slice3A_2085[0] : i32 from vector<1xi32>
      %slice3A_2087 = vector.extract_strided_slice %mul3A_1269 {offsets = [8], sizes = [1], strides = [1]} : vector<16xi32> to vector<1xi32>
      %squeeze3A_2088 = vector.extract %slice3A_2087[0] : i32 from vector<1xi32>
      %slice3A_2089 = vector.extract_strided_slice %mul3A_1278 {offsets = [8], sizes = [1], strides = [1]} : vector<16xi32> to vector<1xi32>
      %squeeze3A_2090 = vector.extract %slice3A_2089[0] : i32 from vector<1xi32>
      %get3A_2091 = arith.index_cast %add3A_2084 : i32 to index
      %get3A_2092 = arith.index_cast %squeeze3A_2086 : i32 to index
      %get3A_2093 = tpu.vector_load %arg15[%get3A_2091, %get3A_2092] {strides = array<i32>} : memref<256x128xf32, #tpu.memory_space<vmem>>, vector<1x16xf32>,
      %get3A_2094 = vector.shape_cast %get3A_2093 : vector<1x16xf32> to vector<16xf32>
      %get3A_2095 = arith.index_cast %add3A_2084 : i32 to index
      %get3A_2096 = arith.index_cast %squeeze3A_2088 : i32 to index
      %get3A_2097 = tpu.vector_load %arg16[%get3A_2095, %get3A_2096] {strides = array<i32>} : memref<256x128xf32, #tpu.memory_space<vmem>>, vector<1x16xf32>,
      %get3A_2098 = vector.shape_cast %get3A_2097 : vector<1x16xf32> to vector<16xf32>
      %mul3A_2099 = arith.mulf %get3A_2094, %get3A_2098 : vector<16xf32>
      %get3A_2100 = arith.index_cast %add3A_2084 : i32 to index
      %get3A_2101 = arith.index_cast %squeeze3A_2090 : i32 to index
      %get3A_2102 = tpu.vector_load %arg17[%get3A_2100, %get3A_2101] {strides = array<i32>} : memref<256x128xf32, #tpu.memory_space<vmem>>, vector<1x16xf32>,
      %get3A_2103 = vector.shape_cast %get3A_2102 : vector<1x16xf32> to vector<16xf32>
      %mul3A_2104 = arith.mulf %mul3A_2099, %get3A_2103 : vector<16xf32>
      %add3A_2105 = arith.constant 16 : i32
      %add3A_2106 = arith.addi %squeeze3A_2086, %add3A_2105 : i32
      %get3A_2107 = arith.index_cast %add3A_2084 : i32 to index
      %get3A_2108 = arith.index_cast %add3A_2106 : i32 to index
      %get3A_2109 = tpu.vector_load %arg15[%get3A_2107, %get3A_2108] {strides = array<i32>} : memref<256x128xf32, #tpu.memory_space<vmem>>, vector<1x16xf32>,
      %get3A_2110 = vector.shape_cast %get3A_2109 : vector<1x16xf32> to vector<16xf32>
      %add3A_2111 = arith.constant 16 : i32
      %add3A_2112 = arith.addi %squeeze3A_2088, %add3A_2111 : i32
      %get3A_2113 = arith.index_cast %add3A_2084 : i32 to index
      %get3A_2114 = arith.index_cast %add3A_2112 : i32 to index
      %get3A_2115 = tpu.vector_load %arg16[%get3A_2113, %get3A_2114] {strides = array<i32>} : memref<256x128xf32, #tpu.memory_space<vmem>>, vector<1x16xf32>,
      %get3A_2116 = vector.shape_cast %get3A_2115 : vector<1x16xf32> to vector<16xf32>
      %mul3A_2117 = arith.mulf %get3A_2110, %get3A_2116 : vector<16xf32>
      %add3A_2118 = arith.constant 16 : i32
      %add3A_2119 = arith.addi %squeeze3A_2090, %add3A_2118 : i32
      %get3A_2120 = arith.index_cast %add3A_2084 : i32 to index
      %get3A_2121 = arith.index_cast %add3A_2119 : i32 to index
      %get3A_2122 = tpu.vector_load %arg17[%get3A_2120, %get3A_2121] {strides = array<i32>} : memref<256x128xf32, #tpu.memory_space<vmem>>, vector<1x16xf32>,
      %get3A_2123 = vector.shape_cast %get3A_2122 : vector<1x16xf32> to vector<16xf32>
      %mul3A_2124 = arith.mulf %mul3A_2117, %get3A_2123 : vector<16xf32>
      %add3A_2125 = arith.addf %mul3A_2104, %mul3A_2124 : vector<16xf32>
      %add3A_2126 = arith.constant 32 : i32
      %add3A_2127 = arith.addi %squeeze3A_2086, %add3A_2126 : i32
      %get3A_2128 = arith.index_cast %add3A_2084 : i32 to index
      %get3A_2129 = arith.index_cast %add3A_2127 : i32 to index
      %get3A_2130 = tpu.vector_load %arg15[%get3A_2128, %get3A_2129] {strides = array<i32>} : memref<256x128xf32, #tpu.memory_space<vmem>>, vector<1x16xf32>,
      %get3A_2131 = vector.shape_cast %get3A_2130 : vector<1x16xf32> to vector<16xf32>
      %add3A_2132 = arith.constant 32 : i32
      %add3A_2133 = arith.addi %squeeze3A_2088, %add3A_2132 : i32
      %get3A_2134 = arith.index_cast %add3A_2084 : i32 to index
      %get3A_2135 = arith.index_cast %add3A_2133 : i32 to index
      %get3A_2136 = tpu.vector_load %arg16[%get3A_2134, %get3A_2135] {strides = array<i32>} : memref<256x128xf32, #tpu.memory_space<vmem>>, vector<1x16xf32>,
      %get3A_2137 = vector.shape_cast %get3A_2136 : vector<1x16xf32> to vector<16xf32>
      %mul3A_2138 = arith.mulf %get3A_2131, %get3A_2137 : vector<16xf32>
      %add3A_2139 = arith.constant 32 : i32
      %add3A_2140 = arith.addi %squeeze3A_2090, %add3A_2139 : i32
      %get3A_2141 = arith.index_cast %add3A_2084 : i32 to index
      %get3A_2142 = arith.index_cast %add3A_2140 : i32 to index
      %get3A_2143 = tpu.vector_load %arg17[%get3A_2141, %get3A_2142] {strides = array<i32>} : memref<256x128xf32, #tpu.memory_space<vmem>>, vector<1x16xf32>,
      %get3A_2144 = vector.shape_cast %get3A_2143 : vector<1x16xf32> to vector<16xf32>
      %mul3A_2145 = arith.mulf %mul3A_2138, %get3A_2144 : vector<16xf32>
      %add3A_2146 = arith.addf %add3A_2125, %mul3A_2145 : vector<16xf32>
      %add3A_2147 = arith.constant 48 : i32
      %add3A_2148 = arith.addi %squeeze3A_2086, %add3A_2147 : i32
      %get3A_2149 = arith.index_cast %add3A_2084 : i32 to index
      %get3A_2150 = arith.index_cast %add3A_2148 : i32 to index
      %get3A_2151 = tpu.vector_load %arg15[%get3A_2149, %get3A_2150] {strides = array<i32>} : memref<256x128xf32, #tpu.memory_space<vmem>>, vector<1x16xf32>,
      %get3A_2152 = vector.shape_cast %get3A_2151 : vector<1x16xf32> to vector<16xf32>
      %add3A_2153 = arith.constant 48 : i32
      %add3A_2154 = arith.addi %squeeze3A_2088, %add3A_2153 : i32
      %get3A_2155 = arith.index_cast %add3A_2084 : i32 to index
      %get3A_2156 = arith.index_cast %add3A_2154 : i32 to index
      %get3A_2157 = tpu.vector_load %arg16[%get3A_2155, %get3A_2156] {strides = array<i32>} : memref<256x128xf32, #tpu.memory_space<vmem>>, vector<1x16xf32>,
      %get3A_2158 = vector.shape_cast %get3A_2157 : vector<1x16xf32> to vector<16xf32>
      %mul3A_2159 = arith.mulf %get3A_2152, %get3A_2158 : vector<16xf32>
      %add3A_2160 = arith.constant 48 : i32
      %add3A_2161 = arith.addi %squeeze3A_2090, %add3A_2160 : i32
      %get3A_2162 = arith.index_cast %add3A_2084 : i32 to index
      %get3A_2163 = arith.index_cast %add3A_2161 : i32 to index
      %get3A_2164 = tpu.vector_load %arg17[%get3A_2162, %get3A_2163] {strides = array<i32>} : memref<256x128xf32, #tpu.memory_space<vmem>>, vector<1x16xf32>,
      %get3A_2165 = vector.shape_cast %get3A_2164 : vector<1x16xf32> to vector<16xf32>
      %mul3A_2166 = arith.mulf %mul3A_2159, %get3A_2165 : vector<16xf32>
      %add3A_2167 = arith.addf %add3A_2146, %mul3A_2166 : vector<16xf32>
      %gather3A_2168 = vector.shape_cast %reshape3A : vector<16x1xi32> to vector<16xi32>
      %gather3A_2169 = tpu.dynamic_gather %add3A_2167[%gather3A_2168] in [0] : vector<16xf32>, vector<16xi32> -> vector<16xf32>
      %add3A_2170 = arith.addf %add3A_2167, %gather3A_2169 : vector<16xf32>
      %gather3A_2171 = vector.shape_cast %reshape3A_1005 : vector<16x1xi32> to vector<16xi32>
      %gather3A_2172 = tpu.dynamic_gather %add3A_2170[%gather3A_2171] in [0] : vector<16xf32>, vector<16xi32> -> vector<16xf32>
      %add3A_2173 = arith.addf %add3A_2170, %gather3A_2172 : vector<16xf32>
      %gather3A_2174 = vector.shape_cast %reshape3A_1012 : vector<16x1xi32> to vector<16xi32>
      %gather3A_2175 = tpu.dynamic_gather %add3A_2173[%gather3A_2174] in [0] : vector<16xf32>, vector<16xi32> -> vector<16xf32>
      %add3A_2176 = arith.addf %add3A_2173, %gather3A_2175 : vector<16xf32>
      %gather3A_2177 = vector.shape_cast %reshape3A_1019 : vector<16x1xi32> to vector<16xi32>
      %gather3A_2178 = tpu.dynamic_gather %add3A_2176[%gather3A_2177] in [0] : vector<16xf32>, vector<16xi32> -> vector<16xf32>
      %add3A_2179 = arith.addf %add3A_2176, %gather3A_2178 : vector<16xf32>
      %eq3A_2180 = arith.constant 8 : i32
      %eq3A_2181 = vector.broadcast %eq3A_2180 : i32 to vector<16xi32>
      %eq3A_2182 = arith.cmpi eq, %iota3A, %eq3A_2181 : vector<16xi32>
      %select_n3A_2183 = arith.select %eq3A_2182, %add3A_2179, %select_n3A_2082 : vector<16xi1>, vector<16xf32>
      %add3A_2184 = arith.constant 9 : i32
      %add3A_2185 = arith.addi %mul3A_1249, %add3A_2184 : i32
      %slice3A_2186 = vector.extract_strided_slice %mul3A_1260 {offsets = [9], sizes = [1], strides = [1]} : vector<16xi32> to vector<1xi32>
      %squeeze3A_2187 = vector.extract %slice3A_2186[0] : i32 from vector<1xi32>
      %slice3A_2188 = vector.extract_strided_slice %mul3A_1269 {offsets = [9], sizes = [1], strides = [1]} : vector<16xi32> to vector<1xi32>
      %squeeze3A_2189 = vector.extract %slice3A_2188[0] : i32 from vector<1xi32>
      %slice3A_2190 = vector.extract_strided_slice %mul3A_1278 {offsets = [9], sizes = [1], strides = [1]} : vector<16xi32> to vector<1xi32>
      %squeeze3A_2191 = vector.extract %slice3A_2190[0] : i32 from vector<1xi32>
      %get3A_2192 = arith.index_cast %add3A_2185 : i32 to index
      %get3A_2193 = arith.index_cast %squeeze3A_2187 : i32 to index
      %get3A_2194 = tpu.vector_load %arg15[%get3A_2192, %get3A_2193] {strides = array<i32>} : memref<256x128xf32, #tpu.memory_space<vmem>>, vector<1x16xf32>,
      %get3A_2195 = vector.shape_cast %get3A_2194 : vector<1x16xf32> to vector<16xf32>
      %get3A_2196 = arith.index_cast %add3A_2185 : i32 to index
      %get3A_2197 = arith.index_cast %squeeze3A_2189 : i32 to index
      %get3A_2198 = tpu.vector_load %arg16[%get3A_2196, %get3A_2197] {strides = array<i32>} : memref<256x128xf32, #tpu.memory_space<vmem>>, vector<1x16xf32>,
      %get3A_2199 = vector.shape_cast %get3A_2198 : vector<1x16xf32> to vector<16xf32>
      %mul3A_2200 = arith.mulf %get3A_2195, %get3A_2199 : vector<16xf32>
      %get3A_2201 = arith.index_cast %add3A_2185 : i32 to index
      %get3A_2202 = arith.index_cast %squeeze3A_2191 : i32 to index
      %get3A_2203 = tpu.vector_load %arg17[%get3A_2201, %get3A_2202] {strides = array<i32>} : memref<256x128xf32, #tpu.memory_space<vmem>>, vector<1x16xf32>,
      %get3A_2204 = vector.shape_cast %get3A_2203 : vector<1x16xf32> to vector<16xf32>
      %mul3A_2205 = arith.mulf %mul3A_2200, %get3A_2204 : vector<16xf32>
      %add3A_2206 = arith.constant 16 : i32
      %add3A_2207 = arith.addi %squeeze3A_2187, %add3A_2206 : i32
      %get3A_2208 = arith.index_cast %add3A_2185 : i32 to index
      %get3A_2209 = arith.index_cast %add3A_2207 : i32 to index
      %get3A_2210 = tpu.vector_load %arg15[%get3A_2208, %get3A_2209] {strides = array<i32>} : memref<256x128xf32, #tpu.memory_space<vmem>>, vector<1x16xf32>,
      %get3A_2211 = vector.shape_cast %get3A_2210 : vector<1x16xf32> to vector<16xf32>
      %add3A_2212 = arith.constant 16 : i32
      %add3A_2213 = arith.addi %squeeze3A_2189, %add3A_2212 : i32
      %get3A_2214 = arith.index_cast %add3A_2185 : i32 to index
      %get3A_2215 = arith.index_cast %add3A_2213 : i32 to index
      %get3A_2216 = tpu.vector_load %arg16[%get3A_2214, %get3A_2215] {strides = array<i32>} : memref<256x128xf32, #tpu.memory_space<vmem>>, vector<1x16xf32>,
      %get3A_2217 = vector.shape_cast %get3A_2216 : vector<1x16xf32> to vector<16xf32>
      %mul3A_2218 = arith.mulf %get3A_2211, %get3A_2217 : vector<16xf32>
      %add3A_2219 = arith.constant 16 : i32
      %add3A_2220 = arith.addi %squeeze3A_2191, %add3A_2219 : i32
      %get3A_2221 = arith.index_cast %add3A_2185 : i32 to index
      %get3A_2222 = arith.index_cast %add3A_2220 : i32 to index
      %get3A_2223 = tpu.vector_load %arg17[%get3A_2221, %get3A_2222] {strides = array<i32>} : memref<256x128xf32, #tpu.memory_space<vmem>>, vector<1x16xf32>,
      %get3A_2224 = vector.shape_cast %get3A_2223 : vector<1x16xf32> to vector<16xf32>
      %mul3A_2225 = arith.mulf %mul3A_2218, %get3A_2224 : vector<16xf32>
      %add3A_2226 = arith.addf %mul3A_2205, %mul3A_2225 : vector<16xf32>
      %add3A_2227 = arith.constant 32 : i32
      %add3A_2228 = arith.addi %squeeze3A_2187, %add3A_2227 : i32
      %get3A_2229 = arith.index_cast %add3A_2185 : i32 to index
      %get3A_2230 = arith.index_cast %add3A_2228 : i32 to index
      %get3A_2231 = tpu.vector_load %arg15[%get3A_2229, %get3A_2230] {strides = array<i32>} : memref<256x128xf32, #tpu.memory_space<vmem>>, vector<1x16xf32>,
      %get3A_2232 = vector.shape_cast %get3A_2231 : vector<1x16xf32> to vector<16xf32>
      %add3A_2233 = arith.constant 32 : i32
      %add3A_2234 = arith.addi %squeeze3A_2189, %add3A_2233 : i32
      %get3A_2235 = arith.index_cast %add3A_2185 : i32 to index
      %get3A_2236 = arith.index_cast %add3A_2234 : i32 to index
      %get3A_2237 = tpu.vector_load %arg16[%get3A_2235, %get3A_2236] {strides = array<i32>} : memref<256x128xf32, #tpu.memory_space<vmem>>, vector<1x16xf32>,
      %get3A_2238 = vector.shape_cast %get3A_2237 : vector<1x16xf32> to vector<16xf32>
      %mul3A_2239 = arith.mulf %get3A_2232, %get3A_2238 : vector<16xf32>
      %add3A_2240 = arith.constant 32 : i32
      %add3A_2241 = arith.addi %squeeze3A_2191, %add3A_2240 : i32
      %get3A_2242 = arith.index_cast %add3A_2185 : i32 to index
      %get3A_2243 = arith.index_cast %add3A_2241 : i32 to index
      %get3A_2244 = tpu.vector_load %arg17[%get3A_2242, %get3A_2243] {strides = array<i32>} : memref<256x128xf32, #tpu.memory_space<vmem>>, vector<1x16xf32>,
      %get3A_2245 = vector.shape_cast %get3A_2244 : vector<1x16xf32> to vector<16xf32>
      %mul3A_2246 = arith.mulf %mul3A_2239, %get3A_2245 : vector<16xf32>
      %add3A_2247 = arith.addf %add3A_2226, %mul3A_2246 : vector<16xf32>
      %add3A_2248 = arith.constant 48 : i32
      %add3A_2249 = arith.addi %squeeze3A_2187, %add3A_2248 : i32
      %get3A_2250 = arith.index_cast %add3A_2185 : i32 to index
      %get3A_2251 = arith.index_cast %add3A_2249 : i32 to index
      %get3A_2252 = tpu.vector_load %arg15[%get3A_2250, %get3A_2251] {strides = array<i32>} : memref<256x128xf32, #tpu.memory_space<vmem>>, vector<1x16xf32>,
      %get3A_2253 = vector.shape_cast %get3A_2252 : vector<1x16xf32> to vector<16xf32>
      %add3A_2254 = arith.constant 48 : i32
      %add3A_2255 = arith.addi %squeeze3A_2189, %add3A_2254 : i32
      %get3A_2256 = arith.index_cast %add3A_2185 : i32 to index
      %get3A_2257 = arith.index_cast %add3A_2255 : i32 to index
      %get3A_2258 = tpu.vector_load %arg16[%get3A_2256, %get3A_2257] {strides = array<i32>} : memref<256x128xf32, #tpu.memory_space<vmem>>, vector<1x16xf32>,
      %get3A_2259 = vector.shape_cast %get3A_2258 : vector<1x16xf32> to vector<16xf32>
      %mul3A_2260 = arith.mulf %get3A_2253, %get3A_2259 : vector<16xf32>
      %add3A_2261 = arith.constant 48 : i32
      %add3A_2262 = arith.addi %squeeze3A_2191, %add3A_2261 : i32
      %get3A_2263 = arith.index_cast %add3A_2185 : i32 to index
      %get3A_2264 = arith.index_cast %add3A_2262 : i32 to index
      %get3A_2265 = tpu.vector_load %arg17[%get3A_2263, %get3A_2264] {strides = array<i32>} : memref<256x128xf32, #tpu.memory_space<vmem>>, vector<1x16xf32>,
      %get3A_2266 = vector.shape_cast %get3A_2265 : vector<1x16xf32> to vector<16xf32>
      %mul3A_2267 = arith.mulf %mul3A_2260, %get3A_2266 : vector<16xf32>
      %add3A_2268 = arith.addf %add3A_2247, %mul3A_2267 : vector<16xf32>
      %gather3A_2269 = vector.shape_cast %reshape3A : vector<16x1xi32> to vector<16xi32>
      %gather3A_2270 = tpu.dynamic_gather %add3A_2268[%gather3A_2269] in [0] : vector<16xf32>, vector<16xi32> -> vector<16xf32>
      %add3A_2271 = arith.addf %add3A_2268, %gather3A_2270 : vector<16xf32>
      %gather3A_2272 = vector.shape_cast %reshape3A_1005 : vector<16x1xi32> to vector<16xi32>
      %gather3A_2273 = tpu.dynamic_gather %add3A_2271[%gather3A_2272] in [0] : vector<16xf32>, vector<16xi32> -> vector<16xf32>
      %add3A_2274 = arith.addf %add3A_2271, %gather3A_2273 : vector<16xf32>
      %gather3A_2275 = vector.shape_cast %reshape3A_1012 : vector<16x1xi32> to vector<16xi32>
      %gather3A_2276 = tpu.dynamic_gather %add3A_2274[%gather3A_2275] in [0] : vector<16xf32>, vector<16xi32> -> vector<16xf32>
      %add3A_2277 = arith.addf %add3A_2274, %gather3A_2276 : vector<16xf32>
      %gather3A_2278 = vector.shape_cast %reshape3A_1019 : vector<16x1xi32> to vector<16xi32>
      %gather3A_2279 = tpu.dynamic_gather %add3A_2277[%gather3A_2278] in [0] : vector<16xf32>, vector<16xi32> -> vector<16xf32>
      %add3A_2280 = arith.addf %add3A_2277, %gather3A_2279 : vector<16xf32>
      %eq3A_2281 = arith.constant 9 : i32
      %eq3A_2282 = vector.broadcast %eq3A_2281 : i32 to vector<16xi32>
      %eq3A_2283 = arith.cmpi eq, %iota3A, %eq3A_2282 : vector<16xi32>
      %select_n3A_2284 = arith.select %eq3A_2283, %add3A_2280, %select_n3A_2183 : vector<16xi1>, vector<16xf32>
      %add3A_2285 = arith.constant 10 : i32
      %add3A_2286 = arith.addi %mul3A_1249, %add3A_2285 : i32
      %slice3A_2287 = vector.extract_strided_slice %mul3A_1260 {offsets = [10], sizes = [1], strides = [1]} : vector<16xi32> to vector<1xi32>
      %squeeze3A_2288 = vector.extract %slice3A_2287[0] : i32 from vector<1xi32>
      %slice3A_2289 = vector.extract_strided_slice %mul3A_1269 {offsets = [10], sizes = [1], strides = [1]} : vector<16xi32> to vector<1xi32>
      %squeeze3A_2290 = vector.extract %slice3A_2289[0] : i32 from vector<1xi32>
      %slice3A_2291 = vector.extract_strided_slice %mul3A_1278 {offsets = [10], sizes = [1], strides = [1]} : vector<16xi32> to vector<1xi32>
      %squeeze3A_2292 = vector.extract %slice3A_2291[0] : i32 from vector<1xi32>
      %get3A_2293 = arith.index_cast %add3A_2286 : i32 to index
      %get3A_2294 = arith.index_cast %squeeze3A_2288 : i32 to index
      %get3A_2295 = tpu.vector_load %arg15[%get3A_2293, %get3A_2294] {strides = array<i32>} : memref<256x128xf32, #tpu.memory_space<vmem>>, vector<1x16xf32>,
      %get3A_2296 = vector.shape_cast %get3A_2295 : vector<1x16xf32> to vector<16xf32>
      %get3A_2297 = arith.index_cast %add3A_2286 : i32 to index
      %get3A_2298 = arith.index_cast %squeeze3A_2290 : i32 to index
      %get3A_2299 = tpu.vector_load %arg16[%get3A_2297, %get3A_2298] {strides = array<i32>} : memref<256x128xf32, #tpu.memory_space<vmem>>, vector<1x16xf32>,
      %get3A_2300 = vector.shape_cast %get3A_2299 : vector<1x16xf32> to vector<16xf32>
      %mul3A_2301 = arith.mulf %get3A_2296, %get3A_2300 : vector<16xf32>
      %get3A_2302 = arith.index_cast %add3A_2286 : i32 to index
      %get3A_2303 = arith.index_cast %squeeze3A_2292 : i32 to index
      %get3A_2304 = tpu.vector_load %arg17[%get3A_2302, %get3A_2303] {strides = array<i32>} : memref<256x128xf32, #tpu.memory_space<vmem>>, vector<1x16xf32>,
      %get3A_2305 = vector.shape_cast %get3A_2304 : vector<1x16xf32> to vector<16xf32>
      %mul3A_2306 = arith.mulf %mul3A_2301, %get3A_2305 : vector<16xf32>
      %add3A_2307 = arith.constant 16 : i32
      %add3A_2308 = arith.addi %squeeze3A_2288, %add3A_2307 : i32
      %get3A_2309 = arith.index_cast %add3A_2286 : i32 to index
      %get3A_2310 = arith.index_cast %add3A_2308 : i32 to index
      %get3A_2311 = tpu.vector_load %arg15[%get3A_2309, %get3A_2310] {strides = array<i32>} : memref<256x128xf32, #tpu.memory_space<vmem>>, vector<1x16xf32>,
      %get3A_2312 = vector.shape_cast %get3A_2311 : vector<1x16xf32> to vector<16xf32>
      %add3A_2313 = arith.constant 16 : i32
      %add3A_2314 = arith.addi %squeeze3A_2290, %add3A_2313 : i32
      %get3A_2315 = arith.index_cast %add3A_2286 : i32 to index
      %get3A_2316 = arith.index_cast %add3A_2314 : i32 to index
      %get3A_2317 = tpu.vector_load %arg16[%get3A_2315, %get3A_2316] {strides = array<i32>} : memref<256x128xf32, #tpu.memory_space<vmem>>, vector<1x16xf32>,
      %get3A_2318 = vector.shape_cast %get3A_2317 : vector<1x16xf32> to vector<16xf32>
      %mul3A_2319 = arith.mulf %get3A_2312, %get3A_2318 : vector<16xf32>
      %add3A_2320 = arith.constant 16 : i32
      %add3A_2321 = arith.addi %squeeze3A_2292, %add3A_2320 : i32
      %get3A_2322 = arith.index_cast %add3A_2286 : i32 to index
      %get3A_2323 = arith.index_cast %add3A_2321 : i32 to index
      %get3A_2324 = tpu.vector_load %arg17[%get3A_2322, %get3A_2323] {strides = array<i32>} : memref<256x128xf32, #tpu.memory_space<vmem>>, vector<1x16xf32>,
      %get3A_2325 = vector.shape_cast %get3A_2324 : vector<1x16xf32> to vector<16xf32>
      %mul3A_2326 = arith.mulf %mul3A_2319, %get3A_2325 : vector<16xf32>
      %add3A_2327 = arith.addf %mul3A_2306, %mul3A_2326 : vector<16xf32>
      %add3A_2328 = arith.constant 32 : i32
      %add3A_2329 = arith.addi %squeeze3A_2288, %add3A_2328 : i32
      %get3A_2330 = arith.index_cast %add3A_2286 : i32 to index
      %get3A_2331 = arith.index_cast %add3A_2329 : i32 to index
      %get3A_2332 = tpu.vector_load %arg15[%get3A_2330, %get3A_2331] {strides = array<i32>} : memref<256x128xf32, #tpu.memory_space<vmem>>, vector<1x16xf32>,
      %get3A_2333 = vector.shape_cast %get3A_2332 : vector<1x16xf32> to vector<16xf32>
      %add3A_2334 = arith.constant 32 : i32
      %add3A_2335 = arith.addi %squeeze3A_2290, %add3A_2334 : i32
      %get3A_2336 = arith.index_cast %add3A_2286 : i32 to index
      %get3A_2337 = arith.index_cast %add3A_2335 : i32 to index
      %get3A_2338 = tpu.vector_load %arg16[%get3A_2336, %get3A_2337] {strides = array<i32>} : memref<256x128xf32, #tpu.memory_space<vmem>>, vector<1x16xf32>,
      %get3A_2339 = vector.shape_cast %get3A_2338 : vector<1x16xf32> to vector<16xf32>
      %mul3A_2340 = arith.mulf %get3A_2333, %get3A_2339 : vector<16xf32>
      %add3A_2341 = arith.constant 32 : i32
      %add3A_2342 = arith.addi %squeeze3A_2292, %add3A_2341 : i32
      %get3A_2343 = arith.index_cast %add3A_2286 : i32 to index
      %get3A_2344 = arith.index_cast %add3A_2342 : i32 to index
      %get3A_2345 = tpu.vector_load %arg17[%get3A_2343, %get3A_2344] {strides = array<i32>} : memref<256x128xf32, #tpu.memory_space<vmem>>, vector<1x16xf32>,
      %get3A_2346 = vector.shape_cast %get3A_2345 : vector<1x16xf32> to vector<16xf32>
      %mul3A_2347 = arith.mulf %mul3A_2340, %get3A_2346 : vector<16xf32>
      %add3A_2348 = arith.addf %add3A_2327, %mul3A_2347 : vector<16xf32>
      %add3A_2349 = arith.constant 48 : i32
      %add3A_2350 = arith.addi %squeeze3A_2288, %add3A_2349 : i32
      %get3A_2351 = arith.index_cast %add3A_2286 : i32 to index
      %get3A_2352 = arith.index_cast %add3A_2350 : i32 to index
      %get3A_2353 = tpu.vector_load %arg15[%get3A_2351, %get3A_2352] {strides = array<i32>} : memref<256x128xf32, #tpu.memory_space<vmem>>, vector<1x16xf32>,
      %get3A_2354 = vector.shape_cast %get3A_2353 : vector<1x16xf32> to vector<16xf32>
      %add3A_2355 = arith.constant 48 : i32
      %add3A_2356 = arith.addi %squeeze3A_2290, %add3A_2355 : i32
      %get3A_2357 = arith.index_cast %add3A_2286 : i32 to index
      %get3A_2358 = arith.index_cast %add3A_2356 : i32 to index
      %get3A_2359 = tpu.vector_load %arg16[%get3A_2357, %get3A_2358] {strides = array<i32>} : memref<256x128xf32, #tpu.memory_space<vmem>>, vector<1x16xf32>,
      %get3A_2360 = vector.shape_cast %get3A_2359 : vector<1x16xf32> to vector<16xf32>
      %mul3A_2361 = arith.mulf %get3A_2354, %get3A_2360 : vector<16xf32>
      %add3A_2362 = arith.constant 48 : i32
      %add3A_2363 = arith.addi %squeeze3A_2292, %add3A_2362 : i32
      %get3A_2364 = arith.index_cast %add3A_2286 : i32 to index
      %get3A_2365 = arith.index_cast %add3A_2363 : i32 to index
      %get3A_2366 = tpu.vector_load %arg17[%get3A_2364, %get3A_2365] {strides = array<i32>} : memref<256x128xf32, #tpu.memory_space<vmem>>, vector<1x16xf32>,
      %get3A_2367 = vector.shape_cast %get3A_2366 : vector<1x16xf32> to vector<16xf32>
      %mul3A_2368 = arith.mulf %mul3A_2361, %get3A_2367 : vector<16xf32>
      %add3A_2369 = arith.addf %add3A_2348, %mul3A_2368 : vector<16xf32>
      %gather3A_2370 = vector.shape_cast %reshape3A : vector<16x1xi32> to vector<16xi32>
      %gather3A_2371 = tpu.dynamic_gather %add3A_2369[%gather3A_2370] in [0] : vector<16xf32>, vector<16xi32> -> vector<16xf32>
      %add3A_2372 = arith.addf %add3A_2369, %gather3A_2371 : vector<16xf32>
      %gather3A_2373 = vector.shape_cast %reshape3A_1005 : vector<16x1xi32> to vector<16xi32>
      %gather3A_2374 = tpu.dynamic_gather %add3A_2372[%gather3A_2373] in [0] : vector<16xf32>, vector<16xi32> -> vector<16xf32>
      %add3A_2375 = arith.addf %add3A_2372, %gather3A_2374 : vector<16xf32>
      %gather3A_2376 = vector.shape_cast %reshape3A_1012 : vector<16x1xi32> to vector<16xi32>
      %gather3A_2377 = tpu.dynamic_gather %add3A_2375[%gather3A_2376] in [0] : vector<16xf32>, vector<16xi32> -> vector<16xf32>
      %add3A_2378 = arith.addf %add3A_2375, %gather3A_2377 : vector<16xf32>
      %gather3A_2379 = vector.shape_cast %reshape3A_1019 : vector<16x1xi32> to vector<16xi32>
      %gather3A_2380 = tpu.dynamic_gather %add3A_2378[%gather3A_2379] in [0] : vector<16xf32>, vector<16xi32> -> vector<16xf32>
      %add3A_2381 = arith.addf %add3A_2378, %gather3A_2380 : vector<16xf32>
      %eq3A_2382 = arith.constant 10 : i32
      %eq3A_2383 = vector.broadcast %eq3A_2382 : i32 to vector<16xi32>
      %eq3A_2384 = arith.cmpi eq, %iota3A, %eq3A_2383 : vector<16xi32>
      %select_n3A_2385 = arith.select %eq3A_2384, %add3A_2381, %select_n3A_2284 : vector<16xi1>, vector<16xf32>
      %add3A_2386 = arith.constant 11 : i32
      %add3A_2387 = arith.addi %mul3A_1249, %add3A_2386 : i32
      %slice3A_2388 = vector.extract_strided_slice %mul3A_1260 {offsets = [11], sizes = [1], strides = [1]} : vector<16xi32> to vector<1xi32>
      %squeeze3A_2389 = vector.extract %slice3A_2388[0] : i32 from vector<1xi32>
      %slice3A_2390 = vector.extract_strided_slice %mul3A_1269 {offsets = [11], sizes = [1], strides = [1]} : vector<16xi32> to vector<1xi32>
      %squeeze3A_2391 = vector.extract %slice3A_2390[0] : i32 from vector<1xi32>
      %slice3A_2392 = vector.extract_strided_slice %mul3A_1278 {offsets = [11], sizes = [1], strides = [1]} : vector<16xi32> to vector<1xi32>
      %squeeze3A_2393 = vector.extract %slice3A_2392[0] : i32 from vector<1xi32>
      %get3A_2394 = arith.index_cast %add3A_2387 : i32 to index
      %get3A_2395 = arith.index_cast %squeeze3A_2389 : i32 to index
      %get3A_2396 = tpu.vector_load %arg15[%get3A_2394, %get3A_2395] {strides = array<i32>} : memref<256x128xf32, #tpu.memory_space<vmem>>, vector<1x16xf32>,
      %get3A_2397 = vector.shape_cast %get3A_2396 : vector<1x16xf32> to vector<16xf32>
      %get3A_2398 = arith.index_cast %add3A_2387 : i32 to index
      %get3A_2399 = arith.index_cast %squeeze3A_2391 : i32 to index
      %get3A_2400 = tpu.vector_load %arg16[%get3A_2398, %get3A_2399] {strides = array<i32>} : memref<256x128xf32, #tpu.memory_space<vmem>>, vector<1x16xf32>,
      %get3A_2401 = vector.shape_cast %get3A_2400 : vector<1x16xf32> to vector<16xf32>
      %mul3A_2402 = arith.mulf %get3A_2397, %get3A_2401 : vector<16xf32>
      %get3A_2403 = arith.index_cast %add3A_2387 : i32 to index
      %get3A_2404 = arith.index_cast %squeeze3A_2393 : i32 to index
      %get3A_2405 = tpu.vector_load %arg17[%get3A_2403, %get3A_2404] {strides = array<i32>} : memref<256x128xf32, #tpu.memory_space<vmem>>, vector<1x16xf32>,
      %get3A_2406 = vector.shape_cast %get3A_2405 : vector<1x16xf32> to vector<16xf32>
      %mul3A_2407 = arith.mulf %mul3A_2402, %get3A_2406 : vector<16xf32>
      %add3A_2408 = arith.constant 16 : i32
      %add3A_2409 = arith.addi %squeeze3A_2389, %add3A_2408 : i32
      %get3A_2410 = arith.index_cast %add3A_2387 : i32 to index
      %get3A_2411 = arith.index_cast %add3A_2409 : i32 to index
      %get3A_2412 = tpu.vector_load %arg15[%get3A_2410, %get3A_2411] {strides = array<i32>} : memref<256x128xf32, #tpu.memory_space<vmem>>, vector<1x16xf32>,
      %get3A_2413 = vector.shape_cast %get3A_2412 : vector<1x16xf32> to vector<16xf32>
      %add3A_2414 = arith.constant 16 : i32
      %add3A_2415 = arith.addi %squeeze3A_2391, %add3A_2414 : i32
      %get3A_2416 = arith.index_cast %add3A_2387 : i32 to index
      %get3A_2417 = arith.index_cast %add3A_2415 : i32 to index
      %get3A_2418 = tpu.vector_load %arg16[%get3A_2416, %get3A_2417] {strides = array<i32>} : memref<256x128xf32, #tpu.memory_space<vmem>>, vector<1x16xf32>,
      %get3A_2419 = vector.shape_cast %get3A_2418 : vector<1x16xf32> to vector<16xf32>
      %mul3A_2420 = arith.mulf %get3A_2413, %get3A_2419 : vector<16xf32>
      %add3A_2421 = arith.constant 16 : i32
      %add3A_2422 = arith.addi %squeeze3A_2393, %add3A_2421 : i32
      %get3A_2423 = arith.index_cast %add3A_2387 : i32 to index
      %get3A_2424 = arith.index_cast %add3A_2422 : i32 to index
      %get3A_2425 = tpu.vector_load %arg17[%get3A_2423, %get3A_2424] {strides = array<i32>} : memref<256x128xf32, #tpu.memory_space<vmem>>, vector<1x16xf32>,
      %get3A_2426 = vector.shape_cast %get3A_2425 : vector<1x16xf32> to vector<16xf32>
      %mul3A_2427 = arith.mulf %mul3A_2420, %get3A_2426 : vector<16xf32>
      %add3A_2428 = arith.addf %mul3A_2407, %mul3A_2427 : vector<16xf32>
      %add3A_2429 = arith.constant 32 : i32
      %add3A_2430 = arith.addi %squeeze3A_2389, %add3A_2429 : i32
      %get3A_2431 = arith.index_cast %add3A_2387 : i32 to index
      %get3A_2432 = arith.index_cast %add3A_2430 : i32 to index
      %get3A_2433 = tpu.vector_load %arg15[%get3A_2431, %get3A_2432] {strides = array<i32>} : memref<256x128xf32, #tpu.memory_space<vmem>>, vector<1x16xf32>,
      %get3A_2434 = vector.shape_cast %get3A_2433 : vector<1x16xf32> to vector<16xf32>
      %add3A_2435 = arith.constant 32 : i32
      %add3A_2436 = arith.addi %squeeze3A_2391, %add3A_2435 : i32
      %get3A_2437 = arith.index_cast %add3A_2387 : i32 to index
      %get3A_2438 = arith.index_cast %add3A_2436 : i32 to index
      %get3A_2439 = tpu.vector_load %arg16[%get3A_2437, %get3A_2438] {strides = array<i32>} : memref<256x128xf32, #tpu.memory_space<vmem>>, vector<1x16xf32>,
      %get3A_2440 = vector.shape_cast %get3A_2439 : vector<1x16xf32> to vector<16xf32>
      %mul3A_2441 = arith.mulf %get3A_2434, %get3A_2440 : vector<16xf32>
      %add3A_2442 = arith.constant 32 : i32
      %add3A_2443 = arith.addi %squeeze3A_2393, %add3A_2442 : i32
      %get3A_2444 = arith.index_cast %add3A_2387 : i32 to index
      %get3A_2445 = arith.index_cast %add3A_2443 : i32 to index
      %get3A_2446 = tpu.vector_load %arg17[%get3A_2444, %get3A_2445] {strides = array<i32>} : memref<256x128xf32, #tpu.memory_space<vmem>>, vector<1x16xf32>,
      %get3A_2447 = vector.shape_cast %get3A_2446 : vector<1x16xf32> to vector<16xf32>
      %mul3A_2448 = arith.mulf %mul3A_2441, %get3A_2447 : vector<16xf32>
      %add3A_2449 = arith.addf %add3A_2428, %mul3A_2448 : vector<16xf32>
      %add3A_2450 = arith.constant 48 : i32
      %add3A_2451 = arith.addi %squeeze3A_2389, %add3A_2450 : i32
      %get3A_2452 = arith.index_cast %add3A_2387 : i32 to index
      %get3A_2453 = arith.index_cast %add3A_2451 : i32 to index
      %get3A_2454 = tpu.vector_load %arg15[%get3A_2452, %get3A_2453] {strides = array<i32>} : memref<256x128xf32, #tpu.memory_space<vmem>>, vector<1x16xf32>,
      %get3A_2455 = vector.shape_cast %get3A_2454 : vector<1x16xf32> to vector<16xf32>
      %add3A_2456 = arith.constant 48 : i32
      %add3A_2457 = arith.addi %squeeze3A_2391, %add3A_2456 : i32
      %get3A_2458 = arith.index_cast %add3A_2387 : i32 to index
      %get3A_2459 = arith.index_cast %add3A_2457 : i32 to index
      %get3A_2460 = tpu.vector_load %arg16[%get3A_2458, %get3A_2459] {strides = array<i32>} : memref<256x128xf32, #tpu.memory_space<vmem>>, vector<1x16xf32>,
      %get3A_2461 = vector.shape_cast %get3A_2460 : vector<1x16xf32> to vector<16xf32>
      %mul3A_2462 = arith.mulf %get3A_2455, %get3A_2461 : vector<16xf32>
      %add3A_2463 = arith.constant 48 : i32
      %add3A_2464 = arith.addi %squeeze3A_2393, %add3A_2463 : i32
      %get3A_2465 = arith.index_cast %add3A_2387 : i32 to index
      %get3A_2466 = arith.index_cast %add3A_2464 : i32 to index
      %get3A_2467 = tpu.vector_load %arg17[%get3A_2465, %get3A_2466] {strides = array<i32>} : memref<256x128xf32, #tpu.memory_space<vmem>>, vector<1x16xf32>,
      %get3A_2468 = vector.shape_cast %get3A_2467 : vector<1x16xf32> to vector<16xf32>
      %mul3A_2469 = arith.mulf %mul3A_2462, %get3A_2468 : vector<16xf32>
      %add3A_2470 = arith.addf %add3A_2449, %mul3A_2469 : vector<16xf32>
      %gather3A_2471 = vector.shape_cast %reshape3A : vector<16x1xi32> to vector<16xi32>
      %gather3A_2472 = tpu.dynamic_gather %add3A_2470[%gather3A_2471] in [0] : vector<16xf32>, vector<16xi32> -> vector<16xf32>
      %add3A_2473 = arith.addf %add3A_2470, %gather3A_2472 : vector<16xf32>
      %gather3A_2474 = vector.shape_cast %reshape3A_1005 : vector<16x1xi32> to vector<16xi32>
      %gather3A_2475 = tpu.dynamic_gather %add3A_2473[%gather3A_2474] in [0] : vector<16xf32>, vector<16xi32> -> vector<16xf32>
      %add3A_2476 = arith.addf %add3A_2473, %gather3A_2475 : vector<16xf32>
      %gather3A_2477 = vector.shape_cast %reshape3A_1012 : vector<16x1xi32> to vector<16xi32>
      %gather3A_2478 = tpu.dynamic_gather %add3A_2476[%gather3A_2477] in [0] : vector<16xf32>, vector<16xi32> -> vector<16xf32>
      %add3A_2479 = arith.addf %add3A_2476, %gather3A_2478 : vector<16xf32>
      %gather3A_2480 = vector.shape_cast %reshape3A_1019 : vector<16x1xi32> to vector<16xi32>
      %gather3A_2481 = tpu.dynamic_gather %add3A_2479[%gather3A_2480] in [0] : vector<16xf32>, vector<16xi32> -> vector<16xf32>
      %add3A_2482 = arith.addf %add3A_2479, %gather3A_2481 : vector<16xf32>
      %eq3A_2483 = arith.constant 11 : i32
      %eq3A_2484 = vector.broadcast %eq3A_2483 : i32 to vector<16xi32>
      %eq3A_2485 = arith.cmpi eq, %iota3A, %eq3A_2484 : vector<16xi32>
      %select_n3A_2486 = arith.select %eq3A_2485, %add3A_2482, %select_n3A_2385 : vector<16xi1>, vector<16xf32>
      %add3A_2487 = arith.constant 12 : i32
      %add3A_2488 = arith.addi %mul3A_1249, %add3A_2487 : i32
      %slice3A_2489 = vector.extract_strided_slice %mul3A_1260 {offsets = [12], sizes = [1], strides = [1]} : vector<16xi32> to vector<1xi32>
      %squeeze3A_2490 = vector.extract %slice3A_2489[0] : i32 from vector<1xi32>
      %slice3A_2491 = vector.extract_strided_slice %mul3A_1269 {offsets = [12], sizes = [1], strides = [1]} : vector<16xi32> to vector<1xi32>
      %squeeze3A_2492 = vector.extract %slice3A_2491[0] : i32 from vector<1xi32>
      %slice3A_2493 = vector.extract_strided_slice %mul3A_1278 {offsets = [12], sizes = [1], strides = [1]} : vector<16xi32> to vector<1xi32>
      %squeeze3A_2494 = vector.extract %slice3A_2493[0] : i32 from vector<1xi32>
      %get3A_2495 = arith.index_cast %add3A_2488 : i32 to index
      %get3A_2496 = arith.index_cast %squeeze3A_2490 : i32 to index
      %get3A_2497 = tpu.vector_load %arg15[%get3A_2495, %get3A_2496] {strides = array<i32>} : memref<256x128xf32, #tpu.memory_space<vmem>>, vector<1x16xf32>,
      %get3A_2498 = vector.shape_cast %get3A_2497 : vector<1x16xf32> to vector<16xf32>
      %get3A_2499 = arith.index_cast %add3A_2488 : i32 to index
      %get3A_2500 = arith.index_cast %squeeze3A_2492 : i32 to index
      %get3A_2501 = tpu.vector_load %arg16[%get3A_2499, %get3A_2500] {strides = array<i32>} : memref<256x128xf32, #tpu.memory_space<vmem>>, vector<1x16xf32>,
      %get3A_2502 = vector.shape_cast %get3A_2501 : vector<1x16xf32> to vector<16xf32>
      %mul3A_2503 = arith.mulf %get3A_2498, %get3A_2502 : vector<16xf32>
      %get3A_2504 = arith.index_cast %add3A_2488 : i32 to index
      %get3A_2505 = arith.index_cast %squeeze3A_2494 : i32 to index
      %get3A_2506 = tpu.vector_load %arg17[%get3A_2504, %get3A_2505] {strides = array<i32>} : memref<256x128xf32, #tpu.memory_space<vmem>>, vector<1x16xf32>,
      %get3A_2507 = vector.shape_cast %get3A_2506 : vector<1x16xf32> to vector<16xf32>
      %mul3A_2508 = arith.mulf %mul3A_2503, %get3A_2507 : vector<16xf32>
      %add3A_2509 = arith.constant 16 : i32
      %add3A_2510 = arith.addi %squeeze3A_2490, %add3A_2509 : i32
      %get3A_2511 = arith.index_cast %add3A_2488 : i32 to index
      %get3A_2512 = arith.index_cast %add3A_2510 : i32 to index
      %get3A_2513 = tpu.vector_load %arg15[%get3A_2511, %get3A_2512] {strides = array<i32>} : memref<256x128xf32, #tpu.memory_space<vmem>>, vector<1x16xf32>,
      %get3A_2514 = vector.shape_cast %get3A_2513 : vector<1x16xf32> to vector<16xf32>
      %add3A_2515 = arith.constant 16 : i32
      %add3A_2516 = arith.addi %squeeze3A_2492, %add3A_2515 : i32
      %get3A_2517 = arith.index_cast %add3A_2488 : i32 to index
      %get3A_2518 = arith.index_cast %add3A_2516 : i32 to index
      %get3A_2519 = tpu.vector_load %arg16[%get3A_2517, %get3A_2518] {strides = array<i32>} : memref<256x128xf32, #tpu.memory_space<vmem>>, vector<1x16xf32>,
      %get3A_2520 = vector.shape_cast %get3A_2519 : vector<1x16xf32> to vector<16xf32>
      %mul3A_2521 = arith.mulf %get3A_2514, %get3A_2520 : vector<16xf32>
      %add3A_2522 = arith.constant 16 : i32
      %add3A_2523 = arith.addi %squeeze3A_2494, %add3A_2522 : i32
      %get3A_2524 = arith.index_cast %add3A_2488 : i32 to index
      %get3A_2525 = arith.index_cast %add3A_2523 : i32 to index
      %get3A_2526 = tpu.vector_load %arg17[%get3A_2524, %get3A_2525] {strides = array<i32>} : memref<256x128xf32, #tpu.memory_space<vmem>>, vector<1x16xf32>,
      %get3A_2527 = vector.shape_cast %get3A_2526 : vector<1x16xf32> to vector<16xf32>
      %mul3A_2528 = arith.mulf %mul3A_2521, %get3A_2527 : vector<16xf32>
      %add3A_2529 = arith.addf %mul3A_2508, %mul3A_2528 : vector<16xf32>
      %add3A_2530 = arith.constant 32 : i32
      %add3A_2531 = arith.addi %squeeze3A_2490, %add3A_2530 : i32
      %get3A_2532 = arith.index_cast %add3A_2488 : i32 to index
      %get3A_2533 = arith.index_cast %add3A_2531 : i32 to index
      %get3A_2534 = tpu.vector_load %arg15[%get3A_2532, %get3A_2533] {strides = array<i32>} : memref<256x128xf32, #tpu.memory_space<vmem>>, vector<1x16xf32>,
      %get3A_2535 = vector.shape_cast %get3A_2534 : vector<1x16xf32> to vector<16xf32>
      %add3A_2536 = arith.constant 32 : i32
      %add3A_2537 = arith.addi %squeeze3A_2492, %add3A_2536 : i32
      %get3A_2538 = arith.index_cast %add3A_2488 : i32 to index
      %get3A_2539 = arith.index_cast %add3A_2537 : i32 to index
      %get3A_2540 = tpu.vector_load %arg16[%get3A_2538, %get3A_2539] {strides = array<i32>} : memref<256x128xf32, #tpu.memory_space<vmem>>, vector<1x16xf32>,
      %get3A_2541 = vector.shape_cast %get3A_2540 : vector<1x16xf32> to vector<16xf32>
      %mul3A_2542 = arith.mulf %get3A_2535, %get3A_2541 : vector<16xf32>
      %add3A_2543 = arith.constant 32 : i32
      %add3A_2544 = arith.addi %squeeze3A_2494, %add3A_2543 : i32
      %get3A_2545 = arith.index_cast %add3A_2488 : i32 to index
      %get3A_2546 = arith.index_cast %add3A_2544 : i32 to index
      %get3A_2547 = tpu.vector_load %arg17[%get3A_2545, %get3A_2546] {strides = array<i32>} : memref<256x128xf32, #tpu.memory_space<vmem>>, vector<1x16xf32>,
      %get3A_2548 = vector.shape_cast %get3A_2547 : vector<1x16xf32> to vector<16xf32>
      %mul3A_2549 = arith.mulf %mul3A_2542, %get3A_2548 : vector<16xf32>
      %add3A_2550 = arith.addf %add3A_2529, %mul3A_2549 : vector<16xf32>
      %add3A_2551 = arith.constant 48 : i32
      %add3A_2552 = arith.addi %squeeze3A_2490, %add3A_2551 : i32
      %get3A_2553 = arith.index_cast %add3A_2488 : i32 to index
      %get3A_2554 = arith.index_cast %add3A_2552 : i32 to index
      %get3A_2555 = tpu.vector_load %arg15[%get3A_2553, %get3A_2554] {strides = array<i32>} : memref<256x128xf32, #tpu.memory_space<vmem>>, vector<1x16xf32>,
      %get3A_2556 = vector.shape_cast %get3A_2555 : vector<1x16xf32> to vector<16xf32>
      %add3A_2557 = arith.constant 48 : i32
      %add3A_2558 = arith.addi %squeeze3A_2492, %add3A_2557 : i32
      %get3A_2559 = arith.index_cast %add3A_2488 : i32 to index
      %get3A_2560 = arith.index_cast %add3A_2558 : i32 to index
      %get3A_2561 = tpu.vector_load %arg16[%get3A_2559, %get3A_2560] {strides = array<i32>} : memref<256x128xf32, #tpu.memory_space<vmem>>, vector<1x16xf32>,
      %get3A_2562 = vector.shape_cast %get3A_2561 : vector<1x16xf32> to vector<16xf32>
      %mul3A_2563 = arith.mulf %get3A_2556, %get3A_2562 : vector<16xf32>
      %add3A_2564 = arith.constant 48 : i32
      %add3A_2565 = arith.addi %squeeze3A_2494, %add3A_2564 : i32
      %get3A_2566 = arith.index_cast %add3A_2488 : i32 to index
      %get3A_2567 = arith.index_cast %add3A_2565 : i32 to index
      %get3A_2568 = tpu.vector_load %arg17[%get3A_2566, %get3A_2567] {strides = array<i32>} : memref<256x128xf32, #tpu.memory_space<vmem>>, vector<1x16xf32>,
      %get3A_2569 = vector.shape_cast %get3A_2568 : vector<1x16xf32> to vector<16xf32>
      %mul3A_2570 = arith.mulf %mul3A_2563, %get3A_2569 : vector<16xf32>
      %add3A_2571 = arith.addf %add3A_2550, %mul3A_2570 : vector<16xf32>
      %gather3A_2572 = vector.shape_cast %reshape3A : vector<16x1xi32> to vector<16xi32>
      %gather3A_2573 = tpu.dynamic_gather %add3A_2571[%gather3A_2572] in [0] : vector<16xf32>, vector<16xi32> -> vector<16xf32>
      %add3A_2574 = arith.addf %add3A_2571, %gather3A_2573 : vector<16xf32>
      %gather3A_2575 = vector.shape_cast %reshape3A_1005 : vector<16x1xi32> to vector<16xi32>
      %gather3A_2576 = tpu.dynamic_gather %add3A_2574[%gather3A_2575] in [0] : vector<16xf32>, vector<16xi32> -> vector<16xf32>
      %add3A_2577 = arith.addf %add3A_2574, %gather3A_2576 : vector<16xf32>
      %gather3A_2578 = vector.shape_cast %reshape3A_1012 : vector<16x1xi32> to vector<16xi32>
      %gather3A_2579 = tpu.dynamic_gather %add3A_2577[%gather3A_2578] in [0] : vector<16xf32>, vector<16xi32> -> vector<16xf32>
      %add3A_2580 = arith.addf %add3A_2577, %gather3A_2579 : vector<16xf32>
      %gather3A_2581 = vector.shape_cast %reshape3A_1019 : vector<16x1xi32> to vector<16xi32>
      %gather3A_2582 = tpu.dynamic_gather %add3A_2580[%gather3A_2581] in [0] : vector<16xf32>, vector<16xi32> -> vector<16xf32>
      %add3A_2583 = arith.addf %add3A_2580, %gather3A_2582 : vector<16xf32>
      %eq3A_2584 = arith.constant 12 : i32
      %eq3A_2585 = vector.broadcast %eq3A_2584 : i32 to vector<16xi32>
      %eq3A_2586 = arith.cmpi eq, %iota3A, %eq3A_2585 : vector<16xi32>
      %select_n3A_2587 = arith.select %eq3A_2586, %add3A_2583, %select_n3A_2486 : vector<16xi1>, vector<16xf32>
      %add3A_2588 = arith.constant 13 : i32
      %add3A_2589 = arith.addi %mul3A_1249, %add3A_2588 : i32
      %slice3A_2590 = vector.extract_strided_slice %mul3A_1260 {offsets = [13], sizes = [1], strides = [1]} : vector<16xi32> to vector<1xi32>
      %squeeze3A_2591 = vector.extract %slice3A_2590[0] : i32 from vector<1xi32>
      %slice3A_2592 = vector.extract_strided_slice %mul3A_1269 {offsets = [13], sizes = [1], strides = [1]} : vector<16xi32> to vector<1xi32>
      %squeeze3A_2593 = vector.extract %slice3A_2592[0] : i32 from vector<1xi32>
      %slice3A_2594 = vector.extract_strided_slice %mul3A_1278 {offsets = [13], sizes = [1], strides = [1]} : vector<16xi32> to vector<1xi32>
      %squeeze3A_2595 = vector.extract %slice3A_2594[0] : i32 from vector<1xi32>
      %get3A_2596 = arith.index_cast %add3A_2589 : i32 to index
      %get3A_2597 = arith.index_cast %squeeze3A_2591 : i32 to index
      %get3A_2598 = tpu.vector_load %arg15[%get3A_2596, %get3A_2597] {strides = array<i32>} : memref<256x128xf32, #tpu.memory_space<vmem>>, vector<1x16xf32>,
      %get3A_2599 = vector.shape_cast %get3A_2598 : vector<1x16xf32> to vector<16xf32>
      %get3A_2600 = arith.index_cast %add3A_2589 : i32 to index
      %get3A_2601 = arith.index_cast %squeeze3A_2593 : i32 to index
      %get3A_2602 = tpu.vector_load %arg16[%get3A_2600, %get3A_2601] {strides = array<i32>} : memref<256x128xf32, #tpu.memory_space<vmem>>, vector<1x16xf32>,
      %get3A_2603 = vector.shape_cast %get3A_2602 : vector<1x16xf32> to vector<16xf32>
      %mul3A_2604 = arith.mulf %get3A_2599, %get3A_2603 : vector<16xf32>
      %get3A_2605 = arith.index_cast %add3A_2589 : i32 to index
      %get3A_2606 = arith.index_cast %squeeze3A_2595 : i32 to index
      %get3A_2607 = tpu.vector_load %arg17[%get3A_2605, %get3A_2606] {strides = array<i32>} : memref<256x128xf32, #tpu.memory_space<vmem>>, vector<1x16xf32>,
      %get3A_2608 = vector.shape_cast %get3A_2607 : vector<1x16xf32> to vector<16xf32>
      %mul3A_2609 = arith.mulf %mul3A_2604, %get3A_2608 : vector<16xf32>
      %add3A_2610 = arith.constant 16 : i32
      %add3A_2611 = arith.addi %squeeze3A_2591, %add3A_2610 : i32
      %get3A_2612 = arith.index_cast %add3A_2589 : i32 to index
      %get3A_2613 = arith.index_cast %add3A_2611 : i32 to index
      %get3A_2614 = tpu.vector_load %arg15[%get3A_2612, %get3A_2613] {strides = array<i32>} : memref<256x128xf32, #tpu.memory_space<vmem>>, vector<1x16xf32>,
      %get3A_2615 = vector.shape_cast %get3A_2614 : vector<1x16xf32> to vector<16xf32>
      %add3A_2616 = arith.constant 16 : i32
      %add3A_2617 = arith.addi %squeeze3A_2593, %add3A_2616 : i32
      %get3A_2618 = arith.index_cast %add3A_2589 : i32 to index
      %get3A_2619 = arith.index_cast %add3A_2617 : i32 to index
      %get3A_2620 = tpu.vector_load %arg16[%get3A_2618, %get3A_2619] {strides = array<i32>} : memref<256x128xf32, #tpu.memory_space<vmem>>, vector<1x16xf32>,
      %get3A_2621 = vector.shape_cast %get3A_2620 : vector<1x16xf32> to vector<16xf32>
      %mul3A_2622 = arith.mulf %get3A_2615, %get3A_2621 : vector<16xf32>
      %add3A_2623 = arith.constant 16 : i32
      %add3A_2624 = arith.addi %squeeze3A_2595, %add3A_2623 : i32
      %get3A_2625 = arith.index_cast %add3A_2589 : i32 to index
      %get3A_2626 = arith.index_cast %add3A_2624 : i32 to index
      %get3A_2627 = tpu.vector_load %arg17[%get3A_2625, %get3A_2626] {strides = array<i32>} : memref<256x128xf32, #tpu.memory_space<vmem>>, vector<1x16xf32>,
      %get3A_2628 = vector.shape_cast %get3A_2627 : vector<1x16xf32> to vector<16xf32>
      %mul3A_2629 = arith.mulf %mul3A_2622, %get3A_2628 : vector<16xf32>
      %add3A_2630 = arith.addf %mul3A_2609, %mul3A_2629 : vector<16xf32>
      %add3A_2631 = arith.constant 32 : i32
      %add3A_2632 = arith.addi %squeeze3A_2591, %add3A_2631 : i32
      %get3A_2633 = arith.index_cast %add3A_2589 : i32 to index
      %get3A_2634 = arith.index_cast %add3A_2632 : i32 to index
      %get3A_2635 = tpu.vector_load %arg15[%get3A_2633, %get3A_2634] {strides = array<i32>} : memref<256x128xf32, #tpu.memory_space<vmem>>, vector<1x16xf32>,
      %get3A_2636 = vector.shape_cast %get3A_2635 : vector<1x16xf32> to vector<16xf32>
      %add3A_2637 = arith.constant 32 : i32
      %add3A_2638 = arith.addi %squeeze3A_2593, %add3A_2637 : i32
      %get3A_2639 = arith.index_cast %add3A_2589 : i32 to index
      %get3A_2640 = arith.index_cast %add3A_2638 : i32 to index
      %get3A_2641 = tpu.vector_load %arg16[%get3A_2639, %get3A_2640] {strides = array<i32>} : memref<256x128xf32, #tpu.memory_space<vmem>>, vector<1x16xf32>,
      %get3A_2642 = vector.shape_cast %get3A_2641 : vector<1x16xf32> to vector<16xf32>
      %mul3A_2643 = arith.mulf %get3A_2636, %get3A_2642 : vector<16xf32>
      %add3A_2644 = arith.constant 32 : i32
      %add3A_2645 = arith.addi %squeeze3A_2595, %add3A_2644 : i32
      %get3A_2646 = arith.index_cast %add3A_2589 : i32 to index
      %get3A_2647 = arith.index_cast %add3A_2645 : i32 to index
      %get3A_2648 = tpu.vector_load %arg17[%get3A_2646, %get3A_2647] {strides = array<i32>} : memref<256x128xf32, #tpu.memory_space<vmem>>, vector<1x16xf32>,
      %get3A_2649 = vector.shape_cast %get3A_2648 : vector<1x16xf32> to vector<16xf32>
      %mul3A_2650 = arith.mulf %mul3A_2643, %get3A_2649 : vector<16xf32>
      %add3A_2651 = arith.addf %add3A_2630, %mul3A_2650 : vector<16xf32>
      %add3A_2652 = arith.constant 48 : i32
      %add3A_2653 = arith.addi %squeeze3A_2591, %add3A_2652 : i32
      %get3A_2654 = arith.index_cast %add3A_2589 : i32 to index
      %get3A_2655 = arith.index_cast %add3A_2653 : i32 to index
      %get3A_2656 = tpu.vector_load %arg15[%get3A_2654, %get3A_2655] {strides = array<i32>} : memref<256x128xf32, #tpu.memory_space<vmem>>, vector<1x16xf32>,
      %get3A_2657 = vector.shape_cast %get3A_2656 : vector<1x16xf32> to vector<16xf32>
      %add3A_2658 = arith.constant 48 : i32
      %add3A_2659 = arith.addi %squeeze3A_2593, %add3A_2658 : i32
      %get3A_2660 = arith.index_cast %add3A_2589 : i32 to index
      %get3A_2661 = arith.index_cast %add3A_2659 : i32 to index
      %get3A_2662 = tpu.vector_load %arg16[%get3A_2660, %get3A_2661] {strides = array<i32>} : memref<256x128xf32, #tpu.memory_space<vmem>>, vector<1x16xf32>,
      %get3A_2663 = vector.shape_cast %get3A_2662 : vector<1x16xf32> to vector<16xf32>
      %mul3A_2664 = arith.mulf %get3A_2657, %get3A_2663 : vector<16xf32>
      %add3A_2665 = arith.constant 48 : i32
      %add3A_2666 = arith.addi %squeeze3A_2595, %add3A_2665 : i32
      %get3A_2667 = arith.index_cast %add3A_2589 : i32 to index
      %get3A_2668 = arith.index_cast %add3A_2666 : i32 to index
      %get3A_2669 = tpu.vector_load %arg17[%get3A_2667, %get3A_2668] {strides = array<i32>} : memref<256x128xf32, #tpu.memory_space<vmem>>, vector<1x16xf32>,
      %get3A_2670 = vector.shape_cast %get3A_2669 : vector<1x16xf32> to vector<16xf32>
      %mul3A_2671 = arith.mulf %mul3A_2664, %get3A_2670 : vector<16xf32>
      %add3A_2672 = arith.addf %add3A_2651, %mul3A_2671 : vector<16xf32>
      %gather3A_2673 = vector.shape_cast %reshape3A : vector<16x1xi32> to vector<16xi32>
      %gather3A_2674 = tpu.dynamic_gather %add3A_2672[%gather3A_2673] in [0] : vector<16xf32>, vector<16xi32> -> vector<16xf32>
      %add3A_2675 = arith.addf %add3A_2672, %gather3A_2674 : vector<16xf32>
      %gather3A_2676 = vector.shape_cast %reshape3A_1005 : vector<16x1xi32> to vector<16xi32>
      %gather3A_2677 = tpu.dynamic_gather %add3A_2675[%gather3A_2676] in [0] : vector<16xf32>, vector<16xi32> -> vector<16xf32>
      %add3A_2678 = arith.addf %add3A_2675, %gather3A_2677 : vector<16xf32>
      %gather3A_2679 = vector.shape_cast %reshape3A_1012 : vector<16x1xi32> to vector<16xi32>
      %gather3A_2680 = tpu.dynamic_gather %add3A_2678[%gather3A_2679] in [0] : vector<16xf32>, vector<16xi32> -> vector<16xf32>
      %add3A_2681 = arith.addf %add3A_2678, %gather3A_2680 : vector<16xf32>
      %gather3A_2682 = vector.shape_cast %reshape3A_1019 : vector<16x1xi32> to vector<16xi32>
      %gather3A_2683 = tpu.dynamic_gather %add3A_2681[%gather3A_2682] in [0] : vector<16xf32>, vector<16xi32> -> vector<16xf32>
      %add3A_2684 = arith.addf %add3A_2681, %gather3A_2683 : vector<16xf32>
      %eq3A_2685 = arith.constant 13 : i32
      %eq3A_2686 = vector.broadcast %eq3A_2685 : i32 to vector<16xi32>
      %eq3A_2687 = arith.cmpi eq, %iota3A, %eq3A_2686 : vector<16xi32>
      %select_n3A_2688 = arith.select %eq3A_2687, %add3A_2684, %select_n3A_2587 : vector<16xi1>, vector<16xf32>
      %add3A_2689 = arith.constant 14 : i32
      %add3A_2690 = arith.addi %mul3A_1249, %add3A_2689 : i32
      %slice3A_2691 = vector.extract_strided_slice %mul3A_1260 {offsets = [14], sizes = [1], strides = [1]} : vector<16xi32> to vector<1xi32>
      %squeeze3A_2692 = vector.extract %slice3A_2691[0] : i32 from vector<1xi32>
      %slice3A_2693 = vector.extract_strided_slice %mul3A_1269 {offsets = [14], sizes = [1], strides = [1]} : vector<16xi32> to vector<1xi32>
      %squeeze3A_2694 = vector.extract %slice3A_2693[0] : i32 from vector<1xi32>
      %slice3A_2695 = vector.extract_strided_slice %mul3A_1278 {offsets = [14], sizes = [1], strides = [1]} : vector<16xi32> to vector<1xi32>
      %squeeze3A_2696 = vector.extract %slice3A_2695[0] : i32 from vector<1xi32>
      %get3A_2697 = arith.index_cast %add3A_2690 : i32 to index
      %get3A_2698 = arith.index_cast %squeeze3A_2692 : i32 to index
      %get3A_2699 = tpu.vector_load %arg15[%get3A_2697, %get3A_2698] {strides = array<i32>} : memref<256x128xf32, #tpu.memory_space<vmem>>, vector<1x16xf32>,
      %get3A_2700 = vector.shape_cast %get3A_2699 : vector<1x16xf32> to vector<16xf32>
      %get3A_2701 = arith.index_cast %add3A_2690 : i32 to index
      %get3A_2702 = arith.index_cast %squeeze3A_2694 : i32 to index
      %get3A_2703 = tpu.vector_load %arg16[%get3A_2701, %get3A_2702] {strides = array<i32>} : memref<256x128xf32, #tpu.memory_space<vmem>>, vector<1x16xf32>,
      %get3A_2704 = vector.shape_cast %get3A_2703 : vector<1x16xf32> to vector<16xf32>
      %mul3A_2705 = arith.mulf %get3A_2700, %get3A_2704 : vector<16xf32>
      %get3A_2706 = arith.index_cast %add3A_2690 : i32 to index
      %get3A_2707 = arith.index_cast %squeeze3A_2696 : i32 to index
      %get3A_2708 = tpu.vector_load %arg17[%get3A_2706, %get3A_2707] {strides = array<i32>} : memref<256x128xf32, #tpu.memory_space<vmem>>, vector<1x16xf32>,
      %get3A_2709 = vector.shape_cast %get3A_2708 : vector<1x16xf32> to vector<16xf32>
      %mul3A_2710 = arith.mulf %mul3A_2705, %get3A_2709 : vector<16xf32>
      %add3A_2711 = arith.constant 16 : i32
      %add3A_2712 = arith.addi %squeeze3A_2692, %add3A_2711 : i32
      %get3A_2713 = arith.index_cast %add3A_2690 : i32 to index
      %get3A_2714 = arith.index_cast %add3A_2712 : i32 to index
      %get3A_2715 = tpu.vector_load %arg15[%get3A_2713, %get3A_2714] {strides = array<i32>} : memref<256x128xf32, #tpu.memory_space<vmem>>, vector<1x16xf32>,
      %get3A_2716 = vector.shape_cast %get3A_2715 : vector<1x16xf32> to vector<16xf32>
      %add3A_2717 = arith.constant 16 : i32
      %add3A_2718 = arith.addi %squeeze3A_2694, %add3A_2717 : i32
      %get3A_2719 = arith.index_cast %add3A_2690 : i32 to index
      %get3A_2720 = arith.index_cast %add3A_2718 : i32 to index
      %get3A_2721 = tpu.vector_load %arg16[%get3A_2719, %get3A_2720] {strides = array<i32>} : memref<256x128xf32, #tpu.memory_space<vmem>>, vector<1x16xf32>,
      %get3A_2722 = vector.shape_cast %get3A_2721 : vector<1x16xf32> to vector<16xf32>
      %mul3A_2723 = arith.mulf %get3A_2716, %get3A_2722 : vector<16xf32>
      %add3A_2724 = arith.constant 16 : i32
      %add3A_2725 = arith.addi %squeeze3A_2696, %add3A_2724 : i32
      %get3A_2726 = arith.index_cast %add3A_2690 : i32 to index
      %get3A_2727 = arith.index_cast %add3A_2725 : i32 to index
      %get3A_2728 = tpu.vector_load %arg17[%get3A_2726, %get3A_2727] {strides = array<i32>} : memref<256x128xf32, #tpu.memory_space<vmem>>, vector<1x16xf32>,
      %get3A_2729 = vector.shape_cast %get3A_2728 : vector<1x16xf32> to vector<16xf32>
      %mul3A_2730 = arith.mulf %mul3A_2723, %get3A_2729 : vector<16xf32>
      %add3A_2731 = arith.addf %mul3A_2710, %mul3A_2730 : vector<16xf32>
      %add3A_2732 = arith.constant 32 : i32
      %add3A_2733 = arith.addi %squeeze3A_2692, %add3A_2732 : i32
      %get3A_2734 = arith.index_cast %add3A_2690 : i32 to index
      %get3A_2735 = arith.index_cast %add3A_2733 : i32 to index
      %get3A_2736 = tpu.vector_load %arg15[%get3A_2734, %get3A_2735] {strides = array<i32>} : memref<256x128xf32, #tpu.memory_space<vmem>>, vector<1x16xf32>,
      %get3A_2737 = vector.shape_cast %get3A_2736 : vector<1x16xf32> to vector<16xf32>
      %add3A_2738 = arith.constant 32 : i32
      %add3A_2739 = arith.addi %squeeze3A_2694, %add3A_2738 : i32
      %get3A_2740 = arith.index_cast %add3A_2690 : i32 to index
      %get3A_2741 = arith.index_cast %add3A_2739 : i32 to index
      %get3A_2742 = tpu.vector_load %arg16[%get3A_2740, %get3A_2741] {strides = array<i32>} : memref<256x128xf32, #tpu.memory_space<vmem>>, vector<1x16xf32>,
      %get3A_2743 = vector.shape_cast %get3A_2742 : vector<1x16xf32> to vector<16xf32>
      %mul3A_2744 = arith.mulf %get3A_2737, %get3A_2743 : vector<16xf32>
      %add3A_2745 = arith.constant 32 : i32
      %add3A_2746 = arith.addi %squeeze3A_2696, %add3A_2745 : i32
      %get3A_2747 = arith.index_cast %add3A_2690 : i32 to index
      %get3A_2748 = arith.index_cast %add3A_2746 : i32 to index
      %get3A_2749 = tpu.vector_load %arg17[%get3A_2747, %get3A_2748] {strides = array<i32>} : memref<256x128xf32, #tpu.memory_space<vmem>>, vector<1x16xf32>,
      %get3A_2750 = vector.shape_cast %get3A_2749 : vector<1x16xf32> to vector<16xf32>
      %mul3A_2751 = arith.mulf %mul3A_2744, %get3A_2750 : vector<16xf32>
      %add3A_2752 = arith.addf %add3A_2731, %mul3A_2751 : vector<16xf32>
      %add3A_2753 = arith.constant 48 : i32
      %add3A_2754 = arith.addi %squeeze3A_2692, %add3A_2753 : i32
      %get3A_2755 = arith.index_cast %add3A_2690 : i32 to index
      %get3A_2756 = arith.index_cast %add3A_2754 : i32 to index
      %get3A_2757 = tpu.vector_load %arg15[%get3A_2755, %get3A_2756] {strides = array<i32>} : memref<256x128xf32, #tpu.memory_space<vmem>>, vector<1x16xf32>,
      %get3A_2758 = vector.shape_cast %get3A_2757 : vector<1x16xf32> to vector<16xf32>
      %add3A_2759 = arith.constant 48 : i32
      %add3A_2760 = arith.addi %squeeze3A_2694, %add3A_2759 : i32
      %get3A_2761 = arith.index_cast %add3A_2690 : i32 to index
      %get3A_2762 = arith.index_cast %add3A_2760 : i32 to index
      %get3A_2763 = tpu.vector_load %arg16[%get3A_2761, %get3A_2762] {strides = array<i32>} : memref<256x128xf32, #tpu.memory_space<vmem>>, vector<1x16xf32>,
      %get3A_2764 = vector.shape_cast %get3A_2763 : vector<1x16xf32> to vector<16xf32>
      %mul3A_2765 = arith.mulf %get3A_2758, %get3A_2764 : vector<16xf32>
      %add3A_2766 = arith.constant 48 : i32
      %add3A_2767 = arith.addi %squeeze3A_2696, %add3A_2766 : i32
      %get3A_2768 = arith.index_cast %add3A_2690 : i32 to index
      %get3A_2769 = arith.index_cast %add3A_2767 : i32 to index
      %get3A_2770 = tpu.vector_load %arg17[%get3A_2768, %get3A_2769] {strides = array<i32>} : memref<256x128xf32, #tpu.memory_space<vmem>>, vector<1x16xf32>,
      %get3A_2771 = vector.shape_cast %get3A_2770 : vector<1x16xf32> to vector<16xf32>
      %mul3A_2772 = arith.mulf %mul3A_2765, %get3A_2771 : vector<16xf32>
      %add3A_2773 = arith.addf %add3A_2752, %mul3A_2772 : vector<16xf32>
      %gather3A_2774 = vector.shape_cast %reshape3A : vector<16x1xi32> to vector<16xi32>
      %gather3A_2775 = tpu.dynamic_gather %add3A_2773[%gather3A_2774] in [0] : vector<16xf32>, vector<16xi32> -> vector<16xf32>
      %add3A_2776 = arith.addf %add3A_2773, %gather3A_2775 : vector<16xf32>
      %gather3A_2777 = vector.shape_cast %reshape3A_1005 : vector<16x1xi32> to vector<16xi32>
      %gather3A_2778 = tpu.dynamic_gather %add3A_2776[%gather3A_2777] in [0] : vector<16xf32>, vector<16xi32> -> vector<16xf32>
      %add3A_2779 = arith.addf %add3A_2776, %gather3A_2778 : vector<16xf32>
      %gather3A_2780 = vector.shape_cast %reshape3A_1012 : vector<16x1xi32> to vector<16xi32>
      %gather3A_2781 = tpu.dynamic_gather %add3A_2779[%gather3A_2780] in [0] : vector<16xf32>, vector<16xi32> -> vector<16xf32>
      %add3A_2782 = arith.addf %add3A_2779, %gather3A_2781 : vector<16xf32>
      %gather3A_2783 = vector.shape_cast %reshape3A_1019 : vector<16x1xi32> to vector<16xi32>
      %gather3A_2784 = tpu.dynamic_gather %add3A_2782[%gather3A_2783] in [0] : vector<16xf32>, vector<16xi32> -> vector<16xf32>
      %add3A_2785 = arith.addf %add3A_2782, %gather3A_2784 : vector<16xf32>
      %eq3A_2786 = arith.constant 14 : i32
      %eq3A_2787 = vector.broadcast %eq3A_2786 : i32 to vector<16xi32>
      %eq3A_2788 = arith.cmpi eq, %iota3A, %eq3A_2787 : vector<16xi32>
      %select_n3A_2789 = arith.select %eq3A_2788, %add3A_2785, %select_n3A_2688 : vector<16xi1>, vector<16xf32>
      %add3A_2790 = arith.constant 15 : i32
      %add3A_2791 = arith.addi %mul3A_1249, %add3A_2790 : i32
      %slice3A_2792 = vector.extract_strided_slice %mul3A_1260 {offsets = [15], sizes = [1], strides = [1]} : vector<16xi32> to vector<1xi32>
      %squeeze3A_2793 = vector.extract %slice3A_2792[0] : i32 from vector<1xi32>
      %slice3A_2794 = vector.extract_strided_slice %mul3A_1269 {offsets = [15], sizes = [1], strides = [1]} : vector<16xi32> to vector<1xi32>
      %squeeze3A_2795 = vector.extract %slice3A_2794[0] : i32 from vector<1xi32>
      %slice3A_2796 = vector.extract_strided_slice %mul3A_1278 {offsets = [15], sizes = [1], strides = [1]} : vector<16xi32> to vector<1xi32>
      %squeeze3A_2797 = vector.extract %slice3A_2796[0] : i32 from vector<1xi32>
      %get3A_2798 = arith.index_cast %add3A_2791 : i32 to index
      %get3A_2799 = arith.index_cast %squeeze3A_2793 : i32 to index
      %get3A_2800 = tpu.vector_load %arg15[%get3A_2798, %get3A_2799] {strides = array<i32>} : memref<256x128xf32, #tpu.memory_space<vmem>>, vector<1x16xf32>,
      %get3A_2801 = vector.shape_cast %get3A_2800 : vector<1x16xf32> to vector<16xf32>
      %get3A_2802 = arith.index_cast %add3A_2791 : i32 to index
      %get3A_2803 = arith.index_cast %squeeze3A_2795 : i32 to index
      %get3A_2804 = tpu.vector_load %arg16[%get3A_2802, %get3A_2803] {strides = array<i32>} : memref<256x128xf32, #tpu.memory_space<vmem>>, vector<1x16xf32>,
      %get3A_2805 = vector.shape_cast %get3A_2804 : vector<1x16xf32> to vector<16xf32>
      %mul3A_2806 = arith.mulf %get3A_2801, %get3A_2805 : vector<16xf32>
      %get3A_2807 = arith.index_cast %add3A_2791 : i32 to index
      %get3A_2808 = arith.index_cast %squeeze3A_2797 : i32 to index
      %get3A_2809 = tpu.vector_load %arg17[%get3A_2807, %get3A_2808] {strides = array<i32>} : memref<256x128xf32, #tpu.memory_space<vmem>>, vector<1x16xf32>,
      %get3A_2810 = vector.shape_cast %get3A_2809 : vector<1x16xf32> to vector<16xf32>
      %mul3A_2811 = arith.mulf %mul3A_2806, %get3A_2810 : vector<16xf32>
      %add3A_2812 = arith.constant 16 : i32
      %add3A_2813 = arith.addi %squeeze3A_2793, %add3A_2812 : i32
      %get3A_2814 = arith.index_cast %add3A_2791 : i32 to index
      %get3A_2815 = arith.index_cast %add3A_2813 : i32 to index
      %get3A_2816 = tpu.vector_load %arg15[%get3A_2814, %get3A_2815] {strides = array<i32>} : memref<256x128xf32, #tpu.memory_space<vmem>>, vector<1x16xf32>,
      %get3A_2817 = vector.shape_cast %get3A_2816 : vector<1x16xf32> to vector<16xf32>
      %add3A_2818 = arith.constant 16 : i32
      %add3A_2819 = arith.addi %squeeze3A_2795, %add3A_2818 : i32
      %get3A_2820 = arith.index_cast %add3A_2791 : i32 to index
      %get3A_2821 = arith.index_cast %add3A_2819 : i32 to index
      %get3A_2822 = tpu.vector_load %arg16[%get3A_2820, %get3A_2821] {strides = array<i32>} : memref<256x128xf32, #tpu.memory_space<vmem>>, vector<1x16xf32>,
      %get3A_2823 = vector.shape_cast %get3A_2822 : vector<1x16xf32> to vector<16xf32>
      %mul3A_2824 = arith.mulf %get3A_2817, %get3A_2823 : vector<16xf32>
      %add3A_2825 = arith.constant 16 : i32
      %add3A_2826 = arith.addi %squeeze3A_2797, %add3A_2825 : i32
      %get3A_2827 = arith.index_cast %add3A_2791 : i32 to index
      %get3A_2828 = arith.index_cast %add3A_2826 : i32 to index
      %get3A_2829 = tpu.vector_load %arg17[%get3A_2827, %get3A_2828] {strides = array<i32>} : memref<256x128xf32, #tpu.memory_space<vmem>>, vector<1x16xf32>,
      %get3A_2830 = vector.shape_cast %get3A_2829 : vector<1x16xf32> to vector<16xf32>
      %mul3A_2831 = arith.mulf %mul3A_2824, %get3A_2830 : vector<16xf32>
      %add3A_2832 = arith.addf %mul3A_2811, %mul3A_2831 : vector<16xf32>
      %add3A_2833 = arith.constant 32 : i32
      %add3A_2834 = arith.addi %squeeze3A_2793, %add3A_2833 : i32
      %get3A_2835 = arith.index_cast %add3A_2791 : i32 to index
      %get3A_2836 = arith.index_cast %add3A_2834 : i32 to index
      %get3A_2837 = tpu.vector_load %arg15[%get3A_2835, %get3A_2836] {strides = array<i32>} : memref<256x128xf32, #tpu.memory_space<vmem>>, vector<1x16xf32>,
      %get3A_2838 = vector.shape_cast %get3A_2837 : vector<1x16xf32> to vector<16xf32>
      %add3A_2839 = arith.constant 32 : i32
      %add3A_2840 = arith.addi %squeeze3A_2795, %add3A_2839 : i32
      %get3A_2841 = arith.index_cast %add3A_2791 : i32 to index
      %get3A_2842 = arith.index_cast %add3A_2840 : i32 to index
      %get3A_2843 = tpu.vector_load %arg16[%get3A_2841, %get3A_2842] {strides = array<i32>} : memref<256x128xf32, #tpu.memory_space<vmem>>, vector<1x16xf32>,
      %get3A_2844 = vector.shape_cast %get3A_2843 : vector<1x16xf32> to vector<16xf32>
      %mul3A_2845 = arith.mulf %get3A_2838, %get3A_2844 : vector<16xf32>
      %add3A_2846 = arith.constant 32 : i32
      %add3A_2847 = arith.addi %squeeze3A_2797, %add3A_2846 : i32
      %get3A_2848 = arith.index_cast %add3A_2791 : i32 to index
      %get3A_2849 = arith.index_cast %add3A_2847 : i32 to index
      %get3A_2850 = tpu.vector_load %arg17[%get3A_2848, %get3A_2849] {strides = array<i32>} : memref<256x128xf32, #tpu.memory_space<vmem>>, vector<1x16xf32>,
      %get3A_2851 = vector.shape_cast %get3A_2850 : vector<1x16xf32> to vector<16xf32>
      %mul3A_2852 = arith.mulf %mul3A_2845, %get3A_2851 : vector<16xf32>
      %add3A_2853 = arith.addf %add3A_2832, %mul3A_2852 : vector<16xf32>
      %add3A_2854 = arith.constant 48 : i32
      %add3A_2855 = arith.addi %squeeze3A_2793, %add3A_2854 : i32
      %get3A_2856 = arith.index_cast %add3A_2791 : i32 to index
      %get3A_2857 = arith.index_cast %add3A_2855 : i32 to index
      %get3A_2858 = tpu.vector_load %arg15[%get3A_2856, %get3A_2857] {strides = array<i32>} : memref<256x128xf32, #tpu.memory_space<vmem>>, vector<1x16xf32>,
      %get3A_2859 = vector.shape_cast %get3A_2858 : vector<1x16xf32> to vector<16xf32>
      %add3A_2860 = arith.constant 48 : i32
      %add3A_2861 = arith.addi %squeeze3A_2795, %add3A_2860 : i32
      %get3A_2862 = arith.index_cast %add3A_2791 : i32 to index
      %get3A_2863 = arith.index_cast %add3A_2861 : i32 to index
      %get3A_2864 = tpu.vector_load %arg16[%get3A_2862, %get3A_2863] {strides = array<i32>} : memref<256x128xf32, #tpu.memory_space<vmem>>, vector<1x16xf32>,
      %get3A_2865 = vector.shape_cast %get3A_2864 : vector<1x16xf32> to vector<16xf32>
      %mul3A_2866 = arith.mulf %get3A_2859, %get3A_2865 : vector<16xf32>
      %add3A_2867 = arith.constant 48 : i32
      %add3A_2868 = arith.addi %squeeze3A_2797, %add3A_2867 : i32
      %get3A_2869 = arith.index_cast %add3A_2791 : i32 to index
      %get3A_2870 = arith.index_cast %add3A_2868 : i32 to index
      %get3A_2871 = tpu.vector_load %arg17[%get3A_2869, %get3A_2870] {strides = array<i32>} : memref<256x128xf32, #tpu.memory_space<vmem>>, vector<1x16xf32>,
      %get3A_2872 = vector.shape_cast %get3A_2871 : vector<1x16xf32> to vector<16xf32>
      %mul3A_2873 = arith.mulf %mul3A_2866, %get3A_2872 : vector<16xf32>
      %add3A_2874 = arith.addf %add3A_2853, %mul3A_2873 : vector<16xf32>
      %gather3A_2875 = vector.shape_cast %reshape3A : vector<16x1xi32> to vector<16xi32>
      %gather3A_2876 = tpu.dynamic_gather %add3A_2874[%gather3A_2875] in [0] : vector<16xf32>, vector<16xi32> -> vector<16xf32>
      %add3A_2877 = arith.addf %add3A_2874, %gather3A_2876 : vector<16xf32>
      %gather3A_2878 = vector.shape_cast %reshape3A_1005 : vector<16x1xi32> to vector<16xi32>
      %gather3A_2879 = tpu.dynamic_gather %add3A_2877[%gather3A_2878] in [0] : vector<16xf32>, vector<16xi32> -> vector<16xf32>
      %add3A_2880 = arith.addf %add3A_2877, %gather3A_2879 : vector<16xf32>
      %gather3A_2881 = vector.shape_cast %reshape3A_1012 : vector<16x1xi32> to vector<16xi32>
      %gather3A_2882 = tpu.dynamic_gather %add3A_2880[%gather3A_2881] in [0] : vector<16xf32>, vector<16xi32> -> vector<16xf32>
      %add3A_2883 = arith.addf %add3A_2880, %gather3A_2882 : vector<16xf32>
      %gather3A_2884 = vector.shape_cast %reshape3A_1019 : vector<16x1xi32> to vector<16xi32>
      %gather3A_2885 = tpu.dynamic_gather %add3A_2883[%gather3A_2884] in [0] : vector<16xf32>, vector<16xi32> -> vector<16xf32>
      %add3A_2886 = arith.addf %add3A_2883, %gather3A_2885 : vector<16xf32>
      %eq3A_2887 = arith.constant 15 : i32
      %eq3A_2888 = vector.broadcast %eq3A_2887 : i32 to vector<16xi32>
      %eq3A_2889 = arith.cmpi eq, %iota3A, %eq3A_2888 : vector<16xi32>
      %select_n3A_2890 = arith.select %eq3A_2889, %add3A_2886, %select_n3A_2789 : vector<16xi1>, vector<16xf32>
      %add3A_2891 = arith.constant 256 : i32
      %add3A_2892 = arith.addi %add3A_2891, %mul3A_1249 : i32
      %get3A_2893 = arith.index_cast %add3A_2892 : i32 to index
      %get3A_2894 = tpu.vector_load %arg18[%get3A_2893] {strides = array<i32>} : memref<512xf32, #tpu.memory_space<vmem>>, vector<16xf32>,
      %get3A_2895 = vector.shape_cast %get3A_2894 : vector<16xf32> to vector<16xf32>
      %add3A_2896 = arith.addf %select_n3A_2890, %get3A_2895 : vector<16xf32>
      %neg3A = arith.constant 0.000000e+00 : f32
      %neg3A_2897 = vector.broadcast %neg3A : f32 to vector<16xf32>
      %neg3A_2898 = arith.subf %neg3A_2897, %add3A_2896 : vector<16xf32>
      %exp3A = math.exp %neg3A_2898 : vector<16xf32>
      %add3A_2899 = arith.constant 1.000000e+00 : f32
      %add3A_2900 = vector.broadcast %add3A_2899 : f32 to vector<16xf32>
      %add3A_2901 = arith.addf %add3A_2900, %exp3A : vector<16xf32>
      %div3A = arith.constant 1.000000e+00 : f32
      %div3A_2902 = vector.broadcast %div3A : f32 to vector<16xf32>
      %div3A_2903 = arith.divf %div3A_2902, %add3A_2901 : vector<16xf32>
      %add3A_2904 = arith.constant 256 : i32
      %add3A_2905 = arith.addi %add3A_2904, %mul3A_1249 : i32
      %swap3A_2906 = arith.index_cast %add3A_2905 : i32 to index
      %swap3A_2907 = tpu.vector_load %arg19[%swap3A_2906] {strides = array<i32>} : memref<512xf32, #tpu.memory_space<vmem>>, vector<16xf32>,
      %swap3A_2908 = vector.shape_cast %swap3A_2907 : vector<16xf32> to vector<16xf32>
      %swap3A_2909 = vector.shape_cast %div3A_2903 : vector<16xf32> to vector<16xf32>
      tpu.vector_store %arg19[%swap3A_2906], %swap3A_2909 {strides = array<i32>} : memref<512xf32, #tpu.memory_space<vmem>>, vector<16xf32>,
    }
    %scan3A_1246 = arith.constant 16 : i32
    "tpu.region"() ({
      %run_scoped3A = tpu.sem_alloc : memref<!tpu.dma_semaphore, #tpu.memory_space<semaphore_mem>>
      %dma_start3A_1247 = tpu.memref_slice %arg8[%mul3A_2] : memref<16384xf32, #tpu.memory_space<hbm>> -> memref<512xf32, #tpu.memory_space<hbm>>
      %dma_start3A_1248 = tpu.memref_slice %arg8[%mul3A_2] : memref<16384xf32, #tpu.memory_space<hbm>> -> memref<512xf32, #tpu.memory_space<hbm>>
      tpu.enqueue_dma source(%arg19 : memref<512xf32, #tpu.memory_space<vmem>>) target(%dma_start3A_1248 : memref<512xf32, #tpu.memory_space<hbm>>) target_semaphore(%run_scoped3A : memref<!tpu.dma_semaphore, #tpu.memory_space<semaphore_mem>>)
      %dma_wait3A_1249 = tpu.memref_slice %arg8[%mul3A_2] : memref<16384xf32, #tpu.memory_space<hbm>> -> memref<512xf32, #tpu.memory_space<hbm>>
      %dma_wait3A_1250 = tpu.memref_slice %arg8[%mul3A_2] : memref<16384xf32, #tpu.memory_space<hbm>> -> memref<512xf32, #tpu.memory_space<hbm>>
      tpu.wait_dma2 semaphore(%run_scoped3A : memref<!tpu.dma_semaphore, #tpu.memory_space<semaphore_mem>>) src(%arg19 : memref<512xf32, #tpu.memory_space<vmem>>) dst(%dma_wait3A_1250 : memref<512xf32, #tpu.memory_space<hbm>>)
      tpu.yield
    }) : () -> ()
    return
  }
}

</mosaic_0001>

<sc_bundles>
// kernel: kernel.3.cloned.1.call-start
scs
__scs_entry_jumppad:
0x0: {  	(pc) =	sbr.rel $0x88, $3  }
0x1: {  	(tag) =	ssettag $0x0;
	lr =	simm.s32 $0x1  }
0x2: {  	[smem:$0x3F9B] =	sst lr;
	_ =	strace $0xD0000000  }
0x3: {  	_ = 	snop  }
0x4: {  	_ = 	snop  }
0x5: {  	_ = 	snop  }
0x6: {  	_ = 	snop  }
0x7: {  	_ = 	snop  }
__scs_overlays_trampoline_lowered:
0x8: {  	[smem:$0x3FAA] =	sst s0  }
0x9: {  	[smem:$0x3FAB] =	sst s1  }
0xa: {  	[smem:$0x3FAC] =	sst s2  }
0xb: {  	[smem:$0x3FAD] =	sst s3  }
0xc: {  	[smem:$0x3FAE] =	sst s4  }
0xd: {  	[smem:$0x3FAF] =	sst s5  }
0xe: {  	[smem:$0x3FB0] =	sst s6  }
0xf: {  	[smem:$0x3FB1] =	sst s7  }
0x10: {  	[smem:$0x3FB2] =	sst s8  }
0x11: {  	[smem:$0x3FB3] =	sst s9;
	s0 =	simm.s32 @!p0 $0x0  }
0x12: {  	s1 =	sld [smem:$0x3F99];
	s0 =	simm.s32 @p0 $0x1  }
0x13: {  	[smem:$0x3FB4] =	sst s0;
	s0 =	simm.s32 @!p1 $0x0  }
0x14: {  	s2 =	sld [smem:$0x3F98];
	s0 =	simm.s32 @p1 $0x1  }
0x15: {  	[smem:$0x3FB5] =	sst s0;
	s0 =	simm.s32 @!p2 $0x0  }
0x16: {  	s3 =	sld [smem:$0x3FDB];
	s0 =	simm.s32 @p2 $0x1  }
0x17: {  	s4 =	simm.s32 $0x1BF5;
	[smem:$0x3FB7] =	sst s0  }
0x18: {  	s0 =	sld [smem:$0x3F9A];
	_ =	swait.ge [sflag:s4], $0x0  }
0x19: {  	s7 =	sld [smem:$0x3F9B]  }
0x1a: {  	s8 =	sadd.s32 $0xFFFFE003, lr  }
0x1b: {  	s9 =	sadd.s32 $0xFFFFFEF7, lr;
	s5 =	simm.s32 $0xFFFFFFFF;
	p2 =	slt.u32 s8, $0xFFFFF086  }
0x1c: {  	p1 =	slt.u32 s9, $0xF7A;
	s5 =	simm.s32 @!p2 $0x0  }
0x1d: {  	s5 =	simm.s32 @p1 $0x1;
	p0 =	seq.s32 s7, s2  }
0x1e: {  	s7 =	smul.u32 @!p0 $0xF7A, s2;
	p2 =	seq.s32 @!p0 s5, $0x0  }
0x1f: {  	s9 =	smul.u32 $0xF7A, s1;
	s8 =	simm.s32 @!p0 $0x1BF5;
	p2 =	por !p2, p0  }
0x20: {  	[sflag:s8] =	ssyncset.s32 @!p0 $0xFFFFF086;
	s6 =	sadd.s32 @!p0 s3, s7;
	s7 =	simm.s32 @!p0 $0x108  }
0x21: {  	s3 =	sadd.s32 s3, s9;
	s6 =	sadd.s32 @!p0 $0x88, s6;
	s7 =	simm.s32 @p2 $0x1082  }
0x22: {  	[simem:s7], [sflag:s8] =	dma.local @!p0 [hbm:s6], $0xF7A  }
0x23: {  	s9 =	sor.u32 $0xD0000000, s2;
	s6 =	simm.s32 $0x108;
	_ =	swait.ge @!p0 [sflag:s8], $0x0  }
0x24: {  	s3 =	sadd.s32 $0x88, s3;
	s6 =	simm.s32 @!p1 $0x1082;
	[sflag:s4] =	ssyncset.s32 $0xFFFFF086  }
0x25: {  	[simem:s6], [sflag:s4] =	dma.local [hbm:s3], $0xF7A  }
0x26: {  	[smem:$0x3F9B] =	sst s1;
	(tag) =	ssettag s2;
	_ =	strace s9  }
0x27: {  	s1 =	sld [smem:$0x3FAB]  }
0x28: {  	s2 =	sld [smem:$0x3FAC]  }
0x29: {  	s4 =	sld [smem:$0x3FAE]  }
0x2a: {  	p0 =	seq.s32 s5, $0x0;
	s5 =	sld [smem:$0x3FAF]  }
0x2b: {  	s6 =	sld [smem:$0x3FB0]  }
0x2c: {  	s7 =	sld [smem:$0x3FB1]  }
0x2d: {  	s3 =	simm.s32 $0x108;
	s8 =	sld [smem:$0x3FB2]  }
0x2e: {  	s3 =	simm.s32 @!p0 $0x1082;
	s9 =	sld [smem:$0x3FB3]  }
0x2f: {  	lr =	sadd.s32 s0, s3;
	s0 =	sld [smem:$0x3FAA]  }
0x30: {  	s3 =	sld [smem:$0x3FAD]  }
0x31: {  	[smem:$0x3FB6] =	sst s10  }
0x32: {  	s10 =	sld [smem:$0x3FB4];
	_ =	sdelay $0x3  }
0x33: {  	p0 =	seq.s32 s10, $0x1;
	s10 =	sld [smem:$0x3FB6];
	_ =	sdelay $0x3  }
0x34: {  	[smem:$0x3FB6] =	sst s10  }
0x35: {  	s10 =	sld [smem:$0x3FB5];
	_ =	sdelay $0x3  }
0x36: {  	p1 =	seq.s32 s10, $0x1;
	s10 =	sld [smem:$0x3FB6];
	_ =	sdelay $0x3  }
0x37: {  	[smem:$0x3FB6] =	sst s10  }
0x38: {  	s10 =	sld [smem:$0x3FB7]  }
0x39: {  	_ = 	snop;
	(pc) =	sbr.ind lr, $3  }
0x3a: {  	_ = 	snop  }
0x3b: {  	_ = 	snop  }
0x3c: {  	p2 =	seq.s32 s10, $0x1;
	s10 =	sld [smem:$0x3FB6]  }
0x3d: {  	_ =	shalt  }
0x3e: {  	_ =	shalt  }
0x3f: {  	_ =	shalt  }
0x40: {  	_ =	shalt  }
0x41: {  	_ =	shalt  }
0x42: {  	_ =	shalt  }
0x43: {  	_ =	shalt  }
0x44: {  	_ =	shalt  }
0x45: {  	_ =	shalt  }
0x46: {  	_ =	shalt  }
0x47: {  	_ =	shalt  }
0x48: {  	_ =	shalt  }
0x49: {  	_ =	shalt  }
0x4a: {  	_ =	shalt  }
0x4b: {  	_ =	shalt  }
0x4c: {  	_ =	shalt  }
0x4d: {  	_ =	shalt  }
0x4e: {  	_ =	shalt  }
0x4f: {  	_ =	shalt  }
0x50: {  	_ =	shalt  }
0x51: {  	_ =	shalt  }
0x52: {  	_ =	shalt  }
0x53: {  	_ =	shalt  }
0x54: {  	_ =	shalt  }
0x55: {  	_ =	shalt  }
0x56: {  	_ =	shalt  }
0x57: {  	_ =	shalt  }
0x58: {  	_ =	shalt  }
0x59: {  	_ =	shalt  }
0x5a: {  	_ =	shalt  }
0x5b: {  	_ =	shalt  }
0x5c: {  	_ =	shalt  }
0x5d: {  	_ =	shalt  }
0x5e: {  	_ =	shalt  }
0x5f: {  	_ =	shalt  }
0x60: {  	_ =	shalt  }
0x61: {  	_ =	shalt  }
0x62: {  	_ =	shalt  }
0x63: {  	_ =	shalt  }
0x64: {  	_ =	shalt  }
0x65: {  	_ =	shalt  }
0x66: {  	_ =	shalt  }
0x67: {  	_ =	shalt  }
0x68: {  	_ =	shalt  }
0x69: {  	_ =	shalt  }
0x6a: {  	_ =	shalt  }
0x6b: {  	_ =	shalt  }
0x6c: {  	_ =	shalt  }
0x6d: {  	_ =	shalt  }
0x6e: {  	_ =	shalt  }
0x6f: {  	_ =	shalt  }
0x70: {  	_ =	shalt  }
0x71: {  	_ =	shalt  }
0x72: {  	_ =	shalt  }
0x73: {  	_ =	shalt  }
0x74: {  	_ =	shalt  }
0x75: {  	_ =	shalt  }
0x76: {  	_ =	shalt  }
0x77: {  	_ =	shalt  }
0x78: {  	_ =	shalt  }
0x79: {  	_ =	shalt  }
0x7a: {  	_ =	shalt  }
0x7b: {  	_ =	shalt  }
0x7c: {  	_ =	shalt  }
0x7d: {  	_ =	shalt  }
0x7e: {  	_ =	shalt  }
0x7f: {  	_ =	shalt  }
0x80: {  	_ =	shalt  }
0x81: {  	_ =	shalt  }
0x82: {  	_ =	shalt  }
0x83: {  	_ =	shalt  }
0x84: {  	_ =	shalt  }
0x85: {  	_ =	shalt  }
0x86: {  	_ =	shalt  }
0x87: {  	_ =	shalt  }
.Lfunc_end0:
.L_simem_size_0:
called_computation_lowered:
.L_overlay_start_0:
0x88: {  	s2 =	sld [smem:$0x3FD9]  }
0x89: {  	s3 =	sld [smem:$0x3FFE];
	_ =	sdelay $0x1  }
0x8a: {  	s1 =	srdreg.scid  }
0x8b: {  	s0 =	sand.u32 $0x1, s1  }
0x8c: {  	s17 =	sshll.u32 s0, $0xA;
	s2 =	sadd.s32 s3, s2  }
0x8d: {  	s2 =	sadd.s32 s2, s17  }
0x8e: {  	[smem:$0x3FC2] =	sst s2  }
0x8f: {  	_ = 	snop  }
0x90: {  	s2 =	sld [smem:$0x3FC9]  }
0x91: {  	s18 =	sld [smem:$0x3FC8]  }
0x92: {  	s4 =	sld [smem:$0x3FC7]  }
0x93: {  	s5 =	sld [smem:$0x3FC4]  }
0x94: {  	s6 =	sld [smem:$0x3FD0];
	(tm) =	ssettm $0x1  }
0x95: {  	s7 =	sld [smem:$0x3FFB];
	_ =	sdelay $0x3  }
0x96: {  	_ =	strace s7  }
0x97: {  	s7 =	sld [smem:$0x3FFC];
	_ =	sdelay $0x3  }
0x98: {  	_ =	strace s7  }
0x99: {  	s7 =	sld [smem:$0x3FFD];
	_ =	sdelay $0x3  }
0x9a: {  	_ =	strace s7  }
0x9b: {  	_ =	strace $0x8FFFFFFF  }
0x9c: {  	s19 =	sld [smem:$0x3FDB];
	_ =	sdelay $0x1  }
0x9d: {  	s8 =	simm.s32 $_scs_section_size  }
0x9e: {  	s9 =	simm.s32 $_size__tile_overlayer_lowered;
	s10 =	simm.s32 $_tile_overlayer_lowered  }
0x9f: {  	s22 =	simm.s32 $0x1BFF;
	s21 =	sshll.u32 s10, $0x1;
	s7 =	sadd.s32 s8, s19  }
0xa0: {  	s11 =	simm.s32 $0x0;
	s20 =	sshll.u32 s9, $0x1;
	s9 =	sadd.s32 s21, s7  }
0xa1: {  	[timem:s11], [sflag:s22] =	dma.local [hbm:s9], s20  }
0xa2: {  	_ =	swait.ge [sflag:s22], s20  }
0xa3: {  	s8 =	ssub.s32 $0x0, s20;
	[sflag:s22] =	ssyncset.done $0x0  }
0xa4: {  	[sflag:s22] =	ssyncadd.s32 s8;
	_ =	sdelay $0x1  }
0xa5: {  	s23 =	simm.s32 $0x1B8B  }
0xa6: {  	_ =	swait.ge [sflag:s23], $0x1  }
0xa7: {  	[sflag:s23] =	ssyncset.done $0x0  }
0xa8: {  	s25 =	simm.s32 $0x1B8E;
	s24 =	sld [smem:$0x3FFE];
	[sflag:s23] =	ssyncadd.s32 $0xFFFFFFFF  }
0xa9: {  	s26 =	simm.s32 $execute0_lowered;
	[smem:$0x3FD2] =	sst s25  }
0xaa: {  	s9 =	sshll.u32 s26, $0x1;
	_ =	strace $0x80000046;
	[dreg:$0x1] =	wrdreg $0xFFFFFFFF  }
0xab: {  	s28 =	simm.s32 $_size_execute0_lowered;
	s7 =	sadd.s32 s7, s9;
	[dreg:$0x0] =	wrdreg $0x0  }
0xac: {  	s9 =	sshll.u32 s28, $0x1;
	[dreg:$0x2] =	wrdreg s7  }
0xad: {  	[dreg:$0x3] =	wrdreg s9  }
0xae: {  	[dreg:$0x4] =	wrdreg $0xC0  }
0xaf: {  	_ =	task [dreg:s11], $0x5FFFF  }
0xb0: {  	[dreg:$0x1] =	wrdreg $0xFFFFFFFF  }
0xb1: {  	[dreg:$0x0] =	wrdreg $0x60  }
0xb2: {  	[dreg:$0x2] =	wrdreg s2  }
0xb3: {  	[dreg:$0x3] =	wrdreg s18  }
0xb4: {  	[dreg:$0x4] =	wrdreg s4  }
0xb5: {  	[dreg:$0x5] =	wrdreg s24  }
0xb6: {  	[dreg:$0x6] =	wrdreg s5  }
0xb7: {  	[dreg:$0x7] =	wrdreg s6  }
0xb8: {  	[dreg:$0x8] =	wrdreg $0x9  }
0xb9: {  	_ =	task.clear_ibuf [dreg:s11], $0x9FFFF;
	_ =	strace $0x90000046  }
0xba: {  	s29 =	simm.s32 $0x9;
	_ =	strace $0x80000048  }
0xbb: {  	_ =	swait.ge [sflag:s29], $0x1  }
0xbc: {  	[sflag:s29] =	ssyncadd.s32 $0xFFFFFFFF  }
0xbd: {  	_ =	strace $0x90000048  }
0xbe: {  	_ =	sfence  }
0xbf: {  	s30 =	sld [smem:$0x0];
	_ =	sdelay $0x2  }
0xc0: {  	s31 =	sshll.u32 s1, $0xD;
	s1 =	sshrl.u32 s1, $0x2  }
0xc1: {  	s3 =	sand.u32 $0x4000, s31;
	s1 =	sadd.s32 s1, s30  }
0xc2: {  	s0 =	sor.u32 s3, s0;
	s1 =	sshll.u32 s1, $0x11  }
0xc3: {  	s0 =	sor.u32 s1, s0  }
0xc4: {  	s0 =	sadd.s32 $0x8F2B, s0  }
0xc5: {  	[sflag:s0] =	ssyncadd.remote.s32 $0x1  }
0xc6: {  	_ =	sfence.sel $0xFFFF  }
0xc7: {  	[dreg:$0x0] =	wrdreg $0xFFFFFFFF;
	(pc) =	sbr.abs _section_cstart, $3  }
0xc8: {  	[dreg:$0x1] =	wrdreg $0xFFFFFFFF  }
0xc9: {  	_ =	task.clear_ibuf [dreg:s11], $0x2FFFF;
	_ =	strace $0x9FFFFFFF  }
0xca: {  	(tm) =	ssettm $0x7FFFFFFF  }
0xcb: {  	_ =	shalt  }
tec
execute0_lowered:
.L_overlay_start_1:
0x0: {  	(tag) =	ssettag $0x1  }
0x1: {  	v0 =	vimm.s32 $0xFEDCBA98;
	v1 =	vimm.s32 $0x76543210  }
0x2: {  	s0 =	rddreg [dreg:$0x0];
	v2 =	vimm.s32 $0x3210FEDC;
	v3 =	vimm.s32 $0xBA987654;
	v4 =	vimm.s32 $0x10FEDCBA  }
0x3: {  	s3 =	rddreg [dreg:$0x1];
	v5 =	vimm.s32 $0x98765432;
	v6 =	vimm.s32 $0xFEDCBA9;
	v7 =	vimm.s32 $0x87654321  }
0x4: {  	s8 =	rddreg [dreg:$0x2];
	vm0 =	vmmov $0x1;
	vm1 =	vmmov $0x3;
	vm2 =	vmmov $0x7  }
0x5: {  	s5 =	rddreg [dreg:$0x3];
	vm3 =	vmmov $0xf;
	vm4 =	vmmov $0x1f;
	vm5 =	vmmov $0x3f  }
0x6: {  	s1 =	rddreg [dreg:$0x4];
	vm6 =	vmmov $0x7f;
	vm7 =	vmmov $0xff;
	vm8 =	vmmov $0x1ff  }
0x7: {  	s9 =	rddreg [dreg:$0x5];
	s2 =	simm.s32 $0x0;
	s6 =	srdreg.scid;
	vm9 =	vmmov $0x3ff;
	vm10 =	vmmov $0x7ff;
	vm11 =	vmmov $0xfff  }
0x8: {  	s10 =	stileid.u32;
	s12 =	simm.s32 $0x80;
	s20 =	simm.s32 $0xC00;
	v0 =	vunpack.c.l.s4.s8 v0;
	v1 =	vunpack.c.l.s4.s8 v1;
	v2 =	vunpack.c.l.s4.s8 v2  }
0x9: {  	s22 =	simm.s32 $0x8C00;
	s24 =	simm.s32 $0x10C00;
	s26 =	simm.s32 $0x4C00;
	v3 =	vunpack.c.l.s4.s8 v3;
	v4 =	vunpack.c.l.s4.s8 v4;
	v5 =	vunpack.c.l.s4.s8 v5  }
0xa: {  	s29 =	simm.s32 $0xCC00;
	s31 =	simm.s32 $0x14C00;
	s18 =	simm.s32 $0x2;
	v6 =	vunpack.c.l.s4.s8 v6;
	v7 =	vunpack.c.l.s4.s8 v7;
	v0 =	vunpack.c.0.s8.s32 v0  }
0xb: {  	s19 =	simm.s32 $0x0;
	[smem:$0x7FF] =	sst s2;
	s6 =	sand.u32 $0x1, s6;
	v2 =	vunpack.c.0.s8.s32 v2;
	v3 =	vunpack.c.0.s8.s32 v3;
	v4 =	vunpack.c.0.s8.s32 v4  }
0xc: {  	s4 =	sadd.s32 $0xF42A00, s5;
	s10 =	sshll.u32 s10, $0x7;
	s7 =	ssub.s32 $0x2, s6;
	v5 =	vunpack.c.0.s8.s32 v5;
	v6 =	vunpack.c.0.s8.s32 v6;
	v7 =	vunpack.c.0.s8.s32 v7  }
0xd: {  	vm12 =	vmmov $0x1fff;
	s5 =	sadd.s32 $0x600, s5;
	s6 =	sshll.u32 s6, $0x6;
	s11 =	sshrl.u32 s7, $0x1;
	v1 =	vunpack.c.0.s8.s32 v1;
	v2 =	vcombine.low v3, v2  }
0xe: {  	_ =	strace $0x80000047;
	s10 =	sor.u32 s6, s10;
	s11 =	ssub.s32 s7, s11;
	v3 =	vcombine.low v5, v4;
	v4 =	vcombine.low v7, v6;
	v0 =	vand.u32 $0xF, v0  }
0xf: {  	vm13 =	vmmov $0x3fff;
	vm14 =	vmmov $0x7fff;
	s6 =	sadd.s32 s0, s10;
	s7 =	sadd.s32 s3, s10;
	s8 =	sadd.s32 s8, s10;
	v0 =	vcombine.low v0, v1  }
0x10: {  	s9 =	sadd.s32 s9, s10;
	s10 =	smax.u32 s11, $0x1;
	s11 =	simm.s32 $0x1;
	v1 =	vand.u32 $0xF, v2;
	v2 =	vand.u32 $0xF, v3;
	v3 =	vand.u32 $0xF, v4  }
.LBB2_1:
0x11: {  	[tilespmem:s2], [sflag:$0x1] =	stream.linear.gather [hbm4b:s6+s2], $0x200, $0x38;
	[tilespmem:$0x19000] =	vst v63  }
0x12: {  	s21 =	simm.s32 $0x200  }
0x13: {  	[tilespmem:s21], [sflag:$0x1] =	stream.linear.gather [hbm4b:s7+s2], $0x200, $0x38;
	[tilespmem:$0x19000] =	vst v63  }
0x14: {  	s23 =	simm.s32 $0x400  }
0x15: {  	[tilespmem:s23], [sflag:$0x1] =	stream.linear.gather [hbm4b:s8+s2], $0x200, $0x38;
	[tilespmem:$0x19000] =	vst v63  }
0x16: {  	_ =	swait.ge [sflag:s11], $0x200  }
0x17: {  	[sflag:s11] =	ssyncset.done $0x0  }
0x18: {  	[sflag:s11] =	ssyncadd.s32 $0xFFFFFE00  }
0x19: {  	_ =	swait.ge [sflag:s11], $0x200  }
0x1a: {  	[sflag:s11] =	ssyncset.done $0x0  }
0x1b: {  	[sflag:s11] =	ssyncadd.s32 $0xFFFFFE00  }
0x1c: {  	_ =	swait.ge [sflag:s11], $0x200  }
0x1d: {  	[sflag:s11] =	ssyncset.done $0x0  }
0x1e: {  	[sflag:s11] =	ssyncadd.s32 $0xFFFFFE00  }
0x1f: {  	v4 =	vld [tilespmem:$0x0]  }
0x20: {  	v5 =	vld [tilespmem:$0x200]  }
0x21: {  	v6 =	vld [tilespmem:$0x400]  }
0x22: {  	v7 =	vld [tilespmem:$0x10]  }
0x23: {  	v8 =	vld [tilespmem:$0x210]  }
0x24: {  	v9 =	vld [tilespmem:$0x410];
	v4 =	vshra.s32 v4, $0x1  }
0x25: {  	[tilespmem:$0x600] =	vst v4;
	v4 =	vshra.s32 v5, $0x1;
	v5 =	vld [tilespmem:$0x20]  }
0x26: {  	v44 =	vld [tilespmem:$0x220];
	[tilespmem:$0x800] =	vst v4;
	v4 =	vshra.s32 v6, $0x1  }
0x27: {  	v45 =	vld [tilespmem:$0x420];
	[tilespmem:$0xA00] =	vst v4;
	v4 =	vshra.s32 v7, $0x1  }
0x28: {  	v46 =	vld [tilespmem:$0x30];
	[tilespmem:$0x610] =	vst v4;
	v4 =	vshra.s32 v8, $0x1  }
0x29: {  	v47 =	vld [tilespmem:$0x230];
	[tilespmem:$0x810] =	vst v4;
	v4 =	vshra.s32 v9, $0x1  }
0x2a: {  	[tilespmem:$0xA10] =	vst v4;
	v4 =	vshra.s32 v5, $0x1;
	v5 =	vld [tilespmem:$0x430]  }
0x2b: {  	v48 =	vld [tilespmem:$0x40];
	[tilespmem:$0x620] =	vst v4;
	v4 =	vshra.s32 v44, $0x1  }
0x2c: {  	v49 =	vld [tilespmem:$0x240];
	[tilespmem:$0x820] =	vst v4;
	v4 =	vshra.s32 v45, $0x1  }
0x2d: {  	v50 =	vld [tilespmem:$0x440];
	[tilespmem:$0xA20] =	vst v4;
	v4 =	vshra.s32 v46, $0x1  }
0x2e: {  	v51 =	vld [tilespmem:$0x50];
	[tilespmem:$0x630] =	vst v4;
	v4 =	vshra.s32 v47, $0x1  }
0x2f: {  	[tilespmem:$0x830] =	vst v4;
	v4 =	vshra.s32 v5, $0x1;
	v5 =	vld [tilespmem:$0x250]  }
0x30: {  	v52 =	vld [tilespmem:$0x450];
	[tilespmem:$0xA30] =	vst v4;
	v4 =	vshra.s32 v48, $0x1  }
0x31: {  	v53 =	vld [tilespmem:$0x60];
	[tilespmem:$0x640] =	vst v4;
	v4 =	vshra.s32 v49, $0x1  }
0x32: {  	v54 =	vld [tilespmem:$0x260];
	[tilespmem:$0x840] =	vst v4;
	v4 =	vshra.s32 v50, $0x1  }
0x33: {  	v55 =	vld [tilespmem:$0x460];
	[tilespmem:$0xA40] =	vst v4;
	v4 =	vshra.s32 v51, $0x1  }
0x34: {  	[tilespmem:$0x650] =	vst v4;
	v4 =	vshra.s32 v5, $0x1;
	v5 =	vld [tilespmem:$0x70]  }
0x35: {  	v56 =	vld [tilespmem:$0x270];
	[tilespmem:$0x850] =	vst v4;
	v4 =	vshra.s32 v52, $0x1  }
0x36: {  	v57 =	vld [tilespmem:$0x470];
	[tilespmem:$0xA50] =	vst v4;
	v4 =	vshra.s32 v53, $0x1  }
0x37: {  	v58 =	vld [tilespmem:$0x80];
	[tilespmem:$0x660] =	vst v4;
	v4 =	vshra.s32 v54, $0x1  }
0x38: {  	v59 =	vld [tilespmem:$0x280];
	[tilespmem:$0x860] =	vst v4;
	v4 =	vshra.s32 v55, $0x1  }
0x39: {  	[tilespmem:$0xA60] =	vst v4;
	v4 =	vshra.s32 v5, $0x1;
	v5 =	vld [tilespmem:$0x480]  }
0x3a: {  	v60 =	vld [tilespmem:$0x90];
	[tilespmem:$0x670] =	vst v4;
	v4 =	vshra.s32 v56, $0x1  }
0x3b: {  	v61 =	vld [tilespmem:$0x290];
	[tilespmem:$0x870] =	vst v4;
	v4 =	vshra.s32 v57, $0x1  }
0x3c: {  	v62 =	vld [tilespmem:$0x490];
	[tilespmem:$0xA70] =	vst v4;
	v4 =	vshra.s32 v58, $0x1  }
0x3d: {  	v63 =	vld [tilespmem:$0xA0];
	[tilespmem:$0x680] =	vst v4;
	v4 =	vshra.s32 v59, $0x1  }
0x3e: {  	[tilespmem:$0x880] =	vst v4;
	v4 =	vshra.s32 v5, $0x1;
	v5 =	vld [tilespmem:$0x2A0]  }
0x3f: {  	v12 =	vld [tilespmem:$0x4A0];
	[tilespmem:$0xA80] =	vst v4;
	v4 =	vshra.s32 v60, $0x1  }
0x40: {  	v13 =	vld [tilespmem:$0xB0];
	[tilespmem:$0x690] =	vst v4;
	v4 =	vshra.s32 v61, $0x1  }
0x41: {  	v14 =	vld [tilespmem:$0x2B0];
	[tilespmem:$0x890] =	vst v4;
	v4 =	vshra.s32 v62, $0x1  }
0x42: {  	v15 =	vld [tilespmem:$0x4B0];
	[tilespmem:$0xA90] =	vst v4;
	v4 =	vshra.s32 v63, $0x1  }
0x43: {  	[tilespmem:$0x6A0] =	vst v4;
	v4 =	vshra.s32 v5, $0x1;
	v5 =	vld [tilespmem:$0xC0]  }
0x44: {  	v16 =	vld [tilespmem:$0x2C0];
	[tilespmem:$0x8A0] =	vst v4;
	v4 =	vshra.s32 v12, $0x1  }
0x45: {  	v17 =	vld [tilespmem:$0x4C0];
	[tilespmem:$0xAA0] =	vst v4;
	v4 =	vshra.s32 v13, $0x1  }
0x46: {  	v18 =	vld [tilespmem:$0xD0];
	[tilespmem:$0x6B0] =	vst v4;
	v4 =	vshra.s32 v14, $0x1  }
0x47: {  	v19 =	vld [tilespmem:$0x2D0];
	[tilespmem:$0x8B0] =	vst v4;
	v4 =	vshra.s32 v15, $0x1  }
0x48: {  	[tilespmem:$0xAB0] =	vst v4;
	v4 =	vshra.s32 v5, $0x1;
	v5 =	vld [tilespmem:$0x4D0]  }
0x49: {  	v20 =	vld [tilespmem:$0xE0];
	[tilespmem:$0x6C0] =	vst v4;
	v4 =	vshra.s32 v16, $0x1  }
0x4a: {  	v21 =	vld [tilespmem:$0x2E0];
	[tilespmem:$0x8C0] =	vst v4;
	v4 =	vshra.s32 v17, $0x1  }
0x4b: {  	v22 =	vld [tilespmem:$0x4E0];
	[tilespmem:$0xAC0] =	vst v4;
	v4 =	vshra.s32 v18, $0x1  }
0x4c: {  	v23 =	vld [tilespmem:$0xF0];
	[tilespmem:$0x6D0] =	vst v4;
	v4 =	vshra.s32 v19, $0x1  }
0x4d: {  	[tilespmem:$0x8D0] =	vst v4;
	v4 =	vshra.s32 v5, $0x1;
	v5 =	vld [tilespmem:$0x2F0]  }
0x4e: {  	v24 =	vld [tilespmem:$0x4F0];
	[tilespmem:$0xAD0] =	vst v4;
	v4 =	vshra.s32 v20, $0x1  }
0x4f: {  	v25 =	vld [tilespmem:$0x100];
	[tilespmem:$0x6E0] =	vst v4;
	v4 =	vshra.s32 v21, $0x1  }
0x50: {  	v26 =	vld [tilespmem:$0x300];
	[tilespmem:$0x8E0] =	vst v4;
	v4 =	vshra.s32 v22, $0x1  }
0x51: {  	v27 =	vld [tilespmem:$0x500];
	[tilespmem:$0xAE0] =	vst v4;
	v4 =	vshra.s32 v23, $0x1  }
0x52: {  	[tilespmem:$0x6F0] =	vst v4;
	v4 =	vshra.s32 v5, $0x1;
	v5 =	vld [tilespmem:$0x110]  }
0x53: {  	v28 =	vld [tilespmem:$0x310];
	[tilespmem:$0x8F0] =	vst v4;
	v4 =	vshra.s32 v24, $0x1  }
0x54: {  	v29 =	vld [tilespmem:$0x510];
	[tilespmem:$0xAF0] =	vst v4;
	v4 =	vshra.s32 v25, $0x1  }
0x55: {  	v30 =	vld [tilespmem:$0x120];
	[tilespmem:$0x700] =	vst v4;
	v4 =	vshra.s32 v26, $0x1  }
0x56: {  	v31 =	vld [tilespmem:$0x320];
	[tilespmem:$0x900] =	vst v4;
	v4 =	vshra.s32 v27, $0x1  }
0x57: {  	[tilespmem:$0xB00] =	vst v4;
	v4 =	vshra.s32 v5, $0x1;
	v5 =	vld [tilespmem:$0x520]  }
0x58: {  	v32 =	vld [tilespmem:$0x130];
	[tilespmem:$0x710] =	vst v4;
	v4 =	vshra.s32 v28, $0x1  }
0x59: {  	v33 =	vld [tilespmem:$0x330];
	[tilespmem:$0x910] =	vst v4;
	v4 =	vshra.s32 v29, $0x1  }
0x5a: {  	v34 =	vld [tilespmem:$0x530];
	[tilespmem:$0xB10] =	vst v4;
	v4 =	vshra.s32 v30, $0x1  }
0x5b: {  	v35 =	vld [tilespmem:$0x140];
	[tilespmem:$0x720] =	vst v4;
	v4 =	vshra.s32 v31, $0x1  }
0x5c: {  	[tilespmem:$0x920] =	vst v4;
	v4 =	vshra.s32 v5, $0x1;
	v5 =	vld [tilespmem:$0x340]  }
0x5d: {  	v36 =	vld [tilespmem:$0x540];
	[tilespmem:$0xB20] =	vst v4;
	v4 =	vshra.s32 v32, $0x1  }
0x5e: {  	v37 =	vld [tilespmem:$0x150];
	[tilespmem:$0x730] =	vst v4;
	v4 =	vshra.s32 v33, $0x1  }
0x5f: {  	v38 =	vld [tilespmem:$0x350];
	[tilespmem:$0x930] =	vst v4;
	v4 =	vshra.s32 v34, $0x1  }
0x60: {  	v39 =	vld [tilespmem:$0x550];
	[tilespmem:$0xB30] =	vst v4;
	v4 =	vshra.s32 v35, $0x1  }
0x61: {  	[tilespmem:$0x740] =	vst v4;
	v4 =	vshra.s32 v5, $0x1;
	v5 =	vld [tilespmem:$0x160]  }
0x62: {  	v40 =	vld [tilespmem:$0x360];
	[tilespmem:$0x940] =	vst v4;
	v4 =	vshra.s32 v36, $0x1  }
0x63: {  	v41 =	vld [tilespmem:$0x560];
	[tilespmem:$0xB40] =	vst v4;
	v4 =	vshra.s32 v37, $0x1  }
0x64: {  	v42 =	vld [tilespmem:$0x170];
	[tilespmem:$0x750] =	vst v4;
	v4 =	vshra.s32 v38, $0x1  }
0x65: {  	v43 =	vld [tilespmem:$0x370];
	[tilespmem:$0x950] =	vst v4;
	v4 =	vshra.s32 v39, $0x1  }
0x66: {  	[tilespmem:$0xB50] =	vst v4;
	v4 =	vshra.s32 v5, $0x1;
	v5 =	vld [tilespmem:$0x570]  }
0x67: {  	v44 =	vld [tilespmem:$0x180];
	[tilespmem:$0x760] =	vst v4;
	v4 =	vshra.s32 v40, $0x1  }
0x68: {  	v45 =	vld [tilespmem:$0x380];
	[tilespmem:$0x960] =	vst v4;
	v4 =	vshra.s32 v41, $0x1  }
0x69: {  	v46 =	vld [tilespmem:$0x580];
	[tilespmem:$0xB60] =	vst v4;
	v4 =	vshra.s32 v42, $0x1  }
0x6a: {  	v47 =	vld [tilespmem:$0x190];
	[tilespmem:$0x770] =	vst v4;
	v4 =	vshra.s32 v43, $0x1  }
0x6b: {  	[tilespmem:$0x970] =	vst v4;
	v4 =	vshra.s32 v5, $0x1;
	v5 =	vld [tilespmem:$0x390]  }
0x6c: {  	v48 =	vld [tilespmem:$0x590];
	[tilespmem:$0xB70] =	vst v4;
	v4 =	vshra.s32 v44, $0x1  }
0x6d: {  	v49 =	vld [tilespmem:$0x1A0];
	[tilespmem:$0x780] =	vst v4;
	v4 =	vshra.s32 v45, $0x1  }
0x6e: {  	v50 =	vld [tilespmem:$0x3A0];
	[tilespmem:$0x980] =	vst v4;
	v4 =	vshra.s32 v46, $0x1  }
0x6f: {  	v51 =	vld [tilespmem:$0x5A0];
	[tilespmem:$0xB80] =	vst v4;
	v4 =	vshra.s32 v47, $0x1  }
0x70: {  	[tilespmem:$0x790] =	vst v4;
	v4 =	vshra.s32 v5, $0x1;
	v5 =	vld [tilespmem:$0x1B0]  }
0x71: {  	v52 =	vld [tilespmem:$0x3B0];
	[tilespmem:$0x990] =	vst v4;
	v4 =	vshra.s32 v48, $0x1  }
0x72: {  	v53 =	vld [tilespmem:$0x5B0];
	[tilespmem:$0xB90] =	vst v4;
	v4 =	vshra.s32 v49, $0x1  }
0x73: {  	v54 =	vld [tilespmem:$0x1C0];
	[tilespmem:$0x7A0] =	vst v4;
	v4 =	vshra.s32 v50, $0x1  }
0x74: {  	v55 =	vld [tilespmem:$0x3C0];
	[tilespmem:$0x9A0] =	vst v4;
	v4 =	vshra.s32 v51, $0x1  }
0x75: {  	[tilespmem:$0xBA0] =	vst v4;
	v4 =	vshra.s32 v5, $0x1;
	v5 =	vld [tilespmem:$0x5C0]  }
0x76: {  	v56 =	vld [tilespmem:$0x1D0];
	[tilespmem:$0x7B0] =	vst v4;
	v4 =	vshra.s32 v52, $0x1  }
0x77: {  	v57 =	vld [tilespmem:$0x3D0];
	[tilespmem:$0x9B0] =	vst v4;
	v4 =	vshra.s32 v53, $0x1  }
0x78: {  	v58 =	vld [tilespmem:$0x5D0];
	[tilespmem:$0xBB0] =	vst v4;
	v4 =	vshra.s32 v54, $0x1  }
0x79: {  	v59 =	vld [tilespmem:$0x1E0];
	[tilespmem:$0x7C0] =	vst v4;
	v4 =	vshra.s32 v55, $0x1  }
0x7a: {  	[tilespmem:$0x9C0] =	vst v4;
	v4 =	vshra.s32 v5, $0x1;
	v5 =	vld [tilespmem:$0x3E0]  }
0x7b: {  	v60 =	vld [tilespmem:$0x5E0];
	[tilespmem:$0xBC0] =	vst v4;
	v4 =	vshra.s32 v56, $0x1  }
0x7c: {  	v61 =	vld [tilespmem:$0x1F0];
	[tilespmem:$0x7D0] =	vst v4;
	v4 =	vshra.s32 v57, $0x1  }
0x7d: {  	v62 =	vld [tilespmem:$0x3F0];
	[tilespmem:$0x9D0] =	vst v4;
	v4 =	vshra.s32 v58, $0x1  }
0x7e: {  	v63 =	vld [tilespmem:$0x5F0];
	[tilespmem:$0xBD0] =	vst v4;
	v4 =	vshra.s32 v59, $0x1  }
0x7f: {  	[tilespmem:$0x7E0] =	vst v4;
	v4 =	vshra.s32 v5, $0x1  }
0x80: {  	[tilespmem:$0x9E0] =	vst v4;
	v4 =	vshra.s32 v60, $0x1  }
0x81: {  	[tilespmem:$0xBE0] =	vst v4;
	v4 =	vshra.s32 v61, $0x1  }
0x82: {  	[tilespmem:$0x7F0] =	vst v4;
	v4 =	vshra.s32 v62, $0x1  }
0x83: {  	[tilespmem:$0x9F0] =	vst v4;
	v4 =	vshra.s32 v63, $0x1  }
0x84: {  	s25 =	simm.s32 $0x18C00;
	[tilespmem:$0xBF0] =	vst v4  }
0x85: {  	[tilespmem:s25], [sflag:$0x1] =	stream.indirect.gather [hbm4b:s1+s12], $0x1, s23, s12, $0xb8;
	[tilespmem:$0x19000] =	vst v63  }
0x86: {  	s0 =	simm.s32 $0x480;
	s3 =	simm.s32 $0x18C80  }
0x87: {  	[tilespmem:s3], [sflag:$0x1] =	stream.indirect.gather [hbm4b:s1+s12], $0x1, s0, s12, $0xb8;
	[tilespmem:$0x19000] =	vst v63  }
0x88: {  	s14 =	simm.s32 $0x500;
	s15 =	simm.s32 $0x18D00  }
0x89: {  	[tilespmem:s15], [sflag:$0x1] =	stream.indirect.gather [hbm4b:s1+s12], $0x1, s14, s12, $0xb8;
	[tilespmem:$0x19000] =	vst v63  }
0x8a: {  	s16 =	simm.s32 $0x580;
	s17 =	simm.s32 $0x18D80  }
0x8b: {  	[tilespmem:s17], [sflag:$0x1] =	stream.indirect.gather [hbm4b:s1+s12], $0x1, s16, s12, $0xb8;
	[tilespmem:$0x19000] =	vst v63  }
0x8c: {  	s3 =	simm.s32 $0x600  }
0x8d: {  	[tilespmem:s20], [sflag:$0x1] =	stream.indirect.gather [hbm4b:s4+s12], $0x80, s3, s12, $0xb8;
	[tilespmem:$0x19000] =	vst v63  }
0x8e: {  	s13 =	simm.s32 $0x800  }
0x8f: {  	[tilespmem:s22], [sflag:$0x1] =	stream.indirect.gather [hbm4b:s5+s12], $0x80, s13, s12, $0xb8;
	[tilespmem:$0x19000] =	vst v63  }
0x90: {  	s14 =	simm.s32 $0xA00  }
0x91: {  	[tilespmem:s24], [sflag:$0x1] =	stream.indirect.gather [hbm4b:s4+s12], $0x80, s14, s12, $0xb8;
	[tilespmem:$0x19000] =	vst v63  }
0x92: {  	s15 =	simm.s32 $0x680  }
0x93: {  	[tilespmem:s26], [sflag:$0x1] =	stream.indirect.gather [hbm4b:s4+s12], $0x80, s15, s12, $0xb8;
	[tilespmem:$0x19000] =	vst v63  }
0x94: {  	s16 =	simm.s32 $0x880  }
0x95: {  	[tilespmem:s29], [sflag:$0x1] =	stream.indirect.gather [hbm4b:s5+s12], $0x80, s16, s12, $0xb8;
	[tilespmem:$0x19000] =	vst v63  }
0x96: {  	s17 =	simm.s32 $0xA80  }
0x97: {  	[tilespmem:s31], [sflag:$0x1] =	stream.indirect.gather [hbm4b:s4+s12], $0x80, s17, s12, $0xb8;
	[tilespmem:$0x19000] =	vst v63  }
0x98: {  	_ =	swait.ge [sflag:s11], $0x4000  }
0x99: {  	[sflag:s11] =	ssyncset.done $0x0  }
0x9a: {  	[sflag:s11] =	ssyncadd.s32 $0xFFFFC000  }
0x9b: {  	_ =	swait.ge [sflag:s11], $0x4000  }
0x9c: {  	[sflag:s11] =	ssyncset.done $0x0  }
0x9d: {  	[sflag:s11] =	ssyncadd.s32 $0xFFFFC000  }
0x9e: {  	_ =	swait.ge [sflag:s11], $0x4000  }
0x9f: {  	[sflag:s11] =	ssyncset.done $0x0  }
0xa0: {  	[sflag:s11] =	ssyncadd.s32 $0xFFFFC000  }
0xa1: {  	_ =	swait.ge [sflag:s11], $0x4000  }
0xa2: {  	[sflag:s11] =	ssyncset.done $0x0  }
0xa3: {  	[sflag:s11] =	ssyncadd.s32 $0xFFFFC000  }
0xa4: {  	_ =	swait.ge [sflag:s11], $0x4000  }
0xa5: {  	[sflag:s11] =	ssyncset.done $0x0  }
0xa6: {  	[sflag:s11] =	ssyncadd.s32 $0xFFFFC000  }
0xa7: {  	_ =	swait.ge [sflag:s11], $0x4000  }
0xa8: {  	[sflag:s11] =	ssyncset.done $0x0  }
0xa9: {  	[sflag:s11] =	ssyncadd.s32 $0xFFFFC000  }
0xaa: {  	_ =	swait.ge [sflag:s11], $0x80  }
0xab: {  	[sflag:s11] =	ssyncset.done $0x0  }
0xac: {  	[sflag:s11] =	ssyncadd.s32 $0xFFFFFF80  }
0xad: {  	_ =	swait.ge [sflag:s11], $0x80  }
0xae: {  	[sflag:s11] =	ssyncset.done $0x0  }
0xaf: {  	[sflag:s11] =	ssyncadd.s32 $0xFFFFFF80  }
0xb0: {  	_ =	swait.ge [sflag:s11], $0x80  }
0xb1: {  	[sflag:s11] =	ssyncset.done $0x0  }
0xb2: {  	[sflag:s11] =	ssyncadd.s32 $0xFFFFFF80  }
0xb3: {  	_ =	swait.ge [sflag:s11], $0x80  }
0xb4: {  	s28 =	simm.s32 $0x18E00;
	[sflag:s11] =	ssyncset.done $0x0  }
0xb5: {  	s30 =	simm.s32 $0x0;
	s0 =	simm.s32 $0x0;
	[sflag:s11] =	ssyncadd.s32 $0xFFFFFF80  }
.LBB2_2:
0xb6: {  	v4 =	vld [tilespmem:s30+$0x0];
	_ =	sdelay $0x4  }
0xb7: {  	v4 =	vshll.u32 v4, $0x6  }
0xb8: {  	s3 =	sshra.s32 s0, $0x2;
	v4 =	vand.u32 $0x40, v4  }
0xb9: {  	v6 =	vadd.s32 s3, v4  }
0xba: {  	v5 =	vld [tilespmem:s21+$0x0];
	(v2sf) =	vpush v6, $0x1  }
0xbb: {  	v7 =	vld [tilespmem:s23+$0x0];
	_ =	sdelay $0x2  }
0xbc: {  	(v2sf) =	vpush v6, $0x0  }
0xbd: {  	v5 =	vshll.u32 v5, $0x6  }
0xbe: {  	v4 =	vand.u32 $0x40, v5;
	v5 =	vshll.u32 v7, $0x6  }
0xbf: {  	v7 =	vand.u32 $0x40, v5;
	v5 =	vadd.s32 s3, v4  }
0xc0: {  	(v2sf) =	vpush v5, $0x1;
	_ =	sdelay $0x3  }
0xc1: {  	(v2sf) =	vpush v5, $0x0  }
0xc2: {  	v4 =	vadd.s32 s3, v7  }
0xc3: {  	v4 =	vadd.s32 $0x10C00, v4  }
0xc4: {  	(v2sf) =	vpush v4, $0x1;
	s3 =	spop (v2sf)  }
0xc5: {  	v14 =	vld [tilespmem:s3+$0xC80]  }
0xc6: {  	v8 =	vld [tilespmem:s3+$0xC90]  }
0xc7: {  	v43 =	vld [tilespmem:s3+$0xCA0]  }
0xc8: {  	s13 =	spop (v2sf);
	v51 =	vld [tilespmem:s3+$0xCB0]  }
0xc9: {  	(v2sf) =	vpush v4, $0x0;
	v36 =	vld [tilespmem:s13+$0xC00]  }
0xca: {  	v13 =	vld [tilespmem:s13+$0xC10]  }
0xcb: {  	v26 =	vld [tilespmem:s13+$0xC20]  }
0xcc: {  	s14 =	spop (v2sf);
	v27 =	vld [tilespmem:s13+$0xC30]  }
0xcd: {  	(v2sf) =	vpush v6, $0x3;
	v11 =	vld [tilespmem:s14+$0x8C80]  }
0xce: {  	(v2sf) =	vpush v6, $0x2;
	v7 =	vld [tilespmem:s14+$0x8C90]  }
0xcf: {  	v34 =	vld [tilespmem:s14+$0x8CA0]  }
0xd0: {  	s15 =	spop (v2sf);
	v20 =	vld [tilespmem:s14+$0x8CB0]  }
0xd1: {  	(v2sf) =	vpush v5, $0x3;
	v19 =	vld [tilespmem:s15+$0x8C00]  }
0xd2: {  	(v2sf) =	vpush v5, $0x2;
	v10 =	vld [tilespmem:s15+$0x8C10]  }
0xd3: {  	s16 =	spop (v2sf);
	v17 =	vld [tilespmem:s15+$0x8C20];
	(v2sf) =	vpush v4, $0x3  }
0xd4: {  	v18 =	vld [tilespmem:s15+$0x8C30]  }
0xd5: {  	v38 =	vld [tilespmem:s16+$0x80]  }
0xd6: {  	v42 =	vld [tilespmem:s16+$0x90]  }
0xd7: {  	v48 =	vld [tilespmem:s16+$0xA0]  }
0xd8: {  	s17 =	spop (v2sf);
	v45 =	vld [tilespmem:s16+$0xB0]  }
0xd9: {  	v35 =	vld [tilespmem:s17+$0x0]  }
0xda: {  	v25 =	vld [tilespmem:s17+$0x10]  }
0xdb: {  	(v2sf) =	vpush v4, $0x2;
	v41 =	vld [tilespmem:s17+$0x20]  }
0xdc: {  	v44 =	vld [tilespmem:s17+$0x30];
	s13 =	spop (v2sf);
	(v2sf) =	vpush v6, $0x5  }
0xdd: {  	s3 =	spop (v2sf);
	(v2sf) =	vpush v6, $0x4;
	v30 =	vld [tilespmem:s13+$0xD80]  }
0xde: {  	v39 =	vld [tilespmem:s13+$0xD90]  }
0xdf: {  	v33 =	vld [tilespmem:s13+$0xDA0]  }
0xe0: {  	v53 =	vld [tilespmem:s13+$0xDB0];
	s14 =	spop (v2sf);
	(v2sf) =	vpush v5, $0x5  }
0xe1: {  	v21 =	vld [tilespmem:s3+$0xD00];
	s15 =	spop (v2sf);
	(v2sf) =	vpush v5, $0x4  }
0xe2: {  	v28 =	vld [tilespmem:s3+$0xD10];
	s16 =	spop (v2sf);
	(v2sf) =	vpush v4, $0x5  }
0xe3: {  	v23 =	vld [tilespmem:s3+$0xD20]  }
0xe4: {  	v16 =	vld [tilespmem:s3+$0xD30]  }
0xe5: {  	v24 =	vld [tilespmem:s14+$0x8D80]  }
0xe6: {  	v37 =	vld [tilespmem:s14+$0x8D90]  }
0xe7: {  	v31 =	vld [tilespmem:s14+$0x8DA0]  }
0xe8: {  	v52 =	vld [tilespmem:s14+$0x8DB0]  }
0xe9: {  	v12 =	vld [tilespmem:s15+$0x8D00]  }
0xea: {  	v22 =	vld [tilespmem:s15+$0x8D10];
	s17 =	spop (v2sf)  }
0xeb: {  	v15 =	vld [tilespmem:s15+$0x8D20];
	s3 =	spop (v2sf)  }
0xec: {  	v9 =	vld [tilespmem:s15+$0x8D30];
	s13 =	spop (v2sf)  }
0xed: {  	v62 =	vld [tilespmem:s13+$0xE30]  }
0xee: {  	v49 =	vld [tilespmem:s16+$0x180]  }
0xef: {  	v50 =	vld [tilespmem:s16+$0x190];
	s14 =	spop (v2sf)  }
0xf0: {  	v47 =	vld [tilespmem:s16+$0x1A0];
	s15 =	spop (v2sf)  }
0xf1: {  	v54 =	vld [tilespmem:s16+$0x1B0];
	s16 =	spop (v2sf)  }
0xf2: {  	[tilespmem:$0x1FD10] =	vst v62;
	v62 =	vld [tilespmem:s16+$0x290];
	_ =	sdelay $0x2  }
0xf3: {  	(v2sf) =	vpush v4, $0x4;
	_ =	sdelay $0x1  }
0xf4: {  	[tilespmem:$0x1FD50] =	vst v62;
	v62 =	vld [tilespmem:s3+$0xEA0];
	_ =	sdelay $0x4  }
0xf5: {  	[tilespmem:$0x1FD60] =	vst v62;
	v62 =	vld [tilespmem:s14+$0x8EA0];
	_ =	sdelay $0x3  }
0xf6: {  	v32 =	vld [tilespmem:s17+$0x100]  }
0xf7: {  	[tilespmem:$0x1FD70] =	vst v62;
	v62 =	vld [tilespmem:s16+$0x2A0]  }
0xf8: {  	v46 =	vld [tilespmem:s17+$0x110]  }
0xf9: {  	v40 =	vld [tilespmem:s17+$0x120]  }
0xfa: {  	v29 =	vld [tilespmem:s17+$0x130];
	(v2sf) =	vpush v6, $0x7;
	s17 =	spop (v2sf)  }
0xfb: {  	(v2sf) =	vpush v6, $0x6;
	v60 =	vld [tilespmem:s17+$0x200]  }
0xfc: {  	[tilespmem:$0x1FD90] =	vst v62;
	v62 =	vld [tilespmem:s3+$0xEB0]  }
0xfd: {  	v55 =	vld [tilespmem:s13+$0xE00]  }
0xfe: {  	v58 =	vld [tilespmem:s13+$0xE10]  }
0xff: {  	v59 =	vld [tilespmem:s13+$0xE20];
	(v2sf) =	vpush v5, $0x7  }
0x100: {  	(v2sf) =	vpush v5, $0x6;
	[tilespmem:$0x1FCE0] =	vst v60;
	v60 =	vld [tilespmem:s15+$0x8E30]  }
0x101: {  	[tilespmem:$0x1FDA0] =	vst v62;
	v62 =	vld [tilespmem:s14+$0x8EB0]  }
0x102: {  	v63 =	vld [tilespmem:s15+$0x8E00]  }
0x103: {  	v56 =	vld [tilespmem:s15+$0x8E10]  }
0x104: {  	(v2sf) =	vpush v4, $0x7;
	v61 =	vld [tilespmem:s17+$0x210]  }
0x105: {  	(v2sf) =	vpush v4, $0x6;
	[tilespmem:$0x1FD20] =	vst v60;
	v60 =	vld [tilespmem:s16+$0x280]  }
0x106: {  	[tilespmem:$0x1FDB0] =	vst v62;
	v62 =	vld [tilespmem:s16+$0x2B0]  }
0x107: {  	v57 =	vld [tilespmem:s17+$0x220]  }
0x108: {  	[tilespmem:$0x1FCD0] =	vst v55;
	v55 =	vld [tilespmem:s15+$0x8E20]  }
0x109: {  	[tilespmem:$0x1FCF0] =	vst v61;
	v61 =	vld [tilespmem:s17+$0x230];
	s13 =	spop (v2sf)  }
0x10a: {  	s15 =	spop (v2sf);
	[tilespmem:$0x1FD40] =	vst v60;
	v60 =	vld [tilespmem:s3+$0xE90]  }
0x10b: {  	[tilespmem:$0x1FDC0] =	vst v62;
	v62 =	vld [tilespmem:s15+$0xF00];
	_ =	sdelay $0x1  }
0x10c: {  	[tilespmem:$0x1FD00] =	vst v57;
	v57 =	vld [tilespmem:s14+$0x8E80]  }
0x10d: {  	[tilespmem:$0x1FD80] =	vst v61;
	v61 =	vld [tilespmem:s3+$0xE80];
	s3 =	spop (v2sf)  }
0x10e: {  	[tilespmem:$0x1FD30] =	vst v60;
	v60 =	vld [tilespmem:s14+$0x8E90];
	s14 =	spop (v2sf)  }
0x10f: {  	[tilespmem:$0x1FDD0] =	vst v62;
	v62 =	vld [tilespmem:s14+$0x8F00];
	_ =	sdelay $0x2  }
0x110: {  	s17 =	spop (v2sf)  }
0x111: {  	s16 =	spop (v2sf)  }
0x112: {  	[tilespmem:$0x1FDE0] =	vst v62;
	v62 =	vld [tilespmem:s16+$0x300];
	_ =	sdelay $0x4  }
0x113: {  	[tilespmem:$0x1FE10] =	vst v62;
	v62 =	vld [tilespmem:s15+$0xF10];
	_ =	sdelay $0x4  }
0x114: {  	[tilespmem:$0x1FDF0] =	vst v62;
	v62 =	vld [tilespmem:s14+$0x8F10];
	_ =	sdelay $0x4  }
0x115: {  	[tilespmem:$0x1FE00] =	vst v62;
	v62 =	vld [tilespmem:s16+$0x310];
	_ =	sdelay $0x4  }
0x116: {  	[tilespmem:$0x1FE20] =	vst v62;
	v62 =	vld [tilespmem:s15+$0xF20];
	_ =	sdelay $0x4  }
0x117: {  	[tilespmem:$0x1FE70] =	vst v62;
	v62 =	vld [tilespmem:s14+$0x8F20];
	_ =	sdelay $0x4  }
0x118: {  	[tilespmem:$0x1FE80] =	vst v62;
	v62 =	vld [tilespmem:s16+$0x320];
	_ =	sdelay $0x4  }
0x119: {  	[tilespmem:$0x1FED0] =	vst v62;
	v62 =	vld [tilespmem:s15+$0xF30];
	_ =	sdelay $0x4  }
0x11a: {  	[tilespmem:$0x1FEE0] =	vst v62;
	v62 =	vld [tilespmem:s14+$0x8F30];
	_ =	sdelay $0x4  }
0x11b: {  	[tilespmem:$0x1FEF0] =	vst v62;
	v62 =	vld [tilespmem:s16+$0x330];
	_ =	sdelay $0x4  }
0x11c: {  	[tilespmem:$0x1FF10] =	vst v62;
	v62 =	vld [tilespmem:s13+$0xF80];
	_ =	sdelay $0x4  }
0x11d: {  	[tilespmem:$0x1FE30] =	vst v62;
	v62 =	vld [tilespmem:s3+$0x8F80];
	_ =	sdelay $0x4  }
0x11e: {  	[tilespmem:$0x1FE40] =	vst v62;
	v62 =	vld [tilespmem:s17+$0x380];
	_ =	sdelay $0x4  }
0x11f: {  	[tilespmem:$0x1FE90] =	vst v62;
	v62 =	vld [tilespmem:s13+$0xF90];
	_ =	sdelay $0x4  }
0x120: {  	[tilespmem:$0x1FE50] =	vst v62;
	v62 =	vld [tilespmem:s3+$0x8F90];
	_ =	sdelay $0x4  }
0x121: {  	[tilespmem:$0x1FE60] =	vst v62;
	v62 =	vld [tilespmem:s17+$0x390];
	_ =	sdelay $0x4  }
0x122: {  	[tilespmem:$0x1FEA0] =	vst v62;
	v62 =	vld [tilespmem:s13+$0xFA0];
	_ =	sdelay $0x4  }
0x123: {  	[tilespmem:$0x1FEB0] =	vst v62;
	v62 =	vld [tilespmem:s3+$0x8FA0];
	_ =	sdelay $0x4  }
0x124: {  	[tilespmem:$0x1FEC0] =	vst v62;
	v62 =	vld [tilespmem:s17+$0x3A0]  }
0x125: {  	(v2sf) =	vpush v6, $0x9  }
0x126: {  	(v2sf) =	vpush v6, $0x8;
	_ =	sdelay $0x2  }
0x127: {  	(v2sf) =	vpush v5, $0x9;
	[tilespmem:$0x1FF00] =	vst v62;
	v62 =	vld [tilespmem:s13+$0xFB0]  }
0x128: {  	(v2sf) =	vpush v5, $0x8  }
0x129: {  	(v2sf) =	vpush v4, $0x9  }
0x12a: {  	(v2sf) =	vpush v4, $0x8;
	_ =	sdelay $0x1  }
0x12b: {  	[tilespmem:$0x1FF20] =	vst v62;
	v62 =	vld [tilespmem:s3+$0x8FB0];
	_ =	sdelay $0x4  }
0x12c: {  	[tilespmem:$0x1FF30] =	vst v62;
	v62 =	vld [tilespmem:s17+$0x3B0]  }
0x12d: {  	v10 =	vmul.f32 v10, v13;
	s14 =	spop (v2sf)  }
0x12e: {  	s15 =	spop (v2sf)  }
0x12f: {  	v10 =	vmul.f32 v25, v10;
	v25 =	vld [tilespmem:s15+$0x1010]  }
0x130: {  	v11 =	vmul.f32 v11, v14  }
0x131: {  	v7 =	vmul.f32 v7, v8;
	s16 =	spop (v2sf);
	[tilespmem:$0x1FF60] =	vst v62;
	v62 =	vld [tilespmem:s15+$0x1000]  }
0x132: {  	v11 =	vmul.f32 v38, v11;
	v38 =	vmul.f32 v12, v21;
	v12 =	vld [tilespmem:s14+$0x10A0];
	s13 =	spop (v2sf)  }
0x133: {  	v7 =	vmul.f32 v42, v7;
	v42 =	vld [tilespmem:s15+$0x1030];
	s3 =	spop (v2sf)  }
0x134: {  	[tilespmem:$0x1FF70] =	vst v25;
	v25 =	vld [tilespmem:s15+$0x1020];
	s17 =	spop (v2sf)  }
0x135: {  	v19 =	vmul.f32 v19, v36;
	(v2sf) =	vpush v6, $0xB;
	v36 =	vld [tilespmem:s17+$0x400]  }
0x136: {  	(v2sf) =	vpush v6, $0xA;
	[tilespmem:$0x1FF40] =	vst v62;
	v62 =	vld [tilespmem:s13+$0x9000]  }
0x137: {  	v34 =	vmul.f32 v34, v43;
	v43 =	vld [tilespmem:s17+$0x430]  }
0x138: {  	v17 =	vmul.f32 v17, v26;
	v26 =	vld [tilespmem:s13+$0x9010]  }
0x139: {  	v14 =	vld [tilespmem:s3+$0x490]  }
0x13a: {  	v7 =	vadd.f32 v7, v11;
	v11 =	vld [tilespmem:s3+$0x4A0];
	[tilespmem:$0x1FF90] =	vst v36  }
0x13b: {  	v36 =	vmul.f32 v41, v17;
	v41 =	vld [tilespmem:s13+$0x9020];
	[tilespmem:$0x1FF50] =	vst v62;
	v62 =	vmul.f32 v35, v19  }
0x13c: {  	[tilespmem:$0x1FFC0] =	vst v43;
	v43 =	vld [tilespmem:s14+$0x1090]  }
0x13d: {  	v35 =	vld [tilespmem:s17+$0x410];
	v10 =	vadd.f32 v10, v62  }
0x13e: {  	v19 =	vld [tilespmem:s16+$0x9080];
	v62 =	vmul.f32 v18, v27  }
0x13f: {  	[tilespmem:$0x1FF80] =	vst v26;
	v18 =	vmul.f32 v15, v23;
	v26 =	vadd.f32 v36, v10;
	v36 =	vld [tilespmem:s17+$0x420]  }
0x140: {  	v27 =	vmul.f32 v44, v62;
	v44 =	vmul.f32 v48, v34;
	v34 =	vld [tilespmem:s14+$0x1080]  }
0x141: {  	v62 =	vmul.f32 v22, v28;
	v22 =	vmul.f32 v40, v18;
	v40 =	vld [tilespmem:s16+$0x9090]  }
0x142: {  	(v2sf) =	vpush v5, $0xB;
	v10 =	vmul.f32 v32, v38;
	v38 =	vmul.f32 v52, v53;
	v53 =	vld [tilespmem:$0x1FCD0]  }
0x143: {  	(v2sf) =	vpush v5, $0xA;
	[tilespmem:$0x1FFB0] =	vst v35;
	v35 =	vmul.f32 v20, v51;
	v51 =	vld [tilespmem:s13+$0x9030]  }
0x144: {  	v9 =	vmul.f32 v9, v16;
	(v2sf) =	vpush v4, $0xB;
	s13 =	spop (v2sf);
	v13 =	vmul.f32 v46, v62;
	v62 =	vld [tilespmem:$0x1FD00]  }
0x145: {  	(v2sf) =	vpush v4, $0xA;
	v23 =	vmul.f32 v24, v30;
	s17 =	spop (v2sf);
	v48 =	vmul.f32 v45, v35;
	v35 =	vld [tilespmem:s3+$0x480]  }
0x146: {  	v9 =	vmul.f32 v29, v9;
	v7 =	vadd.f32 v44, v7;
	v44 =	vld [tilespmem:s17+$0x1100]  }
0x147: {  	v29 =	vmul.f32 v49, v23;
	v8 =	vadd.f32 v27, v26;
	v26 =	vmul.f32 v37, v39;
	v18 =	vld [tilespmem:s17+$0x1110]  }
0x148: {  	v45 =	vmul.f32 v54, v38;
	v54 =	vmul.f32 v56, v58;
	v58 =	vld [tilespmem:$0x1FCE0];
	v10 =	vadd.f32 v13, v10  }
0x149: {  	v56 =	vmul.f32 v55, v59;
	v59 =	vld [tilespmem:$0x1FCF0];
	v20 =	vperm.xlane v8, v0  }
0x14a: {  	v27 =	vmul.f32 v31, v33;
	v31 =	vmul.f32 v50, v26;
	v26 =	vld [tilespmem:s17+$0x1120];
	v10 =	vadd.f32 v22, v10  }
0x14b: {  	v21 =	vadd.f32 v8, v20;
	v8 =	vld [tilespmem:s16+$0x90A0]  }
0x14c: {  	v32 =	vmul.f32 v47, v27;
	v16 =	vadd.f32 v31, v29;
	v30 =	vadd.f32 v9, v10;
	v10 =	vld [tilespmem:s14+$0x10B0]  }
0x14d: {  	v9 =	vld [tilespmem:s3+$0x4B0]  }
0x14e: {  	v7 =	vadd.f32 v48, v7;
	v16 =	vadd.f32 v32, v16;
	v32 =	vld [tilespmem:$0x1FD10]  }
0x14f: {  	[tilespmem:$0x1FFD0] =	vst v44;
	v44 =	vld [tilespmem:$0x1FD30]  }
0x150: {  	[tilespmem:$0x1FFA0] =	vst v25;
	v25 =	vperm.xlane v7, v0;
	v23 =	vmul.f32 v59, v54;
	v59 =	vld [tilespmem:s13+$0x1180]  }
0x151: {  	s15 =	spop (v2sf);
	v54 =	vld [tilespmem:$0x1FD90]  }
0x152: {  	v24 =	vperm.xlane v21, v1;
	s14 =	spop (v2sf);
	v28 =	vadd.f32 v7, v25;
	v7 =	vld [tilespmem:s16+$0x90B0]  }
0x153: {  	(v2sf) =	vpush v6, $0xD;
	s16 =	spop (v2sf);
	v38 =	vld [tilespmem:s14+$0x9110]  }
0x154: {  	v13 =	vadd.f32 v21, v24;
	s3 =	spop (v2sf);
	v24 =	vmul.f32 v62, v56;
	v56 =	vld [tilespmem:$0x1FDA0]  }
0x155: {  	v48 =	vld [tilespmem:s3+$0x500]  }
0x156: {  	v52 =	vld [tilespmem:s3+$0x510]  }
0x157: {  	(v2sf) =	vpush v6, $0xC;
	v39 =	vperm.xlane v30, v0;
	v21 =	vld [tilespmem:s3+$0x520]  }
0x158: {  	v62 =	vld [tilespmem:s3+$0x530]  }
0x159: {  	(v2sf) =	vpush v5, $0xD;
	v37 =	vperm.xlane v28, v1;
	v20 =	vadd.f32 v30, v39;
	v30 =	vld [tilespmem:s17+$0x1130]  }
0x15a: {  	v16 =	vadd.f32 v45, v16;
	v39 =	vmul.f32 v57, v61;
	v57 =	vld [tilespmem:s15+$0x9180]  }
0x15b: {  	v33 =	vperm.xlane v13, v2;
	v15 =	vadd.f32 v28, v37;
	v28 =	vld [tilespmem:s14+$0x9100]  }
0x15c: {  	v50 =	vperm.xlane v16, v0;
	v37 =	vld [tilespmem:$0x1FD20]  }
0x15d: {  	v13 =	vadd.f32 v13, v33;
	v33 =	vld [tilespmem:s14+$0x9120]  }
0x15e: {  	v49 =	vperm.xlane v20, v1;
	v16 =	vadd.f32 v16, v50;
	v50 =	vld [tilespmem:$0x1FD70]  }
0x15f: {  	[tilespmem:$0x1FFE0] =	vst v48;
	v48 =	vld [tilespmem:$0x1FD50]  }
0x160: {  	v47 =	vperm.xlane v15, v2;
	v17 =	vadd.f32 v20, v49;
	v49 =	vld [tilespmem:$0x1FD60]  }
0x161: {  	v19 =	vmul.f32 v19, v34;
	v20 =	vmul.f32 v63, v53;
	v53 =	vld [tilespmem:$0x1FD80]  }
0x162: {  	v46 =	vperm.xlane v13, v3;
	s3 =	spop (v2sf);
	v22 =	vadd.f32 v15, v47;
	v15 =	vld [tilespmem:s14+$0x9130]  }
0x163: {  	(v2sf) =	vpush v5, $0xC;
	v19 =	vmul.f32 v35, v19;
	v35 =	vld [tilespmem:s3+$0x1280]  }
0x164: {  	(v2sf) =	vpush v4, $0xD;
	v13 =	vadd.f32 v13, v46;
	v46 =	vld [tilespmem:$0x1FD40]  }
0x165: {  	(v2sf) =	vpush v4, $0xC;
	v27 =	vmul.f32 v37, v32;
	v37 =	vld [tilespmem:s16+$0x580]  }
0x166: {  	(v2sf) =	vpush v6, $0xF;
	v47 =	vperm.xlane v16, v1;
	s17 =	spop (v2sf);
	v20 =	vmul.f32 v58, v20;
	v58 =	vld [tilespmem:$0x1FDB0]  }
0x167: {  	v8 =	vmul.f32 v8, v12;
	(v2sf) =	vpush v6, $0xE;
	v6 =	vld [tilespmem:s17+$0x1220]  }
0x168: {  	v7 =	vmul.f32 v7, v10;
	s14 =	spop (v2sf);
	v29 =	vadd.f32 v16, v47;
	v16 =	vld [tilespmem:s16+$0x590]  }
0x169: {  	v8 =	vmul.f32 v11, v8;
	v63 =	vperm.xlane v22, v3;
	v11 =	vld [tilespmem:s14+$0x9280]  }
0x16a: {  	v7 =	vmul.f32 v9, v7;
	v9 =	vld [tilespmem:s14+$0x9290];
	v20 =	vadd.f32 v23, v20  }
0x16b: {  	v25 =	vadd.f32 v22, v63;
	v31 =	vmul.f32 v50, v49;
	v50 =	vld [tilespmem:$0x1FDD0]  }
0x16c: {  	[tilespmem:$0x1FFF0] =	vst v52;
	v52 =	vadd.f32 v24, v20;
	v20 =	vmul.f32 v53, v27;
	v53 =	vld [tilespmem:$0x1FDF0]  }
0x16d: {  	v25 =	vsel vm0, v13, v25;
	v13 =	vld [tilespmem:s15+$0x9190]  }
0x16e: {  	v45 =	vperm.xlane v17, v2;
	v23 =	vmul.f32 v46, v39;
	v46 =	vld [tilespmem:$0x1FDC0]  }
0x16f: {  	v61 =	vperm.xlane v29, v2;
	v55 =	vmul.f32 v54, v31;
	v54 =	vld [tilespmem:$0x1FE00]  }
0x170: {  	v17 =	vadd.f32 v17, v45;
	v27 =	vmul.f32 v58, v56;
	v58 =	vld [tilespmem:$0x1FE10]  }
0x171: {  	v49 =	vadd.f32 v29, v61;
	v61 =	vld [tilespmem:$0x1FE20]  }
0x172: {  	v22 =	vmul.f32 v60, v44;
	v60 =	vperm.xlane v17, v3;
	v31 =	vld [tilespmem:s15+$0x91B0]  }
0x173: {  	v63 =	vadd.f32 v20, v52;
	v52 =	vld [tilespmem:$0x1FDE0]  }
0x174: {  	v22 =	vmul.f32 v48, v22;
	v48 =	vadd.f32 v17, v60;
	v17 =	vld [tilespmem:s13+$0x11A0]  }
0x175: {  	v20 =	vld [tilespmem:s16+$0x5A0]  }
0x176: {  	v23 =	vadd.f32 v22, v23;
	v22 =	vld [tilespmem:s13+$0x1190]  }
0x177: {  	v24 =	vsel vm1, v25, v48;
	v25 =	vld [tilespmem:s13+$0x11B0]  }
0x178: {  	v60 =	vperm.xlane v49, v3;
	v45 =	vadd.f32 v55, v23;
	v23 =	vld [tilespmem:s15+$0x91A0];
	v47 =	vmul.f32 v46, v27  }
0x179: {  	v55 =	vmul.f32 v54, v53;
	v53 =	vld [tilespmem:$0x1FE40]  }
0x17a: {  	v56 =	vperm.xlane v63, v0;
	v32 =	vadd.f32 v47, v45;
	v45 =	vadd.f32 v49, v60;
	v60 =	vld [tilespmem:$0x1FE70]  }
0x17b: {  	v44 =	vmul.f32 v61, v55;
	v61 =	vld [tilespmem:$0x1FE80]  }
0x17c: {  	(v2sf) =	vpush v5, $0xF;
	v39 =	vadd.f32 v63, v56;
	v56 =	vld [tilespmem:$0x1FE60]  }
0x17d: {  	s13 =	spop (v2sf);
	(v2sf) =	vpush v5, $0xE;
	v27 =	vld [tilespmem:s16+$0x5B0]  }
0x17e: {  	s15 =	spop (v2sf);
	(v2sf) =	vpush v4, $0xF;
	v29 =	vmul.f32 v52, v50;
	v52 =	vld [tilespmem:$0x1FE30];
	v63 =	vperm.xlane v32, v0  }
0x17f: {  	s16 =	spop (v2sf);
	(v2sf) =	vpush v4, $0xE;
	v4 =	vld [tilespmem:s13+$0x9230]  }
0x180: {  	v46 =	vadd.f32 v32, v63;
	v63 =	vmul.f32 v61, v60;
	v60 =	vld [tilespmem:$0x1FED0]  }
0x181: {  	v10 =	vld [tilespmem:s15+$0x680]  }
0x182: {  	v55 =	vld [tilespmem:$0x1FE50]  }
0x183: {  	v54 =	vmul.f32 v53, v52;
	v53 =	vld [tilespmem:$0x1FE90]  }
0x184: {  	v61 =	vld [tilespmem:$0x1FEE0]  }
0x185: {  	v49 =	vmul.f32 v60, v63;
	v63 =	vld [tilespmem:$0x1FEF0]  }
0x186: {  	v5 =	vld [tilespmem:s16+$0x620]  }
0x187: {  	v12 =	vld [tilespmem:s16+$0x630]  }
0x188: {  	v29 =	vmul.f32 v58, v29;
	v58 =	vmul.f32 v56, v55;
	v55 =	vld [tilespmem:$0x1FEB0]  }
0x189: {  	v60 =	vld [tilespmem:$0x1FF20]  }
0x18a: {  	v50 =	vsel vm2, v24, v45;
	v45 =	vmul.f32 v53, v54;
	v53 =	vmul.f32 v63, v61;
	v61 =	vld [tilespmem:$0x1FF30]  }
0x18b: {  	v54 =	vld [tilespmem:$0x1FEA0]  }
0x18c: {  	v56 =	vld [tilespmem:$0x1FEC0]  }
0x18d: {  	v24 =	vld [tilespmem:s17+$0x1200]  }
0x18e: {  	v44 =	vadd.f32 v44, v29;
	v29 =	vld [tilespmem:s16+$0x600]  }
0x18f: {  	v52 =	vperm.xlane v39, v1;
	v63 =	vmul.f32 v61, v60;
	v60 =	vld [tilespmem:$0x1FF60]  }
0x190: {  	v32 =	vld [tilespmem:s13+$0x9200];
	v47 =	vmul.f32 v54, v58;
	v58 =	vperm.xlane v46, v1  }
0x191: {  	v48 =	vadd.f32 v39, v52;
	v39 =	vmul.f32 v56, v55;
	v56 =	vld [tilespmem:$0x1FF00]  }
0x192: {  	v46 =	vadd.f32 v46, v58;
	v58 =	vld [tilespmem:$0x1FF10]  }
0x193: {  	v61 =	vld [tilespmem:$0x1FF70]  }
0x194: {  	v54 =	vmul.f32 v60, v63;
	v63 =	vld [tilespmem:$0x1FF80]  }
0x195: {  	v49 =	vadd.f32 v49, v44;
	v44 =	vld [tilespmem:s16+$0x610]  }
0x196: {  	v52 =	vmul.f32 v56, v39;
	v56 =	vld [tilespmem:$0x1FF40]  }
0x197: {  	v53 =	vmul.f32 v58, v53;
	v58 =	vld [tilespmem:$0x1FF50]  }
0x198: {  	v47 =	vadd.f32 v47, v45;
	v45 =	vld [tilespmem:s13+$0x9210]  }
0x199: {  	v55 =	vmul.f32 v63, v61;
	v61 =	vld [tilespmem:$0x1FFA0]  }
0x19a: {  	v26 =	vmul.f32 v33, v26;
	v60 =	vld [tilespmem:$0x1FF90]  }
0x19b: {  	v18 =	vmul.f32 v38, v18;
	v15 =	vmul.f32 v15, v30;
	v63 =	vld [tilespmem:$0x1FFB0]  }
0x19c: {  	v21 =	vmul.f32 v21, v26;
	v47 =	vadd.f32 v52, v47;
	v52 =	vmul.f32 v58, v56;
	v56 =	vld [tilespmem:s13+$0x9220];
	s13 =	spop (v2sf)  }
0x19d: {  	v15 =	vmul.f32 v62, v15;
	v13 =	vmul.f32 v13, v22;
	v39 =	vld [tilespmem:s17+$0x1210];
	s16 =	spop (v2sf)  }
0x19e: {  	v17 =	vmul.f32 v23, v17;
	v33 =	vld [tilespmem:s16+$0x1310];
	v41 =	vmul.f32 v41, v61  }
0x19f: {  	v13 =	vmul.f32 v16, v13;
	v26 =	vld [tilespmem:s16+$0x1320];
	v52 =	vmul.f32 v60, v52  }
0x1a0: {  	v23 =	vld [tilespmem:s16+$0x1330];
	v55 =	vmul.f32 v63, v55;
	v34 =	vmul.f32 v36, v41  }
0x1a1: {  	v36 =	vmul.f32 v51, v42;
	v41 =	vld [tilespmem:s17+$0x1230];
	v51 =	vmul.f32 v40, v43  }
0x1a2: {  	v58 =	vadd.f32 v54, v47;
	v60 =	vperm.xlane v46, v2;
	v40 =	vadd.f32 v53, v49;
	v53 =	vld [tilespmem:$0x1FFC0]  }
0x1a3: {  	v17 =	vmul.f32 v20, v17;
	v61 =	vadd.f32 v55, v52;
	v49 =	vld [tilespmem:s3+$0x1290];
	v14 =	vmul.f32 v14, v51  }
0x1a4: {  	v52 =	vperm.xlane v58, v0;
	v43 =	vadd.f32 v46, v60;
	v46 =	vld [tilespmem:s14+$0x92B0];
	v63 =	vperm.xlane v40, v0  }
0x1a5: {  	v42 =	vperm.xlane v48, v2;
	v34 =	vadd.f32 v34, v61;
	v51 =	vld [tilespmem:s16+$0x1300];
	v14 =	vadd.f32 v14, v19  }
0x1a6: {  	v6 =	vmul.f32 v56, v6;
	v40 =	vadd.f32 v40, v63;
	v19 =	vadd.f32 v58, v52;
	v52 =	vld [tilespmem:s15+$0x6A0]  }
0x1a7: {  	v36 =	vmul.f32 v53, v36;
	v8 =	vadd.f32 v8, v14;
	v14 =	vadd.f32 v48, v42;
	v48 =	vld [tilespmem:s14+$0x92A0]  }
0x1a8: {  	v5 =	vmul.f32 v5, v6;
	v61 =	vperm.xlane v43, v3;
	v42 =	vld [tilespmem:s3+$0x12B0]  }
0x1a9: {  	v54 =	vperm.xlane v40, v1;
	v55 =	vperm.xlane v19, v1;
	v34 =	vadd.f32 v36, v34;
	v36 =	vld [tilespmem:s15+$0x690]  }
0x1aa: {  	v4 =	vmul.f32 v4, v41;
	v7 =	vadd.f32 v7, v8;
	v8 =	vld [tilespmem:s3+$0x12A0];
	v58 =	vperm.xlane v14, v3;
	s3 =	spop (v2sf)  }
0x1ab: {  	v40 =	vadd.f32 v40, v54;
	v19 =	vadd.f32 v19, v55;
	v55 =	vld [tilespmem:$0x1FFE0];
	v60 =	vperm.xlane v34, v0;
	s17 =	spop (v2sf)  }
0x1ac: {  	v43 =	vadd.f32 v43, v61;
	v9 =	vmul.f32 v9, v49;
	v63 =	vperm.xlane v7, v0;
	v53 =	vld [tilespmem:s17+$0x9300]  }
0x1ad: {  	v14 =	vadd.f32 v14, v58;
	v58 =	vperm.xlane v40, v2;
	s14 =	spop (v2sf);
	v30 =	vld [tilespmem:s17+$0x9310];
	v34 =	vadd.f32 v34, v60  }
0x1ae: {  	v4 =	vmul.f32 v12, v4;
	v60 =	vperm.xlane v19, v2;
	v49 =	vld [tilespmem:s14+$0x790];
	v7 =	vadd.f32 v7, v63  }
0x1af: {  	v14 =	vsel vm3, v50, v14;
	v40 =	vadd.f32 v40, v58;
	v50 =	vld [tilespmem:s15+$0x6B0];
	v61 =	vperm.xlane v34, v1  }
0x1b0: {  	v56 =	vmul.f32 v46, v42;
	s15 =	spop (v2sf);
	v9 =	vmul.f32 v36, v9;
	v19 =	vadd.f32 v19, v60;
	v60 =	vld [tilespmem:$0x1FFD0]  }
0x1b1: {  	v38 =	vld [tilespmem:s15+$0x700];
	v63 =	vperm.xlane v7, v1;
	v58 =	vperm.xlane v40, v3;
	v34 =	vadd.f32 v34, v61  }
0x1b2: {  	v14 =	vsel vm4, v14, v43;
	v47 =	vld [tilespmem:s15+$0x710];
	v8 =	vmul.f32 v48, v8;
	v61 =	vperm.xlane v19, v3  }
0x1b3: {  	v22 =	vld [tilespmem:s15+$0x720];
	v7 =	vadd.f32 v7, v63;
	v40 =	vadd.f32 v40, v58;
	v63 =	vperm.xlane v34, v2  }
0x1b4: {  	v43 =	vld [tilespmem:s13+$0x1390];
	v8 =	vmul.f32 v52, v8;
	v19 =	vadd.f32 v19, v61;
	v61 =	vmul.f32 v57, v59  }
0x1b5: {  	v58 =	vld [tilespmem:$0x1FFF0];
	v54 =	vperm.xlane v7, v2;
	v14 =	vsel vm5, v14, v40;
	v34 =	vadd.f32 v34, v63  }
0x1b6: {  	v57 =	vld [tilespmem:s3+$0x93A0];
	v28 =	vmul.f32 v28, v60;
	v14 =	vsel vm6, v14, v19;
	v37 =	vmul.f32 v37, v61  }
0x1b7: {  	v63 =	vmul.f32 v31, v25;
	v19 =	vld [tilespmem:s17+$0x9330];
	v7 =	vadd.f32 v7, v54;
	v60 =	vperm.xlane v34, v3  }
0x1b8: {  	v31 =	vmul.f32 v32, v24;
	v24 =	vld [tilespmem:s13+$0x1380];
	v61 =	vmul.f32 v30, v33  }
0x1b9: {  	v30 =	vld [tilespmem:s3+$0x93B0];
	v28 =	vmul.f32 v55, v28;
	v62 =	vperm.xlane v7, v3;
	v34 =	vadd.f32 v34, v60  }
0x1ba: {  	v55 =	vld [tilespmem:s13+$0x13A0];
	v18 =	vmul.f32 v58, v18;
	v32 =	vmul.f32 v27, v63  }
0x1bb: {  	v7 =	vadd.f32 v7, v62;
	v62 =	vld [tilespmem:s13+$0x13B0];
	v14 =	vsel vm7, v14, v34;
	v34 =	vmul.f32 v45, v39  }
0x1bc: {  	v20 =	vmul.f32 v29, v31;
	v13 =	vadd.f32 v13, v37;
	v58 =	vmul.f32 v53, v51;
	v39 =	vld [tilespmem:s3+$0x9380]  }
0x1bd: {  	v31 =	vmul.f32 v47, v61;
	v18 =	vadd.f32 v18, v28;
	v45 =	vld [tilespmem:s3+$0x9390];
	v16 =	vmul.f32 v44, v34  }
0x1be: {  	v54 =	vld [tilespmem:s17+$0x9320];
	v13 =	vadd.f32 v17, v13;
	v60 =	vmul.f32 v50, v56;
	v44 =	vmul.f32 v11, v35  }
0x1bf: {  	v40 =	vld [tilespmem:s14+$0x780];
	v63 =	vmul.f32 v38, v58;
	v18 =	vadd.f32 v21, v18;
	v16 =	vadd.f32 v16, v20  }
0x1c0: {  	v59 =	vld [tilespmem:s14+$0x7A0];
	v13 =	vadd.f32 v32, v13;
	v35 =	vmul.f32 v19, v23;
	v6 =	vmul.f32 v10, v44  }
0x1c1: {  	v33 =	vld [tilespmem:s14+$0x7B0];
	v10 =	vmul.f32 v57, v55;
	v36 =	vmul.f32 v30, v62;
	v5 =	vadd.f32 v5, v16  }
0x1c2: {  	v32 =	vld [tilespmem:s15+$0x730];
	v7 =	vsel vm8, v14, v7;
	v29 =	vmul.f32 v39, v24;
	v11 =	vmul.f32 v45, v43  }
0x1c3: {  	v6 =	vadd.f32 v9, v6;
	v4 =	vadd.f32 v4, v5;
	v5 =	vmul.f32 v54, v26  }
0x1c4: {  	v15 =	vadd.f32 v15, v18;
	v18 =	vmul.f32 v40, v29;
	v34 =	vmul.f32 v49, v11  }
0x1c5: {  	v6 =	vadd.f32 v8, v6;
	v8 =	vadd.f32 v31, v63;
	v5 =	vmul.f32 v22, v5  }
0x1c6: {  	v38 =	vperm.xlane v15, v0;
	v10 =	vmul.f32 v59, v10;
	v9 =	vadd.f32 v34, v18  }
0x1c7: {  	v37 =	vmul.f32 v32, v35;
	v39 =	vmul.f32 v33, v36;
	v5 =	vadd.f32 v5, v8  }
0x1c8: {  	v40 =	vperm.xlane v13, v0;
	v6 =	vadd.f32 v60, v6;
	v9 =	vadd.f32 v10, v9  }
0x1c9: {  	v11 =	vadd.f32 v15, v38;
	v41 =	vperm.xlane v4, v0;
	v5 =	vadd.f32 v37, v5  }
0x1ca: {  	v42 =	vadd.f32 v13, v40;
	v43 =	vperm.xlane v6, v0;
	v9 =	vadd.f32 v39, v9  }
0x1cb: {  	v44 =	vperm.xlane v11, v1;
	v4 =	vadd.f32 v4, v41;
	v45 =	vperm.xlane v5, v0  }
0x1cc: {  	v46 =	vperm.xlane v42, v1;
	v6 =	vadd.f32 v6, v43;
	v47 =	vperm.xlane v9, v0  }
0x1cd: {  	v10 =	vadd.f32 v11, v44;
	v48 =	vperm.xlane v4, v1;
	v5 =	vadd.f32 v5, v45  }
0x1ce: {  	v8 =	vadd.f32 v42, v46;
	v49 =	vperm.xlane v6, v1;
	v9 =	vadd.f32 v9, v47  }
0x1cf: {  	v50 =	vperm.xlane v10, v2;
	v4 =	vadd.f32 v4, v48;
	v51 =	vperm.xlane v5, v1  }
0x1d0: {  	v14 =	vperm.xlane v8, v2;
	v6 =	vadd.f32 v6, v49;
	v52 =	vperm.xlane v9, v1  }
0x1d1: {  	v10 =	vadd.f32 v10, v50;
	v53 =	vperm.xlane v4, v2;
	v5 =	vadd.f32 v5, v51  }
0x1d2: {  	v8 =	vadd.f32 v8, v14;
	v54 =	vperm.xlane v6, v2;
	v9 =	vadd.f32 v9, v52  }
0x1d3: {  	v55 =	vperm.xlane v10, v3;
	v4 =	vadd.f32 v4, v53;
	v56 =	vperm.xlane v5, v2  }
0x1d4: {  	v14 =	vperm.xlane v8, v3;
	v6 =	vadd.f32 v6, v54;
	v57 =	vperm.xlane v9, v2  }
0x1d5: {  	v10 =	vadd.f32 v10, v55;
	v58 =	vperm.xlane v4, v3;
	v5 =	vadd.f32 v5, v56  }
0x1d6: {  	v8 =	vadd.f32 v8, v14;
	v59 =	vperm.xlane v6, v3;
	v9 =	vadd.f32 v9, v57  }
0x1d7: {  	v7 =	vsel vm9, v7, v10;
	v4 =	vadd.f32 v4, v58;
	v60 =	vperm.xlane v5, v3  }
0x1d8: {  	v62 =	vld [tilespmem:s25+$0x0];
	v7 =	vsel vm10, v7, v8;
	v6 =	vadd.f32 v6, v59;
	v61 =	vperm.xlane v9, v3  }
0x1d9: {  	v4 =	vsel vm11, v7, v4;
	v5 =	vadd.f32 v5, v60  }
0x1da: {  	v4 =	vsel vm12, v4, v6;
	v63 =	vadd.f32 v9, v61  }
0x1db: {  	v4 =	vsel vm13, v4, v5  }
0x1dc: {  	v4 =	vsel vm14, v4, v63  }
0x1dd: {  	v4 =	vadd.f32 v4, v62;
	_ =	sdelay $0x1  }
0x1de: {  	v4 =	vsub.f32 $0.0e+00, v4;
	_ =	sdelay $0x1  }
0x1df: {  	v4 =	vmul.f32 $1.442695020e+00, v4;
	_ =	sdelay $0x1  }
0x1e0: {  	(erf) = vpow2.f32 v4;
	_ =	sdelay $0x8  }
0x1e1: {  	v4 =	vpop (erf)  }
0x1e2: {  	v4 =	vadd.f32 $1.000000000e+00, v4;
	_ =	sdelay $0x1  }
0x1e3: {  	(erf) = vrcp.f32 v4;
	_ =	sdelay $0x4  }
0x1e4: {  	p0 =	sne.s32 s0, $0x1E000  }
.Ltmp0:
0x1e5: {  	_ = 	snop;
	(pc) =	sbr.rel @p0 .LBB2_2-.Ltmp0, $3  }
0x1e6: {  	_ =	sdelay $0x1  }
0x1e7: {  	s30 =	sadd.s32 $0x10, s30;
	s21 =	sadd.s32 $0x10, s21;
	s23 =	sadd.s32 $0x10, s23;
	v4 =	vpop (erf)  }
0x1e8: {  	s0 =	sadd.s32 $0x2000, s0;
	s25 =	sadd.s32 $0x10, s25;
	[tilespmem:s28+$0x0] =	vst v4;
	s28 =	sadd.s32 $0x10, s28  }
0x1e9: {  	s0 =	simm.s32 $0x700  }
0x1ea: {  	[tilespmem:s20], [sflag:$0x1] =	stream.indirect.gather [hbm4b:s4+s12], $0x80, s0, s12, $0xb8;
	[tilespmem:$0x19000] =	vst v63  }
0x1eb: {  	s16 =	simm.s32 $0x900  }
0x1ec: {  	[tilespmem:s22], [sflag:$0x1] =	stream.indirect.gather [hbm4b:s5+s12], $0x80, s16, s12, $0xb8;
	[tilespmem:$0x19000] =	vst v63  }
0x1ed: {  	s17 =	simm.s32 $0xB00  }
0x1ee: {  	[tilespmem:s24], [sflag:$0x1] =	stream.indirect.gather [hbm4b:s4+s12], $0x80, s17, s12, $0xb8;
	[tilespmem:$0x19000] =	vst v63  }
0x1ef: {  	s21 =	simm.s32 $0x780  }
0x1f0: {  	[tilespmem:s26], [sflag:$0x1] =	stream.indirect.gather [hbm4b:s4+s12], $0x80, s21, s12, $0xb8;
	[tilespmem:$0x19000] =	vst v63  }
0x1f1: {  	s23 =	simm.s32 $0x980  }
0x1f2: {  	[tilespmem:s29], [sflag:$0x1] =	stream.indirect.gather [hbm4b:s5+s12], $0x80, s23, s12, $0xb8;
	[tilespmem:$0x19000] =	vst v63  }
0x1f3: {  	s25 =	simm.s32 $0xB80  }
0x1f4: {  	[tilespmem:s31], [sflag:$0x1] =	stream.indirect.gather [hbm4b:s4+s12], $0x80, s25, s12, $0xb8;
	[tilespmem:$0x19000] =	vst v63  }
0x1f5: {  	_ =	swait.ge [sflag:s11], $0x4000  }
0x1f6: {  	[sflag:s11] =	ssyncset.done $0x0  }
0x1f7: {  	[sflag:s11] =	ssyncadd.s32 $0xFFFFC000  }
0x1f8: {  	_ =	swait.ge [sflag:s11], $0x4000  }
0x1f9: {  	[sflag:s11] =	ssyncset.done $0x0  }
0x1fa: {  	[sflag:s11] =	ssyncadd.s32 $0xFFFFC000  }
0x1fb: {  	_ =	swait.ge [sflag:s11], $0x4000  }
0x1fc: {  	[sflag:s11] =	ssyncset.done $0x0  }
0x1fd: {  	[sflag:s11] =	ssyncadd.s32 $0xFFFFC000  }
0x1fe: {  	_ =	swait.ge [sflag:s11], $0x4000  }
0x1ff: {  	[sflag:s11] =	ssyncset.done $0x0  }
0x200: {  	[sflag:s11] =	ssyncadd.s32 $0xFFFFC000  }
0x201: {  	_ =	swait.ge [sflag:s11], $0x4000  }
0x202: {  	[sflag:s11] =	ssyncset.done $0x0  }
0x203: {  	[sflag:s11] =	ssyncadd.s32 $0xFFFFC000  }
0x204: {  	s28 =	simm.s32 $0x500;
	s30 =	simm.s32 $0x18D00;
	_ =	swait.ge [sflag:s11], $0x4000  }
0x205: {  	s0 =	simm.s32 $0x18F00;
	s21 =	simm.s32 $0x0;
	[sflag:s11] =	ssyncset.done $0x0  }
0x206: {  	s23 =	simm.s32 $0x100;
	s25 =	simm.s32 $0x300;
	[sflag:s11] =	ssyncadd.s32 $0xFFFFC000  }
.LBB2_4:
0x207: {  	v4 =	vld [tilespmem:s23+$0x0];
	_ =	sdelay $0x4  }
0x208: {  	v4 =	vshll.u32 v4, $0x6  }
0x209: {  	s3 =	sshra.s32 s21, $0x2;
	v4 =	vand.u32 $0x40, v4  }
0x20a: {  	v6 =	vadd.s32 s3, v4  }
0x20b: {  	v5 =	vld [tilespmem:s25+$0x0];
	(v2sf) =	vpush v6, $0x1  }
0x20c: {  	v7 =	vld [tilespmem:s28+$0x0];
	_ =	sdelay $0x2  }
0x20d: {  	(v2sf) =	vpush v6, $0x0  }
0x20e: {  	v5 =	vshll.u32 v5, $0x6  }
0x20f: {  	v4 =	vand.u32 $0x40, v5;
	v5 =	vshll.u32 v7, $0x6  }
0x210: {  	v7 =	vand.u32 $0x40, v5;
	v5 =	vadd.s32 s3, v4  }
0x211: {  	(v2sf) =	vpush v5, $0x1;
	_ =	sdelay $0x3  }
0x212: {  	(v2sf) =	vpush v5, $0x0  }
0x213: {  	v4 =	vadd.s32 s3, v7  }
0x214: {  	v4 =	vadd.s32 $0x10C00, v4  }
0x215: {  	(v2sf) =	vpush v4, $0x1;
	s3 =	spop (v2sf)  }
0x216: {  	v14 =	vld [tilespmem:s3+$0xC80]  }
0x217: {  	v8 =	vld [tilespmem:s3+$0xC90]  }
0x218: {  	v43 =	vld [tilespmem:s3+$0xCA0]  }
0x219: {  	s13 =	spop (v2sf);
	v51 =	vld [tilespmem:s3+$0xCB0]  }
0x21a: {  	(v2sf) =	vpush v4, $0x0;
	v36 =	vld [tilespmem:s13+$0xC00]  }
0x21b: {  	v13 =	vld [tilespmem:s13+$0xC10]  }
0x21c: {  	v26 =	vld [tilespmem:s13+$0xC20]  }
0x21d: {  	s14 =	spop (v2sf);
	v27 =	vld [tilespmem:s13+$0xC30]  }
0x21e: {  	(v2sf) =	vpush v6, $0x3;
	v11 =	vld [tilespmem:s14+$0x8C80]  }
0x21f: {  	(v2sf) =	vpush v6, $0x2;
	v7 =	vld [tilespmem:s14+$0x8C90]  }
0x220: {  	v34 =	vld [tilespmem:s14+$0x8CA0]  }
0x221: {  	s15 =	spop (v2sf);
	v20 =	vld [tilespmem:s14+$0x8CB0]  }
0x222: {  	(v2sf) =	vpush v5, $0x3;
	v19 =	vld [tilespmem:s15+$0x8C00]  }
0x223: {  	(v2sf) =	vpush v5, $0x2;
	v10 =	vld [tilespmem:s15+$0x8C10]  }
0x224: {  	s16 =	spop (v2sf);
	v17 =	vld [tilespmem:s15+$0x8C20];
	(v2sf) =	vpush v4, $0x3  }
0x225: {  	v18 =	vld [tilespmem:s15+$0x8C30]  }
0x226: {  	v38 =	vld [tilespmem:s16+$0x80]  }
0x227: {  	v42 =	vld [tilespmem:s16+$0x90]  }
0x228: {  	v48 =	vld [tilespmem:s16+$0xA0]  }
0x229: {  	s17 =	spop (v2sf);
	v45 =	vld [tilespmem:s16+$0xB0]  }
0x22a: {  	v35 =	vld [tilespmem:s17+$0x0]  }
0x22b: {  	v25 =	vld [tilespmem:s17+$0x10]  }
0x22c: {  	(v2sf) =	vpush v4, $0x2;
	v41 =	vld [tilespmem:s17+$0x20]  }
0x22d: {  	v44 =	vld [tilespmem:s17+$0x30];
	s13 =	spop (v2sf);
	(v2sf) =	vpush v6, $0x5  }
0x22e: {  	s3 =	spop (v2sf);
	(v2sf) =	vpush v6, $0x4;
	v30 =	vld [tilespmem:s13+$0xD80]  }
0x22f: {  	v39 =	vld [tilespmem:s13+$0xD90]  }
0x230: {  	v33 =	vld [tilespmem:s13+$0xDA0]  }
0x231: {  	v53 =	vld [tilespmem:s13+$0xDB0];
	s14 =	spop (v2sf);
	(v2sf) =	vpush v5, $0x5  }
0x232: {  	v21 =	vld [tilespmem:s3+$0xD00];
	s15 =	spop (v2sf);
	(v2sf) =	vpush v5, $0x4  }
0x233: {  	v28 =	vld [tilespmem:s3+$0xD10];
	s16 =	spop (v2sf);
	(v2sf) =	vpush v4, $0x5  }
0x234: {  	v23 =	vld [tilespmem:s3+$0xD20]  }
0x235: {  	v16 =	vld [tilespmem:s3+$0xD30]  }
0x236: {  	v24 =	vld [tilespmem:s14+$0x8D80]  }
0x237: {  	v37 =	vld [tilespmem:s14+$0x8D90]  }
0x238: {  	v31 =	vld [tilespmem:s14+$0x8DA0]  }
0x239: {  	v52 =	vld [tilespmem:s14+$0x8DB0]  }
0x23a: {  	v12 =	vld [tilespmem:s15+$0x8D00]  }
0x23b: {  	v22 =	vld [tilespmem:s15+$0x8D10];
	s17 =	spop (v2sf)  }
0x23c: {  	v15 =	vld [tilespmem:s15+$0x8D20];
	s3 =	spop (v2sf)  }
0x23d: {  	v9 =	vld [tilespmem:s15+$0x8D30];
	s13 =	spop (v2sf)  }
0x23e: {  	v62 =	vld [tilespmem:s13+$0xE30]  }
0x23f: {  	v49 =	vld [tilespmem:s16+$0x180]  }
0x240: {  	v50 =	vld [tilespmem:s16+$0x190];
	s14 =	spop (v2sf)  }
0x241: {  	v47 =	vld [tilespmem:s16+$0x1A0];
	s15 =	spop (v2sf)  }
0x242: {  	v54 =	vld [tilespmem:s16+$0x1B0];
	s16 =	spop (v2sf)  }
0x243: {  	[tilespmem:$0x1F9E0] =	vst v62;
	v62 =	vld [tilespmem:s16+$0x290];
	_ =	sdelay $0x2  }
0x244: {  	(v2sf) =	vpush v4, $0x4;
	_ =	sdelay $0x1  }
0x245: {  	[tilespmem:$0x1FA20] =	vst v62;
	v62 =	vld [tilespmem:s3+$0xEA0];
	_ =	sdelay $0x4  }
0x246: {  	[tilespmem:$0x1FA30] =	vst v62;
	v62 =	vld [tilespmem:s14+$0x8EA0];
	_ =	sdelay $0x3  }
0x247: {  	v32 =	vld [tilespmem:s17+$0x100]  }
0x248: {  	[tilespmem:$0x1FA40] =	vst v62;
	v62 =	vld [tilespmem:s16+$0x2A0]  }
0x249: {  	v46 =	vld [tilespmem:s17+$0x110]  }
0x24a: {  	v40 =	vld [tilespmem:s17+$0x120]  }
0x24b: {  	v29 =	vld [tilespmem:s17+$0x130];
	(v2sf) =	vpush v6, $0x7;
	s17 =	spop (v2sf)  }
0x24c: {  	(v2sf) =	vpush v6, $0x6;
	v60 =	vld [tilespmem:s17+$0x200]  }
0x24d: {  	[tilespmem:$0x1FA60] =	vst v62;
	v62 =	vld [tilespmem:s3+$0xEB0]  }
0x24e: {  	v55 =	vld [tilespmem:s13+$0xE00]  }
0x24f: {  	v58 =	vld [tilespmem:s13+$0xE10]  }
0x250: {  	v59 =	vld [tilespmem:s13+$0xE20];
	(v2sf) =	vpush v5, $0x7  }
0x251: {  	(v2sf) =	vpush v5, $0x6;
	[tilespmem:$0x1F9B0] =	vst v60;
	v60 =	vld [tilespmem:s15+$0x8E30]  }
0x252: {  	[tilespmem:$0x1FA70] =	vst v62;
	v62 =	vld [tilespmem:s14+$0x8EB0]  }
0x253: {  	v63 =	vld [tilespmem:s15+$0x8E00]  }
0x254: {  	v56 =	vld [tilespmem:s15+$0x8E10]  }
0x255: {  	(v2sf) =	vpush v4, $0x7;
	v61 =	vld [tilespmem:s17+$0x210]  }
0x256: {  	(v2sf) =	vpush v4, $0x6;
	[tilespmem:$0x1F9F0] =	vst v60;
	v60 =	vld [tilespmem:s16+$0x280]  }
0x257: {  	[tilespmem:$0x1FA80] =	vst v62;
	v62 =	vld [tilespmem:s16+$0x2B0]  }
0x258: {  	v57 =	vld [tilespmem:s17+$0x220]  }
0x259: {  	[tilespmem:$0x1F9A0] =	vst v55;
	v55 =	vld [tilespmem:s15+$0x8E20]  }
0x25a: {  	[tilespmem:$0x1F9C0] =	vst v61;
	v61 =	vld [tilespmem:s17+$0x230];
	s13 =	spop (v2sf)  }
0x25b: {  	s15 =	spop (v2sf);
	[tilespmem:$0x1FA10] =	vst v60;
	v60 =	vld [tilespmem:s3+$0xE90]  }
0x25c: {  	[tilespmem:$0x1FA90] =	vst v62;
	v62 =	vld [tilespmem:s15+$0xF00];
	_ =	sdelay $0x1  }
0x25d: {  	[tilespmem:$0x1F9D0] =	vst v57;
	v57 =	vld [tilespmem:s14+$0x8E80]  }
0x25e: {  	[tilespmem:$0x1FA50] =	vst v61;
	v61 =	vld [tilespmem:s3+$0xE80];
	s3 =	spop (v2sf)  }
0x25f: {  	[tilespmem:$0x1FA00] =	vst v60;
	v60 =	vld [tilespmem:s14+$0x8E90];
	s14 =	spop (v2sf)  }
0x260: {  	[tilespmem:$0x1FAA0] =	vst v62;
	v62 =	vld [tilespmem:s14+$0x8F00];
	_ =	sdelay $0x2  }
0x261: {  	s17 =	spop (v2sf)  }
0x262: {  	s16 =	spop (v2sf)  }
0x263: {  	[tilespmem:$0x1FAB0] =	vst v62;
	v62 =	vld [tilespmem:s16+$0x300];
	_ =	sdelay $0x4  }
0x264: {  	[tilespmem:$0x1FAE0] =	vst v62;
	v62 =	vld [tilespmem:s15+$0xF10];
	_ =	sdelay $0x4  }
0x265: {  	[tilespmem:$0x1FAC0] =	vst v62;
	v62 =	vld [tilespmem:s14+$0x8F10];
	_ =	sdelay $0x4  }
0x266: {  	[tilespmem:$0x1FAD0] =	vst v62;
	v62 =	vld [tilespmem:s16+$0x310];
	_ =	sdelay $0x4  }
0x267: {  	[tilespmem:$0x1FAF0] =	vst v62;
	v62 =	vld [tilespmem:s15+$0xF20];
	_ =	sdelay $0x4  }
0x268: {  	[tilespmem:$0x1FB40] =	vst v62;
	v62 =	vld [tilespmem:s14+$0x8F20];
	_ =	sdelay $0x4  }
0x269: {  	[tilespmem:$0x1FB50] =	vst v62;
	v62 =	vld [tilespmem:s16+$0x320];
	_ =	sdelay $0x4  }
0x26a: {  	[tilespmem:$0x1FBA0] =	vst v62;
	v62 =	vld [tilespmem:s15+$0xF30];
	_ =	sdelay $0x4  }
0x26b: {  	[tilespmem:$0x1FBB0] =	vst v62;
	v62 =	vld [tilespmem:s14+$0x8F30];
	_ =	sdelay $0x4  }
0x26c: {  	[tilespmem:$0x1FBC0] =	vst v62;
	v62 =	vld [tilespmem:s16+$0x330];
	_ =	sdelay $0x4  }
0x26d: {  	[tilespmem:$0x1FBE0] =	vst v62;
	v62 =	vld [tilespmem:s13+$0xF80];
	_ =	sdelay $0x4  }
0x26e: {  	[tilespmem:$0x1FB00] =	vst v62;
	v62 =	vld [tilespmem:s3+$0x8F80];
	_ =	sdelay $0x4  }
0x26f: {  	[tilespmem:$0x1FB10] =	vst v62;
	v62 =	vld [tilespmem:s17+$0x380];
	_ =	sdelay $0x4  }
0x270: {  	[tilespmem:$0x1FB60] =	vst v62;
	v62 =	vld [tilespmem:s13+$0xF90];
	_ =	sdelay $0x4  }
0x271: {  	[tilespmem:$0x1FB20] =	vst v62;
	v62 =	vld [tilespmem:s3+$0x8F90];
	_ =	sdelay $0x4  }
0x272: {  	[tilespmem:$0x1FB30] =	vst v62;
	v62 =	vld [tilespmem:s17+$0x390];
	_ =	sdelay $0x4  }
0x273: {  	[tilespmem:$0x1FB70] =	vst v62;
	v62 =	vld [tilespmem:s13+$0xFA0];
	_ =	sdelay $0x4  }
0x274: {  	[tilespmem:$0x1FB80] =	vst v62;
	v62 =	vld [tilespmem:s3+$0x8FA0];
	_ =	sdelay $0x4  }
0x275: {  	[tilespmem:$0x1FB90] =	vst v62;
	v62 =	vld [tilespmem:s17+$0x3A0]  }
0x276: {  	(v2sf) =	vpush v6, $0x9  }
0x277: {  	(v2sf) =	vpush v6, $0x8;
	_ =	sdelay $0x2  }
0x278: {  	(v2sf) =	vpush v5, $0x9;
	[tilespmem:$0x1FBD0] =	vst v62;
	v62 =	vld [tilespmem:s13+$0xFB0]  }
0x279: {  	(v2sf) =	vpush v5, $0x8  }
0x27a: {  	(v2sf) =	vpush v4, $0x9  }
0x27b: {  	(v2sf) =	vpush v4, $0x8;
	_ =	sdelay $0x1  }
0x27c: {  	[tilespmem:$0x1FBF0] =	vst v62;
	v62 =	vld [tilespmem:s3+$0x8FB0];
	_ =	sdelay $0x4  }
0x27d: {  	[tilespmem:$0x1FC00] =	vst v62;
	v62 =	vld [tilespmem:s17+$0x3B0]  }
0x27e: {  	v10 =	vmul.f32 v10, v13;
	s14 =	spop (v2sf)  }
0x27f: {  	s15 =	spop (v2sf)  }
0x280: {  	v10 =	vmul.f32 v25, v10;
	v25 =	vld [tilespmem:s15+$0x1010]  }
0x281: {  	v11 =	vmul.f32 v11, v14  }
0x282: {  	v7 =	vmul.f32 v7, v8;
	s16 =	spop (v2sf);
	[tilespmem:$0x1FC30] =	vst v62;
	v62 =	vld [tilespmem:s15+$0x1000]  }
0x283: {  	v11 =	vmul.f32 v38, v11;
	v38 =	vmul.f32 v12, v21;
	v12 =	vld [tilespmem:s14+$0x10A0];
	s13 =	spop (v2sf)  }
0x284: {  	v7 =	vmul.f32 v42, v7;
	v42 =	vld [tilespmem:s15+$0x1030];
	s3 =	spop (v2sf)  }
0x285: {  	[tilespmem:$0x1FC40] =	vst v25;
	v25 =	vld [tilespmem:s15+$0x1020];
	s17 =	spop (v2sf)  }
0x286: {  	v19 =	vmul.f32 v19, v36;
	(v2sf) =	vpush v6, $0xB;
	v36 =	vld [tilespmem:s17+$0x400]  }
0x287: {  	(v2sf) =	vpush v6, $0xA;
	[tilespmem:$0x1FC10] =	vst v62;
	v62 =	vld [tilespmem:s13+$0x9000]  }
0x288: {  	v34 =	vmul.f32 v34, v43;
	v43 =	vld [tilespmem:s17+$0x430]  }
0x289: {  	v17 =	vmul.f32 v17, v26;
	v26 =	vld [tilespmem:s13+$0x9010]  }
0x28a: {  	v14 =	vld [tilespmem:s3+$0x490]  }
0x28b: {  	v7 =	vadd.f32 v7, v11;
	v11 =	vld [tilespmem:s3+$0x4A0];
	[tilespmem:$0x1FC60] =	vst v36  }
0x28c: {  	v36 =	vmul.f32 v41, v17;
	v41 =	vld [tilespmem:s13+$0x9020];
	[tilespmem:$0x1FC20] =	vst v62;
	v62 =	vmul.f32 v35, v19  }
0x28d: {  	[tilespmem:$0x1FC90] =	vst v43;
	v43 =	vld [tilespmem:s14+$0x1090]  }
0x28e: {  	v35 =	vld [tilespmem:s17+$0x410];
	v10 =	vadd.f32 v10, v62  }
0x28f: {  	v19 =	vld [tilespmem:s16+$0x9080];
	v62 =	vmul.f32 v18, v27  }
0x290: {  	[tilespmem:$0x1FC50] =	vst v26;
	v18 =	vmul.f32 v15, v23;
	v26 =	vadd.f32 v36, v10;
	v36 =	vld [tilespmem:s17+$0x420]  }
0x291: {  	v27 =	vmul.f32 v44, v62;
	v44 =	vmul.f32 v48, v34;
	v34 =	vld [tilespmem:s14+$0x1080]  }
0x292: {  	v62 =	vmul.f32 v22, v28;
	v22 =	vmul.f32 v40, v18;
	v40 =	vld [tilespmem:s16+$0x9090]  }
0x293: {  	(v2sf) =	vpush v5, $0xB;
	v10 =	vmul.f32 v32, v38;
	v38 =	vmul.f32 v52, v53;
	v53 =	vld [tilespmem:$0x1F9A0]  }
0x294: {  	(v2sf) =	vpush v5, $0xA;
	[tilespmem:$0x1FC80] =	vst v35;
	v35 =	vmul.f32 v20, v51;
	v51 =	vld [tilespmem:s13+$0x9030]  }
0x295: {  	v9 =	vmul.f32 v9, v16;
	(v2sf) =	vpush v4, $0xB;
	s13 =	spop (v2sf);
	v13 =	vmul.f32 v46, v62;
	v62 =	vld [tilespmem:$0x1F9D0]  }
0x296: {  	(v2sf) =	vpush v4, $0xA;
	v23 =	vmul.f32 v24, v30;
	s17 =	spop (v2sf);
	v48 =	vmul.f32 v45, v35;
	v35 =	vld [tilespmem:s3+$0x480]  }
0x297: {  	v9 =	vmul.f32 v29, v9;
	v7 =	vadd.f32 v44, v7;
	v44 =	vld [tilespmem:s17+$0x1100]  }
0x298: {  	v29 =	vmul.f32 v49, v23;
	v8 =	vadd.f32 v27, v26;
	v26 =	vmul.f32 v37, v39;
	v18 =	vld [tilespmem:s17+$0x1110]  }
0x299: {  	v45 =	vmul.f32 v54, v38;
	v54 =	vmul.f32 v56, v58;
	v58 =	vld [tilespmem:$0x1F9B0];
	v10 =	vadd.f32 v13, v10  }
0x29a: {  	v56 =	vmul.f32 v55, v59;
	v59 =	vld [tilespmem:$0x1F9C0];
	v20 =	vperm.xlane v8, v0  }
0x29b: {  	v27 =	vmul.f32 v31, v33;
	v31 =	vmul.f32 v50, v26;
	v26 =	vld [tilespmem:s17+$0x1120];
	v10 =	vadd.f32 v22, v10  }
0x29c: {  	v21 =	vadd.f32 v8, v20;
	v8 =	vld [tilespmem:s16+$0x90A0]  }
0x29d: {  	v32 =	vmul.f32 v47, v27;
	v16 =	vadd.f32 v31, v29;
	v30 =	vadd.f32 v9, v10;
	v10 =	vld [tilespmem:s14+$0x10B0]  }
0x29e: {  	v9 =	vld [tilespmem:s3+$0x4B0]  }
0x29f: {  	v7 =	vadd.f32 v48, v7;
	v16 =	vadd.f32 v32, v16;
	v32 =	vld [tilespmem:$0x1F9E0]  }
0x2a0: {  	[tilespmem:$0x1FCA0] =	vst v44;
	v44 =	vld [tilespmem:$0x1FA00]  }
0x2a1: {  	[tilespmem:$0x1FC70] =	vst v25;
	v25 =	vperm.xlane v7, v0;
	v23 =	vmul.f32 v59, v54;
	v59 =	vld [tilespmem:s13+$0x1180]  }
0x2a2: {  	s15 =	spop (v2sf);
	v54 =	vld [tilespmem:$0x1FA60]  }
0x2a3: {  	v24 =	vperm.xlane v21, v1;
	s14 =	spop (v2sf);
	v28 =	vadd.f32 v7, v25;
	v7 =	vld [tilespmem:s16+$0x90B0]  }
0x2a4: {  	(v2sf) =	vpush v6, $0xD;
	s16 =	spop (v2sf);
	v38 =	vld [tilespmem:s14+$0x9110]  }
0x2a5: {  	v13 =	vadd.f32 v21, v24;
	s3 =	spop (v2sf);
	v24 =	vmul.f32 v62, v56;
	v56 =	vld [tilespmem:$0x1FA70]  }
0x2a6: {  	v48 =	vld [tilespmem:s3+$0x500]  }
0x2a7: {  	v52 =	vld [tilespmem:s3+$0x510]  }
0x2a8: {  	(v2sf) =	vpush v6, $0xC;
	v39 =	vperm.xlane v30, v0;
	v21 =	vld [tilespmem:s3+$0x520]  }
0x2a9: {  	v62 =	vld [tilespmem:s3+$0x530]  }
0x2aa: {  	(v2sf) =	vpush v5, $0xD;
	v37 =	vperm.xlane v28, v1;
	v20 =	vadd.f32 v30, v39;
	v30 =	vld [tilespmem:s17+$0x1130]  }
0x2ab: {  	v16 =	vadd.f32 v45, v16;
	v39 =	vmul.f32 v57, v61;
	v57 =	vld [tilespmem:s15+$0x9180]  }
0x2ac: {  	v33 =	vperm.xlane v13, v2;
	v15 =	vadd.f32 v28, v37;
	v28 =	vld [tilespmem:s14+$0x9100]  }
0x2ad: {  	v50 =	vperm.xlane v16, v0;
	v37 =	vld [tilespmem:$0x1F9F0]  }
0x2ae: {  	v13 =	vadd.f32 v13, v33;
	v33 =	vld [tilespmem:s14+$0x9120]  }
0x2af: {  	v49 =	vperm.xlane v20, v1;
	v16 =	vadd.f32 v16, v50;
	v50 =	vld [tilespmem:$0x1FA40]  }
0x2b0: {  	[tilespmem:$0x1FCB0] =	vst v48;
	v48 =	vld [tilespmem:$0x1FA20]  }
0x2b1: {  	v47 =	vperm.xlane v15, v2;
	v17 =	vadd.f32 v20, v49;
	v49 =	vld [tilespmem:$0x1FA30]  }
0x2b2: {  	v19 =	vmul.f32 v19, v34;
	v20 =	vmul.f32 v63, v53;
	v53 =	vld [tilespmem:$0x1FA50]  }
0x2b3: {  	v46 =	vperm.xlane v13, v3;
	s3 =	spop (v2sf);
	v22 =	vadd.f32 v15, v47;
	v15 =	vld [tilespmem:s14+$0x9130]  }
0x2b4: {  	(v2sf) =	vpush v5, $0xC;
	v19 =	vmul.f32 v35, v19;
	v35 =	vld [tilespmem:s3+$0x1280]  }
0x2b5: {  	(v2sf) =	vpush v4, $0xD;
	v13 =	vadd.f32 v13, v46;
	v46 =	vld [tilespmem:$0x1FA10]  }
0x2b6: {  	(v2sf) =	vpush v4, $0xC;
	v27 =	vmul.f32 v37, v32;
	v37 =	vld [tilespmem:s16+$0x580]  }
0x2b7: {  	(v2sf) =	vpush v6, $0xF;
	v47 =	vperm.xlane v16, v1;
	s17 =	spop (v2sf);
	v20 =	vmul.f32 v58, v20;
	v58 =	vld [tilespmem:$0x1FA80]  }
0x2b8: {  	v8 =	vmul.f32 v8, v12;
	(v2sf) =	vpush v6, $0xE;
	v6 =	vld [tilespmem:s17+$0x1220]  }
0x2b9: {  	v7 =	vmul.f32 v7, v10;
	s14 =	spop (v2sf);
	v29 =	vadd.f32 v16, v47;
	v16 =	vld [tilespmem:s16+$0x590]  }
0x2ba: {  	v8 =	vmul.f32 v11, v8;
	v63 =	vperm.xlane v22, v3;
	v11 =	vld [tilespmem:s14+$0x9280]  }
0x2bb: {  	v7 =	vmul.f32 v9, v7;
	v9 =	vld [tilespmem:s14+$0x9290];
	v20 =	vadd.f32 v23, v20  }
0x2bc: {  	v25 =	vadd.f32 v22, v63;
	v31 =	vmul.f32 v50, v49;
	v50 =	vld [tilespmem:$0x1FAA0]  }
0x2bd: {  	[tilespmem:$0x1FCC0] =	vst v52;
	v52 =	vadd.f32 v24, v20;
	v20 =	vmul.f32 v53, v27;
	v53 =	vld [tilespmem:$0x1FAC0]  }
0x2be: {  	v25 =	vsel vm0, v13, v25;
	v13 =	vld [tilespmem:s15+$0x9190]  }
0x2bf: {  	v45 =	vperm.xlane v17, v2;
	v23 =	vmul.f32 v46, v39;
	v46 =	vld [tilespmem:$0x1FA90]  }
0x2c0: {  	v61 =	vperm.xlane v29, v2;
	v55 =	vmul.f32 v54, v31;
	v54 =	vld [tilespmem:$0x1FAD0]  }
0x2c1: {  	v17 =	vadd.f32 v17, v45;
	v27 =	vmul.f32 v58, v56;
	v58 =	vld [tilespmem:$0x1FAE0]  }
0x2c2: {  	v49 =	vadd.f32 v29, v61;
	v61 =	vld [tilespmem:$0x1FAF0]  }
0x2c3: {  	v22 =	vmul.f32 v60, v44;
	v60 =	vperm.xlane v17, v3;
	v31 =	vld [tilespmem:s15+$0x91B0]  }
0x2c4: {  	v63 =	vadd.f32 v20, v52;
	v52 =	vld [tilespmem:$0x1FAB0]  }
0x2c5: {  	v22 =	vmul.f32 v48, v22;
	v48 =	vadd.f32 v17, v60;
	v17 =	vld [tilespmem:s13+$0x11A0]  }
0x2c6: {  	v20 =	vld [tilespmem:s16+$0x5A0]  }
0x2c7: {  	v23 =	vadd.f32 v22, v23;
	v22 =	vld [tilespmem:s13+$0x1190]  }
0x2c8: {  	v24 =	vsel vm1, v25, v48;
	v25 =	vld [tilespmem:s13+$0x11B0]  }
0x2c9: {  	v60 =	vperm.xlane v49, v3;
	v45 =	vadd.f32 v55, v23;
	v23 =	vld [tilespmem:s15+$0x91A0];
	v47 =	vmul.f32 v46, v27  }
0x2ca: {  	v55 =	vmul.f32 v54, v53;
	v53 =	vld [tilespmem:$0x1FB10]  }
0x2cb: {  	v56 =	vperm.xlane v63, v0;
	v32 =	vadd.f32 v47, v45;
	v45 =	vadd.f32 v49, v60;
	v60 =	vld [tilespmem:$0x1FB40]  }
0x2cc: {  	v44 =	vmul.f32 v61, v55;
	v61 =	vld [tilespmem:$0x1FB50]  }
0x2cd: {  	(v2sf) =	vpush v5, $0xF;
	v39 =	vadd.f32 v63, v56;
	v56 =	vld [tilespmem:$0x1FB30]  }
0x2ce: {  	s13 =	spop (v2sf);
	(v2sf) =	vpush v5, $0xE;
	v27 =	vld [tilespmem:s16+$0x5B0]  }
0x2cf: {  	s15 =	spop (v2sf);
	(v2sf) =	vpush v4, $0xF;
	v29 =	vmul.f32 v52, v50;
	v52 =	vld [tilespmem:$0x1FB00];
	v63 =	vperm.xlane v32, v0  }
0x2d0: {  	s16 =	spop (v2sf);
	(v2sf) =	vpush v4, $0xE;
	v4 =	vld [tilespmem:s13+$0x9230]  }
0x2d1: {  	v46 =	vadd.f32 v32, v63;
	v63 =	vmul.f32 v61, v60;
	v60 =	vld [tilespmem:$0x1FBA0]  }
0x2d2: {  	v10 =	vld [tilespmem:s15+$0x680]  }
0x2d3: {  	v55 =	vld [tilespmem:$0x1FB20]  }
0x2d4: {  	v54 =	vmul.f32 v53, v52;
	v53 =	vld [tilespmem:$0x1FB60]  }
0x2d5: {  	v61 =	vld [tilespmem:$0x1FBB0]  }
0x2d6: {  	v49 =	vmul.f32 v60, v63;
	v63 =	vld [tilespmem:$0x1FBC0]  }
0x2d7: {  	v5 =	vld [tilespmem:s16+$0x620]  }
0x2d8: {  	v12 =	vld [tilespmem:s16+$0x630]  }
0x2d9: {  	v29 =	vmul.f32 v58, v29;
	v58 =	vmul.f32 v56, v55;
	v55 =	vld [tilespmem:$0x1FB80]  }
0x2da: {  	v60 =	vld [tilespmem:$0x1FBF0]  }
0x2db: {  	v50 =	vsel vm2, v24, v45;
	v45 =	vmul.f32 v53, v54;
	v53 =	vmul.f32 v63, v61;
	v61 =	vld [tilespmem:$0x1FC00]  }
0x2dc: {  	v54 =	vld [tilespmem:$0x1FB70]  }
0x2dd: {  	v56 =	vld [tilespmem:$0x1FB90]  }
0x2de: {  	v24 =	vld [tilespmem:s17+$0x1200]  }
0x2df: {  	v44 =	vadd.f32 v44, v29;
	v29 =	vld [tilespmem:s16+$0x600]  }
0x2e0: {  	v52 =	vperm.xlane v39, v1;
	v63 =	vmul.f32 v61, v60;
	v60 =	vld [tilespmem:$0x1FC30]  }
0x2e1: {  	v32 =	vld [tilespmem:s13+$0x9200];
	v47 =	vmul.f32 v54, v58;
	v58 =	vperm.xlane v46, v1  }
0x2e2: {  	v48 =	vadd.f32 v39, v52;
	v39 =	vmul.f32 v56, v55;
	v56 =	vld [tilespmem:$0x1FBD0]  }
0x2e3: {  	v46 =	vadd.f32 v46, v58;
	v58 =	vld [tilespmem:$0x1FBE0]  }
0x2e4: {  	v61 =	vld [tilespmem:$0x1FC40]  }
0x2e5: {  	v54 =	vmul.f32 v60, v63;
	v63 =	vld [tilespmem:$0x1FC50]  }
0x2e6: {  	v49 =	vadd.f32 v49, v44;
	v44 =	vld [tilespmem:s16+$0x610]  }
0x2e7: {  	v52 =	vmul.f32 v56, v39;
	v56 =	vld [tilespmem:$0x1FC10]  }
0x2e8: {  	v53 =	vmul.f32 v58, v53;
	v58 =	vld [tilespmem:$0x1FC20]  }
0x2e9: {  	v47 =	vadd.f32 v47, v45;
	v45 =	vld [tilespmem:s13+$0x9210]  }
0x2ea: {  	v55 =	vmul.f32 v63, v61;
	v61 =	vld [tilespmem:$0x1FC70]  }
0x2eb: {  	v26 =	vmul.f32 v33, v26;
	v60 =	vld [tilespmem:$0x1FC60]  }
0x2ec: {  	v18 =	vmul.f32 v38, v18;
	v15 =	vmul.f32 v15, v30;
	v63 =	vld [tilespmem:$0x1FC80]  }
0x2ed: {  	v21 =	vmul.f32 v21, v26;
	v47 =	vadd.f32 v52, v47;
	v52 =	vmul.f32 v58, v56;
	v56 =	vld [tilespmem:s13+$0x9220];
	s13 =	spop (v2sf)  }
0x2ee: {  	v15 =	vmul.f32 v62, v15;
	v13 =	vmul.f32 v13, v22;
	v39 =	vld [tilespmem:s17+$0x1210];
	s16 =	spop (v2sf)  }
0x2ef: {  	v17 =	vmul.f32 v23, v17;
	v33 =	vld [tilespmem:s16+$0x1310];
	v41 =	vmul.f32 v41, v61  }
0x2f0: {  	v13 =	vmul.f32 v16, v13;
	v26 =	vld [tilespmem:s16+$0x1320];
	v52 =	vmul.f32 v60, v52  }
0x2f1: {  	v23 =	vld [tilespmem:s16+$0x1330];
	v55 =	vmul.f32 v63, v55;
	v34 =	vmul.f32 v36, v41  }
0x2f2: {  	v36 =	vmul.f32 v51, v42;
	v41 =	vld [tilespmem:s17+$0x1230];
	v51 =	vmul.f32 v40, v43  }
0x2f3: {  	v58 =	vadd.f32 v54, v47;
	v60 =	vperm.xlane v46, v2;
	v40 =	vadd.f32 v53, v49;
	v53 =	vld [tilespmem:$0x1FC90]  }
0x2f4: {  	v17 =	vmul.f32 v20, v17;
	v61 =	vadd.f32 v55, v52;
	v49 =	vld [tilespmem:s3+$0x1290];
	v14 =	vmul.f32 v14, v51  }
0x2f5: {  	v52 =	vperm.xlane v58, v0;
	v43 =	vadd.f32 v46, v60;
	v46 =	vld [tilespmem:s14+$0x92B0];
	v63 =	vperm.xlane v40, v0  }
0x2f6: {  	v42 =	vperm.xlane v48, v2;
	v34 =	vadd.f32 v34, v61;
	v51 =	vld [tilespmem:s16+$0x1300];
	v14 =	vadd.f32 v14, v19  }
0x2f7: {  	v6 =	vmul.f32 v56, v6;
	v40 =	vadd.f32 v40, v63;
	v19 =	vadd.f32 v58, v52;
	v52 =	vld [tilespmem:s15+$0x6A0]  }
0x2f8: {  	v36 =	vmul.f32 v53, v36;
	v8 =	vadd.f32 v8, v14;
	v14 =	vadd.f32 v48, v42;
	v48 =	vld [tilespmem:s14+$0x92A0]  }
0x2f9: {  	v5 =	vmul.f32 v5, v6;
	v61 =	vperm.xlane v43, v3;
	v42 =	vld [tilespmem:s3+$0x12B0]  }
0x2fa: {  	v54 =	vperm.xlane v40, v1;
	v55 =	vperm.xlane v19, v1;
	v34 =	vadd.f32 v36, v34;
	v36 =	vld [tilespmem:s15+$0x690]  }
0x2fb: {  	v4 =	vmul.f32 v4, v41;
	v7 =	vadd.f32 v7, v8;
	v8 =	vld [tilespmem:s3+$0x12A0];
	v58 =	vperm.xlane v14, v3;
	s3 =	spop (v2sf)  }
0x2fc: {  	v40 =	vadd.f32 v40, v54;
	v19 =	vadd.f32 v19, v55;
	v55 =	vld [tilespmem:$0x1FCB0];
	v60 =	vperm.xlane v34, v0;
	s17 =	spop (v2sf)  }
0x2fd: {  	v43 =	vadd.f32 v43, v61;
	v9 =	vmul.f32 v9, v49;
	v63 =	vperm.xlane v7, v0;
	v53 =	vld [tilespmem:s17+$0x9300]  }
0x2fe: {  	v14 =	vadd.f32 v14, v58;
	v58 =	vperm.xlane v40, v2;
	s14 =	spop (v2sf);
	v30 =	vld [tilespmem:s17+$0x9310];
	v34 =	vadd.f32 v34, v60  }
0x2ff: {  	v4 =	vmul.f32 v12, v4;
	v60 =	vperm.xlane v19, v2;
	v49 =	vld [tilespmem:s14+$0x790];
	v7 =	vadd.f32 v7, v63  }
0x300: {  	v14 =	vsel vm3, v50, v14;
	v40 =	vadd.f32 v40, v58;
	v50 =	vld [tilespmem:s15+$0x6B0];
	v61 =	vperm.xlane v34, v1  }
0x301: {  	v56 =	vmul.f32 v46, v42;
	s15 =	spop (v2sf);
	v9 =	vmul.f32 v36, v9;
	v19 =	vadd.f32 v19, v60;
	v60 =	vld [tilespmem:$0x1FCA0]  }
0x302: {  	v38 =	vld [tilespmem:s15+$0x700];
	v63 =	vperm.xlane v7, v1;
	v58 =	vperm.xlane v40, v3;
	v34 =	vadd.f32 v34, v61  }
0x303: {  	v14 =	vsel vm4, v14, v43;
	v47 =	vld [tilespmem:s15+$0x710];
	v8 =	vmul.f32 v48, v8;
	v61 =	vperm.xlane v19, v3  }
0x304: {  	v22 =	vld [tilespmem:s15+$0x720];
	v7 =	vadd.f32 v7, v63;
	v40 =	vadd.f32 v40, v58;
	v63 =	vperm.xlane v34, v2  }
0x305: {  	v43 =	vld [tilespmem:s13+$0x1390];
	v8 =	vmul.f32 v52, v8;
	v19 =	vadd.f32 v19, v61;
	v61 =	vmul.f32 v57, v59  }
0x306: {  	v58 =	vld [tilespmem:$0x1FCC0];
	v54 =	vperm.xlane v7, v2;
	v14 =	vsel vm5, v14, v40;
	v34 =	vadd.f32 v34, v63  }
0x307: {  	v57 =	vld [tilespmem:s3+$0x93A0];
	v28 =	vmul.f32 v28, v60;
	v14 =	vsel vm6, v14, v19;
	v37 =	vmul.f32 v37, v61  }
0x308: {  	v63 =	vmul.f32 v31, v25;
	v19 =	vld [tilespmem:s17+$0x9330];
	v7 =	vadd.f32 v7, v54;
	v60 =	vperm.xlane v34, v3  }
0x309: {  	v31 =	vmul.f32 v32, v24;
	v24 =	vld [tilespmem:s13+$0x1380];
	v61 =	vmul.f32 v30, v33  }
0x30a: {  	v30 =	vld [tilespmem:s3+$0x93B0];
	v28 =	vmul.f32 v55, v28;
	v62 =	vperm.xlane v7, v3;
	v34 =	vadd.f32 v34, v60  }
0x30b: {  	v55 =	vld [tilespmem:s13+$0x13A0];
	v18 =	vmul.f32 v58, v18;
	v32 =	vmul.f32 v27, v63  }
0x30c: {  	v7 =	vadd.f32 v7, v62;
	v62 =	vld [tilespmem:s13+$0x13B0];
	v14 =	vsel vm7, v14, v34;
	v34 =	vmul.f32 v45, v39  }
0x30d: {  	v20 =	vmul.f32 v29, v31;
	v13 =	vadd.f32 v13, v37;
	v58 =	vmul.f32 v53, v51;
	v39 =	vld [tilespmem:s3+$0x9380]  }
0x30e: {  	v31 =	vmul.f32 v47, v61;
	v18 =	vadd.f32 v18, v28;
	v45 =	vld [tilespmem:s3+$0x9390];
	v16 =	vmul.f32 v44, v34  }
0x30f: {  	v54 =	vld [tilespmem:s17+$0x9320];
	v13 =	vadd.f32 v17, v13;
	v60 =	vmul.f32 v50, v56;
	v44 =	vmul.f32 v11, v35  }
0x310: {  	v40 =	vld [tilespmem:s14+$0x780];
	v63 =	vmul.f32 v38, v58;
	v18 =	vadd.f32 v21, v18;
	v16 =	vadd.f32 v16, v20  }
0x311: {  	v59 =	vld [tilespmem:s14+$0x7A0];
	v13 =	vadd.f32 v32, v13;
	v35 =	vmul.f32 v19, v23;
	v6 =	vmul.f32 v10, v44  }
0x312: {  	v33 =	vld [tilespmem:s14+$0x7B0];
	v10 =	vmul.f32 v57, v55;
	v36 =	vmul.f32 v30, v62;
	v5 =	vadd.f32 v5, v16  }
0x313: {  	v32 =	vld [tilespmem:s15+$0x730];
	v7 =	vsel vm8, v14, v7;
	v29 =	vmul.f32 v39, v24;
	v11 =	vmul.f32 v45, v43  }
0x314: {  	v6 =	vadd.f32 v9, v6;
	v4 =	vadd.f32 v4, v5;
	v5 =	vmul.f32 v54, v26  }
0x315: {  	v15 =	vadd.f32 v15, v18;
	v18 =	vmul.f32 v40, v29;
	v34 =	vmul.f32 v49, v11  }
0x316: {  	v6 =	vadd.f32 v8, v6;
	v8 =	vadd.f32 v31, v63;
	v5 =	vmul.f32 v22, v5  }
0x317: {  	v38 =	vperm.xlane v15, v0;
	v10 =	vmul.f32 v59, v10;
	v9 =	vadd.f32 v34, v18  }
0x318: {  	v37 =	vmul.f32 v32, v35;
	v39 =	vmul.f32 v33, v36;
	v5 =	vadd.f32 v5, v8  }
0x319: {  	v40 =	vperm.xlane v13, v0;
	v6 =	vadd.f32 v60, v6;
	v9 =	vadd.f32 v10, v9  }
0x31a: {  	v11 =	vadd.f32 v15, v38;
	v41 =	vperm.xlane v4, v0;
	v5 =	vadd.f32 v37, v5  }
0x31b: {  	v42 =	vadd.f32 v13, v40;
	v43 =	vperm.xlane v6, v0;
	v9 =	vadd.f32 v39, v9  }
0x31c: {  	v44 =	vperm.xlane v11, v1;
	v4 =	vadd.f32 v4, v41;
	v45 =	vperm.xlane v5, v0  }
0x31d: {  	v46 =	vperm.xlane v42, v1;
	v6 =	vadd.f32 v6, v43;
	v47 =	vperm.xlane v9, v0  }
0x31e: {  	v10 =	vadd.f32 v11, v44;
	v48 =	vperm.xlane v4, v1;
	v5 =	vadd.f32 v5, v45  }
0x31f: {  	v8 =	vadd.f32 v42, v46;
	v49 =	vperm.xlane v6, v1;
	v9 =	vadd.f32 v9, v47  }
0x320: {  	v50 =	vperm.xlane v10, v2;
	v4 =	vadd.f32 v4, v48;
	v51 =	vperm.xlane v5, v1  }
0x321: {  	v14 =	vperm.xlane v8, v2;
	v6 =	vadd.f32 v6, v49;
	v52 =	vperm.xlane v9, v1  }
0x322: {  	v10 =	vadd.f32 v10, v50;
	v53 =	vperm.xlane v4, v2;
	v5 =	vadd.f32 v5, v51  }
0x323: {  	v8 =	vadd.f32 v8, v14;
	v54 =	vperm.xlane v6, v2;
	v9 =	vadd.f32 v9, v52  }
0x324: {  	v55 =	vperm.xlane v10, v3;
	v4 =	vadd.f32 v4, v53;
	v56 =	vperm.xlane v5, v2  }
0x325: {  	v14 =	vperm.xlane v8, v3;
	v6 =	vadd.f32 v6, v54;
	v57 =	vperm.xlane v9, v2  }
0x326: {  	v10 =	vadd.f32 v10, v55;
	v58 =	vperm.xlane v4, v3;
	v5 =	vadd.f32 v5, v56  }
0x327: {  	v8 =	vadd.f32 v8, v14;
	v59 =	vperm.xlane v6, v3;
	v9 =	vadd.f32 v9, v57  }
0x328: {  	v7 =	vsel vm9, v7, v10;
	v4 =	vadd.f32 v4, v58;
	v60 =	vperm.xlane v5, v3  }
0x329: {  	v62 =	vld [tilespmem:s30+$0x0];
	v7 =	vsel vm10, v7, v8;
	v6 =	vadd.f32 v6, v59;
	v61 =	vperm.xlane v9, v3  }
0x32a: {  	v4 =	vsel vm11, v7, v4;
	v5 =	vadd.f32 v5, v60  }
0x32b: {  	v4 =	vsel vm12, v4, v6;
	v63 =	vadd.f32 v9, v61  }
0x32c: {  	v4 =	vsel vm13, v4, v5  }
0x32d: {  	v4 =	vsel vm14, v4, v63  }
0x32e: {  	v4 =	vadd.f32 v4, v62;
	_ =	sdelay $0x1  }
0x32f: {  	v4 =	vsub.f32 $0.0e+00, v4;
	_ =	sdelay $0x1  }
0x330: {  	v4 =	vmul.f32 $1.442695020e+00, v4;
	_ =	sdelay $0x1  }
0x331: {  	(erf) = vpow2.f32 v4;
	_ =	sdelay $0x8  }
0x332: {  	v4 =	vpop (erf)  }
0x333: {  	v4 =	vadd.f32 $1.000000000e+00, v4;
	_ =	sdelay $0x1  }
0x334: {  	(erf) = vrcp.f32 v4;
	_ =	sdelay $0x4  }
0x335: {  	p0 =	sne.s32 s21, $0x1E000  }
.Ltmp1:
0x336: {  	_ = 	snop;
	(pc) =	sbr.rel @p0 .LBB2_4-.Ltmp1, $3  }
0x337: {  	_ =	sdelay $0x1  }
0x338: {  	s23 =	sadd.s32 $0x10, s23;
	s25 =	sadd.s32 $0x10, s25;
	s28 =	sadd.s32 $0x10, s28;
	v4 =	vpop (erf)  }
0x339: {  	s21 =	sadd.s32 $0x2000, s21;
	s30 =	sadd.s32 $0x10, s30;
	[tilespmem:s0+$0x0] =	vst v4;
	s0 =	sadd.s32 $0x10, s0  }
0x33a: {  	s19 =	sadd.s32 $0x1, s19  }
0x33b: {  	p0 =	sne.s32 s19, s10  }
.Ltmp2:
0x33c: {  	s0 =	simm.s32 $0x18E00;
	(pc) =	sbr.rel @p0 .LBB2_1-.Ltmp2, $4  }
0x33d: {  	[hbm4b:s9+s2] =	stream.linear.scatter [tilespmem:s0], [sflag:$0x2], $0x200, $0x38;
	[tilespmem:$0x19000] =	vst v63  }
0x33e: {  	_ =	swait.ge [sflag:s18], $0x200  }
0x33f: {  	[sflag:s18] =	ssyncset.done $0x0  }
0x340: {  	[sflag:s18] =	ssyncadd.s32 $0xFFFFFE00  }
0x341: {  	_ =	sfence.sel $0x180000  }
0x342: {  	[bflag:$0x0] =	sbarrier.arrive $0xFFFF  }
0x343: {  	_ =	strace $0x90000047  }
0x344: {  	s0 =	stileid.u32;
	[bflag:$0x2] =	sbarrier.arrive $0xFFFF  }
0x345: {  	p0 =	sne.s32 s0, $0x0;
	s0 =	rddreg [dreg:$0x6]  }
0x346: {  	s0 =	sadd.s32 @!p0 $0x100000, s0  }
0x347: {  	[sflag:s0] =	ssyncadd.tile.s32 @!p0 $0x1;
	_ =	shalt  }
.Lfunc_end2:
_tile_overlayer_lowered:
.L_overlay_start_2:
0x348: {  	(tag) =	ssettag $0x2  }
0x349: {  	s0 =	rddreg [dreg:$0x0];
	s2 =	stileid.u32  }
0x34a: {  	s1 =	rddreg [dreg:$0x1];
	p0 =	sne.s32 s2, $0x0  }
0x34b: {  	s3 =	rddreg [dreg:$0x2];
	[bflag:$0x3] =	sbarrier.arrive $0xFFFF;
	s2 =	simm.s32 @!p0 $0x1C02  }
0x34c: {  	[timem:s3], [sflag:s2] =	dma.local @!p0 [hbm:s0], s1  }
0x34d: {  	s0 =	simm.s32 @!p0 $0x2  }
0x34e: {  	_ =	swait.ge @!p0 [sflag:s0], s1  }
0x34f: {  	s1 =	ssub.s32 @!p0 $0x0, s1;
	[sflag:s0] =	ssyncset.done @!p0 $0x0  }
0x350: {  	[sflag:s0] =	ssyncadd.s32 @!p0 s1  }
0x351: {  	[bflag:$0x3] =	sbarrier.arrive $0xFFFF  }
0x352: {  	_ =	shalt  }

</sc_bundles>
